<compile_context>
chip_gen: v7x
topology: tpu7x:2x2x1
jax: 0.10.2.dev20260603
libtpu: 0.0.44.dev20260713+nightly
codegen_flags: <defaults>
</compile_context>

<pallas_src>
import functools

import jax
import jax.numpy as jnp
from jax import lax
from jax.experimental import pallas as pl
from jax.experimental.pallas import tpu as pltpu
from jax.experimental.pallas import tpu_sc as plsc


def _knn_body(hi_ref, lo_ref, idx_ref, w_ref, *, S):
    b = pl.program_id(0)
    hiT = hi_ref[0]
    lo = lo_ref[0]
    bn = hiT.shape[1]

    a2 = (hiT[0:1] * hiT[0:1] + hiT[1:2] * hiT[1:2]
          + hiT[2:3] * hiT[2:3])
    b2 = (lo[:, 0:1] * lo[:, 0:1] + lo[:, 1:2] * lo[:, 1:2]
          + lo[:, 2:3] * lo[:, 2:3])
    ab = jnp.dot(lo.astype(jnp.bfloat16), hiT.astype(jnp.bfloat16),
                 preferred_element_type=jnp.float32)
    d2 = jnp.maximum(a2 + b2 - 2.0 * ab, 0.0)

    iota = lax.broadcasted_iota(jnp.int32, (S, bn), 0)
    BIG = jnp.float32(3.0e38)
    dists = []
    for k in range(3):
        m = jnp.min(d2, axis=0, keepdims=True)
        first = jnp.min(jnp.where(d2 <= m, iota, S), axis=0,
                        keepdims=True)
        if k < 2:
            d2 = jnp.where(iota == first, BIG, d2)
        idx_ref[0, 0, k, :] = first[0] + b * S
        dists.append(jnp.sqrt(jnp.maximum(m[0], 0.0)))
    inv = [1.0 / (d + 1e-8) for d in dists]
    wsum = inv[0] + inv[1] + inv[2]
    for k in range(3):
        w_ref[0, 0, k, :] = inv[k] / wsum


def _knn_topk(xyz_hi_t, xyz_lo, *, bn, interpret=False):
    B, _, N = xyz_hi_t.shape
    S = xyz_lo.shape[1]
    grid = (B, N // bn)
    nb = N // bn
    out_shape = [
        jax.ShapeDtypeStruct((B, nb, 3, bn), jnp.int32),
        jax.ShapeDtypeStruct((B, nb, 3, bn), jnp.float32),
    ]
    return pl.pallas_call(
        functools.partial(_knn_body, S=S),
        grid=grid,
        in_specs=[
            pl.BlockSpec((1, 3, bn), lambda b, i: (b, 0, i)),
            pl.BlockSpec((1, S, 3), lambda b, i: (b, 0, 0)),
        ],
        out_specs=[
            pl.BlockSpec((1, 1, 3, bn), lambda b, i: (b, i, 0, 0)),
            pl.BlockSpec((1, 1, 3, bn), lambda b, i: (b, i, 0, 0)),
        ],
        out_shape=out_shape,
        interpret=interpret,
    )(xyz_hi_t, xyz_lo)


def _sc_gather(table, idx3, *, nbuf=3):
    NW, n_chunks, chunk = idx3.shape
    D = table.shape[1]
    R = NW * n_chunks * chunk
    info = plsc.get_sparse_core_info()
    NC = info.num_cores
    mesh = plsc.VectorSubcoreMesh(core_axis_name="c", subcore_axis_name="s")

    @functools.partial(
        pl.kernel,
        out_type=jax.ShapeDtypeStruct((R, D), jnp.float32),
        mesh=mesh,
        scratch_types=[
            pltpu.VMEM((n_chunks, chunk), jnp.int32),
            pltpu.VMEM((nbuf, chunk, D), jnp.float32),
            pltpu.SemaphoreType.DMA((nbuf,)),
            pltpu.SemaphoreType.DMA((nbuf,)),
        ],
    )
    def gather_kernel(idx_hbm, table_hbm, out_hbm, idx_v, rows_v, g_sem, o_sem):
        wid = lax.axis_index("s") * NC + lax.axis_index("c")
        base = wid * (n_chunks * chunk)
        pltpu.sync_copy(idx_hbm.at[wid], idx_v)

        def gather(t):
            return pltpu.async_copy(
                table_hbm.at[idx_v.at[t]], rows_v.at[t % nbuf],
                g_sem.at[t % nbuf])

        def writeout(t):
            return pltpu.async_copy(
                rows_v.at[t % nbuf],
                out_hbm.at[pl.ds(base + t * chunk, chunk)],
                o_sem.at[t % nbuf])

        gcop, ocop = {}, {}
        for t in range(min(2, n_chunks)):
            gcop[t] = gather(t)
        for t in range(n_chunks):
            gcop[t].wait()
            ocop[t] = writeout(t)
            if t + 2 < n_chunks:
                if t >= 1:
                    ocop[t - 1].wait()
                gcop[t + 2] = gather(t + 2)
        for t in range(max(0, n_chunks - 3), n_chunks):
            ocop[t].wait()

    return gather_kernel(idx3, table)


def _mlp_body(kf_ref, fs_ref, w_ref, W1a_ref, W1b_ref, b1_ref, W2_ref,
              b2_ref, g_ref, be_ref, o_ref):
    kf = kf_ref[0, 0]
    w = w_ref[0, 0]
    interp = (w[0][:, None] * kf[0] + w[1][:, None] * kf[1]
              + w[2][:, None] * kf[2])
    fs = fs_ref[0]
    h = (jnp.dot(fs, W1a_ref[...], preferred_element_type=jnp.float32)
         + jnp.dot(interp, W1b_ref[...], preferred_element_type=jnp.float32)
         + b1_ref[...])
    h = jnp.maximum(h, 0.0)
    h = jnp.dot(h, W2_ref[...], preferred_element_type=jnp.float32) + b2_ref[...]
    mu = jnp.mean(h, axis=-1, keepdims=True)
    hc = h - mu
    var = jnp.mean(hc * hc, axis=-1, keepdims=True)
    o_ref[0] = hc * lax.rsqrt(var + 1e-5) * g_ref[...] + be_ref[...]


def _mlp(knn_feat5, feat_skip, w4, W1a, W1b, b1, W2, b2, gamma, beta, *,
         interpret=False):
    B, nb, _, bn, D = knn_feat5.shape
    skip = feat_skip.shape[2]
    out_dim = W2.shape[1]
    N = nb * bn
    return pl.pallas_call(
        _mlp_body,
        grid=(B, nb),
        in_specs=[
            pl.BlockSpec((1, 1, 3, bn, D), lambda b, i: (b, i, 0, 0, 0)),
            pl.BlockSpec((1, bn, skip), lambda b, i: (b, i, 0)),
            pl.BlockSpec((1, 1, 3, bn), lambda b, i: (b, i, 0, 0)),
            pl.BlockSpec((skip, out_dim), lambda b, i: (0, 0)),
            pl.BlockSpec((D, out_dim), lambda b, i: (0, 0)),
            pl.BlockSpec((1, out_dim), lambda b, i: (0, 0)),
            pl.BlockSpec((out_dim, out_dim), lambda b, i: (0, 0)),
            pl.BlockSpec((1, out_dim), lambda b, i: (0, 0)),
            pl.BlockSpec((1, out_dim), lambda b, i: (0, 0)),
            pl.BlockSpec((1, out_dim), lambda b, i: (0, 0)),
        ],
        out_specs=pl.BlockSpec((1, bn, out_dim), lambda b, i: (b, i, 0)),
        out_shape=jax.ShapeDtypeStruct((B, N, out_dim), jnp.float32),
        interpret=interpret,
    )(knn_feat5, feat_skip, w4, W1a, W1b, b1, W2, b2, gamma, beta)


def kernel(xyz_hi, xyz_lo, feat_skip, feat_lo, W1, b1, W2, b2, gamma, beta):
    B, N, _ = xyz_hi.shape
    S = xyz_lo.shape[1]
    low_dim = feat_lo.shape[2]
    skip_dim = feat_skip.shape[2]
    out_dim = W2.shape[1]
    bn, bn2 = 512, 512

    xyz_hi_t = jnp.swapaxes(xyz_hi, 1, 2)
    table = feat_lo.reshape(B * S, low_dim)
    NW, chunk = 32, 128

    h = N // 2
    nb = h // bn
    parts = []
    for p in range(2):
        sl = slice(p * h, (p + 1) * h)
        idx, w = _knn_topk(xyz_hi_t[:, :, sl], xyz_lo, bn=bn)
        idx3 = idx.reshape(NW, (3 * B * h) // (NW * chunk), chunk)
        knn_feat5 = _sc_gather(table, idx3).reshape(B, nb, 3, bn, low_dim)
        parts.append(_mlp(
            knn_feat5,
            feat_skip[:, sl],
            w,
            W1[:skip_dim], W1[skip_dim:],
            b1.reshape(1, out_dim),
            W2,
            b2.reshape(1, out_dim),
            gamma.reshape(1, out_dim),
            beta.reshape(1, out_dim),
        ))
    return jnp.concatenate(parts, axis=1)

# --- scband reference (transcript-rebuilt; emitter-appended) ---
"""Pipeline reference for scband-transition-up-37091337568771 (READ-ONLY COPY).

The authoritative reference and input builder live on the scoring server;
editing this copy changes nothing except your own understanding.
"""

import jax, jax.numpy as jnp
import numpy as np


def _cdist(a, b):
    # Euclidean pairwise distance (B, N, S) without materializing (B,N,S,3)
    a2 = jnp.sum(a * a, axis=-1, keepdims=True)              # (B, N, 1)
    b2 = jnp.sum(b * b, axis=-1, keepdims=True)              # (B, S, 1)
    d2 = a2 + jnp.swapaxes(b2, -1, -2) - 2.0 * jnp.einsum('bnd,bsd->bns', a, b)
    return jnp.sqrt(jnp.maximum(d2, 0.0))


def setup_inputs(seed: int = 0) -> dict:
    key = jax.random.key(seed)
    ks = jax.random.split(key, 8)
    B, N, S = 4, 8192, 2048
    low_dim, skip_dim, out_dim = 256, 128, 256
    return {
        "xyz_hi": jax.random.uniform(ks[0], (B, N, 3), dtype=jnp.float32),
        "xyz_lo": jax.random.uniform(ks[1], (B, S, 3), dtype=jnp.float32),
        "feat_skip": jax.random.normal(ks[2], (B, N, skip_dim), dtype=jnp.float32),
        "feat_lo": jax.random.normal(ks[3], (B, S, low_dim), dtype=jnp.float32),
        "W1": jax.random.normal(ks[4], (low_dim + skip_dim, out_dim), dtype=jnp.float32) * 0.02,
        "b1": jnp.zeros((out_dim,), dtype=jnp.float32),
        "W2": jax.random.normal(ks[5], (out_dim, out_dim), dtype=jnp.float32) * 0.02,
        "b2": jnp.zeros((out_dim,), dtype=jnp.float32),
        "gamma": jnp.ones((out_dim,), dtype=jnp.float32),
        "beta": jnp.zeros((out_dim,), dtype=jnp.float32),
    }


def reference(xyz_hi, xyz_lo, feat_skip, feat_lo, W1, b1, W2, b2, gamma, beta):
    # kNN (k=3) retrieval: smallest-3 distances via top_k on negated distances
    d = _cdist(xyz_hi, xyz_lo)                               # (B, N, S)
    neg_vals, knn_idx = jax.lax.top_k(-d, 3)                 # (B, N, 3)
    dists = -neg_vals
    inv_d = 1.0 / (dists + 1e-08)
    weights = inv_d / jnp.sum(inv_d, axis=-1, keepdims=True)  # (B, N, 3)
    # index_points: gather per-batch features at knn indices
    knn_feat = jax.vmap(lambda f, i: f[i])(feat_lo, knn_idx)  # (B, N, 3, low_dim)
    interpolated = jnp.sum(weights[..., None] * knn_feat, axis=2)  # (B, N, low_dim)
    fused = jnp.concatenate([feat_skip, interpolated], axis=-1)
    # MLP: Linear -> ReLU -> Linear
    h = jnp.maximum(fused @ W1 + b1, 0.0)
    h = h @ W2 + b2
    # LayerNorm over last dim
    mu = jnp.mean(h, axis=-1, keepdims=True)
    var = jnp.mean((h - mu) ** 2, axis=-1, keepdims=True)
    return (h - mu) / jnp.sqrt(var + 1e-05) * gamma + beta

if __name__ == "__main__":
    import jax
    _d = setup_inputs()
    print(jax.jit(kernel)(*tuple(_d.values())))

</pallas_src>

<mosaic_0001>
#map = affine_map<(d0, d1) -> (0, 0, 0)>
#map1 = affine_map<(d0, d1) -> (0, 0)>
module attributes {stable_mosaic.version = 14 : i64} {
  func.func @gather_kernel(%arg0: i32, %arg1: i32, %arg2: memref<32x12x128xi32, #tpu.memory_space<hbm>>, %arg3: memref<8192x256xf32, #tpu.memory_space<hbm>>, %arg4: memref<49152x256xf32, #tpu.memory_space<hbm>>, %arg5: memref<12x128xi32, #tpu.memory_space<vmem>>, %arg6: memref<3x128x256xf32, #tpu.memory_space<vmem>>, %arg7: memref<3x!tpu.dma_semaphore, #tpu.memory_space<semaphore_mem>>, %arg8: memref<3x!tpu.dma_semaphore, #tpu.memory_space<semaphore_mem>>) attributes {dimension_semantics = [#tpu.dimension_semantics<core_parallel>, #tpu.dimension_semantics<subcore_parallel>], iteration_bounds = array<i64: 2, 16>, scalar_prefetch = 0 : i64, scratch_operands = 4 : i64, tpu.core_type = #tpu.core_type<sc_vector_subcore>, window_params = [{transform_indices = #map}, {transform_indices = #map1}, {transform_indices = #map1}]} {
    %mul3A = arith.constant 2 : i32
    %mul3A_0 = arith.muli %arg1, %mul3A : i32
    %add3A = arith.addi %mul3A_0, %arg0 : i32
    %mul3A_1 = arith.constant 1536 : i32
    %mul3A_2 = arith.muli %add3A, %mul3A_1 : i32
    "tpu.region"() ({
      %run_scoped3A = tpu.sem_alloc : memref<!tpu.dma_semaphore, #tpu.memory_space<semaphore_mem>>
      %dma_start3A_769 = arith.constant 0 : i32
      %dma_start3A_770 = arith.constant 0 : i32
      %dma_start3A_771 = tpu.memref_slice %arg2[%add3A, %dma_start3A_769, %dma_start3A_770] : memref<32x12x128xi32, #tpu.memory_space<hbm>> -> memref<1x12x128xi32, #tpu.memory_space<hbm>>
      %dma_start3A_772 = tpu.memref_squeeze %dma_start3A_771 : memref<1x12x128xi32, #tpu.memory_space<hbm>> -> memref<12x128xi32, #tpu.memory_space<hbm>>
      %dma_start3A_773 = arith.constant 0 : i32
      %dma_start3A_774 = arith.constant 0 : i32
      %dma_start3A_775 = tpu.memref_slice %arg2[%add3A, %dma_start3A_773, %dma_start3A_774] : memref<32x12x128xi32, #tpu.memory_space<hbm>> -> memref<1x12x128xi32, #tpu.memory_space<hbm>>
      %dma_start3A_776 = tpu.memref_squeeze %dma_start3A_775 : memref<1x12x128xi32, #tpu.memory_space<hbm>> -> memref<12x128xi32, #tpu.memory_space<hbm>>
      tpu.enqueue_dma source(%dma_start3A_776 : memref<12x128xi32, #tpu.memory_space<hbm>>) target(%arg5 : memref<12x128xi32, #tpu.memory_space<vmem>>) target_semaphore(%run_scoped3A : memref<!tpu.dma_semaphore, #tpu.memory_space<semaphore_mem>>)
      %dma_wait3A_777 = arith.constant 0 : i32
      %dma_wait3A_778 = arith.constant 0 : i32
      %dma_wait3A_779 = tpu.memref_slice %arg2[%add3A, %dma_wait3A_777, %dma_wait3A_778] : memref<32x12x128xi32, #tpu.memory_space<hbm>> -> memref<1x12x128xi32, #tpu.memory_space<hbm>>
      %dma_wait3A_780 = tpu.memref_squeeze %dma_wait3A_779 : memref<1x12x128xi32, #tpu.memory_space<hbm>> -> memref<12x128xi32, #tpu.memory_space<hbm>>
      %dma_wait3A_781 = arith.constant 0 : i32
      %dma_wait3A_782 = arith.constant 0 : i32
      %dma_wait3A_783 = tpu.memref_slice %arg2[%add3A, %dma_wait3A_781, %dma_wait3A_782] : memref<32x12x128xi32, #tpu.memory_space<hbm>> -> memref<1x12x128xi32, #tpu.memory_space<hbm>>
      %dma_wait3A_784 = tpu.memref_squeeze %dma_wait3A_783 : memref<1x12x128xi32, #tpu.memory_space<hbm>> -> memref<12x128xi32, #tpu.memory_space<hbm>>
      tpu.wait_dma2 semaphore(%run_scoped3A : memref<!tpu.dma_semaphore, #tpu.memory_space<semaphore_mem>>) src(%dma_wait3A_784 : memref<12x128xi32, #tpu.memory_space<hbm>>) dst(%arg5 : memref<12x128xi32, #tpu.memory_space<vmem>>)
      tpu.yield
    }) : () -> ()
    %dma_start3A = arith.constant 0 : i32
    %dma_start3A_3 = arith.constant 0 : i32
    %dma_start3A_4 = arith.constant 0 : i32
    %dma_start3A_5 = arith.constant 0 : i32
    %dma_start3A_6 = arith.constant 0 : i32
    %dma_start3A_7 = tpu.memref_slice %arg6[%dma_start3A_3, %dma_start3A_5, %dma_start3A_6] : memref<3x128x256xf32, #tpu.memory_space<vmem>> -> memref<1x128x256xf32, #tpu.memory_space<vmem>>
    %dma_start3A_8 = tpu.memref_squeeze %dma_start3A_7 : memref<1x128x256xf32, #tpu.memory_space<vmem>> -> memref<128x256xf32, #tpu.memory_space<vmem>>
    %dma_start3A_9 = arith.constant 0 : i32
    %dma_start3A_10 = tpu.memref_slice %arg5[%dma_start3A, %dma_start3A_9] : memref<12x128xi32, #tpu.memory_space<vmem>> -> memref<1x128xi32, #tpu.memory_space<vmem>>
    %dma_start3A_11 = tpu.memref_squeeze %dma_start3A_10 : memref<1x128xi32, #tpu.memory_space<vmem>> -> memref<128xi32, #tpu.memory_space<vmem>>
    %dma_start3A_12 = arith.constant 0 : i32
    %dma_start3A_13 = arith.constant 0 : i32
    %dma_start3A_14 = tpu.memref_slice %arg3[%dma_start3A_12, %dma_start3A_13] : memref<8192x256xf32, #tpu.memory_space<hbm>> -> memref<8192x256xf32, #tpu.memory_space<hbm>>
    %dma_start3A_15 = tpu.memref_slice %arg7[%dma_start3A_4] : memref<3x!tpu.dma_semaphore, #tpu.memory_space<semaphore_mem>> -> memref<1x!tpu.dma_semaphore, #tpu.memory_space<semaphore_mem>>
    %dma_start3A_16 = tpu.memref_squeeze %dma_start3A_15 : memref<1x!tpu.dma_semaphore, #tpu.memory_space<semaphore_mem>> -> memref<!tpu.dma_semaphore, #tpu.memory_space<semaphore_mem>>
    tpu.enqueue_indirect_dma source(%dma_start3A_14 : memref<8192x256xf32, #tpu.memory_space<hbm>>) target(%dma_start3A_8 : memref<128x256xf32, #tpu.memory_space<vmem>>) offsets(%dma_start3A_11 : memref<128xi32, #tpu.memory_space<vmem>>) semaphore(%dma_start3A_16 : memref<!tpu.dma_semaphore, #tpu.memory_space<semaphore_mem>>)
    %dma_start3A_17 = arith.constant 1 : i32
    %dma_start3A_18 = arith.constant 1 : i32
    %dma_start3A_19 = arith.constant 1 : i32
    %dma_start3A_20 = arith.constant 0 : i32
    %dma_start3A_21 = arith.constant 0 : i32
    %dma_start3A_22 = tpu.memref_slice %arg6[%dma_start3A_18, %dma_start3A_20, %dma_start3A_21] : memref<3x128x256xf32, #tpu.memory_space<vmem>> -> memref<1x128x256xf32, #tpu.memory_space<vmem>>
    %dma_start3A_23 = tpu.memref_squeeze %dma_start3A_22 : memref<1x128x256xf32, #tpu.memory_space<vmem>> -> memref<128x256xf32, #tpu.memory_space<vmem>>
    %dma_start3A_24 = arith.constant 0 : i32
    %dma_start3A_25 = tpu.memref_slice %arg5[%dma_start3A_17, %dma_start3A_24] : memref<12x128xi32, #tpu.memory_space<vmem>> -> memref<1x128xi32, #tpu.memory_space<vmem>>
    %dma_start3A_26 = tpu.memref_squeeze %dma_start3A_25 : memref<1x128xi32, #tpu.memory_space<vmem>> -> memref<128xi32, #tpu.memory_space<vmem>>
    %dma_start3A_27 = arith.constant 0 : i32
    %dma_start3A_28 = arith.constant 0 : i32
    %dma_start3A_29 = tpu.memref_slice %arg3[%dma_start3A_27, %dma_start3A_28] : memref<8192x256xf32, #tpu.memory_space<hbm>> -> memref<8192x256xf32, #tpu.memory_space<hbm>>
    %dma_start3A_30 = tpu.memref_slice %arg7[%dma_start3A_19] : memref<3x!tpu.dma_semaphore, #tpu.memory_space<semaphore_mem>> -> memref<1x!tpu.dma_semaphore, #tpu.memory_space<semaphore_mem>>
    %dma_start3A_31 = tpu.memref_squeeze %dma_start3A_30 : memref<1x!tpu.dma_semaphore, #tpu.memory_space<semaphore_mem>> -> memref<!tpu.dma_semaphore, #tpu.memory_space<semaphore_mem>>
    tpu.enqueue_indirect_dma source(%dma_start3A_29 : memref<8192x256xf32, #tpu.memory_space<hbm>>) target(%dma_start3A_23 : memref<128x256xf32, #tpu.memory_space<vmem>>) offsets(%dma_start3A_26 : memref<128xi32, #tpu.memory_space<vmem>>) semaphore(%dma_start3A_31 : memref<!tpu.dma_semaphore, #tpu.memory_space<semaphore_mem>>)
    %dma_wait3A = arith.constant 0 : i32
    %dma_wait3A_32 = arith.constant 0 : i32
    %dma_wait3A_33 = arith.constant 0 : i32
    %dma_wait3A_34 = arith.constant 0 : i32
    %dma_wait3A_35 = arith.constant 0 : i32
    %dma_wait3A_36 = tpu.memref_slice %arg6[%dma_wait3A_32, %dma_wait3A_34, %dma_wait3A_35] : memref<3x128x256xf32, #tpu.memory_space<vmem>> -> memref<1x128x256xf32, #tpu.memory_space<vmem>>
    %dma_wait3A_37 = tpu.memref_squeeze %dma_wait3A_36 : memref<1x128x256xf32, #tpu.memory_space<vmem>> -> memref<128x256xf32, #tpu.memory_space<vmem>>
    %dma_wait3A_38 = arith.constant 0 : i32
    %dma_wait3A_39 = tpu.memref_slice %arg5[%dma_wait3A, %dma_wait3A_38] : memref<12x128xi32, #tpu.memory_space<vmem>> -> memref<1x128xi32, #tpu.memory_space<vmem>>
    %dma_wait3A_40 = tpu.memref_squeeze %dma_wait3A_39 : memref<1x128xi32, #tpu.memory_space<vmem>> -> memref<128xi32, #tpu.memory_space<vmem>>
    %dma_wait3A_41 = arith.constant 0 : i32
    %dma_wait3A_42 = arith.constant 0 : i32
    %dma_wait3A_43 = tpu.memref_slice %arg3[%dma_wait3A_41, %dma_wait3A_42] : memref<8192x256xf32, #tpu.memory_space<hbm>> -> memref<8192x256xf32, #tpu.memory_space<hbm>>
    %dma_wait3A_44 = tpu.memref_slice %arg7[%dma_wait3A_33] : memref<3x!tpu.dma_semaphore, #tpu.memory_space<semaphore_mem>> -> memref<1x!tpu.dma_semaphore, #tpu.memory_space<semaphore_mem>>
    %dma_wait3A_45 = tpu.memref_squeeze %dma_wait3A_44 : memref<1x!tpu.dma_semaphore, #tpu.memory_space<semaphore_mem>> -> memref<!tpu.dma_semaphore, #tpu.memory_space<semaphore_mem>>
    tpu.wait_indirect_dma semaphore(%dma_wait3A_45 : memref<!tpu.dma_semaphore, #tpu.memory_space<semaphore_mem>>) src(%dma_wait3A_43 : memref<8192x256xf32, #tpu.memory_space<hbm>>) dst(%dma_wait3A_37 : memref<128x256xf32, #tpu.memory_space<vmem>>)
    %add3A_46 = arith.constant 0 : i32
    %add3A_47 = arith.addi %mul3A_2, %add3A_46 : i32
    %dma_start3A_48 = arith.constant 0 : i32
    %dma_start3A_49 = arith.constant 0 : i32
    %dma_start3A_50 = arith.constant 0 : i32
    %dma_start3A_51 = arith.constant 0 : i32
    %dma_start3A_52 = tpu.memref_slice %arg6[%dma_start3A_48, %dma_start3A_50, %dma_start3A_51] : memref<3x128x256xf32, #tpu.memory_space<vmem>> -> memref<1x128x256xf32, #tpu.memory_space<vmem>>
    %dma_start3A_53 = tpu.memref_squeeze %dma_start3A_52 : memref<1x128x256xf32, #tpu.memory_space<vmem>> -> memref<128x256xf32, #tpu.memory_space<vmem>>
    %dma_start3A_54 = arith.constant 0 : i32
    %dma_start3A_55 = tpu.memref_slice %arg4[%add3A_47, %dma_start3A_54] : memref<49152x256xf32, #tpu.memory_space<hbm>> -> memref<128x256xf32, #tpu.memory_space<hbm>>
    %dma_start3A_56 = tpu.memref_slice %arg8[%dma_start3A_49] : memref<3x!tpu.dma_semaphore, #tpu.memory_space<semaphore_mem>> -> memref<1x!tpu.dma_semaphore, #tpu.memory_space<semaphore_mem>>
    %dma_start3A_57 = tpu.memref_squeeze %dma_start3A_56 : memref<1x!tpu.dma_semaphore, #tpu.memory_space<semaphore_mem>> -> memref<!tpu.dma_semaphore, #tpu.memory_space<semaphore_mem>>
    %dma_start3A_58 = arith.constant 0 : i32
    %dma_start3A_59 = tpu.memref_slice %arg4[%add3A_47, %dma_start3A_58] : memref<49152x256xf32, #tpu.memory_space<hbm>> -> memref<128x256xf32, #tpu.memory_space<hbm>>
    %dma_start3A_60 = arith.constant 0 : i32
    %dma_start3A_61 = arith.constant 0 : i32
    %dma_start3A_62 = tpu.memref_slice %arg6[%dma_start3A_48, %dma_start3A_60, %dma_start3A_61] : memref<3x128x256xf32, #tpu.memory_space<vmem>> -> memref<1x128x256xf32, #tpu.memory_space<vmem>>
    %dma_start3A_63 = tpu.memref_squeeze %dma_start3A_62 : memref<1x128x256xf32, #tpu.memory_space<vmem>> -> memref<128x256xf32, #tpu.memory_space<vmem>>
    tpu.enqueue_dma source(%dma_start3A_63 : memref<128x256xf32, #tpu.memory_space<vmem>>) target(%dma_start3A_59 : memref<128x256xf32, #tpu.memory_space<hbm>>) target_semaphore(%dma_start3A_57 : memref<!tpu.dma_semaphore, #tpu.memory_space<semaphore_mem>>)
    %dma_start3A_64 = arith.constant 2 : i32
    %dma_start3A_65 = arith.constant 2 : i32
    %dma_start3A_66 = arith.constant 2 : i32
    %dma_start3A_67 = arith.constant 0 : i32
    %dma_start3A_68 = arith.constant 0 : i32
    %dma_start3A_69 = tpu.memref_slice %arg6[%dma_start3A_65, %dma_start3A_67, %dma_start3A_68] : memref<3x128x256xf32, #tpu.memory_space<vmem>> -> memref<1x128x256xf32, #tpu.memory_space<vmem>>
    %dma_start3A_70 = tpu.memref_squeeze %dma_start3A_69 : memref<1x128x256xf32, #tpu.memory_space<vmem>> -> memref<128x256xf32, #tpu.memory_space<vmem>>
    %dma_start3A_71 = arith.constant 0 : i32
    %dma_start3A_72 = tpu.memref_slice %arg5[%dma_start3A_64, %dma_start3A_71] : memref<12x128xi32, #tpu.memory_space<vmem>> -> memref<1x128xi32, #tpu.memory_space<vmem>>
    %dma_start3A_73 = tpu.memref_squeeze %dma_start3A_72 : memref<1x128xi32, #tpu.memory_space<vmem>> -> memref<128xi32, #tpu.memory_space<vmem>>
    %dma_start3A_74 = arith.constant 0 : i32
    %dma_start3A_75 = arith.constant 0 : i32
    %dma_start3A_76 = tpu.memref_slice %arg3[%dma_start3A_74, %dma_start3A_75] : memref<8192x256xf32, #tpu.memory_space<hbm>> -> memref<8192x256xf32, #tpu.memory_space<hbm>>
    %dma_start3A_77 = tpu.memref_slice %arg7[%dma_start3A_66] : memref<3x!tpu.dma_semaphore, #tpu.memory_space<semaphore_mem>> -> memref<1x!tpu.dma_semaphore, #tpu.memory_space<semaphore_mem>>
    %dma_start3A_78 = tpu.memref_squeeze %dma_start3A_77 : memref<1x!tpu.dma_semaphore, #tpu.memory_space<semaphore_mem>> -> memref<!tpu.dma_semaphore, #tpu.memory_space<semaphore_mem>>
    tpu.enqueue_indirect_dma source(%dma_start3A_76 : memref<8192x256xf32, #tpu.memory_space<hbm>>) target(%dma_start3A_70 : memref<128x256xf32, #tpu.memory_space<vmem>>) offsets(%dma_start3A_73 : memref<128xi32, #tpu.memory_space<vmem>>) semaphore(%dma_start3A_78 : memref<!tpu.dma_semaphore, #tpu.memory_space<semaphore_mem>>)
    %dma_wait3A_79 = arith.constant 1 : i32
    %dma_wait3A_80 = arith.constant 1 : i32
    %dma_wait3A_81 = arith.constant 1 : i32
    %dma_wait3A_82 = arith.constant 0 : i32
    %dma_wait3A_83 = arith.constant 0 : i32
    %dma_wait3A_84 = tpu.memref_slice %arg6[%dma_wait3A_80, %dma_wait3A_82, %dma_wait3A_83] : memref<3x128x256xf32, #tpu.memory_space<vmem>> -> memref<1x128x256xf32, #tpu.memory_space<vmem>>
    %dma_wait3A_85 = tpu.memref_squeeze %dma_wait3A_84 : memref<1x128x256xf32, #tpu.memory_space<vmem>> -> memref<128x256xf32, #tpu.memory_space<vmem>>
    %dma_wait3A_86 = arith.constant 0 : i32
    %dma_wait3A_87 = tpu.memref_slice %arg5[%dma_wait3A_79, %dma_wait3A_86] : memref<12x128xi32, #tpu.memory_space<vmem>> -> memref<1x128xi32, #tpu.memory_space<vmem>>
    %dma_wait3A_88 = tpu.memref_squeeze %dma_wait3A_87 : memref<1x128xi32, #tpu.memory_space<vmem>> -> memref<128xi32, #tpu.memory_space<vmem>>
    %dma_wait3A_89 = arith.constant 0 : i32
    %dma_wait3A_90 = arith.constant 0 : i32
    %dma_wait3A_91 = tpu.memref_slice %arg3[%dma_wait3A_89, %dma_wait3A_90] : memref<8192x256xf32, #tpu.memory_space<hbm>> -> memref<8192x256xf32, #tpu.memory_space<hbm>>
    %dma_wait3A_92 = tpu.memref_slice %arg7[%dma_wait3A_81] : memref<3x!tpu.dma_semaphore, #tpu.memory_space<semaphore_mem>> -> memref<1x!tpu.dma_semaphore, #tpu.memory_space<semaphore_mem>>
    %dma_wait3A_93 = tpu.memref_squeeze %dma_wait3A_92 : memref<1x!tpu.dma_semaphore, #tpu.memory_space<semaphore_mem>> -> memref<!tpu.dma_semaphore, #tpu.memory_space<semaphore_mem>>
    tpu.wait_indirect_dma semaphore(%dma_wait3A_93 : memref<!tpu.dma_semaphore, #tpu.memory_space<semaphore_mem>>) src(%dma_wait3A_91 : memref<8192x256xf32, #tpu.memory_space<hbm>>) dst(%dma_wait3A_85 : memref<128x256xf32, #tpu.memory_space<vmem>>)
    %add3A_94 = arith.constant 128 : i32
    %add3A_95 = arith.addi %mul3A_2, %add3A_94 : i32
    %dma_start3A_96 = arith.constant 1 : i32
    %dma_start3A_97 = arith.constant 1 : i32
    %dma_start3A_98 = arith.constant 0 : i32
    %dma_start3A_99 = arith.constant 0 : i32
    %dma_start3A_100 = tpu.memref_slice %arg6[%dma_start3A_96, %dma_start3A_98, %dma_start3A_99] : memref<3x128x256xf32, #tpu.memory_space<vmem>> -> memref<1x128x256xf32, #tpu.memory_space<vmem>>
    %dma_start3A_101 = tpu.memref_squeeze %dma_start3A_100 : memref<1x128x256xf32, #tpu.memory_space<vmem>> -> memref<128x256xf32, #tpu.memory_space<vmem>>
    %dma_start3A_102 = arith.constant 0 : i32
    %dma_start3A_103 = tpu.memref_slice %arg4[%add3A_95, %dma_start3A_102] : memref<49152x256xf32, #tpu.memory_space<hbm>> -> memref<128x256xf32, #tpu.memory_space<hbm>>
    %dma_start3A_104 = tpu.memref_slice %arg8[%dma_start3A_97] : memref<3x!tpu.dma_semaphore, #tpu.memory_space<semaphore_mem>> -> memref<1x!tpu.dma_semaphore, #tpu.memory_space<semaphore_mem>>
    %dma_start3A_105 = tpu.memref_squeeze %dma_start3A_104 : memref<1x!tpu.dma_semaphore, #tpu.memory_space<semaphore_mem>> -> memref<!tpu.dma_semaphore, #tpu.memory_space<semaphore_mem>>
    %dma_start3A_106 = arith.constant 0 : i32
    %dma_start3A_107 = tpu.memref_slice %arg4[%add3A_95, %dma_start3A_106] : memref<49152x256xf32, #tpu.memory_space<hbm>> -> memref<128x256xf32, #tpu.memory_space<hbm>>
    %dma_start3A_108 = arith.constant 0 : i32
    %dma_start3A_109 = arith.constant 0 : i32
    %dma_start3A_110 = tpu.memref_slice %arg6[%dma_start3A_96, %dma_start3A_108, %dma_start3A_109] : memref<3x128x256xf32, #tpu.memory_space<vmem>> -> memref<1x128x256xf32, #tpu.memory_space<vmem>>
    %dma_start3A_111 = tpu.memref_squeeze %dma_start3A_110 : memref<1x128x256xf32, #tpu.memory_space<vmem>> -> memref<128x256xf32, #tpu.memory_space<vmem>>
    tpu.enqueue_dma source(%dma_start3A_111 : memref<128x256xf32, #tpu.memory_space<vmem>>) target(%dma_start3A_107 : memref<128x256xf32, #tpu.memory_space<hbm>>) target_semaphore(%dma_start3A_105 : memref<!tpu.dma_semaphore, #tpu.memory_space<semaphore_mem>>)
    %dma_wait3A_112 = arith.constant 0 : i32
    %dma_wait3A_113 = arith.constant 0 : i32
    %dma_wait3A_114 = arith.constant 0 : i32
    %dma_wait3A_115 = arith.constant 0 : i32
    %dma_wait3A_116 = tpu.memref_slice %arg6[%dma_wait3A_112, %dma_wait3A_114, %dma_wait3A_115] : memref<3x128x256xf32, #tpu.memory_space<vmem>> -> memref<1x128x256xf32, #tpu.memory_space<vmem>>
    %dma_wait3A_117 = tpu.memref_squeeze %dma_wait3A_116 : memref<1x128x256xf32, #tpu.memory_space<vmem>> -> memref<128x256xf32, #tpu.memory_space<vmem>>
    %dma_wait3A_118 = arith.constant 0 : i32
    %dma_wait3A_119 = tpu.memref_slice %arg4[%add3A_47, %dma_wait3A_118] : memref<49152x256xf32, #tpu.memory_space<hbm>> -> memref<128x256xf32, #tpu.memory_space<hbm>>
    %dma_wait3A_120 = tpu.memref_slice %arg8[%dma_wait3A_113] : memref<3x!tpu.dma_semaphore, #tpu.memory_space<semaphore_mem>> -> memref<1x!tpu.dma_semaphore, #tpu.memory_space<semaphore_mem>>
    %dma_wait3A_121 = tpu.memref_squeeze %dma_wait3A_120 : memref<1x!tpu.dma_semaphore, #tpu.memory_space<semaphore_mem>> -> memref<!tpu.dma_semaphore, #tpu.memory_space<semaphore_mem>>
    %dma_wait3A_122 = arith.constant 0 : i32
    %dma_wait3A_123 = tpu.memref_slice %arg4[%add3A_47, %dma_wait3A_122] : memref<49152x256xf32, #tpu.memory_space<hbm>> -> memref<128x256xf32, #tpu.memory_space<hbm>>
    %dma_wait3A_124 = arith.constant 0 : i32
    %dma_wait3A_125 = arith.constant 0 : i32
    %dma_wait3A_126 = tpu.memref_slice %arg6[%dma_wait3A_112, %dma_wait3A_124, %dma_wait3A_125] : memref<3x128x256xf32, #tpu.memory_space<vmem>> -> memref<1x128x256xf32, #tpu.memory_space<vmem>>
    %dma_wait3A_127 = tpu.memref_squeeze %dma_wait3A_126 : memref<1x128x256xf32, #tpu.memory_space<vmem>> -> memref<128x256xf32, #tpu.memory_space<vmem>>
    tpu.wait_dma2 semaphore(%dma_wait3A_121 : memref<!tpu.dma_semaphore, #tpu.memory_space<semaphore_mem>>) src(%dma_wait3A_127 : memref<128x256xf32, #tpu.memory_space<vmem>>) dst(%dma_wait3A_123 : memref<128x256xf32, #tpu.memory_space<hbm>>)
    %dma_start3A_128 = arith.constant 3 : i32
    %dma_start3A_129 = arith.constant 0 : i32
    %dma_start3A_130 = arith.constant 0 : i32
    %dma_start3A_131 = arith.constant 0 : i32
    %dma_start3A_132 = arith.constant 0 : i32
    %dma_start3A_133 = tpu.memref_slice %arg6[%dma_start3A_129, %dma_start3A_131, %dma_start3A_132] : memref<3x128x256xf32, #tpu.memory_space<vmem>> -> memref<1x128x256xf32, #tpu.memory_space<vmem>>
    %dma_start3A_134 = tpu.memref_squeeze %dma_start3A_133 : memref<1x128x256xf32, #tpu.memory_space<vmem>> -> memref<128x256xf32, #tpu.memory_space<vmem>>
    %dma_start3A_135 = arith.constant 0 : i32
    %dma_start3A_136 = tpu.memref_slice %arg5[%dma_start3A_128, %dma_start3A_135] : memref<12x128xi32, #tpu.memory_space<vmem>> -> memref<1x128xi32, #tpu.memory_space<vmem>>
    %dma_start3A_137 = tpu.memref_squeeze %dma_start3A_136 : memref<1x128xi32, #tpu.memory_space<vmem>> -> memref<128xi32, #tpu.memory_space<vmem>>
    %dma_start3A_138 = arith.constant 0 : i32
    %dma_start3A_139 = arith.constant 0 : i32
    %dma_start3A_140 = tpu.memref_slice %arg3[%dma_start3A_138, %dma_start3A_139] : memref<8192x256xf32, #tpu.memory_space<hbm>> -> memref<8192x256xf32, #tpu.memory_space<hbm>>
    %dma_start3A_141 = tpu.memref_slice %arg7[%dma_start3A_130] : memref<3x!tpu.dma_semaphore, #tpu.memory_space<semaphore_mem>> -> memref<1x!tpu.dma_semaphore, #tpu.memory_space<semaphore_mem>>
    %dma_start3A_142 = tpu.memref_squeeze %dma_start3A_141 : memref<1x!tpu.dma_semaphore, #tpu.memory_space<semaphore_mem>> -> memref<!tpu.dma_semaphore, #tpu.memory_space<semaphore_mem>>
    tpu.enqueue_indirect_dma source(%dma_start3A_140 : memref<8192x256xf32, #tpu.memory_space<hbm>>) target(%dma_start3A_134 : memref<128x256xf32, #tpu.memory_space<vmem>>) offsets(%dma_start3A_137 : memref<128xi32, #tpu.memory_space<vmem>>) semaphore(%dma_start3A_142 : memref<!tpu.dma_semaphore, #tpu.memory_space<semaphore_mem>>)
    %dma_wait3A_143 = arith.constant 2 : i32
    %dma_wait3A_144 = arith.constant 2 : i32
    %dma_wait3A_145 = arith.constant 2 : i32
    %dma_wait3A_146 = arith.constant 0 : i32
    %dma_wait3A_147 = arith.constant 0 : i32
    %dma_wait3A_148 = tpu.memref_slice %arg6[%dma_wait3A_144, %dma_wait3A_146, %dma_wait3A_147] : memref<3x128x256xf32, #tpu.memory_space<vmem>> -> memref<1x128x256xf32, #tpu.memory_space<vmem>>
    %dma_wait3A_149 = tpu.memref_squeeze %dma_wait3A_148 : memref<1x128x256xf32, #tpu.memory_space<vmem>> -> memref<128x256xf32, #tpu.memory_space<vmem>>
    %dma_wait3A_150 = arith.constant 0 : i32
    %dma_wait3A_151 = tpu.memref_slice %arg5[%dma_wait3A_143, %dma_wait3A_150] : memref<12x128xi32, #tpu.memory_space<vmem>> -> memref<1x128xi32, #tpu.memory_space<vmem>>
    %dma_wait3A_152 = tpu.memref_squeeze %dma_wait3A_151 : memref<1x128xi32, #tpu.memory_space<vmem>> -> memref<128xi32, #tpu.memory_space<vmem>>
    %dma_wait3A_153 = arith.constant 0 : i32
    %dma_wait3A_154 = arith.constant 0 : i32
    %dma_wait3A_155 = tpu.memref_slice %arg3[%dma_wait3A_153, %dma_wait3A_154] : memref<8192x256xf32, #tpu.memory_space<hbm>> -> memref<8192x256xf32, #tpu.memory_space<hbm>>
    %dma_wait3A_156 = tpu.memref_slice %arg7[%dma_wait3A_145] : memref<3x!tpu.dma_semaphore, #tpu.memory_space<semaphore_mem>> -> memref<1x!tpu.dma_semaphore, #tpu.memory_space<semaphore_mem>>
    %dma_wait3A_157 = tpu.memref_squeeze %dma_wait3A_156 : memref<1x!tpu.dma_semaphore, #tpu.memory_space<semaphore_mem>> -> memref<!tpu.dma_semaphore, #tpu.memory_space<semaphore_mem>>
    tpu.wait_indirect_dma semaphore(%dma_wait3A_157 : memref<!tpu.dma_semaphore, #tpu.memory_space<semaphore_mem>>) src(%dma_wait3A_155 : memref<8192x256xf32, #tpu.memory_space<hbm>>) dst(%dma_wait3A_149 : memref<128x256xf32, #tpu.memory_space<vmem>>)
    %add3A_158 = arith.constant 256 : i32
    %add3A_159 = arith.addi %mul3A_2, %add3A_158 : i32
    %dma_start3A_160 = arith.constant 2 : i32
    %dma_start3A_161 = arith.constant 2 : i32
    %dma_start3A_162 = arith.constant 0 : i32
    %dma_start3A_163 = arith.constant 0 : i32
    %dma_start3A_164 = tpu.memref_slice %arg6[%dma_start3A_160, %dma_start3A_162, %dma_start3A_163] : memref<3x128x256xf32, #tpu.memory_space<vmem>> -> memref<1x128x256xf32, #tpu.memory_space<vmem>>
    %dma_start3A_165 = tpu.memref_squeeze %dma_start3A_164 : memref<1x128x256xf32, #tpu.memory_space<vmem>> -> memref<128x256xf32, #tpu.memory_space<vmem>>
    %dma_start3A_166 = arith.constant 0 : i32
    %dma_start3A_167 = tpu.memref_slice %arg4[%add3A_159, %dma_start3A_166] : memref<49152x256xf32, #tpu.memory_space<hbm>> -> memref<128x256xf32, #tpu.memory_space<hbm>>
    %dma_start3A_168 = tpu.memref_slice %arg8[%dma_start3A_161] : memref<3x!tpu.dma_semaphore, #tpu.memory_space<semaphore_mem>> -> memref<1x!tpu.dma_semaphore, #tpu.memory_space<semaphore_mem>>
    %dma_start3A_169 = tpu.memref_squeeze %dma_start3A_168 : memref<1x!tpu.dma_semaphore, #tpu.memory_space<semaphore_mem>> -> memref<!tpu.dma_semaphore, #tpu.memory_space<semaphore_mem>>
    %dma_start3A_170 = arith.constant 0 : i32
    %dma_start3A_171 = tpu.memref_slice %arg4[%add3A_159, %dma_start3A_170] : memref<49152x256xf32, #tpu.memory_space<hbm>> -> memref<128x256xf32, #tpu.memory_space<hbm>>
    %dma_start3A_172 = arith.constant 0 : i32
    %dma_start3A_173 = arith.constant 0 : i32
    %dma_start3A_174 = tpu.memref_slice %arg6[%dma_start3A_160, %dma_start3A_172, %dma_start3A_173] : memref<3x128x256xf32, #tpu.memory_space<vmem>> -> memref<1x128x256xf32, #tpu.memory_space<vmem>>
    %dma_start3A_175 = tpu.memref_squeeze %dma_start3A_174 : memref<1x128x256xf32, #tpu.memory_space<vmem>> -> memref<128x256xf32, #tpu.memory_space<vmem>>
    tpu.enqueue_dma source(%dma_start3A_175 : memref<128x256xf32, #tpu.memory_space<vmem>>) target(%dma_start3A_171 : memref<128x256xf32, #tpu.memory_space<hbm>>) target_semaphore(%dma_start3A_169 : memref<!tpu.dma_semaphore, #tpu.memory_space<semaphore_mem>>)
    %dma_wait3A_176 = arith.constant 1 : i32
    %dma_wait3A_177 = arith.constant 1 : i32
    %dma_wait3A_178 = arith.constant 0 : i32
    %dma_wait3A_179 = arith.constant 0 : i32
    %dma_wait3A_180 = tpu.memref_slice %arg6[%dma_wait3A_176, %dma_wait3A_178, %dma_wait3A_179] : memref<3x128x256xf32, #tpu.memory_space<vmem>> -> memref<1x128x256xf32, #tpu.memory_space<vmem>>
    %dma_wait3A_181 = tpu.memref_squeeze %dma_wait3A_180 : memref<1x128x256xf32, #tpu.memory_space<vmem>> -> memref<128x256xf32, #tpu.memory_space<vmem>>
    %dma_wait3A_182 = arith.constant 0 : i32
    %dma_wait3A_183 = tpu.memref_slice %arg4[%add3A_95, %dma_wait3A_182] : memref<49152x256xf32, #tpu.memory_space<hbm>> -> memref<128x256xf32, #tpu.memory_space<hbm>>
    %dma_wait3A_184 = tpu.memref_slice %arg8[%dma_wait3A_177] : memref<3x!tpu.dma_semaphore, #tpu.memory_space<semaphore_mem>> -> memref<1x!tpu.dma_semaphore, #tpu.memory_space<semaphore_mem>>
    %dma_wait3A_185 = tpu.memref_squeeze %dma_wait3A_184 : memref<1x!tpu.dma_semaphore, #tpu.memory_space<semaphore_mem>> -> memref<!tpu.dma_semaphore, #tpu.memory_space<semaphore_mem>>
    %dma_wait3A_186 = arith.constant 0 : i32
    %dma_wait3A_187 = tpu.memref_slice %arg4[%add3A_95, %dma_wait3A_186] : memref<49152x256xf32, #tpu.memory_space<hbm>> -> memref<128x256xf32, #tpu.memory_space<hbm>>
    %dma_wait3A_188 = arith.constant 0 : i32
    %dma_wait3A_189 = arith.constant 0 : i32
    %dma_wait3A_190 = tpu.memref_slice %arg6[%dma_wait3A_176, %dma_wait3A_188, %dma_wait3A_189] : memref<3x128x256xf32, #tpu.memory_space<vmem>> -> memref<1x128x256xf32, #tpu.memory_space<vmem>>
    %dma_wait3A_191 = tpu.memref_squeeze %dma_wait3A_190 : memref<1x128x256xf32, #tpu.memory_space<vmem>> -> memref<128x256xf32, #tpu.memory_space<vmem>>
    tpu.wait_dma2 semaphore(%dma_wait3A_185 : memref<!tpu.dma_semaphore, #tpu.memory_space<semaphore_mem>>) src(%dma_wait3A_191 : memref<128x256xf32, #tpu.memory_space<vmem>>) dst(%dma_wait3A_187 : memref<128x256xf32, #tpu.memory_space<hbm>>)
    %dma_start3A_192 = arith.constant 4 : i32
    %dma_start3A_193 = arith.constant 1 : i32
    %dma_start3A_194 = arith.constant 1 : i32
    %dma_start3A_195 = arith.constant 0 : i32
    %dma_start3A_196 = arith.constant 0 : i32
    %dma_start3A_197 = tpu.memref_slice %arg6[%dma_start3A_193, %dma_start3A_195, %dma_start3A_196] : memref<3x128x256xf32, #tpu.memory_space<vmem>> -> memref<1x128x256xf32, #tpu.memory_space<vmem>>
    %dma_start3A_198 = tpu.memref_squeeze %dma_start3A_197 : memref<1x128x256xf32, #tpu.memory_space<vmem>> -> memref<128x256xf32, #tpu.memory_space<vmem>>
    %dma_start3A_199 = arith.constant 0 : i32
    %dma_start3A_200 = tpu.memref_slice %arg5[%dma_start3A_192, %dma_start3A_199] : memref<12x128xi32, #tpu.memory_space<vmem>> -> memref<1x128xi32, #tpu.memory_space<vmem>>
    %dma_start3A_201 = tpu.memref_squeeze %dma_start3A_200 : memref<1x128xi32, #tpu.memory_space<vmem>> -> memref<128xi32, #tpu.memory_space<vmem>>
    %dma_start3A_202 = arith.constant 0 : i32
    %dma_start3A_203 = arith.constant 0 : i32
    %dma_start3A_204 = tpu.memref_slice %arg3[%dma_start3A_202, %dma_start3A_203] : memref<8192x256xf32, #tpu.memory_space<hbm>> -> memref<8192x256xf32, #tpu.memory_space<hbm>>
    %dma_start3A_205 = tpu.memref_slice %arg7[%dma_start3A_194] : memref<3x!tpu.dma_semaphore, #tpu.memory_space<semaphore_mem>> -> memref<1x!tpu.dma_semaphore, #tpu.memory_space<semaphore_mem>>
    %dma_start3A_206 = tpu.memref_squeeze %dma_start3A_205 : memref<1x!tpu.dma_semaphore, #tpu.memory_space<semaphore_mem>> -> memref<!tpu.dma_semaphore, #tpu.memory_space<semaphore_mem>>
    tpu.enqueue_indirect_dma source(%dma_start3A_204 : memref<8192x256xf32, #tpu.memory_space<hbm>>) target(%dma_start3A_198 : memref<128x256xf32, #tpu.memory_space<vmem>>) offsets(%dma_start3A_201 : memref<128xi32, #tpu.memory_space<vmem>>) semaphore(%dma_start3A_206 : memref<!tpu.dma_semaphore, #tpu.memory_space<semaphore_mem>>)
    %dma_wait3A_207 = arith.constant 3 : i32
    %dma_wait3A_208 = arith.constant 0 : i32
    %dma_wait3A_209 = arith.constant 0 : i32
    %dma_wait3A_210 = arith.constant 0 : i32
    %dma_wait3A_211 = arith.constant 0 : i32
    %dma_wait3A_212 = tpu.memref_slice %arg6[%dma_wait3A_208, %dma_wait3A_210, %dma_wait3A_211] : memref<3x128x256xf32, #tpu.memory_space<vmem>> -> memref<1x128x256xf32, #tpu.memory_space<vmem>>
    %dma_wait3A_213 = tpu.memref_squeeze %dma_wait3A_212 : memref<1x128x256xf32, #tpu.memory_space<vmem>> -> memref<128x256xf32, #tpu.memory_space<vmem>>
    %dma_wait3A_214 = arith.constant 0 : i32
    %dma_wait3A_215 = tpu.memref_slice %arg5[%dma_wait3A_207, %dma_wait3A_214] : memref<12x128xi32, #tpu.memory_space<vmem>> -> memref<1x128xi32, #tpu.memory_space<vmem>>
    %dma_wait3A_216 = tpu.memref_squeeze %dma_wait3A_215 : memref<1x128xi32, #tpu.memory_space<vmem>> -> memref<128xi32, #tpu.memory_space<vmem>>
    %dma_wait3A_217 = arith.constant 0 : i32
    %dma_wait3A_218 = arith.constant 0 : i32
    %dma_wait3A_219 = tpu.memref_slice %arg3[%dma_wait3A_217, %dma_wait3A_218] : memref<8192x256xf32, #tpu.memory_space<hbm>> -> memref<8192x256xf32, #tpu.memory_space<hbm>>
    %dma_wait3A_220 = tpu.memref_slice %arg7[%dma_wait3A_209] : memref<3x!tpu.dma_semaphore, #tpu.memory_space<semaphore_mem>> -> memref<1x!tpu.dma_semaphore, #tpu.memory_space<semaphore_mem>>
    %dma_wait3A_221 = tpu.memref_squeeze %dma_wait3A_220 : memref<1x!tpu.dma_semaphore, #tpu.memory_space<semaphore_mem>> -> memref<!tpu.dma_semaphore, #tpu.memory_space<semaphore_mem>>
    tpu.wait_indirect_dma semaphore(%dma_wait3A_221 : memref<!tpu.dma_semaphore, #tpu.memory_space<semaphore_mem>>) src(%dma_wait3A_219 : memref<8192x256xf32, #tpu.memory_space<hbm>>) dst(%dma_wait3A_213 : memref<128x256xf32, #tpu.memory_space<vmem>>)
    %add3A_222 = arith.constant 384 : i32
    %add3A_223 = arith.addi %mul3A_2, %add3A_222 : i32
    %dma_start3A_224 = arith.constant 0 : i32
    %dma_start3A_225 = arith.constant 0 : i32
    %dma_start3A_226 = arith.constant 0 : i32
    %dma_start3A_227 = arith.constant 0 : i32
    %dma_start3A_228 = tpu.memref_slice %arg6[%dma_start3A_224, %dma_start3A_226, %dma_start3A_227] : memref<3x128x256xf32, #tpu.memory_space<vmem>> -> memref<1x128x256xf32, #tpu.memory_space<vmem>>
    %dma_start3A_229 = tpu.memref_squeeze %dma_start3A_228 : memref<1x128x256xf32, #tpu.memory_space<vmem>> -> memref<128x256xf32, #tpu.memory_space<vmem>>
    %dma_start3A_230 = arith.constant 0 : i32
    %dma_start3A_231 = tpu.memref_slice %arg4[%add3A_223, %dma_start3A_230] : memref<49152x256xf32, #tpu.memory_space<hbm>> -> memref<128x256xf32, #tpu.memory_space<hbm>>
    %dma_start3A_232 = tpu.memref_slice %arg8[%dma_start3A_225] : memref<3x!tpu.dma_semaphore, #tpu.memory_space<semaphore_mem>> -> memref<1x!tpu.dma_semaphore, #tpu.memory_space<semaphore_mem>>
    %dma_start3A_233 = tpu.memref_squeeze %dma_start3A_232 : memref<1x!tpu.dma_semaphore, #tpu.memory_space<semaphore_mem>> -> memref<!tpu.dma_semaphore, #tpu.memory_space<semaphore_mem>>
    %dma_start3A_234 = arith.constant 0 : i32
    %dma_start3A_235 = tpu.memref_slice %arg4[%add3A_223, %dma_start3A_234] : memref<49152x256xf32, #tpu.memory_space<hbm>> -> memref<128x256xf32, #tpu.memory_space<hbm>>
    %dma_start3A_236 = arith.constant 0 : i32
    %dma_start3A_237 = arith.constant 0 : i32
    %dma_start3A_238 = tpu.memref_slice %arg6[%dma_start3A_224, %dma_start3A_236, %dma_start3A_237] : memref<3x128x256xf32, #tpu.memory_space<vmem>> -> memref<1x128x256xf32, #tpu.memory_space<vmem>>
    %dma_start3A_239 = tpu.memref_squeeze %dma_start3A_238 : memref<1x128x256xf32, #tpu.memory_space<vmem>> -> memref<128x256xf32, #tpu.memory_space<vmem>>
    tpu.enqueue_dma source(%dma_start3A_239 : memref<128x256xf32, #tpu.memory_space<vmem>>) target(%dma_start3A_235 : memref<128x256xf32, #tpu.memory_space<hbm>>) target_semaphore(%dma_start3A_233 : memref<!tpu.dma_semaphore, #tpu.memory_space<semaphore_mem>>)
    %dma_wait3A_240 = arith.constant 2 : i32
    %dma_wait3A_241 = arith.constant 2 : i32
    %dma_wait3A_242 = arith.constant 0 : i32
    %dma_wait3A_243 = arith.constant 0 : i32
    %dma_wait3A_244 = tpu.memref_slice %arg6[%dma_wait3A_240, %dma_wait3A_242, %dma_wait3A_243] : memref<3x128x256xf32, #tpu.memory_space<vmem>> -> memref<1x128x256xf32, #tpu.memory_space<vmem>>
    %dma_wait3A_245 = tpu.memref_squeeze %dma_wait3A_244 : memref<1x128x256xf32, #tpu.memory_space<vmem>> -> memref<128x256xf32, #tpu.memory_space<vmem>>
    %dma_wait3A_246 = arith.constant 0 : i32
    %dma_wait3A_247 = tpu.memref_slice %arg4[%add3A_159, %dma_wait3A_246] : memref<49152x256xf32, #tpu.memory_space<hbm>> -> memref<128x256xf32, #tpu.memory_space<hbm>>
    %dma_wait3A_248 = tpu.memref_slice %arg8[%dma_wait3A_241] : memref<3x!tpu.dma_semaphore, #tpu.memory_space<semaphore_mem>> -> memref<1x!tpu.dma_semaphore, #tpu.memory_space<semaphore_mem>>
    %dma_wait3A_249 = tpu.memref_squeeze %dma_wait3A_248 : memref<1x!tpu.dma_semaphore, #tpu.memory_space<semaphore_mem>> -> memref<!tpu.dma_semaphore, #tpu.memory_space<semaphore_mem>>
    %dma_wait3A_250 = arith.constant 0 : i32
    %dma_wait3A_251 = tpu.memref_slice %arg4[%add3A_159, %dma_wait3A_250] : memref<49152x256xf32, #tpu.memory_space<hbm>> -> memref<128x256xf32, #tpu.memory_space<hbm>>
    %dma_wait3A_252 = arith.constant 0 : i32
    %dma_wait3A_253 = arith.constant 0 : i32
    %dma_wait3A_254 = tpu.memref_slice %arg6[%dma_wait3A_240, %dma_wait3A_252, %dma_wait3A_253] : memref<3x128x256xf32, #tpu.memory_space<vmem>> -> memref<1x128x256xf32, #tpu.memory_space<vmem>>
    %dma_wait3A_255 = tpu.memref_squeeze %dma_wait3A_254 : memref<1x128x256xf32, #tpu.memory_space<vmem>> -> memref<128x256xf32, #tpu.memory_space<vmem>>
    tpu.wait_dma2 semaphore(%dma_wait3A_249 : memref<!tpu.dma_semaphore, #tpu.memory_space<semaphore_mem>>) src(%dma_wait3A_255 : memref<128x256xf32, #tpu.memory_space<vmem>>) dst(%dma_wait3A_251 : memref<128x256xf32, #tpu.memory_space<hbm>>)
    %dma_start3A_256 = arith.constant 5 : i32
    %dma_start3A_257 = arith.constant 2 : i32
    %dma_start3A_258 = arith.constant 2 : i32
    %dma_start3A_259 = arith.constant 0 : i32
    %dma_start3A_260 = arith.constant 0 : i32
    %dma_start3A_261 = tpu.memref_slice %arg6[%dma_start3A_257, %dma_start3A_259, %dma_start3A_260] : memref<3x128x256xf32, #tpu.memory_space<vmem>> -> memref<1x128x256xf32, #tpu.memory_space<vmem>>
    %dma_start3A_262 = tpu.memref_squeeze %dma_start3A_261 : memref<1x128x256xf32, #tpu.memory_space<vmem>> -> memref<128x256xf32, #tpu.memory_space<vmem>>
    %dma_start3A_263 = arith.constant 0 : i32
    %dma_start3A_264 = tpu.memref_slice %arg5[%dma_start3A_256, %dma_start3A_263] : memref<12x128xi32, #tpu.memory_space<vmem>> -> memref<1x128xi32, #tpu.memory_space<vmem>>
    %dma_start3A_265 = tpu.memref_squeeze %dma_start3A_264 : memref<1x128xi32, #tpu.memory_space<vmem>> -> memref<128xi32, #tpu.memory_space<vmem>>
    %dma_start3A_266 = arith.constant 0 : i32
    %dma_start3A_267 = arith.constant 0 : i32
    %dma_start3A_268 = tpu.memref_slice %arg3[%dma_start3A_266, %dma_start3A_267] : memref<8192x256xf32, #tpu.memory_space<hbm>> -> memref<8192x256xf32, #tpu.memory_space<hbm>>
    %dma_start3A_269 = tpu.memref_slice %arg7[%dma_start3A_258] : memref<3x!tpu.dma_semaphore, #tpu.memory_space<semaphore_mem>> -> memref<1x!tpu.dma_semaphore, #tpu.memory_space<semaphore_mem>>
    %dma_start3A_270 = tpu.memref_squeeze %dma_start3A_269 : memref<1x!tpu.dma_semaphore, #tpu.memory_space<semaphore_mem>> -> memref<!tpu.dma_semaphore, #tpu.memory_space<semaphore_mem>>
    tpu.enqueue_indirect_dma source(%dma_start3A_268 : memref<8192x256xf32, #tpu.memory_space<hbm>>) target(%dma_start3A_262 : memref<128x256xf32, #tpu.memory_space<vmem>>) offsets(%dma_start3A_265 : memref<128xi32, #tpu.memory_space<vmem>>) semaphore(%dma_start3A_270 : memref<!tpu.dma_semaphore, #tpu.memory_space<semaphore_mem>>)
    %dma_wait3A_271 = arith.constant 4 : i32
    %dma_wait3A_272 = arith.constant 1 : i32
    %dma_wait3A_273 = arith.constant 1 : i32
    %dma_wait3A_274 = arith.constant 0 : i32
    %dma_wait3A_275 = arith.constant 0 : i32
    %dma_wait3A_276 = tpu.memref_slice %arg6[%dma_wait3A_272, %dma_wait3A_274, %dma_wait3A_275] : memref<3x128x256xf32, #tpu.memory_space<vmem>> -> memref<1x128x256xf32, #tpu.memory_space<vmem>>
    %dma_wait3A_277 = tpu.memref_squeeze %dma_wait3A_276 : memref<1x128x256xf32, #tpu.memory_space<vmem>> -> memref<128x256xf32, #tpu.memory_space<vmem>>
    %dma_wait3A_278 = arith.constant 0 : i32
    %dma_wait3A_279 = tpu.memref_slice %arg5[%dma_wait3A_271, %dma_wait3A_278] : memref<12x128xi32, #tpu.memory_space<vmem>> -> memref<1x128xi32, #tpu.memory_space<vmem>>
    %dma_wait3A_280 = tpu.memref_squeeze %dma_wait3A_279 : memref<1x128xi32, #tpu.memory_space<vmem>> -> memref<128xi32, #tpu.memory_space<vmem>>
    %dma_wait3A_281 = arith.constant 0 : i32
    %dma_wait3A_282 = arith.constant 0 : i32
    %dma_wait3A_283 = tpu.memref_slice %arg3[%dma_wait3A_281, %dma_wait3A_282] : memref<8192x256xf32, #tpu.memory_space<hbm>> -> memref<8192x256xf32, #tpu.memory_space<hbm>>
    %dma_wait3A_284 = tpu.memref_slice %arg7[%dma_wait3A_273] : memref<3x!tpu.dma_semaphore, #tpu.memory_space<semaphore_mem>> -> memref<1x!tpu.dma_semaphore, #tpu.memory_space<semaphore_mem>>
    %dma_wait3A_285 = tpu.memref_squeeze %dma_wait3A_284 : memref<1x!tpu.dma_semaphore, #tpu.memory_space<semaphore_mem>> -> memref<!tpu.dma_semaphore, #tpu.memory_space<semaphore_mem>>
    tpu.wait_indirect_dma semaphore(%dma_wait3A_285 : memref<!tpu.dma_semaphore, #tpu.memory_space<semaphore_mem>>) src(%dma_wait3A_283 : memref<8192x256xf32, #tpu.memory_space<hbm>>) dst(%dma_wait3A_277 : memref<128x256xf32, #tpu.memory_space<vmem>>)
    %add3A_286 = arith.constant 512 : i32
    %add3A_287 = arith.addi %mul3A_2, %add3A_286 : i32
    %dma_start3A_288 = arith.constant 1 : i32
    %dma_start3A_289 = arith.constant 1 : i32
    %dma_start3A_290 = arith.constant 0 : i32
    %dma_start3A_291 = arith.constant 0 : i32
    %dma_start3A_292 = tpu.memref_slice %arg6[%dma_start3A_288, %dma_start3A_290, %dma_start3A_291] : memref<3x128x256xf32, #tpu.memory_space<vmem>> -> memref<1x128x256xf32, #tpu.memory_space<vmem>>
    %dma_start3A_293 = tpu.memref_squeeze %dma_start3A_292 : memref<1x128x256xf32, #tpu.memory_space<vmem>> -> memref<128x256xf32, #tpu.memory_space<vmem>>
    %dma_start3A_294 = arith.constant 0 : i32
    %dma_start3A_295 = tpu.memref_slice %arg4[%add3A_287, %dma_start3A_294] : memref<49152x256xf32, #tpu.memory_space<hbm>> -> memref<128x256xf32, #tpu.memory_space<hbm>>
    %dma_start3A_296 = tpu.memref_slice %arg8[%dma_start3A_289] : memref<3x!tpu.dma_semaphore, #tpu.memory_space<semaphore_mem>> -> memref<1x!tpu.dma_semaphore, #tpu.memory_space<semaphore_mem>>
    %dma_start3A_297 = tpu.memref_squeeze %dma_start3A_296 : memref<1x!tpu.dma_semaphore, #tpu.memory_space<semaphore_mem>> -> memref<!tpu.dma_semaphore, #tpu.memory_space<semaphore_mem>>
    %dma_start3A_298 = arith.constant 0 : i32
    %dma_start3A_299 = tpu.memref_slice %arg4[%add3A_287, %dma_start3A_298] : memref<49152x256xf32, #tpu.memory_space<hbm>> -> memref<128x256xf32, #tpu.memory_space<hbm>>
    %dma_start3A_300 = arith.constant 0 : i32
    %dma_start3A_301 = arith.constant 0 : i32
    %dma_start3A_302 = tpu.memref_slice %arg6[%dma_start3A_288, %dma_start3A_300, %dma_start3A_301] : memref<3x128x256xf32, #tpu.memory_space<vmem>> -> memref<1x128x256xf32, #tpu.memory_space<vmem>>
    %dma_start3A_303 = tpu.memref_squeeze %dma_start3A_302 : memref<1x128x256xf32, #tpu.memory_space<vmem>> -> memref<128x256xf32, #tpu.memory_space<vmem>>
    tpu.enqueue_dma source(%dma_start3A_303 : memref<128x256xf32, #tpu.memory_space<vmem>>) target(%dma_start3A_299 : memref<128x256xf32, #tpu.memory_space<hbm>>) target_semaphore(%dma_start3A_297 : memref<!tpu.dma_semaphore, #tpu.memory_space<semaphore_mem>>)
    %dma_wait3A_304 = arith.constant 0 : i32
    %dma_wait3A_305 = arith.constant 0 : i32
    %dma_wait3A_306 = arith.constant 0 : i32
    %dma_wait3A_307 = arith.constant 0 : i32
    %dma_wait3A_308 = tpu.memref_slice %arg6[%dma_wait3A_304, %dma_wait3A_306, %dma_wait3A_307] : memref<3x128x256xf32, #tpu.memory_space<vmem>> -> memref<1x128x256xf32, #tpu.memory_space<vmem>>
    %dma_wait3A_309 = tpu.memref_squeeze %dma_wait3A_308 : memref<1x128x256xf32, #tpu.memory_space<vmem>> -> memref<128x256xf32, #tpu.memory_space<vmem>>
    %dma_wait3A_310 = arith.constant 0 : i32
    %dma_wait3A_311 = tpu.memref_slice %arg4[%add3A_223, %dma_wait3A_310] : memref<49152x256xf32, #tpu.memory_space<hbm>> -> memref<128x256xf32, #tpu.memory_space<hbm>>
    %dma_wait3A_312 = tpu.memref_slice %arg8[%dma_wait3A_305] : memref<3x!tpu.dma_semaphore, #tpu.memory_space<semaphore_mem>> -> memref<1x!tpu.dma_semaphore, #tpu.memory_space<semaphore_mem>>
    %dma_wait3A_313 = tpu.memref_squeeze %dma_wait3A_312 : memref<1x!tpu.dma_semaphore, #tpu.memory_space<semaphore_mem>> -> memref<!tpu.dma_semaphore, #tpu.memory_space<semaphore_mem>>
    %dma_wait3A_314 = arith.constant 0 : i32
    %dma_wait3A_315 = tpu.memref_slice %arg4[%add3A_223, %dma_wait3A_314] : memref<49152x256xf32, #tpu.memory_space<hbm>> -> memref<128x256xf32, #tpu.memory_space<hbm>>
    %dma_wait3A_316 = arith.constant 0 : i32
    %dma_wait3A_317 = arith.constant 0 : i32
    %dma_wait3A_318 = tpu.memref_slice %arg6[%dma_wait3A_304, %dma_wait3A_316, %dma_wait3A_317] : memref<3x128x256xf32, #tpu.memory_space<vmem>> -> memref<1x128x256xf32, #tpu.memory_space<vmem>>
    %dma_wait3A_319 = tpu.memref_squeeze %dma_wait3A_318 : memref<1x128x256xf32, #tpu.memory_space<vmem>> -> memref<128x256xf32, #tpu.memory_space<vmem>>
    tpu.wait_dma2 semaphore(%dma_wait3A_313 : memref<!tpu.dma_semaphore, #tpu.memory_space<semaphore_mem>>) src(%dma_wait3A_319 : memref<128x256xf32, #tpu.memory_space<vmem>>) dst(%dma_wait3A_315 : memref<128x256xf32, #tpu.memory_space<hbm>>)
    %dma_start3A_320 = arith.constant 6 : i32
    %dma_start3A_321 = arith.constant 0 : i32
    %dma_start3A_322 = arith.constant 0 : i32
    %dma_start3A_323 = arith.constant 0 : i32
    %dma_start3A_324 = arith.constant 0 : i32
    %dma_start3A_325 = tpu.memref_slice %arg6[%dma_start3A_321, %dma_start3A_323, %dma_start3A_324] : memref<3x128x256xf32, #tpu.memory_space<vmem>> -> memref<1x128x256xf32, #tpu.memory_space<vmem>>
    %dma_start3A_326 = tpu.memref_squeeze %dma_start3A_325 : memref<1x128x256xf32, #tpu.memory_space<vmem>> -> memref<128x256xf32, #tpu.memory_space<vmem>>
    %dma_start3A_327 = arith.constant 0 : i32
    %dma_start3A_328 = tpu.memref_slice %arg5[%dma_start3A_320, %dma_start3A_327] : memref<12x128xi32, #tpu.memory_space<vmem>> -> memref<1x128xi32, #tpu.memory_space<vmem>>
    %dma_start3A_329 = tpu.memref_squeeze %dma_start3A_328 : memref<1x128xi32, #tpu.memory_space<vmem>> -> memref<128xi32, #tpu.memory_space<vmem>>
    %dma_start3A_330 = arith.constant 0 : i32
    %dma_start3A_331 = arith.constant 0 : i32
    %dma_start3A_332 = tpu.memref_slice %arg3[%dma_start3A_330, %dma_start3A_331] : memref<8192x256xf32, #tpu.memory_space<hbm>> -> memref<8192x256xf32, #tpu.memory_space<hbm>>
    %dma_start3A_333 = tpu.memref_slice %arg7[%dma_start3A_322] : memref<3x!tpu.dma_semaphore, #tpu.memory_space<semaphore_mem>> -> memref<1x!tpu.dma_semaphore, #tpu.memory_space<semaphore_mem>>
    %dma_start3A_334 = tpu.memref_squeeze %dma_start3A_333 : memref<1x!tpu.dma_semaphore, #tpu.memory_space<semaphore_mem>> -> memref<!tpu.dma_semaphore, #tpu.memory_space<semaphore_mem>>
    tpu.enqueue_indirect_dma source(%dma_start3A_332 : memref<8192x256xf32, #tpu.memory_space<hbm>>) target(%dma_start3A_326 : memref<128x256xf32, #tpu.memory_space<vmem>>) offsets(%dma_start3A_329 : memref<128xi32, #tpu.memory_space<vmem>>) semaphore(%dma_start3A_334 : memref<!tpu.dma_semaphore, #tpu.memory_space<semaphore_mem>>)
    %dma_wait3A_335 = arith.constant 5 : i32
    %dma_wait3A_336 = arith.constant 2 : i32
    %dma_wait3A_337 = arith.constant 2 : i32
    %dma_wait3A_338 = arith.constant 0 : i32
    %dma_wait3A_339 = arith.constant 0 : i32
    %dma_wait3A_340 = tpu.memref_slice %arg6[%dma_wait3A_336, %dma_wait3A_338, %dma_wait3A_339] : memref<3x128x256xf32, #tpu.memory_space<vmem>> -> memref<1x128x256xf32, #tpu.memory_space<vmem>>
    %dma_wait3A_341 = tpu.memref_squeeze %dma_wait3A_340 : memref<1x128x256xf32, #tpu.memory_space<vmem>> -> memref<128x256xf32, #tpu.memory_space<vmem>>
    %dma_wait3A_342 = arith.constant 0 : i32
    %dma_wait3A_343 = tpu.memref_slice %arg5[%dma_wait3A_335, %dma_wait3A_342] : memref<12x128xi32, #tpu.memory_space<vmem>> -> memref<1x128xi32, #tpu.memory_space<vmem>>
    %dma_wait3A_344 = tpu.memref_squeeze %dma_wait3A_343 : memref<1x128xi32, #tpu.memory_space<vmem>> -> memref<128xi32, #tpu.memory_space<vmem>>
    %dma_wait3A_345 = arith.constant 0 : i32
    %dma_wait3A_346 = arith.constant 0 : i32
    %dma_wait3A_347 = tpu.memref_slice %arg3[%dma_wait3A_345, %dma_wait3A_346] : memref<8192x256xf32, #tpu.memory_space<hbm>> -> memref<8192x256xf32, #tpu.memory_space<hbm>>
    %dma_wait3A_348 = tpu.memref_slice %arg7[%dma_wait3A_337] : memref<3x!tpu.dma_semaphore, #tpu.memory_space<semaphore_mem>> -> memref<1x!tpu.dma_semaphore, #tpu.memory_space<semaphore_mem>>
    %dma_wait3A_349 = tpu.memref_squeeze %dma_wait3A_348 : memref<1x!tpu.dma_semaphore, #tpu.memory_space<semaphore_mem>> -> memref<!tpu.dma_semaphore, #tpu.memory_space<semaphore_mem>>
    tpu.wait_indirect_dma semaphore(%dma_wait3A_349 : memref<!tpu.dma_semaphore, #tpu.memory_space<semaphore_mem>>) src(%dma_wait3A_347 : memref<8192x256xf32, #tpu.memory_space<hbm>>) dst(%dma_wait3A_341 : memref<128x256xf32, #tpu.memory_space<vmem>>)
    %add3A_350 = arith.constant 640 : i32
    %add3A_351 = arith.addi %mul3A_2, %add3A_350 : i32
    %dma_start3A_352 = arith.constant 2 : i32
    %dma_start3A_353 = arith.constant 2 : i32
    %dma_start3A_354 = arith.constant 0 : i32
    %dma_start3A_355 = arith.constant 0 : i32
    %dma_start3A_356 = tpu.memref_slice %arg6[%dma_start3A_352, %dma_start3A_354, %dma_start3A_355] : memref<3x128x256xf32, #tpu.memory_space<vmem>> -> memref<1x128x256xf32, #tpu.memory_space<vmem>>
    %dma_start3A_357 = tpu.memref_squeeze %dma_start3A_356 : memref<1x128x256xf32, #tpu.memory_space<vmem>> -> memref<128x256xf32, #tpu.memory_space<vmem>>
    %dma_start3A_358 = arith.constant 0 : i32
    %dma_start3A_359 = tpu.memref_slice %arg4[%add3A_351, %dma_start3A_358] : memref<49152x256xf32, #tpu.memory_space<hbm>> -> memref<128x256xf32, #tpu.memory_space<hbm>>
    %dma_start3A_360 = tpu.memref_slice %arg8[%dma_start3A_353] : memref<3x!tpu.dma_semaphore, #tpu.memory_space<semaphore_mem>> -> memref<1x!tpu.dma_semaphore, #tpu.memory_space<semaphore_mem>>
    %dma_start3A_361 = tpu.memref_squeeze %dma_start3A_360 : memref<1x!tpu.dma_semaphore, #tpu.memory_space<semaphore_mem>> -> memref<!tpu.dma_semaphore, #tpu.memory_space<semaphore_mem>>
    %dma_start3A_362 = arith.constant 0 : i32
    %dma_start3A_363 = tpu.memref_slice %arg4[%add3A_351, %dma_start3A_362] : memref<49152x256xf32, #tpu.memory_space<hbm>> -> memref<128x256xf32, #tpu.memory_space<hbm>>
    %dma_start3A_364 = arith.constant 0 : i32
    %dma_start3A_365 = arith.constant 0 : i32
    %dma_start3A_366 = tpu.memref_slice %arg6[%dma_start3A_352, %dma_start3A_364, %dma_start3A_365] : memref<3x128x256xf32, #tpu.memory_space<vmem>> -> memref<1x128x256xf32, #tpu.memory_space<vmem>>
    %dma_start3A_367 = tpu.memref_squeeze %dma_start3A_366 : memref<1x128x256xf32, #tpu.memory_space<vmem>> -> memref<128x256xf32, #tpu.memory_space<vmem>>
    tpu.enqueue_dma source(%dma_start3A_367 : memref<128x256xf32, #tpu.memory_space<vmem>>) target(%dma_start3A_363 : memref<128x256xf32, #tpu.memory_space<hbm>>) target_semaphore(%dma_start3A_361 : memref<!tpu.dma_semaphore, #tpu.memory_space<semaphore_mem>>)
    %dma_wait3A_368 = arith.constant 1 : i32
    %dma_wait3A_369 = arith.constant 1 : i32
    %dma_wait3A_370 = arith.constant 0 : i32
    %dma_wait3A_371 = arith.constant 0 : i32
    %dma_wait3A_372 = tpu.memref_slice %arg6[%dma_wait3A_368, %dma_wait3A_370, %dma_wait3A_371] : memref<3x128x256xf32, #tpu.memory_space<vmem>> -> memref<1x128x256xf32, #tpu.memory_space<vmem>>
    %dma_wait3A_373 = tpu.memref_squeeze %dma_wait3A_372 : memref<1x128x256xf32, #tpu.memory_space<vmem>> -> memref<128x256xf32, #tpu.memory_space<vmem>>
    %dma_wait3A_374 = arith.constant 0 : i32
    %dma_wait3A_375 = tpu.memref_slice %arg4[%add3A_287, %dma_wait3A_374] : memref<49152x256xf32, #tpu.memory_space<hbm>> -> memref<128x256xf32, #tpu.memory_space<hbm>>
    %dma_wait3A_376 = tpu.memref_slice %arg8[%dma_wait3A_369] : memref<3x!tpu.dma_semaphore, #tpu.memory_space<semaphore_mem>> -> memref<1x!tpu.dma_semaphore, #tpu.memory_space<semaphore_mem>>
    %dma_wait3A_377 = tpu.memref_squeeze %dma_wait3A_376 : memref<1x!tpu.dma_semaphore, #tpu.memory_space<semaphore_mem>> -> memref<!tpu.dma_semaphore, #tpu.memory_space<semaphore_mem>>
    %dma_wait3A_378 = arith.constant 0 : i32
    %dma_wait3A_379 = tpu.memref_slice %arg4[%add3A_287, %dma_wait3A_378] : memref<49152x256xf32, #tpu.memory_space<hbm>> -> memref<128x256xf32, #tpu.memory_space<hbm>>
    %dma_wait3A_380 = arith.constant 0 : i32
    %dma_wait3A_381 = arith.constant 0 : i32
    %dma_wait3A_382 = tpu.memref_slice %arg6[%dma_wait3A_368, %dma_wait3A_380, %dma_wait3A_381] : memref<3x128x256xf32, #tpu.memory_space<vmem>> -> memref<1x128x256xf32, #tpu.memory_space<vmem>>
    %dma_wait3A_383 = tpu.memref_squeeze %dma_wait3A_382 : memref<1x128x256xf32, #tpu.memory_space<vmem>> -> memref<128x256xf32, #tpu.memory_space<vmem>>
    tpu.wait_dma2 semaphore(%dma_wait3A_377 : memref<!tpu.dma_semaphore, #tpu.memory_space<semaphore_mem>>) src(%dma_wait3A_383 : memref<128x256xf32, #tpu.memory_space<vmem>>) dst(%dma_wait3A_379 : memref<128x256xf32, #tpu.memory_space<hbm>>)
    %dma_start3A_384 = arith.constant 7 : i32
    %dma_start3A_385 = arith.constant 1 : i32
    %dma_start3A_386 = arith.constant 1 : i32
    %dma_start3A_387 = arith.constant 0 : i32
    %dma_start3A_388 = arith.constant 0 : i32
    %dma_start3A_389 = tpu.memref_slice %arg6[%dma_start3A_385, %dma_start3A_387, %dma_start3A_388] : memref<3x128x256xf32, #tpu.memory_space<vmem>> -> memref<1x128x256xf32, #tpu.memory_space<vmem>>
    %dma_start3A_390 = tpu.memref_squeeze %dma_start3A_389 : memref<1x128x256xf32, #tpu.memory_space<vmem>> -> memref<128x256xf32, #tpu.memory_space<vmem>>
    %dma_start3A_391 = arith.constant 0 : i32
    %dma_start3A_392 = tpu.memref_slice %arg5[%dma_start3A_384, %dma_start3A_391] : memref<12x128xi32, #tpu.memory_space<vmem>> -> memref<1x128xi32, #tpu.memory_space<vmem>>
    %dma_start3A_393 = tpu.memref_squeeze %dma_start3A_392 : memref<1x128xi32, #tpu.memory_space<vmem>> -> memref<128xi32, #tpu.memory_space<vmem>>
    %dma_start3A_394 = arith.constant 0 : i32
    %dma_start3A_395 = arith.constant 0 : i32
    %dma_start3A_396 = tpu.memref_slice %arg3[%dma_start3A_394, %dma_start3A_395] : memref<8192x256xf32, #tpu.memory_space<hbm>> -> memref<8192x256xf32, #tpu.memory_space<hbm>>
    %dma_start3A_397 = tpu.memref_slice %arg7[%dma_start3A_386] : memref<3x!tpu.dma_semaphore, #tpu.memory_space<semaphore_mem>> -> memref<1x!tpu.dma_semaphore, #tpu.memory_space<semaphore_mem>>
    %dma_start3A_398 = tpu.memref_squeeze %dma_start3A_397 : memref<1x!tpu.dma_semaphore, #tpu.memory_space<semaphore_mem>> -> memref<!tpu.dma_semaphore, #tpu.memory_space<semaphore_mem>>
    tpu.enqueue_indirect_dma source(%dma_start3A_396 : memref<8192x256xf32, #tpu.memory_space<hbm>>) target(%dma_start3A_390 : memref<128x256xf32, #tpu.memory_space<vmem>>) offsets(%dma_start3A_393 : memref<128xi32, #tpu.memory_space<vmem>>) semaphore(%dma_start3A_398 : memref<!tpu.dma_semaphore, #tpu.memory_space<semaphore_mem>>)
    %dma_wait3A_399 = arith.constant 6 : i32
    %dma_wait3A_400 = arith.constant 0 : i32
    %dma_wait3A_401 = arith.constant 0 : i32
    %dma_wait3A_402 = arith.constant 0 : i32
    %dma_wait3A_403 = arith.constant 0 : i32
    %dma_wait3A_404 = tpu.memref_slice %arg6[%dma_wait3A_400, %dma_wait3A_402, %dma_wait3A_403] : memref<3x128x256xf32, #tpu.memory_space<vmem>> -> memref<1x128x256xf32, #tpu.memory_space<vmem>>
    %dma_wait3A_405 = tpu.memref_squeeze %dma_wait3A_404 : memref<1x128x256xf32, #tpu.memory_space<vmem>> -> memref<128x256xf32, #tpu.memory_space<vmem>>
    %dma_wait3A_406 = arith.constant 0 : i32
    %dma_wait3A_407 = tpu.memref_slice %arg5[%dma_wait3A_399, %dma_wait3A_406] : memref<12x128xi32, #tpu.memory_space<vmem>> -> memref<1x128xi32, #tpu.memory_space<vmem>>
    %dma_wait3A_408 = tpu.memref_squeeze %dma_wait3A_407 : memref<1x128xi32, #tpu.memory_space<vmem>> -> memref<128xi32, #tpu.memory_space<vmem>>
    %dma_wait3A_409 = arith.constant 0 : i32
    %dma_wait3A_410 = arith.constant 0 : i32
    %dma_wait3A_411 = tpu.memref_slice %arg3[%dma_wait3A_409, %dma_wait3A_410] : memref<8192x256xf32, #tpu.memory_space<hbm>> -> memref<8192x256xf32, #tpu.memory_space<hbm>>
    %dma_wait3A_412 = tpu.memref_slice %arg7[%dma_wait3A_401] : memref<3x!tpu.dma_semaphore, #tpu.memory_space<semaphore_mem>> -> memref<1x!tpu.dma_semaphore, #tpu.memory_space<semaphore_mem>>
    %dma_wait3A_413 = tpu.memref_squeeze %dma_wait3A_412 : memref<1x!tpu.dma_semaphore, #tpu.memory_space<semaphore_mem>> -> memref<!tpu.dma_semaphore, #tpu.memory_space<semaphore_mem>>
    tpu.wait_indirect_dma semaphore(%dma_wait3A_413 : memref<!tpu.dma_semaphore, #tpu.memory_space<semaphore_mem>>) src(%dma_wait3A_411 : memref<8192x256xf32, #tpu.memory_space<hbm>>) dst(%dma_wait3A_405 : memref<128x256xf32, #tpu.memory_space<vmem>>)
    %add3A_414 = arith.constant 768 : i32
    %add3A_415 = arith.addi %mul3A_2, %add3A_414 : i32
    %dma_start3A_416 = arith.constant 0 : i32
    %dma_start3A_417 = arith.constant 0 : i32
    %dma_start3A_418 = arith.constant 0 : i32
    %dma_start3A_419 = arith.constant 0 : i32
    %dma_start3A_420 = tpu.memref_slice %arg6[%dma_start3A_416, %dma_start3A_418, %dma_start3A_419] : memref<3x128x256xf32, #tpu.memory_space<vmem>> -> memref<1x128x256xf32, #tpu.memory_space<vmem>>
    %dma_start3A_421 = tpu.memref_squeeze %dma_start3A_420 : memref<1x128x256xf32, #tpu.memory_space<vmem>> -> memref<128x256xf32, #tpu.memory_space<vmem>>
    %dma_start3A_422 = arith.constant 0 : i32
    %dma_start3A_423 = tpu.memref_slice %arg4[%add3A_415, %dma_start3A_422] : memref<49152x256xf32, #tpu.memory_space<hbm>> -> memref<128x256xf32, #tpu.memory_space<hbm>>
    %dma_start3A_424 = tpu.memref_slice %arg8[%dma_start3A_417] : memref<3x!tpu.dma_semaphore, #tpu.memory_space<semaphore_mem>> -> memref<1x!tpu.dma_semaphore, #tpu.memory_space<semaphore_mem>>
    %dma_start3A_425 = tpu.memref_squeeze %dma_start3A_424 : memref<1x!tpu.dma_semaphore, #tpu.memory_space<semaphore_mem>> -> memref<!tpu.dma_semaphore, #tpu.memory_space<semaphore_mem>>
    %dma_start3A_426 = arith.constant 0 : i32
    %dma_start3A_427 = tpu.memref_slice %arg4[%add3A_415, %dma_start3A_426] : memref<49152x256xf32, #tpu.memory_space<hbm>> -> memref<128x256xf32, #tpu.memory_space<hbm>>
    %dma_start3A_428 = arith.constant 0 : i32
    %dma_start3A_429 = arith.constant 0 : i32
    %dma_start3A_430 = tpu.memref_slice %arg6[%dma_start3A_416, %dma_start3A_428, %dma_start3A_429] : memref<3x128x256xf32, #tpu.memory_space<vmem>> -> memref<1x128x256xf32, #tpu.memory_space<vmem>>
    %dma_start3A_431 = tpu.memref_squeeze %dma_start3A_430 : memref<1x128x256xf32, #tpu.memory_space<vmem>> -> memref<128x256xf32, #tpu.memory_space<vmem>>
    tpu.enqueue_dma source(%dma_start3A_431 : memref<128x256xf32, #tpu.memory_space<vmem>>) target(%dma_start3A_427 : memref<128x256xf32, #tpu.memory_space<hbm>>) target_semaphore(%dma_start3A_425 : memref<!tpu.dma_semaphore, #tpu.memory_space<semaphore_mem>>)
    %dma_wait3A_432 = arith.constant 2 : i32
    %dma_wait3A_433 = arith.constant 2 : i32
    %dma_wait3A_434 = arith.constant 0 : i32
    %dma_wait3A_435 = arith.constant 0 : i32
    %dma_wait3A_436 = tpu.memref_slice %arg6[%dma_wait3A_432, %dma_wait3A_434, %dma_wait3A_435] : memref<3x128x256xf32, #tpu.memory_space<vmem>> -> memref<1x128x256xf32, #tpu.memory_space<vmem>>
    %dma_wait3A_437 = tpu.memref_squeeze %dma_wait3A_436 : memref<1x128x256xf32, #tpu.memory_space<vmem>> -> memref<128x256xf32, #tpu.memory_space<vmem>>
    %dma_wait3A_438 = arith.constant 0 : i32
    %dma_wait3A_439 = tpu.memref_slice %arg4[%add3A_351, %dma_wait3A_438] : memref<49152x256xf32, #tpu.memory_space<hbm>> -> memref<128x256xf32, #tpu.memory_space<hbm>>
    %dma_wait3A_440 = tpu.memref_slice %arg8[%dma_wait3A_433] : memref<3x!tpu.dma_semaphore, #tpu.memory_space<semaphore_mem>> -> memref<1x!tpu.dma_semaphore, #tpu.memory_space<semaphore_mem>>
    %dma_wait3A_441 = tpu.memref_squeeze %dma_wait3A_440 : memref<1x!tpu.dma_semaphore, #tpu.memory_space<semaphore_mem>> -> memref<!tpu.dma_semaphore, #tpu.memory_space<semaphore_mem>>
    %dma_wait3A_442 = arith.constant 0 : i32
    %dma_wait3A_443 = tpu.memref_slice %arg4[%add3A_351, %dma_wait3A_442] : memref<49152x256xf32, #tpu.memory_space<hbm>> -> memref<128x256xf32, #tpu.memory_space<hbm>>
    %dma_wait3A_444 = arith.constant 0 : i32
    %dma_wait3A_445 = arith.constant 0 : i32
    %dma_wait3A_446 = tpu.memref_slice %arg6[%dma_wait3A_432, %dma_wait3A_444, %dma_wait3A_445] : memref<3x128x256xf32, #tpu.memory_space<vmem>> -> memref<1x128x256xf32, #tpu.memory_space<vmem>>
    %dma_wait3A_447 = tpu.memref_squeeze %dma_wait3A_446 : memref<1x128x256xf32, #tpu.memory_space<vmem>> -> memref<128x256xf32, #tpu.memory_space<vmem>>
    tpu.wait_dma2 semaphore(%dma_wait3A_441 : memref<!tpu.dma_semaphore, #tpu.memory_space<semaphore_mem>>) src(%dma_wait3A_447 : memref<128x256xf32, #tpu.memory_space<vmem>>) dst(%dma_wait3A_443 : memref<128x256xf32, #tpu.memory_space<hbm>>)
    %dma_start3A_448 = arith.constant 8 : i32
    %dma_start3A_449 = arith.constant 2 : i32
    %dma_start3A_450 = arith.constant 2 : i32
    %dma_start3A_451 = arith.constant 0 : i32
    %dma_start3A_452 = arith.constant 0 : i32
    %dma_start3A_453 = tpu.memref_slice %arg6[%dma_start3A_449, %dma_start3A_451, %dma_start3A_452] : memref<3x128x256xf32, #tpu.memory_space<vmem>> -> memref<1x128x256xf32, #tpu.memory_space<vmem>>
    %dma_start3A_454 = tpu.memref_squeeze %dma_start3A_453 : memref<1x128x256xf32, #tpu.memory_space<vmem>> -> memref<128x256xf32, #tpu.memory_space<vmem>>
    %dma_start3A_455 = arith.constant 0 : i32
    %dma_start3A_456 = tpu.memref_slice %arg5[%dma_start3A_448, %dma_start3A_455] : memref<12x128xi32, #tpu.memory_space<vmem>> -> memref<1x128xi32, #tpu.memory_space<vmem>>
    %dma_start3A_457 = tpu.memref_squeeze %dma_start3A_456 : memref<1x128xi32, #tpu.memory_space<vmem>> -> memref<128xi32, #tpu.memory_space<vmem>>
    %dma_start3A_458 = arith.constant 0 : i32
    %dma_start3A_459 = arith.constant 0 : i32
    %dma_start3A_460 = tpu.memref_slice %arg3[%dma_start3A_458, %dma_start3A_459] : memref<8192x256xf32, #tpu.memory_space<hbm>> -> memref<8192x256xf32, #tpu.memory_space<hbm>>
    %dma_start3A_461 = tpu.memref_slice %arg7[%dma_start3A_450] : memref<3x!tpu.dma_semaphore, #tpu.memory_space<semaphore_mem>> -> memref<1x!tpu.dma_semaphore, #tpu.memory_space<semaphore_mem>>
    %dma_start3A_462 = tpu.memref_squeeze %dma_start3A_461 : memref<1x!tpu.dma_semaphore, #tpu.memory_space<semaphore_mem>> -> memref<!tpu.dma_semaphore, #tpu.memory_space<semaphore_mem>>
    tpu.enqueue_indirect_dma source(%dma_start3A_460 : memref<8192x256xf32, #tpu.memory_space<hbm>>) target(%dma_start3A_454 : memref<128x256xf32, #tpu.memory_space<vmem>>) offsets(%dma_start3A_457 : memref<128xi32, #tpu.memory_space<vmem>>) semaphore(%dma_start3A_462 : memref<!tpu.dma_semaphore, #tpu.memory_space<semaphore_mem>>)
    %dma_wait3A_463 = arith.constant 7 : i32
    %dma_wait3A_464 = arith.constant 1 : i32
    %dma_wait3A_465 = arith.constant 1 : i32
    %dma_wait3A_466 = arith.constant 0 : i32
    %dma_wait3A_467 = arith.constant 0 : i32
    %dma_wait3A_468 = tpu.memref_slice %arg6[%dma_wait3A_464, %dma_wait3A_466, %dma_wait3A_467] : memref<3x128x256xf32, #tpu.memory_space<vmem>> -> memref<1x128x256xf32, #tpu.memory_space<vmem>>
    %dma_wait3A_469 = tpu.memref_squeeze %dma_wait3A_468 : memref<1x128x256xf32, #tpu.memory_space<vmem>> -> memref<128x256xf32, #tpu.memory_space<vmem>>
    %dma_wait3A_470 = arith.constant 0 : i32
    %dma_wait3A_471 = tpu.memref_slice %arg5[%dma_wait3A_463, %dma_wait3A_470] : memref<12x128xi32, #tpu.memory_space<vmem>> -> memref<1x128xi32, #tpu.memory_space<vmem>>
    %dma_wait3A_472 = tpu.memref_squeeze %dma_wait3A_471 : memref<1x128xi32, #tpu.memory_space<vmem>> -> memref<128xi32, #tpu.memory_space<vmem>>
    %dma_wait3A_473 = arith.constant 0 : i32
    %dma_wait3A_474 = arith.constant 0 : i32
    %dma_wait3A_475 = tpu.memref_slice %arg3[%dma_wait3A_473, %dma_wait3A_474] : memref<8192x256xf32, #tpu.memory_space<hbm>> -> memref<8192x256xf32, #tpu.memory_space<hbm>>
    %dma_wait3A_476 = tpu.memref_slice %arg7[%dma_wait3A_465] : memref<3x!tpu.dma_semaphore, #tpu.memory_space<semaphore_mem>> -> memref<1x!tpu.dma_semaphore, #tpu.memory_space<semaphore_mem>>
    %dma_wait3A_477 = tpu.memref_squeeze %dma_wait3A_476 : memref<1x!tpu.dma_semaphore, #tpu.memory_space<semaphore_mem>> -> memref<!tpu.dma_semaphore, #tpu.memory_space<semaphore_mem>>
    tpu.wait_indirect_dma semaphore(%dma_wait3A_477 : memref<!tpu.dma_semaphore, #tpu.memory_space<semaphore_mem>>) src(%dma_wait3A_475 : memref<8192x256xf32, #tpu.memory_space<hbm>>) dst(%dma_wait3A_469 : memref<128x256xf32, #tpu.memory_space<vmem>>)
    %add3A_478 = arith.constant 896 : i32
    %add3A_479 = arith.addi %mul3A_2, %add3A_478 : i32
    %dma_start3A_480 = arith.constant 1 : i32
    %dma_start3A_481 = arith.constant 1 : i32
    %dma_start3A_482 = arith.constant 0 : i32
    %dma_start3A_483 = arith.constant 0 : i32
    %dma_start3A_484 = tpu.memref_slice %arg6[%dma_start3A_480, %dma_start3A_482, %dma_start3A_483] : memref<3x128x256xf32, #tpu.memory_space<vmem>> -> memref<1x128x256xf32, #tpu.memory_space<vmem>>
    %dma_start3A_485 = tpu.memref_squeeze %dma_start3A_484 : memref<1x128x256xf32, #tpu.memory_space<vmem>> -> memref<128x256xf32, #tpu.memory_space<vmem>>
    %dma_start3A_486 = arith.constant 0 : i32
    %dma_start3A_487 = tpu.memref_slice %arg4[%add3A_479, %dma_start3A_486] : memref<49152x256xf32, #tpu.memory_space<hbm>> -> memref<128x256xf32, #tpu.memory_space<hbm>>
    %dma_start3A_488 = tpu.memref_slice %arg8[%dma_start3A_481] : memref<3x!tpu.dma_semaphore, #tpu.memory_space<semaphore_mem>> -> memref<1x!tpu.dma_semaphore, #tpu.memory_space<semaphore_mem>>
    %dma_start3A_489 = tpu.memref_squeeze %dma_start3A_488 : memref<1x!tpu.dma_semaphore, #tpu.memory_space<semaphore_mem>> -> memref<!tpu.dma_semaphore, #tpu.memory_space<semaphore_mem>>
    %dma_start3A_490 = arith.constant 0 : i32
    %dma_start3A_491 = tpu.memref_slice %arg4[%add3A_479, %dma_start3A_490] : memref<49152x256xf32, #tpu.memory_space<hbm>> -> memref<128x256xf32, #tpu.memory_space<hbm>>
    %dma_start3A_492 = arith.constant 0 : i32
    %dma_start3A_493 = arith.constant 0 : i32
    %dma_start3A_494 = tpu.memref_slice %arg6[%dma_start3A_480, %dma_start3A_492, %dma_start3A_493] : memref<3x128x256xf32, #tpu.memory_space<vmem>> -> memref<1x128x256xf32, #tpu.memory_space<vmem>>
    %dma_start3A_495 = tpu.memref_squeeze %dma_start3A_494 : memref<1x128x256xf32, #tpu.memory_space<vmem>> -> memref<128x256xf32, #tpu.memory_space<vmem>>
    tpu.enqueue_dma source(%dma_start3A_495 : memref<128x256xf32, #tpu.memory_space<vmem>>) target(%dma_start3A_491 : memref<128x256xf32, #tpu.memory_space<hbm>>) target_semaphore(%dma_start3A_489 : memref<!tpu.dma_semaphore, #tpu.memory_space<semaphore_mem>>)
    %dma_wait3A_496 = arith.constant 0 : i32
    %dma_wait3A_497 = arith.constant 0 : i32
    %dma_wait3A_498 = arith.constant 0 : i32
    %dma_wait3A_499 = arith.constant 0 : i32
    %dma_wait3A_500 = tpu.memref_slice %arg6[%dma_wait3A_496, %dma_wait3A_498, %dma_wait3A_499] : memref<3x128x256xf32, #tpu.memory_space<vmem>> -> memref<1x128x256xf32, #tpu.memory_space<vmem>>
    %dma_wait3A_501 = tpu.memref_squeeze %dma_wait3A_500 : memref<1x128x256xf32, #tpu.memory_space<vmem>> -> memref<128x256xf32, #tpu.memory_space<vmem>>
    %dma_wait3A_502 = arith.constant 0 : i32
    %dma_wait3A_503 = tpu.memref_slice %arg4[%add3A_415, %dma_wait3A_502] : memref<49152x256xf32, #tpu.memory_space<hbm>> -> memref<128x256xf32, #tpu.memory_space<hbm>>
    %dma_wait3A_504 = tpu.memref_slice %arg8[%dma_wait3A_497] : memref<3x!tpu.dma_semaphore, #tpu.memory_space<semaphore_mem>> -> memref<1x!tpu.dma_semaphore, #tpu.memory_space<semaphore_mem>>
    %dma_wait3A_505 = tpu.memref_squeeze %dma_wait3A_504 : memref<1x!tpu.dma_semaphore, #tpu.memory_space<semaphore_mem>> -> memref<!tpu.dma_semaphore, #tpu.memory_space<semaphore_mem>>
    %dma_wait3A_506 = arith.constant 0 : i32
    %dma_wait3A_507 = tpu.memref_slice %arg4[%add3A_415, %dma_wait3A_506] : memref<49152x256xf32, #tpu.memory_space<hbm>> -> memref<128x256xf32, #tpu.memory_space<hbm>>
    %dma_wait3A_508 = arith.constant 0 : i32
    %dma_wait3A_509 = arith.constant 0 : i32
    %dma_wait3A_510 = tpu.memref_slice %arg6[%dma_wait3A_496, %dma_wait3A_508, %dma_wait3A_509] : memref<3x128x256xf32, #tpu.memory_space<vmem>> -> memref<1x128x256xf32, #tpu.memory_space<vmem>>
    %dma_wait3A_511 = tpu.memref_squeeze %dma_wait3A_510 : memref<1x128x256xf32, #tpu.memory_space<vmem>> -> memref<128x256xf32, #tpu.memory_space<vmem>>
    tpu.wait_dma2 semaphore(%dma_wait3A_505 : memref<!tpu.dma_semaphore, #tpu.memory_space<semaphore_mem>>) src(%dma_wait3A_511 : memref<128x256xf32, #tpu.memory_space<vmem>>) dst(%dma_wait3A_507 : memref<128x256xf32, #tpu.memory_space<hbm>>)
    %dma_start3A_512 = arith.constant 9 : i32
    %dma_start3A_513 = arith.constant 0 : i32
    %dma_start3A_514 = arith.constant 0 : i32
    %dma_start3A_515 = arith.constant 0 : i32
    %dma_start3A_516 = arith.constant 0 : i32
    %dma_start3A_517 = tpu.memref_slice %arg6[%dma_start3A_513, %dma_start3A_515, %dma_start3A_516] : memref<3x128x256xf32, #tpu.memory_space<vmem>> -> memref<1x128x256xf32, #tpu.memory_space<vmem>>
    %dma_start3A_518 = tpu.memref_squeeze %dma_start3A_517 : memref<1x128x256xf32, #tpu.memory_space<vmem>> -> memref<128x256xf32, #tpu.memory_space<vmem>>
    %dma_start3A_519 = arith.constant 0 : i32
    %dma_start3A_520 = tpu.memref_slice %arg5[%dma_start3A_512, %dma_start3A_519] : memref<12x128xi32, #tpu.memory_space<vmem>> -> memref<1x128xi32, #tpu.memory_space<vmem>>
    %dma_start3A_521 = tpu.memref_squeeze %dma_start3A_520 : memref<1x128xi32, #tpu.memory_space<vmem>> -> memref<128xi32, #tpu.memory_space<vmem>>
    %dma_start3A_522 = arith.constant 0 : i32
    %dma_start3A_523 = arith.constant 0 : i32
    %dma_start3A_524 = tpu.memref_slice %arg3[%dma_start3A_522, %dma_start3A_523] : memref<8192x256xf32, #tpu.memory_space<hbm>> -> memref<8192x256xf32, #tpu.memory_space<hbm>>
    %dma_start3A_525 = tpu.memref_slice %arg7[%dma_start3A_514] : memref<3x!tpu.dma_semaphore, #tpu.memory_space<semaphore_mem>> -> memref<1x!tpu.dma_semaphore, #tpu.memory_space<semaphore_mem>>
    %dma_start3A_526 = tpu.memref_squeeze %dma_start3A_525 : memref<1x!tpu.dma_semaphore, #tpu.memory_space<semaphore_mem>> -> memref<!tpu.dma_semaphore, #tpu.memory_space<semaphore_mem>>
    tpu.enqueue_indirect_dma source(%dma_start3A_524 : memref<8192x256xf32, #tpu.memory_space<hbm>>) target(%dma_start3A_518 : memref<128x256xf32, #tpu.memory_space<vmem>>) offsets(%dma_start3A_521 : memref<128xi32, #tpu.memory_space<vmem>>) semaphore(%dma_start3A_526 : memref<!tpu.dma_semaphore, #tpu.memory_space<semaphore_mem>>)
    %dma_wait3A_527 = arith.constant 8 : i32
    %dma_wait3A_528 = arith.constant 2 : i32
    %dma_wait3A_529 = arith.constant 2 : i32
    %dma_wait3A_530 = arith.constant 0 : i32
    %dma_wait3A_531 = arith.constant 0 : i32
    %dma_wait3A_532 = tpu.memref_slice %arg6[%dma_wait3A_528, %dma_wait3A_530, %dma_wait3A_531] : memref<3x128x256xf32, #tpu.memory_space<vmem>> -> memref<1x128x256xf32, #tpu.memory_space<vmem>>
    %dma_wait3A_533 = tpu.memref_squeeze %dma_wait3A_532 : memref<1x128x256xf32, #tpu.memory_space<vmem>> -> memref<128x256xf32, #tpu.memory_space<vmem>>
    %dma_wait3A_534 = arith.constant 0 : i32
    %dma_wait3A_535 = tpu.memref_slice %arg5[%dma_wait3A_527, %dma_wait3A_534] : memref<12x128xi32, #tpu.memory_space<vmem>> -> memref<1x128xi32, #tpu.memory_space<vmem>>
    %dma_wait3A_536 = tpu.memref_squeeze %dma_wait3A_535 : memref<1x128xi32, #tpu.memory_space<vmem>> -> memref<128xi32, #tpu.memory_space<vmem>>
    %dma_wait3A_537 = arith.constant 0 : i32
    %dma_wait3A_538 = arith.constant 0 : i32
    %dma_wait3A_539 = tpu.memref_slice %arg3[%dma_wait3A_537, %dma_wait3A_538] : memref<8192x256xf32, #tpu.memory_space<hbm>> -> memref<8192x256xf32, #tpu.memory_space<hbm>>
    %dma_wait3A_540 = tpu.memref_slice %arg7[%dma_wait3A_529] : memref<3x!tpu.dma_semaphore, #tpu.memory_space<semaphore_mem>> -> memref<1x!tpu.dma_semaphore, #tpu.memory_space<semaphore_mem>>
    %dma_wait3A_541 = tpu.memref_squeeze %dma_wait3A_540 : memref<1x!tpu.dma_semaphore, #tpu.memory_space<semaphore_mem>> -> memref<!tpu.dma_semaphore, #tpu.memory_space<semaphore_mem>>
    tpu.wait_indirect_dma semaphore(%dma_wait3A_541 : memref<!tpu.dma_semaphore, #tpu.memory_space<semaphore_mem>>) src(%dma_wait3A_539 : memref<8192x256xf32, #tpu.memory_space<hbm>>) dst(%dma_wait3A_533 : memref<128x256xf32, #tpu.memory_space<vmem>>)
    %add3A_542 = arith.constant 1024 : i32
    %add3A_543 = arith.addi %mul3A_2, %add3A_542 : i32
    %dma_start3A_544 = arith.constant 2 : i32
    %dma_start3A_545 = arith.constant 2 : i32
    %dma_start3A_546 = arith.constant 0 : i32
    %dma_start3A_547 = arith.constant 0 : i32
    %dma_start3A_548 = tpu.memref_slice %arg6[%dma_start3A_544, %dma_start3A_546, %dma_start3A_547] : memref<3x128x256xf32, #tpu.memory_space<vmem>> -> memref<1x128x256xf32, #tpu.memory_space<vmem>>
    %dma_start3A_549 = tpu.memref_squeeze %dma_start3A_548 : memref<1x128x256xf32, #tpu.memory_space<vmem>> -> memref<128x256xf32, #tpu.memory_space<vmem>>
    %dma_start3A_550 = arith.constant 0 : i32
    %dma_start3A_551 = tpu.memref_slice %arg4[%add3A_543, %dma_start3A_550] : memref<49152x256xf32, #tpu.memory_space<hbm>> -> memref<128x256xf32, #tpu.memory_space<hbm>>
    %dma_start3A_552 = tpu.memref_slice %arg8[%dma_start3A_545] : memref<3x!tpu.dma_semaphore, #tpu.memory_space<semaphore_mem>> -> memref<1x!tpu.dma_semaphore, #tpu.memory_space<semaphore_mem>>
    %dma_start3A_553 = tpu.memref_squeeze %dma_start3A_552 : memref<1x!tpu.dma_semaphore, #tpu.memory_space<semaphore_mem>> -> memref<!tpu.dma_semaphore, #tpu.memory_space<semaphore_mem>>
    %dma_start3A_554 = arith.constant 0 : i32
    %dma_start3A_555 = tpu.memref_slice %arg4[%add3A_543, %dma_start3A_554] : memref<49152x256xf32, #tpu.memory_space<hbm>> -> memref<128x256xf32, #tpu.memory_space<hbm>>
    %dma_start3A_556 = arith.constant 0 : i32
    %dma_start3A_557 = arith.constant 0 : i32
    %dma_start3A_558 = tpu.memref_slice %arg6[%dma_start3A_544, %dma_start3A_556, %dma_start3A_557] : memref<3x128x256xf32, #tpu.memory_space<vmem>> -> memref<1x128x256xf32, #tpu.memory_space<vmem>>
    %dma_start3A_559 = tpu.memref_squeeze %dma_start3A_558 : memref<1x128x256xf32, #tpu.memory_space<vmem>> -> memref<128x256xf32, #tpu.memory_space<vmem>>
    tpu.enqueue_dma source(%dma_start3A_559 : memref<128x256xf32, #tpu.memory_space<vmem>>) target(%dma_start3A_555 : memref<128x256xf32, #tpu.memory_space<hbm>>) target_semaphore(%dma_start3A_553 : memref<!tpu.dma_semaphore, #tpu.memory_space<semaphore_mem>>)
    %dma_wait3A_560 = arith.constant 1 : i32
    %dma_wait3A_561 = arith.constant 1 : i32
    %dma_wait3A_562 = arith.constant 0 : i32
    %dma_wait3A_563 = arith.constant 0 : i32
    %dma_wait3A_564 = tpu.memref_slice %arg6[%dma_wait3A_560, %dma_wait3A_562, %dma_wait3A_563] : memref<3x128x256xf32, #tpu.memory_space<vmem>> -> memref<1x128x256xf32, #tpu.memory_space<vmem>>
    %dma_wait3A_565 = tpu.memref_squeeze %dma_wait3A_564 : memref<1x128x256xf32, #tpu.memory_space<vmem>> -> memref<128x256xf32, #tpu.memory_space<vmem>>
    %dma_wait3A_566 = arith.constant 0 : i32
    %dma_wait3A_567 = tpu.memref_slice %arg4[%add3A_479, %dma_wait3A_566] : memref<49152x256xf32, #tpu.memory_space<hbm>> -> memref<128x256xf32, #tpu.memory_space<hbm>>
    %dma_wait3A_568 = tpu.memref_slice %arg8[%dma_wait3A_561] : memref<3x!tpu.dma_semaphore, #tpu.memory_space<semaphore_mem>> -> memref<1x!tpu.dma_semaphore, #tpu.memory_space<semaphore_mem>>
    %dma_wait3A_569 = tpu.memref_squeeze %dma_wait3A_568 : memref<1x!tpu.dma_semaphore, #tpu.memory_space<semaphore_mem>> -> memref<!tpu.dma_semaphore, #tpu.memory_space<semaphore_mem>>
    %dma_wait3A_570 = arith.constant 0 : i32
    %dma_wait3A_571 = tpu.memref_slice %arg4[%add3A_479, %dma_wait3A_570] : memref<49152x256xf32, #tpu.memory_space<hbm>> -> memref<128x256xf32, #tpu.memory_space<hbm>>
    %dma_wait3A_572 = arith.constant 0 : i32
    %dma_wait3A_573 = arith.constant 0 : i32
    %dma_wait3A_574 = tpu.memref_slice %arg6[%dma_wait3A_560, %dma_wait3A_572, %dma_wait3A_573] : memref<3x128x256xf32, #tpu.memory_space<vmem>> -> memref<1x128x256xf32, #tpu.memory_space<vmem>>
    %dma_wait3A_575 = tpu.memref_squeeze %dma_wait3A_574 : memref<1x128x256xf32, #tpu.memory_space<vmem>> -> memref<128x256xf32, #tpu.memory_space<vmem>>
    tpu.wait_dma2 semaphore(%dma_wait3A_569 : memref<!tpu.dma_semaphore, #tpu.memory_space<semaphore_mem>>) src(%dma_wait3A_575 : memref<128x256xf32, #tpu.memory_space<vmem>>) dst(%dma_wait3A_571 : memref<128x256xf32, #tpu.memory_space<hbm>>)
    %dma_start3A_576 = arith.constant 10 : i32
    %dma_start3A_577 = arith.constant 1 : i32
    %dma_start3A_578 = arith.constant 1 : i32
    %dma_start3A_579 = arith.constant 0 : i32
    %dma_start3A_580 = arith.constant 0 : i32
    %dma_start3A_581 = tpu.memref_slice %arg6[%dma_start3A_577, %dma_start3A_579, %dma_start3A_580] : memref<3x128x256xf32, #tpu.memory_space<vmem>> -> memref<1x128x256xf32, #tpu.memory_space<vmem>>
    %dma_start3A_582 = tpu.memref_squeeze %dma_start3A_581 : memref<1x128x256xf32, #tpu.memory_space<vmem>> -> memref<128x256xf32, #tpu.memory_space<vmem>>
    %dma_start3A_583 = arith.constant 0 : i32
    %dma_start3A_584 = tpu.memref_slice %arg5[%dma_start3A_576, %dma_start3A_583] : memref<12x128xi32, #tpu.memory_space<vmem>> -> memref<1x128xi32, #tpu.memory_space<vmem>>
    %dma_start3A_585 = tpu.memref_squeeze %dma_start3A_584 : memref<1x128xi32, #tpu.memory_space<vmem>> -> memref<128xi32, #tpu.memory_space<vmem>>
    %dma_start3A_586 = arith.constant 0 : i32
    %dma_start3A_587 = arith.constant 0 : i32
    %dma_start3A_588 = tpu.memref_slice %arg3[%dma_start3A_586, %dma_start3A_587] : memref<8192x256xf32, #tpu.memory_space<hbm>> -> memref<8192x256xf32, #tpu.memory_space<hbm>>
    %dma_start3A_589 = tpu.memref_slice %arg7[%dma_start3A_578] : memref<3x!tpu.dma_semaphore, #tpu.memory_space<semaphore_mem>> -> memref<1x!tpu.dma_semaphore, #tpu.memory_space<semaphore_mem>>
    %dma_start3A_590 = tpu.memref_squeeze %dma_start3A_589 : memref<1x!tpu.dma_semaphore, #tpu.memory_space<semaphore_mem>> -> memref<!tpu.dma_semaphore, #tpu.memory_space<semaphore_mem>>
    tpu.enqueue_indirect_dma source(%dma_start3A_588 : memref<8192x256xf32, #tpu.memory_space<hbm>>) target(%dma_start3A_582 : memref<128x256xf32, #tpu.memory_space<vmem>>) offsets(%dma_start3A_585 : memref<128xi32, #tpu.memory_space<vmem>>) semaphore(%dma_start3A_590 : memref<!tpu.dma_semaphore, #tpu.memory_space<semaphore_mem>>)
    %dma_wait3A_591 = arith.constant 9 : i32
    %dma_wait3A_592 = arith.constant 0 : i32
    %dma_wait3A_593 = arith.constant 0 : i32
    %dma_wait3A_594 = arith.constant 0 : i32
    %dma_wait3A_595 = arith.constant 0 : i32
    %dma_wait3A_596 = tpu.memref_slice %arg6[%dma_wait3A_592, %dma_wait3A_594, %dma_wait3A_595] : memref<3x128x256xf32, #tpu.memory_space<vmem>> -> memref<1x128x256xf32, #tpu.memory_space<vmem>>
    %dma_wait3A_597 = tpu.memref_squeeze %dma_wait3A_596 : memref<1x128x256xf32, #tpu.memory_space<vmem>> -> memref<128x256xf32, #tpu.memory_space<vmem>>
    %dma_wait3A_598 = arith.constant 0 : i32
    %dma_wait3A_599 = tpu.memref_slice %arg5[%dma_wait3A_591, %dma_wait3A_598] : memref<12x128xi32, #tpu.memory_space<vmem>> -> memref<1x128xi32, #tpu.memory_space<vmem>>
    %dma_wait3A_600 = tpu.memref_squeeze %dma_wait3A_599 : memref<1x128xi32, #tpu.memory_space<vmem>> -> memref<128xi32, #tpu.memory_space<vmem>>
    %dma_wait3A_601 = arith.constant 0 : i32
    %dma_wait3A_602 = arith.constant 0 : i32
    %dma_wait3A_603 = tpu.memref_slice %arg3[%dma_wait3A_601, %dma_wait3A_602] : memref<8192x256xf32, #tpu.memory_space<hbm>> -> memref<8192x256xf32, #tpu.memory_space<hbm>>
    %dma_wait3A_604 = tpu.memref_slice %arg7[%dma_wait3A_593] : memref<3x!tpu.dma_semaphore, #tpu.memory_space<semaphore_mem>> -> memref<1x!tpu.dma_semaphore, #tpu.memory_space<semaphore_mem>>
    %dma_wait3A_605 = tpu.memref_squeeze %dma_wait3A_604 : memref<1x!tpu.dma_semaphore, #tpu.memory_space<semaphore_mem>> -> memref<!tpu.dma_semaphore, #tpu.memory_space<semaphore_mem>>
    tpu.wait_indirect_dma semaphore(%dma_wait3A_605 : memref<!tpu.dma_semaphore, #tpu.memory_space<semaphore_mem>>) src(%dma_wait3A_603 : memref<8192x256xf32, #tpu.memory_space<hbm>>) dst(%dma_wait3A_597 : memref<128x256xf32, #tpu.memory_space<vmem>>)
    %add3A_606 = arith.constant 1152 : i32
    %add3A_607 = arith.addi %mul3A_2, %add3A_606 : i32
    %dma_start3A_608 = arith.constant 0 : i32
    %dma_start3A_609 = arith.constant 0 : i32
    %dma_start3A_610 = arith.constant 0 : i32
    %dma_start3A_611 = arith.constant 0 : i32
    %dma_start3A_612 = tpu.memref_slice %arg6[%dma_start3A_608, %dma_start3A_610, %dma_start3A_611] : memref<3x128x256xf32, #tpu.memory_space<vmem>> -> memref<1x128x256xf32, #tpu.memory_space<vmem>>
    %dma_start3A_613 = tpu.memref_squeeze %dma_start3A_612 : memref<1x128x256xf32, #tpu.memory_space<vmem>> -> memref<128x256xf32, #tpu.memory_space<vmem>>
    %dma_start3A_614 = arith.constant 0 : i32
    %dma_start3A_615 = tpu.memref_slice %arg4[%add3A_607, %dma_start3A_614] : memref<49152x256xf32, #tpu.memory_space<hbm>> -> memref<128x256xf32, #tpu.memory_space<hbm>>
    %dma_start3A_616 = tpu.memref_slice %arg8[%dma_start3A_609] : memref<3x!tpu.dma_semaphore, #tpu.memory_space<semaphore_mem>> -> memref<1x!tpu.dma_semaphore, #tpu.memory_space<semaphore_mem>>
    %dma_start3A_617 = tpu.memref_squeeze %dma_start3A_616 : memref<1x!tpu.dma_semaphore, #tpu.memory_space<semaphore_mem>> -> memref<!tpu.dma_semaphore, #tpu.memory_space<semaphore_mem>>
    %dma_start3A_618 = arith.constant 0 : i32
    %dma_start3A_619 = tpu.memref_slice %arg4[%add3A_607, %dma_start3A_618] : memref<49152x256xf32, #tpu.memory_space<hbm>> -> memref<128x256xf32, #tpu.memory_space<hbm>>
    %dma_start3A_620 = arith.constant 0 : i32
    %dma_start3A_621 = arith.constant 0 : i32
    %dma_start3A_622 = tpu.memref_slice %arg6[%dma_start3A_608, %dma_start3A_620, %dma_start3A_621] : memref<3x128x256xf32, #tpu.memory_space<vmem>> -> memref<1x128x256xf32, #tpu.memory_space<vmem>>
    %dma_start3A_623 = tpu.memref_squeeze %dma_start3A_622 : memref<1x128x256xf32, #tpu.memory_space<vmem>> -> memref<128x256xf32, #tpu.memory_space<vmem>>
    tpu.enqueue_dma source(%dma_start3A_623 : memref<128x256xf32, #tpu.memory_space<vmem>>) target(%dma_start3A_619 : memref<128x256xf32, #tpu.memory_space<hbm>>) target_semaphore(%dma_start3A_617 : memref<!tpu.dma_semaphore, #tpu.memory_space<semaphore_mem>>)
    %dma_wait3A_624 = arith.constant 2 : i32
    %dma_wait3A_625 = arith.constant 2 : i32
    %dma_wait3A_626 = arith.constant 0 : i32
    %dma_wait3A_627 = arith.constant 0 : i32
    %dma_wait3A_628 = tpu.memref_slice %arg6[%dma_wait3A_624, %dma_wait3A_626, %dma_wait3A_627] : memref<3x128x256xf32, #tpu.memory_space<vmem>> -> memref<1x128x256xf32, #tpu.memory_space<vmem>>
    %dma_wait3A_629 = tpu.memref_squeeze %dma_wait3A_628 : memref<1x128x256xf32, #tpu.memory_space<vmem>> -> memref<128x256xf32, #tpu.memory_space<vmem>>
    %dma_wait3A_630 = arith.constant 0 : i32
    %dma_wait3A_631 = tpu.memref_slice %arg4[%add3A_543, %dma_wait3A_630] : memref<49152x256xf32, #tpu.memory_space<hbm>> -> memref<128x256xf32, #tpu.memory_space<hbm>>
    %dma_wait3A_632 = tpu.memref_slice %arg8[%dma_wait3A_625] : memref<3x!tpu.dma_semaphore, #tpu.memory_space<semaphore_mem>> -> memref<1x!tpu.dma_semaphore, #tpu.memory_space<semaphore_mem>>
    %dma_wait3A_633 = tpu.memref_squeeze %dma_wait3A_632 : memref<1x!tpu.dma_semaphore, #tpu.memory_space<semaphore_mem>> -> memref<!tpu.dma_semaphore, #tpu.memory_space<semaphore_mem>>
    %dma_wait3A_634 = arith.constant 0 : i32
    %dma_wait3A_635 = tpu.memref_slice %arg4[%add3A_543, %dma_wait3A_634] : memref<49152x256xf32, #tpu.memory_space<hbm>> -> memref<128x256xf32, #tpu.memory_space<hbm>>
    %dma_wait3A_636 = arith.constant 0 : i32
    %dma_wait3A_637 = arith.constant 0 : i32
    %dma_wait3A_638 = tpu.memref_slice %arg6[%dma_wait3A_624, %dma_wait3A_636, %dma_wait3A_637] : memref<3x128x256xf32, #tpu.memory_space<vmem>> -> memref<1x128x256xf32, #tpu.memory_space<vmem>>
    %dma_wait3A_639 = tpu.memref_squeeze %dma_wait3A_638 : memref<1x128x256xf32, #tpu.memory_space<vmem>> -> memref<128x256xf32, #tpu.memory_space<vmem>>
    tpu.wait_dma2 semaphore(%dma_wait3A_633 : memref<!tpu.dma_semaphore, #tpu.memory_space<semaphore_mem>>) src(%dma_wait3A_639 : memref<128x256xf32, #tpu.memory_space<vmem>>) dst(%dma_wait3A_635 : memref<128x256xf32, #tpu.memory_space<hbm>>)
    %dma_start3A_640 = arith.constant 11 : i32
    %dma_start3A_641 = arith.constant 2 : i32
    %dma_start3A_642 = arith.constant 2 : i32
    %dma_start3A_643 = arith.constant 0 : i32
    %dma_start3A_644 = arith.constant 0 : i32
    %dma_start3A_645 = tpu.memref_slice %arg6[%dma_start3A_641, %dma_start3A_643, %dma_start3A_644] : memref<3x128x256xf32, #tpu.memory_space<vmem>> -> memref<1x128x256xf32, #tpu.memory_space<vmem>>
    %dma_start3A_646 = tpu.memref_squeeze %dma_start3A_645 : memref<1x128x256xf32, #tpu.memory_space<vmem>> -> memref<128x256xf32, #tpu.memory_space<vmem>>
    %dma_start3A_647 = arith.constant 0 : i32
    %dma_start3A_648 = tpu.memref_slice %arg5[%dma_start3A_640, %dma_start3A_647] : memref<12x128xi32, #tpu.memory_space<vmem>> -> memref<1x128xi32, #tpu.memory_space<vmem>>
    %dma_start3A_649 = tpu.memref_squeeze %dma_start3A_648 : memref<1x128xi32, #tpu.memory_space<vmem>> -> memref<128xi32, #tpu.memory_space<vmem>>
    %dma_start3A_650 = arith.constant 0 : i32
    %dma_start3A_651 = arith.constant 0 : i32
    %dma_start3A_652 = tpu.memref_slice %arg3[%dma_start3A_650, %dma_start3A_651] : memref<8192x256xf32, #tpu.memory_space<hbm>> -> memref<8192x256xf32, #tpu.memory_space<hbm>>
    %dma_start3A_653 = tpu.memref_slice %arg7[%dma_start3A_642] : memref<3x!tpu.dma_semaphore, #tpu.memory_space<semaphore_mem>> -> memref<1x!tpu.dma_semaphore, #tpu.memory_space<semaphore_mem>>
    %dma_start3A_654 = tpu.memref_squeeze %dma_start3A_653 : memref<1x!tpu.dma_semaphore, #tpu.memory_space<semaphore_mem>> -> memref<!tpu.dma_semaphore, #tpu.memory_space<semaphore_mem>>
    tpu.enqueue_indirect_dma source(%dma_start3A_652 : memref<8192x256xf32, #tpu.memory_space<hbm>>) target(%dma_start3A_646 : memref<128x256xf32, #tpu.memory_space<vmem>>) offsets(%dma_start3A_649 : memref<128xi32, #tpu.memory_space<vmem>>) semaphore(%dma_start3A_654 : memref<!tpu.dma_semaphore, #tpu.memory_space<semaphore_mem>>)
    %dma_wait3A_655 = arith.constant 10 : i32
    %dma_wait3A_656 = arith.constant 1 : i32
    %dma_wait3A_657 = arith.constant 1 : i32
    %dma_wait3A_658 = arith.constant 0 : i32
    %dma_wait3A_659 = arith.constant 0 : i32
    %dma_wait3A_660 = tpu.memref_slice %arg6[%dma_wait3A_656, %dma_wait3A_658, %dma_wait3A_659] : memref<3x128x256xf32, #tpu.memory_space<vmem>> -> memref<1x128x256xf32, #tpu.memory_space<vmem>>
    %dma_wait3A_661 = tpu.memref_squeeze %dma_wait3A_660 : memref<1x128x256xf32, #tpu.memory_space<vmem>> -> memref<128x256xf32, #tpu.memory_space<vmem>>
    %dma_wait3A_662 = arith.constant 0 : i32
    %dma_wait3A_663 = tpu.memref_slice %arg5[%dma_wait3A_655, %dma_wait3A_662] : memref<12x128xi32, #tpu.memory_space<vmem>> -> memref<1x128xi32, #tpu.memory_space<vmem>>
    %dma_wait3A_664 = tpu.memref_squeeze %dma_wait3A_663 : memref<1x128xi32, #tpu.memory_space<vmem>> -> memref<128xi32, #tpu.memory_space<vmem>>
    %dma_wait3A_665 = arith.constant 0 : i32
    %dma_wait3A_666 = arith.constant 0 : i32
    %dma_wait3A_667 = tpu.memref_slice %arg3[%dma_wait3A_665, %dma_wait3A_666] : memref<8192x256xf32, #tpu.memory_space<hbm>> -> memref<8192x256xf32, #tpu.memory_space<hbm>>
    %dma_wait3A_668 = tpu.memref_slice %arg7[%dma_wait3A_657] : memref<3x!tpu.dma_semaphore, #tpu.memory_space<semaphore_mem>> -> memref<1x!tpu.dma_semaphore, #tpu.memory_space<semaphore_mem>>
    %dma_wait3A_669 = tpu.memref_squeeze %dma_wait3A_668 : memref<1x!tpu.dma_semaphore, #tpu.memory_space<semaphore_mem>> -> memref<!tpu.dma_semaphore, #tpu.memory_space<semaphore_mem>>
    tpu.wait_indirect_dma semaphore(%dma_wait3A_669 : memref<!tpu.dma_semaphore, #tpu.memory_space<semaphore_mem>>) src(%dma_wait3A_667 : memref<8192x256xf32, #tpu.memory_space<hbm>>) dst(%dma_wait3A_661 : memref<128x256xf32, #tpu.memory_space<vmem>>)
    %add3A_670 = arith.constant 1280 : i32
    %add3A_671 = arith.addi %mul3A_2, %add3A_670 : i32
    %dma_start3A_672 = arith.constant 1 : i32
    %dma_start3A_673 = arith.constant 1 : i32
    %dma_start3A_674 = arith.constant 0 : i32
    %dma_start3A_675 = arith.constant 0 : i32
    %dma_start3A_676 = tpu.memref_slice %arg6[%dma_start3A_672, %dma_start3A_674, %dma_start3A_675] : memref<3x128x256xf32, #tpu.memory_space<vmem>> -> memref<1x128x256xf32, #tpu.memory_space<vmem>>
    %dma_start3A_677 = tpu.memref_squeeze %dma_start3A_676 : memref<1x128x256xf32, #tpu.memory_space<vmem>> -> memref<128x256xf32, #tpu.memory_space<vmem>>
    %dma_start3A_678 = arith.constant 0 : i32
    %dma_start3A_679 = tpu.memref_slice %arg4[%add3A_671, %dma_start3A_678] : memref<49152x256xf32, #tpu.memory_space<hbm>> -> memref<128x256xf32, #tpu.memory_space<hbm>>
    %dma_start3A_680 = tpu.memref_slice %arg8[%dma_start3A_673] : memref<3x!tpu.dma_semaphore, #tpu.memory_space<semaphore_mem>> -> memref<1x!tpu.dma_semaphore, #tpu.memory_space<semaphore_mem>>
    %dma_start3A_681 = tpu.memref_squeeze %dma_start3A_680 : memref<1x!tpu.dma_semaphore, #tpu.memory_space<semaphore_mem>> -> memref<!tpu.dma_semaphore, #tpu.memory_space<semaphore_mem>>
    %dma_start3A_682 = arith.constant 0 : i32
    %dma_start3A_683 = tpu.memref_slice %arg4[%add3A_671, %dma_start3A_682] : memref<49152x256xf32, #tpu.memory_space<hbm>> -> memref<128x256xf32, #tpu.memory_space<hbm>>
    %dma_start3A_684 = arith.constant 0 : i32
    %dma_start3A_685 = arith.constant 0 : i32
    %dma_start3A_686 = tpu.memref_slice %arg6[%dma_start3A_672, %dma_start3A_684, %dma_start3A_685] : memref<3x128x256xf32, #tpu.memory_space<vmem>> -> memref<1x128x256xf32, #tpu.memory_space<vmem>>
    %dma_start3A_687 = tpu.memref_squeeze %dma_start3A_686 : memref<1x128x256xf32, #tpu.memory_space<vmem>> -> memref<128x256xf32, #tpu.memory_space<vmem>>
    tpu.enqueue_dma source(%dma_start3A_687 : memref<128x256xf32, #tpu.memory_space<vmem>>) target(%dma_start3A_683 : memref<128x256xf32, #tpu.memory_space<hbm>>) target_semaphore(%dma_start3A_681 : memref<!tpu.dma_semaphore, #tpu.memory_space<semaphore_mem>>)
    %dma_wait3A_688 = arith.constant 11 : i32
    %dma_wait3A_689 = arith.constant 2 : i32
    %dma_wait3A_690 = arith.constant 2 : i32
    %dma_wait3A_691 = arith.constant 0 : i32
    %dma_wait3A_692 = arith.constant 0 : i32
    %dma_wait3A_693 = tpu.memref_slice %arg6[%dma_wait3A_689, %dma_wait3A_691, %dma_wait3A_692] : memref<3x128x256xf32, #tpu.memory_space<vmem>> -> memref<1x128x256xf32, #tpu.memory_space<vmem>>
    %dma_wait3A_694 = tpu.memref_squeeze %dma_wait3A_693 : memref<1x128x256xf32, #tpu.memory_space<vmem>> -> memref<128x256xf32, #tpu.memory_space<vmem>>
    %dma_wait3A_695 = arith.constant 0 : i32
    %dma_wait3A_696 = tpu.memref_slice %arg5[%dma_wait3A_688, %dma_wait3A_695] : memref<12x128xi32, #tpu.memory_space<vmem>> -> memref<1x128xi32, #tpu.memory_space<vmem>>
    %dma_wait3A_697 = tpu.memref_squeeze %dma_wait3A_696 : memref<1x128xi32, #tpu.memory_space<vmem>> -> memref<128xi32, #tpu.memory_space<vmem>>
    %dma_wait3A_698 = arith.constant 0 : i32
    %dma_wait3A_699 = arith.constant 0 : i32
    %dma_wait3A_700 = tpu.memref_slice %arg3[%dma_wait3A_698, %dma_wait3A_699] : memref<8192x256xf32, #tpu.memory_space<hbm>> -> memref<8192x256xf32, #tpu.memory_space<hbm>>
    %dma_wait3A_701 = tpu.memref_slice %arg7[%dma_wait3A_690] : memref<3x!tpu.dma_semaphore, #tpu.memory_space<semaphore_mem>> -> memref<1x!tpu.dma_semaphore, #tpu.memory_space<semaphore_mem>>
    %dma_wait3A_702 = tpu.memref_squeeze %dma_wait3A_701 : memref<1x!tpu.dma_semaphore, #tpu.memory_space<semaphore_mem>> -> memref<!tpu.dma_semaphore, #tpu.memory_space<semaphore_mem>>
    tpu.wait_indirect_dma semaphore(%dma_wait3A_702 : memref<!tpu.dma_semaphore, #tpu.memory_space<semaphore_mem>>) src(%dma_wait3A_700 : memref<8192x256xf32, #tpu.memory_space<hbm>>) dst(%dma_wait3A_694 : memref<128x256xf32, #tpu.memory_space<vmem>>)
    %add3A_703 = arith.constant 1408 : i32
    %add3A_704 = arith.addi %mul3A_2, %add3A_703 : i32
    %dma_start3A_705 = arith.constant 2 : i32
    %dma_start3A_706 = arith.constant 2 : i32
    %dma_start3A_707 = arith.constant 0 : i32
    %dma_start3A_708 = arith.constant 0 : i32
    %dma_start3A_709 = tpu.memref_slice %arg6[%dma_start3A_705, %dma_start3A_707, %dma_start3A_708] : memref<3x128x256xf32, #tpu.memory_space<vmem>> -> memref<1x128x256xf32, #tpu.memory_space<vmem>>
    %dma_start3A_710 = tpu.memref_squeeze %dma_start3A_709 : memref<1x128x256xf32, #tpu.memory_space<vmem>> -> memref<128x256xf32, #tpu.memory_space<vmem>>
    %dma_start3A_711 = arith.constant 0 : i32
    %dma_start3A_712 = tpu.memref_slice %arg4[%add3A_704, %dma_start3A_711] : memref<49152x256xf32, #tpu.memory_space<hbm>> -> memref<128x256xf32, #tpu.memory_space<hbm>>
    %dma_start3A_713 = tpu.memref_slice %arg8[%dma_start3A_706] : memref<3x!tpu.dma_semaphore, #tpu.memory_space<semaphore_mem>> -> memref<1x!tpu.dma_semaphore, #tpu.memory_space<semaphore_mem>>
    %dma_start3A_714 = tpu.memref_squeeze %dma_start3A_713 : memref<1x!tpu.dma_semaphore, #tpu.memory_space<semaphore_mem>> -> memref<!tpu.dma_semaphore, #tpu.memory_space<semaphore_mem>>
    %dma_start3A_715 = arith.constant 0 : i32
    %dma_start3A_716 = tpu.memref_slice %arg4[%add3A_704, %dma_start3A_715] : memref<49152x256xf32, #tpu.memory_space<hbm>> -> memref<128x256xf32, #tpu.memory_space<hbm>>
    %dma_start3A_717 = arith.constant 0 : i32
    %dma_start3A_718 = arith.constant 0 : i32
    %dma_start3A_719 = tpu.memref_slice %arg6[%dma_start3A_705, %dma_start3A_717, %dma_start3A_718] : memref<3x128x256xf32, #tpu.memory_space<vmem>> -> memref<1x128x256xf32, #tpu.memory_space<vmem>>
    %dma_start3A_720 = tpu.memref_squeeze %dma_start3A_719 : memref<1x128x256xf32, #tpu.memory_space<vmem>> -> memref<128x256xf32, #tpu.memory_space<vmem>>
    tpu.enqueue_dma source(%dma_start3A_720 : memref<128x256xf32, #tpu.memory_space<vmem>>) target(%dma_start3A_716 : memref<128x256xf32, #tpu.memory_space<hbm>>) target_semaphore(%dma_start3A_714 : memref<!tpu.dma_semaphore, #tpu.memory_space<semaphore_mem>>)
    %dma_wait3A_721 = arith.constant 0 : i32
    %dma_wait3A_722 = arith.constant 0 : i32
    %dma_wait3A_723 = arith.constant 0 : i32
    %dma_wait3A_724 = arith.constant 0 : i32
    %dma_wait3A_725 = tpu.memref_slice %arg6[%dma_wait3A_721, %dma_wait3A_723, %dma_wait3A_724] : memref<3x128x256xf32, #tpu.memory_space<vmem>> -> memref<1x128x256xf32, #tpu.memory_space<vmem>>
    %dma_wait3A_726 = tpu.memref_squeeze %dma_wait3A_725 : memref<1x128x256xf32, #tpu.memory_space<vmem>> -> memref<128x256xf32, #tpu.memory_space<vmem>>
    %dma_wait3A_727 = arith.constant 0 : i32
    %dma_wait3A_728 = tpu.memref_slice %arg4[%add3A_607, %dma_wait3A_727] : memref<49152x256xf32, #tpu.memory_space<hbm>> -> memref<128x256xf32, #tpu.memory_space<hbm>>
    %dma_wait3A_729 = tpu.memref_slice %arg8[%dma_wait3A_722] : memref<3x!tpu.dma_semaphore, #tpu.memory_space<semaphore_mem>> -> memref<1x!tpu.dma_semaphore, #tpu.memory_space<semaphore_mem>>
    %dma_wait3A_730 = tpu.memref_squeeze %dma_wait3A_729 : memref<1x!tpu.dma_semaphore, #tpu.memory_space<semaphore_mem>> -> memref<!tpu.dma_semaphore, #tpu.memory_space<semaphore_mem>>
    %dma_wait3A_731 = arith.constant 0 : i32
    %dma_wait3A_732 = tpu.memref_slice %arg4[%add3A_607, %dma_wait3A_731] : memref<49152x256xf32, #tpu.memory_space<hbm>> -> memref<128x256xf32, #tpu.memory_space<hbm>>
    %dma_wait3A_733 = arith.constant 0 : i32
    %dma_wait3A_734 = arith.constant 0 : i32
    %dma_wait3A_735 = tpu.memref_slice %arg6[%dma_wait3A_721, %dma_wait3A_733, %dma_wait3A_734] : memref<3x128x256xf32, #tpu.memory_space<vmem>> -> memref<1x128x256xf32, #tpu.memory_space<vmem>>
    %dma_wait3A_736 = tpu.memref_squeeze %dma_wait3A_735 : memref<1x128x256xf32, #tpu.memory_space<vmem>> -> memref<128x256xf32, #tpu.memory_space<vmem>>
    tpu.wait_dma2 semaphore(%dma_wait3A_730 : memref<!tpu.dma_semaphore, #tpu.memory_space<semaphore_mem>>) src(%dma_wait3A_736 : memref<128x256xf32, #tpu.memory_space<vmem>>) dst(%dma_wait3A_732 : memref<128x256xf32, #tpu.memory_space<hbm>>)
    %dma_wait3A_737 = arith.constant 1 : i32
    %dma_wait3A_738 = arith.constant 1 : i32
    %dma_wait3A_739 = arith.constant 0 : i32
    %dma_wait3A_740 = arith.constant 0 : i32
    %dma_wait3A_741 = tpu.memref_slice %arg6[%dma_wait3A_737, %dma_wait3A_739, %dma_wait3A_740] : memref<3x128x256xf32, #tpu.memory_space<vmem>> -> memref<1x128x256xf32, #tpu.memory_space<vmem>>
    %dma_wait3A_742 = tpu.memref_squeeze %dma_wait3A_741 : memref<1x128x256xf32, #tpu.memory_space<vmem>> -> memref<128x256xf32, #tpu.memory_space<vmem>>
    %dma_wait3A_743 = arith.constant 0 : i32
    %dma_wait3A_744 = tpu.memref_slice %arg4[%add3A_671, %dma_wait3A_743] : memref<49152x256xf32, #tpu.memory_space<hbm>> -> memref<128x256xf32, #tpu.memory_space<hbm>>
    %dma_wait3A_745 = tpu.memref_slice %arg8[%dma_wait3A_738] : memref<3x!tpu.dma_semaphore, #tpu.memory_space<semaphore_mem>> -> memref<1x!tpu.dma_semaphore, #tpu.memory_space<semaphore_mem>>
    %dma_wait3A_746 = tpu.memref_squeeze %dma_wait3A_745 : memref<1x!tpu.dma_semaphore, #tpu.memory_space<semaphore_mem>> -> memref<!tpu.dma_semaphore, #tpu.memory_space<semaphore_mem>>
    %dma_wait3A_747 = arith.constant 0 : i32
    %dma_wait3A_748 = tpu.memref_slice %arg4[%add3A_671, %dma_wait3A_747] : memref<49152x256xf32, #tpu.memory_space<hbm>> -> memref<128x256xf32, #tpu.memory_space<hbm>>
    %dma_wait3A_749 = arith.constant 0 : i32
    %dma_wait3A_750 = arith.constant 0 : i32
    %dma_wait3A_751 = tpu.memref_slice %arg6[%dma_wait3A_737, %dma_wait3A_749, %dma_wait3A_750] : memref<3x128x256xf32, #tpu.memory_space<vmem>> -> memref<1x128x256xf32, #tpu.memory_space<vmem>>
    %dma_wait3A_752 = tpu.memref_squeeze %dma_wait3A_751 : memref<1x128x256xf32, #tpu.memory_space<vmem>> -> memref<128x256xf32, #tpu.memory_space<vmem>>
    tpu.wait_dma2 semaphore(%dma_wait3A_746 : memref<!tpu.dma_semaphore, #tpu.memory_space<semaphore_mem>>) src(%dma_wait3A_752 : memref<128x256xf32, #tpu.memory_space<vmem>>) dst(%dma_wait3A_748 : memref<128x256xf32, #tpu.memory_space<hbm>>)
    %dma_wait3A_753 = arith.constant 2 : i32
    %dma_wait3A_754 = arith.constant 2 : i32
    %dma_wait3A_755 = arith.constant 0 : i32
    %dma_wait3A_756 = arith.constant 0 : i32
    %dma_wait3A_757 = tpu.memref_slice %arg6[%dma_wait3A_753, %dma_wait3A_755, %dma_wait3A_756] : memref<3x128x256xf32, #tpu.memory_space<vmem>> -> memref<1x128x256xf32, #tpu.memory_space<vmem>>
    %dma_wait3A_758 = tpu.memref_squeeze %dma_wait3A_757 : memref<1x128x256xf32, #tpu.memory_space<vmem>> -> memref<128x256xf32, #tpu.memory_space<vmem>>
    %dma_wait3A_759 = arith.constant 0 : i32
    %dma_wait3A_760 = tpu.memref_slice %arg4[%add3A_704, %dma_wait3A_759] : memref<49152x256xf32, #tpu.memory_space<hbm>> -> memref<128x256xf32, #tpu.memory_space<hbm>>
    %dma_wait3A_761 = tpu.memref_slice %arg8[%dma_wait3A_754] : memref<3x!tpu.dma_semaphore, #tpu.memory_space<semaphore_mem>> -> memref<1x!tpu.dma_semaphore, #tpu.memory_space<semaphore_mem>>
    %dma_wait3A_762 = tpu.memref_squeeze %dma_wait3A_761 : memref<1x!tpu.dma_semaphore, #tpu.memory_space<semaphore_mem>> -> memref<!tpu.dma_semaphore, #tpu.memory_space<semaphore_mem>>
    %dma_wait3A_763 = arith.constant 0 : i32
    %dma_wait3A_764 = tpu.memref_slice %arg4[%add3A_704, %dma_wait3A_763] : memref<49152x256xf32, #tpu.memory_space<hbm>> -> memref<128x256xf32, #tpu.memory_space<hbm>>
    %dma_wait3A_765 = arith.constant 0 : i32
    %dma_wait3A_766 = arith.constant 0 : i32
    %dma_wait3A_767 = tpu.memref_slice %arg6[%dma_wait3A_753, %dma_wait3A_765, %dma_wait3A_766] : memref<3x128x256xf32, #tpu.memory_space<vmem>> -> memref<1x128x256xf32, #tpu.memory_space<vmem>>
    %dma_wait3A_768 = tpu.memref_squeeze %dma_wait3A_767 : memref<1x128x256xf32, #tpu.memory_space<vmem>> -> memref<128x256xf32, #tpu.memory_space<vmem>>
    tpu.wait_dma2 semaphore(%dma_wait3A_762 : memref<!tpu.dma_semaphore, #tpu.memory_space<semaphore_mem>>) src(%dma_wait3A_768 : memref<128x256xf32, #tpu.memory_space<vmem>>) dst(%dma_wait3A_764 : memref<128x256xf32, #tpu.memory_space<hbm>>)
    return
  }
}

#map = affine_map<(d0, d1) -> (0, 0, 0)>
#map1 = affine_map<(d0, d1) -> (0, 0)>
module attributes {stable_mosaic.version = 14 : i64} {
  func.func @gather_kernel(%arg0: i32, %arg1: i32, %arg2: memref<32x12x128xi32, #tpu.memory_space<hbm>>, %arg3: memref<8192x256xf32, #tpu.memory_space<hbm>>, %arg4: memref<49152x256xf32, #tpu.memory_space<hbm>>, %arg5: memref<12x128xi32, #tpu.memory_space<vmem>>, %arg6: memref<3x128x256xf32, #tpu.memory_space<vmem>>, %arg7: memref<3x!tpu.dma_semaphore, #tpu.memory_space<semaphore_mem>>, %arg8: memref<3x!tpu.dma_semaphore, #tpu.memory_space<semaphore_mem>>) attributes {dimension_semantics = [#tpu.dimension_semantics<core_parallel>, #tpu.dimension_semantics<subcore_parallel>], iteration_bounds = array<i64: 2, 16>, scalar_prefetch = 0 : i64, scratch_operands = 4 : i64, tpu.core_type = #tpu.core_type<sc_vector_subcore>, window_params = [{transform_indices = #map}, {transform_indices = #map1}, {transform_indices = #map1}]} {
    %mul3A = arith.constant 2 : i32
    %mul3A_0 = arith.muli %arg1, %mul3A : i32
    %add3A = arith.addi %mul3A_0, %arg0 : i32
    %mul3A_1 = arith.constant 1536 : i32
    %mul3A_2 = arith.muli %add3A, %mul3A_1 : i32
    "tpu.region"() ({
      %run_scoped3A = tpu.sem_alloc : memref<!tpu.dma_semaphore, #tpu.memory_space<semaphore_mem>>
      %dma_start3A_769 = arith.constant 0 : i32
      %dma_start3A_770 = arith.constant 0 : i32
      %dma_start3A_771 = tpu.memref_slice %arg2[%add3A, %dma_start3A_769, %dma_start3A_770] : memref<32x12x128xi32, #tpu.memory_space<hbm>> -> memref<1x12x128xi32, #tpu.memory_space<hbm>>
      %dma_start3A_772 = tpu.memref_squeeze %dma_start3A_771 : memref<1x12x128xi32, #tpu.memory_space<hbm>> -> memref<12x128xi32, #tpu.memory_space<hbm>>
      %dma_start3A_773 = arith.constant 0 : i32
      %dma_start3A_774 = arith.constant 0 : i32
      %dma_start3A_775 = tpu.memref_slice %arg2[%add3A, %dma_start3A_773, %dma_start3A_774] : memref<32x12x128xi32, #tpu.memory_space<hbm>> -> memref<1x12x128xi32, #tpu.memory_space<hbm>>
      %dma_start3A_776 = tpu.memref_squeeze %dma_start3A_775 : memref<1x12x128xi32, #tpu.memory_space<hbm>> -> memref<12x128xi32, #tpu.memory_space<hbm>>
      tpu.enqueue_dma source(%dma_start3A_776 : memref<12x128xi32, #tpu.memory_space<hbm>>) target(%arg5 : memref<12x128xi32, #tpu.memory_space<vmem>>) target_semaphore(%run_scoped3A : memref<!tpu.dma_semaphore, #tpu.memory_space<semaphore_mem>>)
      %dma_wait3A_777 = arith.constant 0 : i32
      %dma_wait3A_778 = arith.constant 0 : i32
      %dma_wait3A_779 = tpu.memref_slice %arg2[%add3A, %dma_wait3A_777, %dma_wait3A_778] : memref<32x12x128xi32, #tpu.memory_space<hbm>> -> memref<1x12x128xi32, #tpu.memory_space<hbm>>
      %dma_wait3A_780 = tpu.memref_squeeze %dma_wait3A_779 : memref<1x12x128xi32, #tpu.memory_space<hbm>> -> memref<12x128xi32, #tpu.memory_space<hbm>>
      %dma_wait3A_781 = arith.constant 0 : i32
      %dma_wait3A_782 = arith.constant 0 : i32
      %dma_wait3A_783 = tpu.memref_slice %arg2[%add3A, %dma_wait3A_781, %dma_wait3A_782] : memref<32x12x128xi32, #tpu.memory_space<hbm>> -> memref<1x12x128xi32, #tpu.memory_space<hbm>>
      %dma_wait3A_784 = tpu.memref_squeeze %dma_wait3A_783 : memref<1x12x128xi32, #tpu.memory_space<hbm>> -> memref<12x128xi32, #tpu.memory_space<hbm>>
      tpu.wait_dma2 semaphore(%run_scoped3A : memref<!tpu.dma_semaphore, #tpu.memory_space<semaphore_mem>>) src(%dma_wait3A_784 : memref<12x128xi32, #tpu.memory_space<hbm>>) dst(%arg5 : memref<12x128xi32, #tpu.memory_space<vmem>>)
      tpu.yield
    }) : () -> ()
    %dma_start3A = arith.constant 0 : i32
    %dma_start3A_3 = arith.constant 0 : i32
    %dma_start3A_4 = arith.constant 0 : i32
    %dma_start3A_5 = arith.constant 0 : i32
    %dma_start3A_6 = arith.constant 0 : i32
    %dma_start3A_7 = tpu.memref_slice %arg6[%dma_start3A_3, %dma_start3A_5, %dma_start3A_6] : memref<3x128x256xf32, #tpu.memory_space<vmem>> -> memref<1x128x256xf32, #tpu.memory_space<vmem>>
    %dma_start3A_8 = tpu.memref_squeeze %dma_start3A_7 : memref<1x128x256xf32, #tpu.memory_space<vmem>> -> memref<128x256xf32, #tpu.memory_space<vmem>>
    %dma_start3A_9 = arith.constant 0 : i32
    %dma_start3A_10 = tpu.memref_slice %arg5[%dma_start3A, %dma_start3A_9] : memref<12x128xi32, #tpu.memory_space<vmem>> -> memref<1x128xi32, #tpu.memory_space<vmem>>
    %dma_start3A_11 = tpu.memref_squeeze %dma_start3A_10 : memref<1x128xi32, #tpu.memory_space<vmem>> -> memref<128xi32, #tpu.memory_space<vmem>>
    %dma_start3A_12 = arith.constant 0 : i32
    %dma_start3A_13 = arith.constant 0 : i32
    %dma_start3A_14 = tpu.memref_slice %arg3[%dma_start3A_12, %dma_start3A_13] : memref<8192x256xf32, #tpu.memory_space<hbm>> -> memref<8192x256xf32, #tpu.memory_space<hbm>>
    %dma_start3A_15 = tpu.memref_slice %arg7[%dma_start3A_4] : memref<3x!tpu.dma_semaphore, #tpu.memory_space<semaphore_mem>> -> memref<1x!tpu.dma_semaphore, #tpu.memory_space<semaphore_mem>>
    %dma_start3A_16 = tpu.memref_squeeze %dma_start3A_15 : memref<1x!tpu.dma_semaphore, #tpu.memory_space<semaphore_mem>> -> memref<!tpu.dma_semaphore, #tpu.memory_space<semaphore_mem>>
    tpu.enqueue_indirect_dma source(%dma_start3A_14 : memref<8192x256xf32, #tpu.memory_space<hbm>>) target(%dma_start3A_8 : memref<128x256xf32, #tpu.memory_space<vmem>>) offsets(%dma_start3A_11 : memref<128xi32, #tpu.memory_space<vmem>>) semaphore(%dma_start3A_16 : memref<!tpu.dma_semaphore, #tpu.memory_space<semaphore_mem>>)
    %dma_start3A_17 = arith.constant 1 : i32
    %dma_start3A_18 = arith.constant 1 : i32
    %dma_start3A_19 = arith.constant 1 : i32
    %dma_start3A_20 = arith.constant 0 : i32
    %dma_start3A_21 = arith.constant 0 : i32
    %dma_start3A_22 = tpu.memref_slice %arg6[%dma_start3A_18, %dma_start3A_20, %dma_start3A_21] : memref<3x128x256xf32, #tpu.memory_space<vmem>> -> memref<1x128x256xf32, #tpu.memory_space<vmem>>
    %dma_start3A_23 = tpu.memref_squeeze %dma_start3A_22 : memref<1x128x256xf32, #tpu.memory_space<vmem>> -> memref<128x256xf32, #tpu.memory_space<vmem>>
    %dma_start3A_24 = arith.constant 0 : i32
    %dma_start3A_25 = tpu.memref_slice %arg5[%dma_start3A_17, %dma_start3A_24] : memref<12x128xi32, #tpu.memory_space<vmem>> -> memref<1x128xi32, #tpu.memory_space<vmem>>
    %dma_start3A_26 = tpu.memref_squeeze %dma_start3A_25 : memref<1x128xi32, #tpu.memory_space<vmem>> -> memref<128xi32, #tpu.memory_space<vmem>>
    %dma_start3A_27 = arith.constant 0 : i32
    %dma_start3A_28 = arith.constant 0 : i32
    %dma_start3A_29 = tpu.memref_slice %arg3[%dma_start3A_27, %dma_start3A_28] : memref<8192x256xf32, #tpu.memory_space<hbm>> -> memref<8192x256xf32, #tpu.memory_space<hbm>>
    %dma_start3A_30 = tpu.memref_slice %arg7[%dma_start3A_19] : memref<3x!tpu.dma_semaphore, #tpu.memory_space<semaphore_mem>> -> memref<1x!tpu.dma_semaphore, #tpu.memory_space<semaphore_mem>>
    %dma_start3A_31 = tpu.memref_squeeze %dma_start3A_30 : memref<1x!tpu.dma_semaphore, #tpu.memory_space<semaphore_mem>> -> memref<!tpu.dma_semaphore, #tpu.memory_space<semaphore_mem>>
    tpu.enqueue_indirect_dma source(%dma_start3A_29 : memref<8192x256xf32, #tpu.memory_space<hbm>>) target(%dma_start3A_23 : memref<128x256xf32, #tpu.memory_space<vmem>>) offsets(%dma_start3A_26 : memref<128xi32, #tpu.memory_space<vmem>>) semaphore(%dma_start3A_31 : memref<!tpu.dma_semaphore, #tpu.memory_space<semaphore_mem>>)
    %dma_wait3A = arith.constant 0 : i32
    %dma_wait3A_32 = arith.constant 0 : i32
    %dma_wait3A_33 = arith.constant 0 : i32
    %dma_wait3A_34 = arith.constant 0 : i32
    %dma_wait3A_35 = arith.constant 0 : i32
    %dma_wait3A_36 = tpu.memref_slice %arg6[%dma_wait3A_32, %dma_wait3A_34, %dma_wait3A_35] : memref<3x128x256xf32, #tpu.memory_space<vmem>> -> memref<1x128x256xf32, #tpu.memory_space<vmem>>
    %dma_wait3A_37 = tpu.memref_squeeze %dma_wait3A_36 : memref<1x128x256xf32, #tpu.memory_space<vmem>> -> memref<128x256xf32, #tpu.memory_space<vmem>>
    %dma_wait3A_38 = arith.constant 0 : i32
    %dma_wait3A_39 = tpu.memref_slice %arg5[%dma_wait3A, %dma_wait3A_38] : memref<12x128xi32, #tpu.memory_space<vmem>> -> memref<1x128xi32, #tpu.memory_space<vmem>>
    %dma_wait3A_40 = tpu.memref_squeeze %dma_wait3A_39 : memref<1x128xi32, #tpu.memory_space<vmem>> -> memref<128xi32, #tpu.memory_space<vmem>>
    %dma_wait3A_41 = arith.constant 0 : i32
    %dma_wait3A_42 = arith.constant 0 : i32
    %dma_wait3A_43 = tpu.memref_slice %arg3[%dma_wait3A_41, %dma_wait3A_42] : memref<8192x256xf32, #tpu.memory_space<hbm>> -> memref<8192x256xf32, #tpu.memory_space<hbm>>
    %dma_wait3A_44 = tpu.memref_slice %arg7[%dma_wait3A_33] : memref<3x!tpu.dma_semaphore, #tpu.memory_space<semaphore_mem>> -> memref<1x!tpu.dma_semaphore, #tpu.memory_space<semaphore_mem>>
    %dma_wait3A_45 = tpu.memref_squeeze %dma_wait3A_44 : memref<1x!tpu.dma_semaphore, #tpu.memory_space<semaphore_mem>> -> memref<!tpu.dma_semaphore, #tpu.memory_space<semaphore_mem>>
    tpu.wait_indirect_dma semaphore(%dma_wait3A_45 : memref<!tpu.dma_semaphore, #tpu.memory_space<semaphore_mem>>) src(%dma_wait3A_43 : memref<8192x256xf32, #tpu.memory_space<hbm>>) dst(%dma_wait3A_37 : memref<128x256xf32, #tpu.memory_space<vmem>>)
    %add3A_46 = arith.constant 0 : i32
    %add3A_47 = arith.addi %mul3A_2, %add3A_46 : i32
    %dma_start3A_48 = arith.constant 0 : i32
    %dma_start3A_49 = arith.constant 0 : i32
    %dma_start3A_50 = arith.constant 0 : i32
    %dma_start3A_51 = arith.constant 0 : i32
    %dma_start3A_52 = tpu.memref_slice %arg6[%dma_start3A_48, %dma_start3A_50, %dma_start3A_51] : memref<3x128x256xf32, #tpu.memory_space<vmem>> -> memref<1x128x256xf32, #tpu.memory_space<vmem>>
    %dma_start3A_53 = tpu.memref_squeeze %dma_start3A_52 : memref<1x128x256xf32, #tpu.memory_space<vmem>> -> memref<128x256xf32, #tpu.memory_space<vmem>>
    %dma_start3A_54 = arith.constant 0 : i32
    %dma_start3A_55 = tpu.memref_slice %arg4[%add3A_47, %dma_start3A_54] : memref<49152x256xf32, #tpu.memory_space<hbm>> -> memref<128x256xf32, #tpu.memory_space<hbm>>
    %dma_start3A_56 = tpu.memref_slice %arg8[%dma_start3A_49] : memref<3x!tpu.dma_semaphore, #tpu.memory_space<semaphore_mem>> -> memref<1x!tpu.dma_semaphore, #tpu.memory_space<semaphore_mem>>
    %dma_start3A_57 = tpu.memref_squeeze %dma_start3A_56 : memref<1x!tpu.dma_semaphore, #tpu.memory_space<semaphore_mem>> -> memref<!tpu.dma_semaphore, #tpu.memory_space<semaphore_mem>>
    %dma_start3A_58 = arith.constant 0 : i32
    %dma_start3A_59 = tpu.memref_slice %arg4[%add3A_47, %dma_start3A_58] : memref<49152x256xf32, #tpu.memory_space<hbm>> -> memref<128x256xf32, #tpu.memory_space<hbm>>
    %dma_start3A_60 = arith.constant 0 : i32
    %dma_start3A_61 = arith.constant 0 : i32
    %dma_start3A_62 = tpu.memref_slice %arg6[%dma_start3A_48, %dma_start3A_60, %dma_start3A_61] : memref<3x128x256xf32, #tpu.memory_space<vmem>> -> memref<1x128x256xf32, #tpu.memory_space<vmem>>
    %dma_start3A_63 = tpu.memref_squeeze %dma_start3A_62 : memref<1x128x256xf32, #tpu.memory_space<vmem>> -> memref<128x256xf32, #tpu.memory_space<vmem>>
    tpu.enqueue_dma source(%dma_start3A_63 : memref<128x256xf32, #tpu.memory_space<vmem>>) target(%dma_start3A_59 : memref<128x256xf32, #tpu.memory_space<hbm>>) target_semaphore(%dma_start3A_57 : memref<!tpu.dma_semaphore, #tpu.memory_space<semaphore_mem>>)
    %dma_start3A_64 = arith.constant 2 : i32
    %dma_start3A_65 = arith.constant 2 : i32
    %dma_start3A_66 = arith.constant 2 : i32
    %dma_start3A_67 = arith.constant 0 : i32
    %dma_start3A_68 = arith.constant 0 : i32
    %dma_start3A_69 = tpu.memref_slice %arg6[%dma_start3A_65, %dma_start3A_67, %dma_start3A_68] : memref<3x128x256xf32, #tpu.memory_space<vmem>> -> memref<1x128x256xf32, #tpu.memory_space<vmem>>
    %dma_start3A_70 = tpu.memref_squeeze %dma_start3A_69 : memref<1x128x256xf32, #tpu.memory_space<vmem>> -> memref<128x256xf32, #tpu.memory_space<vmem>>
    %dma_start3A_71 = arith.constant 0 : i32
    %dma_start3A_72 = tpu.memref_slice %arg5[%dma_start3A_64, %dma_start3A_71] : memref<12x128xi32, #tpu.memory_space<vmem>> -> memref<1x128xi32, #tpu.memory_space<vmem>>
    %dma_start3A_73 = tpu.memref_squeeze %dma_start3A_72 : memref<1x128xi32, #tpu.memory_space<vmem>> -> memref<128xi32, #tpu.memory_space<vmem>>
    %dma_start3A_74 = arith.constant 0 : i32
    %dma_start3A_75 = arith.constant 0 : i32
    %dma_start3A_76 = tpu.memref_slice %arg3[%dma_start3A_74, %dma_start3A_75] : memref<8192x256xf32, #tpu.memory_space<hbm>> -> memref<8192x256xf32, #tpu.memory_space<hbm>>
    %dma_start3A_77 = tpu.memref_slice %arg7[%dma_start3A_66] : memref<3x!tpu.dma_semaphore, #tpu.memory_space<semaphore_mem>> -> memref<1x!tpu.dma_semaphore, #tpu.memory_space<semaphore_mem>>
    %dma_start3A_78 = tpu.memref_squeeze %dma_start3A_77 : memref<1x!tpu.dma_semaphore, #tpu.memory_space<semaphore_mem>> -> memref<!tpu.dma_semaphore, #tpu.memory_space<semaphore_mem>>
    tpu.enqueue_indirect_dma source(%dma_start3A_76 : memref<8192x256xf32, #tpu.memory_space<hbm>>) target(%dma_start3A_70 : memref<128x256xf32, #tpu.memory_space<vmem>>) offsets(%dma_start3A_73 : memref<128xi32, #tpu.memory_space<vmem>>) semaphore(%dma_start3A_78 : memref<!tpu.dma_semaphore, #tpu.memory_space<semaphore_mem>>)
    %dma_wait3A_79 = arith.constant 1 : i32
    %dma_wait3A_80 = arith.constant 1 : i32
    %dma_wait3A_81 = arith.constant 1 : i32
    %dma_wait3A_82 = arith.constant 0 : i32
    %dma_wait3A_83 = arith.constant 0 : i32
    %dma_wait3A_84 = tpu.memref_slice %arg6[%dma_wait3A_80, %dma_wait3A_82, %dma_wait3A_83] : memref<3x128x256xf32, #tpu.memory_space<vmem>> -> memref<1x128x256xf32, #tpu.memory_space<vmem>>
    %dma_wait3A_85 = tpu.memref_squeeze %dma_wait3A_84 : memref<1x128x256xf32, #tpu.memory_space<vmem>> -> memref<128x256xf32, #tpu.memory_space<vmem>>
    %dma_wait3A_86 = arith.constant 0 : i32
    %dma_wait3A_87 = tpu.memref_slice %arg5[%dma_wait3A_79, %dma_wait3A_86] : memref<12x128xi32, #tpu.memory_space<vmem>> -> memref<1x128xi32, #tpu.memory_space<vmem>>
    %dma_wait3A_88 = tpu.memref_squeeze %dma_wait3A_87 : memref<1x128xi32, #tpu.memory_space<vmem>> -> memref<128xi32, #tpu.memory_space<vmem>>
    %dma_wait3A_89 = arith.constant 0 : i32
    %dma_wait3A_90 = arith.constant 0 : i32
    %dma_wait3A_91 = tpu.memref_slice %arg3[%dma_wait3A_89, %dma_wait3A_90] : memref<8192x256xf32, #tpu.memory_space<hbm>> -> memref<8192x256xf32, #tpu.memory_space<hbm>>
    %dma_wait3A_92 = tpu.memref_slice %arg7[%dma_wait3A_81] : memref<3x!tpu.dma_semaphore, #tpu.memory_space<semaphore_mem>> -> memref<1x!tpu.dma_semaphore, #tpu.memory_space<semaphore_mem>>
    %dma_wait3A_93 = tpu.memref_squeeze %dma_wait3A_92 : memref<1x!tpu.dma_semaphore, #tpu.memory_space<semaphore_mem>> -> memref<!tpu.dma_semaphore, #tpu.memory_space<semaphore_mem>>
    tpu.wait_indirect_dma semaphore(%dma_wait3A_93 : memref<!tpu.dma_semaphore, #tpu.memory_space<semaphore_mem>>) src(%dma_wait3A_91 : memref<8192x256xf32, #tpu.memory_space<hbm>>) dst(%dma_wait3A_85 : memref<128x256xf32, #tpu.memory_space<vmem>>)
    %add3A_94 = arith.constant 128 : i32
    %add3A_95 = arith.addi %mul3A_2, %add3A_94 : i32
    %dma_start3A_96 = arith.constant 1 : i32
    %dma_start3A_97 = arith.constant 1 : i32
    %dma_start3A_98 = arith.constant 0 : i32
    %dma_start3A_99 = arith.constant 0 : i32
    %dma_start3A_100 = tpu.memref_slice %arg6[%dma_start3A_96, %dma_start3A_98, %dma_start3A_99] : memref<3x128x256xf32, #tpu.memory_space<vmem>> -> memref<1x128x256xf32, #tpu.memory_space<vmem>>
    %dma_start3A_101 = tpu.memref_squeeze %dma_start3A_100 : memref<1x128x256xf32, #tpu.memory_space<vmem>> -> memref<128x256xf32, #tpu.memory_space<vmem>>
    %dma_start3A_102 = arith.constant 0 : i32
    %dma_start3A_103 = tpu.memref_slice %arg4[%add3A_95, %dma_start3A_102] : memref<49152x256xf32, #tpu.memory_space<hbm>> -> memref<128x256xf32, #tpu.memory_space<hbm>>
    %dma_start3A_104 = tpu.memref_slice %arg8[%dma_start3A_97] : memref<3x!tpu.dma_semaphore, #tpu.memory_space<semaphore_mem>> -> memref<1x!tpu.dma_semaphore, #tpu.memory_space<semaphore_mem>>
    %dma_start3A_105 = tpu.memref_squeeze %dma_start3A_104 : memref<1x!tpu.dma_semaphore, #tpu.memory_space<semaphore_mem>> -> memref<!tpu.dma_semaphore, #tpu.memory_space<semaphore_mem>>
    %dma_start3A_106 = arith.constant 0 : i32
    %dma_start3A_107 = tpu.memref_slice %arg4[%add3A_95, %dma_start3A_106] : memref<49152x256xf32, #tpu.memory_space<hbm>> -> memref<128x256xf32, #tpu.memory_space<hbm>>
    %dma_start3A_108 = arith.constant 0 : i32
    %dma_start3A_109 = arith.constant 0 : i32
    %dma_start3A_110 = tpu.memref_slice %arg6[%dma_start3A_96, %dma_start3A_108, %dma_start3A_109] : memref<3x128x256xf32, #tpu.memory_space<vmem>> -> memref<1x128x256xf32, #tpu.memory_space<vmem>>
    %dma_start3A_111 = tpu.memref_squeeze %dma_start3A_110 : memref<1x128x256xf32, #tpu.memory_space<vmem>> -> memref<128x256xf32, #tpu.memory_space<vmem>>
    tpu.enqueue_dma source(%dma_start3A_111 : memref<128x256xf32, #tpu.memory_space<vmem>>) target(%dma_start3A_107 : memref<128x256xf32, #tpu.memory_space<hbm>>) target_semaphore(%dma_start3A_105 : memref<!tpu.dma_semaphore, #tpu.memory_space<semaphore_mem>>)
    %dma_wait3A_112 = arith.constant 0 : i32
    %dma_wait3A_113 = arith.constant 0 : i32
    %dma_wait3A_114 = arith.constant 0 : i32
    %dma_wait3A_115 = arith.constant 0 : i32
    %dma_wait3A_116 = tpu.memref_slice %arg6[%dma_wait3A_112, %dma_wait3A_114, %dma_wait3A_115] : memref<3x128x256xf32, #tpu.memory_space<vmem>> -> memref<1x128x256xf32, #tpu.memory_space<vmem>>
    %dma_wait3A_117 = tpu.memref_squeeze %dma_wait3A_116 : memref<1x128x256xf32, #tpu.memory_space<vmem>> -> memref<128x256xf32, #tpu.memory_space<vmem>>
    %dma_wait3A_118 = arith.constant 0 : i32
    %dma_wait3A_119 = tpu.memref_slice %arg4[%add3A_47, %dma_wait3A_118] : memref<49152x256xf32, #tpu.memory_space<hbm>> -> memref<128x256xf32, #tpu.memory_space<hbm>>
    %dma_wait3A_120 = tpu.memref_slice %arg8[%dma_wait3A_113] : memref<3x!tpu.dma_semaphore, #tpu.memory_space<semaphore_mem>> -> memref<1x!tpu.dma_semaphore, #tpu.memory_space<semaphore_mem>>
    %dma_wait3A_121 = tpu.memref_squeeze %dma_wait3A_120 : memref<1x!tpu.dma_semaphore, #tpu.memory_space<semaphore_mem>> -> memref<!tpu.dma_semaphore, #tpu.memory_space<semaphore_mem>>
    %dma_wait3A_122 = arith.constant 0 : i32
    %dma_wait3A_123 = tpu.memref_slice %arg4[%add3A_47, %dma_wait3A_122] : memref<49152x256xf32, #tpu.memory_space<hbm>> -> memref<128x256xf32, #tpu.memory_space<hbm>>
    %dma_wait3A_124 = arith.constant 0 : i32
    %dma_wait3A_125 = arith.constant 0 : i32
    %dma_wait3A_126 = tpu.memref_slice %arg6[%dma_wait3A_112, %dma_wait3A_124, %dma_wait3A_125] : memref<3x128x256xf32, #tpu.memory_space<vmem>> -> memref<1x128x256xf32, #tpu.memory_space<vmem>>
    %dma_wait3A_127 = tpu.memref_squeeze %dma_wait3A_126 : memref<1x128x256xf32, #tpu.memory_space<vmem>> -> memref<128x256xf32, #tpu.memory_space<vmem>>
    tpu.wait_dma2 semaphore(%dma_wait3A_121 : memref<!tpu.dma_semaphore, #tpu.memory_space<semaphore_mem>>) src(%dma_wait3A_127 : memref<128x256xf32, #tpu.memory_space<vmem>>) dst(%dma_wait3A_123 : memref<128x256xf32, #tpu.memory_space<hbm>>)
    %dma_start3A_128 = arith.constant 3 : i32
    %dma_start3A_129 = arith.constant 0 : i32
    %dma_start3A_130 = arith.constant 0 : i32
    %dma_start3A_131 = arith.constant 0 : i32
    %dma_start3A_132 = arith.constant 0 : i32
    %dma_start3A_133 = tpu.memref_slice %arg6[%dma_start3A_129, %dma_start3A_131, %dma_start3A_132] : memref<3x128x256xf32, #tpu.memory_space<vmem>> -> memref<1x128x256xf32, #tpu.memory_space<vmem>>
    %dma_start3A_134 = tpu.memref_squeeze %dma_start3A_133 : memref<1x128x256xf32, #tpu.memory_space<vmem>> -> memref<128x256xf32, #tpu.memory_space<vmem>>
    %dma_start3A_135 = arith.constant 0 : i32
    %dma_start3A_136 = tpu.memref_slice %arg5[%dma_start3A_128, %dma_start3A_135] : memref<12x128xi32, #tpu.memory_space<vmem>> -> memref<1x128xi32, #tpu.memory_space<vmem>>
    %dma_start3A_137 = tpu.memref_squeeze %dma_start3A_136 : memref<1x128xi32, #tpu.memory_space<vmem>> -> memref<128xi32, #tpu.memory_space<vmem>>
    %dma_start3A_138 = arith.constant 0 : i32
    %dma_start3A_139 = arith.constant 0 : i32
    %dma_start3A_140 = tpu.memref_slice %arg3[%dma_start3A_138, %dma_start3A_139] : memref<8192x256xf32, #tpu.memory_space<hbm>> -> memref<8192x256xf32, #tpu.memory_space<hbm>>
    %dma_start3A_141 = tpu.memref_slice %arg7[%dma_start3A_130] : memref<3x!tpu.dma_semaphore, #tpu.memory_space<semaphore_mem>> -> memref<1x!tpu.dma_semaphore, #tpu.memory_space<semaphore_mem>>
    %dma_start3A_142 = tpu.memref_squeeze %dma_start3A_141 : memref<1x!tpu.dma_semaphore, #tpu.memory_space<semaphore_mem>> -> memref<!tpu.dma_semaphore, #tpu.memory_space<semaphore_mem>>
    tpu.enqueue_indirect_dma source(%dma_start3A_140 : memref<8192x256xf32, #tpu.memory_space<hbm>>) target(%dma_start3A_134 : memref<128x256xf32, #tpu.memory_space<vmem>>) offsets(%dma_start3A_137 : memref<128xi32, #tpu.memory_space<vmem>>) semaphore(%dma_start3A_142 : memref<!tpu.dma_semaphore, #tpu.memory_space<semaphore_mem>>)
    %dma_wait3A_143 = arith.constant 2 : i32
    %dma_wait3A_144 = arith.constant 2 : i32
    %dma_wait3A_145 = arith.constant 2 : i32
    %dma_wait3A_146 = arith.constant 0 : i32
    %dma_wait3A_147 = arith.constant 0 : i32
    %dma_wait3A_148 = tpu.memref_slice %arg6[%dma_wait3A_144, %dma_wait3A_146, %dma_wait3A_147] : memref<3x128x256xf32, #tpu.memory_space<vmem>> -> memref<1x128x256xf32, #tpu.memory_space<vmem>>
    %dma_wait3A_149 = tpu.memref_squeeze %dma_wait3A_148 : memref<1x128x256xf32, #tpu.memory_space<vmem>> -> memref<128x256xf32, #tpu.memory_space<vmem>>
    %dma_wait3A_150 = arith.constant 0 : i32
    %dma_wait3A_151 = tpu.memref_slice %arg5[%dma_wait3A_143, %dma_wait3A_150] : memref<12x128xi32, #tpu.memory_space<vmem>> -> memref<1x128xi32, #tpu.memory_space<vmem>>
    %dma_wait3A_152 = tpu.memref_squeeze %dma_wait3A_151 : memref<1x128xi32, #tpu.memory_space<vmem>> -> memref<128xi32, #tpu.memory_space<vmem>>
    %dma_wait3A_153 = arith.constant 0 : i32
    %dma_wait3A_154 = arith.constant 0 : i32
    %dma_wait3A_155 = tpu.memref_slice %arg3[%dma_wait3A_153, %dma_wait3A_154] : memref<8192x256xf32, #tpu.memory_space<hbm>> -> memref<8192x256xf32, #tpu.memory_space<hbm>>
    %dma_wait3A_156 = tpu.memref_slice %arg7[%dma_wait3A_145] : memref<3x!tpu.dma_semaphore, #tpu.memory_space<semaphore_mem>> -> memref<1x!tpu.dma_semaphore, #tpu.memory_space<semaphore_mem>>
    %dma_wait3A_157 = tpu.memref_squeeze %dma_wait3A_156 : memref<1x!tpu.dma_semaphore, #tpu.memory_space<semaphore_mem>> -> memref<!tpu.dma_semaphore, #tpu.memory_space<semaphore_mem>>
    tpu.wait_indirect_dma semaphore(%dma_wait3A_157 : memref<!tpu.dma_semaphore, #tpu.memory_space<semaphore_mem>>) src(%dma_wait3A_155 : memref<8192x256xf32, #tpu.memory_space<hbm>>) dst(%dma_wait3A_149 : memref<128x256xf32, #tpu.memory_space<vmem>>)
    %add3A_158 = arith.constant 256 : i32
    %add3A_159 = arith.addi %mul3A_2, %add3A_158 : i32
    %dma_start3A_160 = arith.constant 2 : i32
    %dma_start3A_161 = arith.constant 2 : i32
    %dma_start3A_162 = arith.constant 0 : i32
    %dma_start3A_163 = arith.constant 0 : i32
    %dma_start3A_164 = tpu.memref_slice %arg6[%dma_start3A_160, %dma_start3A_162, %dma_start3A_163] : memref<3x128x256xf32, #tpu.memory_space<vmem>> -> memref<1x128x256xf32, #tpu.memory_space<vmem>>
    %dma_start3A_165 = tpu.memref_squeeze %dma_start3A_164 : memref<1x128x256xf32, #tpu.memory_space<vmem>> -> memref<128x256xf32, #tpu.memory_space<vmem>>
    %dma_start3A_166 = arith.constant 0 : i32
    %dma_start3A_167 = tpu.memref_slice %arg4[%add3A_159, %dma_start3A_166] : memref<49152x256xf32, #tpu.memory_space<hbm>> -> memref<128x256xf32, #tpu.memory_space<hbm>>
    %dma_start3A_168 = tpu.memref_slice %arg8[%dma_start3A_161] : memref<3x!tpu.dma_semaphore, #tpu.memory_space<semaphore_mem>> -> memref<1x!tpu.dma_semaphore, #tpu.memory_space<semaphore_mem>>
    %dma_start3A_169 = tpu.memref_squeeze %dma_start3A_168 : memref<1x!tpu.dma_semaphore, #tpu.memory_space<semaphore_mem>> -> memref<!tpu.dma_semaphore, #tpu.memory_space<semaphore_mem>>
    %dma_start3A_170 = arith.constant 0 : i32
    %dma_start3A_171 = tpu.memref_slice %arg4[%add3A_159, %dma_start3A_170] : memref<49152x256xf32, #tpu.memory_space<hbm>> -> memref<128x256xf32, #tpu.memory_space<hbm>>
    %dma_start3A_172 = arith.constant 0 : i32
    %dma_start3A_173 = arith.constant 0 : i32
    %dma_start3A_174 = tpu.memref_slice %arg6[%dma_start3A_160, %dma_start3A_172, %dma_start3A_173] : memref<3x128x256xf32, #tpu.memory_space<vmem>> -> memref<1x128x256xf32, #tpu.memory_space<vmem>>
    %dma_start3A_175 = tpu.memref_squeeze %dma_start3A_174 : memref<1x128x256xf32, #tpu.memory_space<vmem>> -> memref<128x256xf32, #tpu.memory_space<vmem>>
    tpu.enqueue_dma source(%dma_start3A_175 : memref<128x256xf32, #tpu.memory_space<vmem>>) target(%dma_start3A_171 : memref<128x256xf32, #tpu.memory_space<hbm>>) target_semaphore(%dma_start3A_169 : memref<!tpu.dma_semaphore, #tpu.memory_space<semaphore_mem>>)
    %dma_wait3A_176 = arith.constant 1 : i32
    %dma_wait3A_177 = arith.constant 1 : i32
    %dma_wait3A_178 = arith.constant 0 : i32
    %dma_wait3A_179 = arith.constant 0 : i32
    %dma_wait3A_180 = tpu.memref_slice %arg6[%dma_wait3A_176, %dma_wait3A_178, %dma_wait3A_179] : memref<3x128x256xf32, #tpu.memory_space<vmem>> -> memref<1x128x256xf32, #tpu.memory_space<vmem>>
    %dma_wait3A_181 = tpu.memref_squeeze %dma_wait3A_180 : memref<1x128x256xf32, #tpu.memory_space<vmem>> -> memref<128x256xf32, #tpu.memory_space<vmem>>
    %dma_wait3A_182 = arith.constant 0 : i32
    %dma_wait3A_183 = tpu.memref_slice %arg4[%add3A_95, %dma_wait3A_182] : memref<49152x256xf32, #tpu.memory_space<hbm>> -> memref<128x256xf32, #tpu.memory_space<hbm>>
    %dma_wait3A_184 = tpu.memref_slice %arg8[%dma_wait3A_177] : memref<3x!tpu.dma_semaphore, #tpu.memory_space<semaphore_mem>> -> memref<1x!tpu.dma_semaphore, #tpu.memory_space<semaphore_mem>>
    %dma_wait3A_185 = tpu.memref_squeeze %dma_wait3A_184 : memref<1x!tpu.dma_semaphore, #tpu.memory_space<semaphore_mem>> -> memref<!tpu.dma_semaphore, #tpu.memory_space<semaphore_mem>>
    %dma_wait3A_186 = arith.constant 0 : i32
    %dma_wait3A_187 = tpu.memref_slice %arg4[%add3A_95, %dma_wait3A_186] : memref<49152x256xf32, #tpu.memory_space<hbm>> -> memref<128x256xf32, #tpu.memory_space<hbm>>
    %dma_wait3A_188 = arith.constant 0 : i32
    %dma_wait3A_189 = arith.constant 0 : i32
    %dma_wait3A_190 = tpu.memref_slice %arg6[%dma_wait3A_176, %dma_wait3A_188, %dma_wait3A_189] : memref<3x128x256xf32, #tpu.memory_space<vmem>> -> memref<1x128x256xf32, #tpu.memory_space<vmem>>
    %dma_wait3A_191 = tpu.memref_squeeze %dma_wait3A_190 : memref<1x128x256xf32, #tpu.memory_space<vmem>> -> memref<128x256xf32, #tpu.memory_space<vmem>>
    tpu.wait_dma2 semaphore(%dma_wait3A_185 : memref<!tpu.dma_semaphore, #tpu.memory_space<semaphore_mem>>) src(%dma_wait3A_191 : memref<128x256xf32, #tpu.memory_space<vmem>>) dst(%dma_wait3A_187 : memref<128x256xf32, #tpu.memory_space<hbm>>)
    %dma_start3A_192 = arith.constant 4 : i32
    %dma_start3A_193 = arith.constant 1 : i32
    %dma_start3A_194 = arith.constant 1 : i32
    %dma_start3A_195 = arith.constant 0 : i32
    %dma_start3A_196 = arith.constant 0 : i32
    %dma_start3A_197 = tpu.memref_slice %arg6[%dma_start3A_193, %dma_start3A_195, %dma_start3A_196] : memref<3x128x256xf32, #tpu.memory_space<vmem>> -> memref<1x128x256xf32, #tpu.memory_space<vmem>>
    %dma_start3A_198 = tpu.memref_squeeze %dma_start3A_197 : memref<1x128x256xf32, #tpu.memory_space<vmem>> -> memref<128x256xf32, #tpu.memory_space<vmem>>
    %dma_start3A_199 = arith.constant 0 : i32
    %dma_start3A_200 = tpu.memref_slice %arg5[%dma_start3A_192, %dma_start3A_199] : memref<12x128xi32, #tpu.memory_space<vmem>> -> memref<1x128xi32, #tpu.memory_space<vmem>>
    %dma_start3A_201 = tpu.memref_squeeze %dma_start3A_200 : memref<1x128xi32, #tpu.memory_space<vmem>> -> memref<128xi32, #tpu.memory_space<vmem>>
    %dma_start3A_202 = arith.constant 0 : i32
    %dma_start3A_203 = arith.constant 0 : i32
    %dma_start3A_204 = tpu.memref_slice %arg3[%dma_start3A_202, %dma_start3A_203] : memref<8192x256xf32, #tpu.memory_space<hbm>> -> memref<8192x256xf32, #tpu.memory_space<hbm>>
    %dma_start3A_205 = tpu.memref_slice %arg7[%dma_start3A_194] : memref<3x!tpu.dma_semaphore, #tpu.memory_space<semaphore_mem>> -> memref<1x!tpu.dma_semaphore, #tpu.memory_space<semaphore_mem>>
    %dma_start3A_206 = tpu.memref_squeeze %dma_start3A_205 : memref<1x!tpu.dma_semaphore, #tpu.memory_space<semaphore_mem>> -> memref<!tpu.dma_semaphore, #tpu.memory_space<semaphore_mem>>
    tpu.enqueue_indirect_dma source(%dma_start3A_204 : memref<8192x256xf32, #tpu.memory_space<hbm>>) target(%dma_start3A_198 : memref<128x256xf32, #tpu.memory_space<vmem>>) offsets(%dma_start3A_201 : memref<128xi32, #tpu.memory_space<vmem>>) semaphore(%dma_start3A_206 : memref<!tpu.dma_semaphore, #tpu.memory_space<semaphore_mem>>)
    %dma_wait3A_207 = arith.constant 3 : i32
    %dma_wait3A_208 = arith.constant 0 : i32
    %dma_wait3A_209 = arith.constant 0 : i32
    %dma_wait3A_210 = arith.constant 0 : i32
    %dma_wait3A_211 = arith.constant 0 : i32
    %dma_wait3A_212 = tpu.memref_slice %arg6[%dma_wait3A_208, %dma_wait3A_210, %dma_wait3A_211] : memref<3x128x256xf32, #tpu.memory_space<vmem>> -> memref<1x128x256xf32, #tpu.memory_space<vmem>>
    %dma_wait3A_213 = tpu.memref_squeeze %dma_wait3A_212 : memref<1x128x256xf32, #tpu.memory_space<vmem>> -> memref<128x256xf32, #tpu.memory_space<vmem>>
    %dma_wait3A_214 = arith.constant 0 : i32
    %dma_wait3A_215 = tpu.memref_slice %arg5[%dma_wait3A_207, %dma_wait3A_214] : memref<12x128xi32, #tpu.memory_space<vmem>> -> memref<1x128xi32, #tpu.memory_space<vmem>>
    %dma_wait3A_216 = tpu.memref_squeeze %dma_wait3A_215 : memref<1x128xi32, #tpu.memory_space<vmem>> -> memref<128xi32, #tpu.memory_space<vmem>>
    %dma_wait3A_217 = arith.constant 0 : i32
    %dma_wait3A_218 = arith.constant 0 : i32
    %dma_wait3A_219 = tpu.memref_slice %arg3[%dma_wait3A_217, %dma_wait3A_218] : memref<8192x256xf32, #tpu.memory_space<hbm>> -> memref<8192x256xf32, #tpu.memory_space<hbm>>
    %dma_wait3A_220 = tpu.memref_slice %arg7[%dma_wait3A_209] : memref<3x!tpu.dma_semaphore, #tpu.memory_space<semaphore_mem>> -> memref<1x!tpu.dma_semaphore, #tpu.memory_space<semaphore_mem>>
    %dma_wait3A_221 = tpu.memref_squeeze %dma_wait3A_220 : memref<1x!tpu.dma_semaphore, #tpu.memory_space<semaphore_mem>> -> memref<!tpu.dma_semaphore, #tpu.memory_space<semaphore_mem>>
    tpu.wait_indirect_dma semaphore(%dma_wait3A_221 : memref<!tpu.dma_semaphore, #tpu.memory_space<semaphore_mem>>) src(%dma_wait3A_219 : memref<8192x256xf32, #tpu.memory_space<hbm>>) dst(%dma_wait3A_213 : memref<128x256xf32, #tpu.memory_space<vmem>>)
    %add3A_222 = arith.constant 384 : i32
    %add3A_223 = arith.addi %mul3A_2, %add3A_222 : i32
    %dma_start3A_224 = arith.constant 0 : i32
    %dma_start3A_225 = arith.constant 0 : i32
    %dma_start3A_226 = arith.constant 0 : i32
    %dma_start3A_227 = arith.constant 0 : i32
    %dma_start3A_228 = tpu.memref_slice %arg6[%dma_start3A_224, %dma_start3A_226, %dma_start3A_227] : memref<3x128x256xf32, #tpu.memory_space<vmem>> -> memref<1x128x256xf32, #tpu.memory_space<vmem>>
    %dma_start3A_229 = tpu.memref_squeeze %dma_start3A_228 : memref<1x128x256xf32, #tpu.memory_space<vmem>> -> memref<128x256xf32, #tpu.memory_space<vmem>>
    %dma_start3A_230 = arith.constant 0 : i32
    %dma_start3A_231 = tpu.memref_slice %arg4[%add3A_223, %dma_start3A_230] : memref<49152x256xf32, #tpu.memory_space<hbm>> -> memref<128x256xf32, #tpu.memory_space<hbm>>
    %dma_start3A_232 = tpu.memref_slice %arg8[%dma_start3A_225] : memref<3x!tpu.dma_semaphore, #tpu.memory_space<semaphore_mem>> -> memref<1x!tpu.dma_semaphore, #tpu.memory_space<semaphore_mem>>
    %dma_start3A_233 = tpu.memref_squeeze %dma_start3A_232 : memref<1x!tpu.dma_semaphore, #tpu.memory_space<semaphore_mem>> -> memref<!tpu.dma_semaphore, #tpu.memory_space<semaphore_mem>>
    %dma_start3A_234 = arith.constant 0 : i32
    %dma_start3A_235 = tpu.memref_slice %arg4[%add3A_223, %dma_start3A_234] : memref<49152x256xf32, #tpu.memory_space<hbm>> -> memref<128x256xf32, #tpu.memory_space<hbm>>
    %dma_start3A_236 = arith.constant 0 : i32
    %dma_start3A_237 = arith.constant 0 : i32
    %dma_start3A_238 = tpu.memref_slice %arg6[%dma_start3A_224, %dma_start3A_236, %dma_start3A_237] : memref<3x128x256xf32, #tpu.memory_space<vmem>> -> memref<1x128x256xf32, #tpu.memory_space<vmem>>
    %dma_start3A_239 = tpu.memref_squeeze %dma_start3A_238 : memref<1x128x256xf32, #tpu.memory_space<vmem>> -> memref<128x256xf32, #tpu.memory_space<vmem>>
    tpu.enqueue_dma source(%dma_start3A_239 : memref<128x256xf32, #tpu.memory_space<vmem>>) target(%dma_start3A_235 : memref<128x256xf32, #tpu.memory_space<hbm>>) target_semaphore(%dma_start3A_233 : memref<!tpu.dma_semaphore, #tpu.memory_space<semaphore_mem>>)
    %dma_wait3A_240 = arith.constant 2 : i32
    %dma_wait3A_241 = arith.constant 2 : i32
    %dma_wait3A_242 = arith.constant 0 : i32
    %dma_wait3A_243 = arith.constant 0 : i32
    %dma_wait3A_244 = tpu.memref_slice %arg6[%dma_wait3A_240, %dma_wait3A_242, %dma_wait3A_243] : memref<3x128x256xf32, #tpu.memory_space<vmem>> -> memref<1x128x256xf32, #tpu.memory_space<vmem>>
    %dma_wait3A_245 = tpu.memref_squeeze %dma_wait3A_244 : memref<1x128x256xf32, #tpu.memory_space<vmem>> -> memref<128x256xf32, #tpu.memory_space<vmem>>
    %dma_wait3A_246 = arith.constant 0 : i32
    %dma_wait3A_247 = tpu.memref_slice %arg4[%add3A_159, %dma_wait3A_246] : memref<49152x256xf32, #tpu.memory_space<hbm>> -> memref<128x256xf32, #tpu.memory_space<hbm>>
    %dma_wait3A_248 = tpu.memref_slice %arg8[%dma_wait3A_241] : memref<3x!tpu.dma_semaphore, #tpu.memory_space<semaphore_mem>> -> memref<1x!tpu.dma_semaphore, #tpu.memory_space<semaphore_mem>>
    %dma_wait3A_249 = tpu.memref_squeeze %dma_wait3A_248 : memref<1x!tpu.dma_semaphore, #tpu.memory_space<semaphore_mem>> -> memref<!tpu.dma_semaphore, #tpu.memory_space<semaphore_mem>>
    %dma_wait3A_250 = arith.constant 0 : i32
    %dma_wait3A_251 = tpu.memref_slice %arg4[%add3A_159, %dma_wait3A_250] : memref<49152x256xf32, #tpu.memory_space<hbm>> -> memref<128x256xf32, #tpu.memory_space<hbm>>
    %dma_wait3A_252 = arith.constant 0 : i32
    %dma_wait3A_253 = arith.constant 0 : i32
    %dma_wait3A_254 = tpu.memref_slice %arg6[%dma_wait3A_240, %dma_wait3A_252, %dma_wait3A_253] : memref<3x128x256xf32, #tpu.memory_space<vmem>> -> memref<1x128x256xf32, #tpu.memory_space<vmem>>
    %dma_wait3A_255 = tpu.memref_squeeze %dma_wait3A_254 : memref<1x128x256xf32, #tpu.memory_space<vmem>> -> memref<128x256xf32, #tpu.memory_space<vmem>>
    tpu.wait_dma2 semaphore(%dma_wait3A_249 : memref<!tpu.dma_semaphore, #tpu.memory_space<semaphore_mem>>) src(%dma_wait3A_255 : memref<128x256xf32, #tpu.memory_space<vmem>>) dst(%dma_wait3A_251 : memref<128x256xf32, #tpu.memory_space<hbm>>)
    %dma_start3A_256 = arith.constant 5 : i32
    %dma_start3A_257 = arith.constant 2 : i32
    %dma_start3A_258 = arith.constant 2 : i32
    %dma_start3A_259 = arith.constant 0 : i32
    %dma_start3A_260 = arith.constant 0 : i32
    %dma_start3A_261 = tpu.memref_slice %arg6[%dma_start3A_257, %dma_start3A_259, %dma_start3A_260] : memref<3x128x256xf32, #tpu.memory_space<vmem>> -> memref<1x128x256xf32, #tpu.memory_space<vmem>>
    %dma_start3A_262 = tpu.memref_squeeze %dma_start3A_261 : memref<1x128x256xf32, #tpu.memory_space<vmem>> -> memref<128x256xf32, #tpu.memory_space<vmem>>
    %dma_start3A_263 = arith.constant 0 : i32
    %dma_start3A_264 = tpu.memref_slice %arg5[%dma_start3A_256, %dma_start3A_263] : memref<12x128xi32, #tpu.memory_space<vmem>> -> memref<1x128xi32, #tpu.memory_space<vmem>>
    %dma_start3A_265 = tpu.memref_squeeze %dma_start3A_264 : memref<1x128xi32, #tpu.memory_space<vmem>> -> memref<128xi32, #tpu.memory_space<vmem>>
    %dma_start3A_266 = arith.constant 0 : i32
    %dma_start3A_267 = arith.constant 0 : i32
    %dma_start3A_268 = tpu.memref_slice %arg3[%dma_start3A_266, %dma_start3A_267] : memref<8192x256xf32, #tpu.memory_space<hbm>> -> memref<8192x256xf32, #tpu.memory_space<hbm>>
    %dma_start3A_269 = tpu.memref_slice %arg7[%dma_start3A_258] : memref<3x!tpu.dma_semaphore, #tpu.memory_space<semaphore_mem>> -> memref<1x!tpu.dma_semaphore, #tpu.memory_space<semaphore_mem>>
    %dma_start3A_270 = tpu.memref_squeeze %dma_start3A_269 : memref<1x!tpu.dma_semaphore, #tpu.memory_space<semaphore_mem>> -> memref<!tpu.dma_semaphore, #tpu.memory_space<semaphore_mem>>
    tpu.enqueue_indirect_dma source(%dma_start3A_268 : memref<8192x256xf32, #tpu.memory_space<hbm>>) target(%dma_start3A_262 : memref<128x256xf32, #tpu.memory_space<vmem>>) offsets(%dma_start3A_265 : memref<128xi32, #tpu.memory_space<vmem>>) semaphore(%dma_start3A_270 : memref<!tpu.dma_semaphore, #tpu.memory_space<semaphore_mem>>)
    %dma_wait3A_271 = arith.constant 4 : i32
    %dma_wait3A_272 = arith.constant 1 : i32
    %dma_wait3A_273 = arith.constant 1 : i32
    %dma_wait3A_274 = arith.constant 0 : i32
    %dma_wait3A_275 = arith.constant 0 : i32
    %dma_wait3A_276 = tpu.memref_slice %arg6[%dma_wait3A_272, %dma_wait3A_274, %dma_wait3A_275] : memref<3x128x256xf32, #tpu.memory_space<vmem>> -> memref<1x128x256xf32, #tpu.memory_space<vmem>>
    %dma_wait3A_277 = tpu.memref_squeeze %dma_wait3A_276 : memref<1x128x256xf32, #tpu.memory_space<vmem>> -> memref<128x256xf32, #tpu.memory_space<vmem>>
    %dma_wait3A_278 = arith.constant 0 : i32
    %dma_wait3A_279 = tpu.memref_slice %arg5[%dma_wait3A_271, %dma_wait3A_278] : memref<12x128xi32, #tpu.memory_space<vmem>> -> memref<1x128xi32, #tpu.memory_space<vmem>>
    %dma_wait3A_280 = tpu.memref_squeeze %dma_wait3A_279 : memref<1x128xi32, #tpu.memory_space<vmem>> -> memref<128xi32, #tpu.memory_space<vmem>>
    %dma_wait3A_281 = arith.constant 0 : i32
    %dma_wait3A_282 = arith.constant 0 : i32
    %dma_wait3A_283 = tpu.memref_slice %arg3[%dma_wait3A_281, %dma_wait3A_282] : memref<8192x256xf32, #tpu.memory_space<hbm>> -> memref<8192x256xf32, #tpu.memory_space<hbm>>
    %dma_wait3A_284 = tpu.memref_slice %arg7[%dma_wait3A_273] : memref<3x!tpu.dma_semaphore, #tpu.memory_space<semaphore_mem>> -> memref<1x!tpu.dma_semaphore, #tpu.memory_space<semaphore_mem>>
    %dma_wait3A_285 = tpu.memref_squeeze %dma_wait3A_284 : memref<1x!tpu.dma_semaphore, #tpu.memory_space<semaphore_mem>> -> memref<!tpu.dma_semaphore, #tpu.memory_space<semaphore_mem>>
    tpu.wait_indirect_dma semaphore(%dma_wait3A_285 : memref<!tpu.dma_semaphore, #tpu.memory_space<semaphore_mem>>) src(%dma_wait3A_283 : memref<8192x256xf32, #tpu.memory_space<hbm>>) dst(%dma_wait3A_277 : memref<128x256xf32, #tpu.memory_space<vmem>>)
    %add3A_286 = arith.constant 512 : i32
    %add3A_287 = arith.addi %mul3A_2, %add3A_286 : i32
    %dma_start3A_288 = arith.constant 1 : i32
    %dma_start3A_289 = arith.constant 1 : i32
    %dma_start3A_290 = arith.constant 0 : i32
    %dma_start3A_291 = arith.constant 0 : i32
    %dma_start3A_292 = tpu.memref_slice %arg6[%dma_start3A_288, %dma_start3A_290, %dma_start3A_291] : memref<3x128x256xf32, #tpu.memory_space<vmem>> -> memref<1x128x256xf32, #tpu.memory_space<vmem>>
    %dma_start3A_293 = tpu.memref_squeeze %dma_start3A_292 : memref<1x128x256xf32, #tpu.memory_space<vmem>> -> memref<128x256xf32, #tpu.memory_space<vmem>>
    %dma_start3A_294 = arith.constant 0 : i32
    %dma_start3A_295 = tpu.memref_slice %arg4[%add3A_287, %dma_start3A_294] : memref<49152x256xf32, #tpu.memory_space<hbm>> -> memref<128x256xf32, #tpu.memory_space<hbm>>
    %dma_start3A_296 = tpu.memref_slice %arg8[%dma_start3A_289] : memref<3x!tpu.dma_semaphore, #tpu.memory_space<semaphore_mem>> -> memref<1x!tpu.dma_semaphore, #tpu.memory_space<semaphore_mem>>
    %dma_start3A_297 = tpu.memref_squeeze %dma_start3A_296 : memref<1x!tpu.dma_semaphore, #tpu.memory_space<semaphore_mem>> -> memref<!tpu.dma_semaphore, #tpu.memory_space<semaphore_mem>>
    %dma_start3A_298 = arith.constant 0 : i32
    %dma_start3A_299 = tpu.memref_slice %arg4[%add3A_287, %dma_start3A_298] : memref<49152x256xf32, #tpu.memory_space<hbm>> -> memref<128x256xf32, #tpu.memory_space<hbm>>
    %dma_start3A_300 = arith.constant 0 : i32
    %dma_start3A_301 = arith.constant 0 : i32
    %dma_start3A_302 = tpu.memref_slice %arg6[%dma_start3A_288, %dma_start3A_300, %dma_start3A_301] : memref<3x128x256xf32, #tpu.memory_space<vmem>> -> memref<1x128x256xf32, #tpu.memory_space<vmem>>
    %dma_start3A_303 = tpu.memref_squeeze %dma_start3A_302 : memref<1x128x256xf32, #tpu.memory_space<vmem>> -> memref<128x256xf32, #tpu.memory_space<vmem>>
    tpu.enqueue_dma source(%dma_start3A_303 : memref<128x256xf32, #tpu.memory_space<vmem>>) target(%dma_start3A_299 : memref<128x256xf32, #tpu.memory_space<hbm>>) target_semaphore(%dma_start3A_297 : memref<!tpu.dma_semaphore, #tpu.memory_space<semaphore_mem>>)
    %dma_wait3A_304 = arith.constant 0 : i32
    %dma_wait3A_305 = arith.constant 0 : i32
    %dma_wait3A_306 = arith.constant 0 : i32
    %dma_wait3A_307 = arith.constant 0 : i32
    %dma_wait3A_308 = tpu.memref_slice %arg6[%dma_wait3A_304, %dma_wait3A_306, %dma_wait3A_307] : memref<3x128x256xf32, #tpu.memory_space<vmem>> -> memref<1x128x256xf32, #tpu.memory_space<vmem>>
    %dma_wait3A_309 = tpu.memref_squeeze %dma_wait3A_308 : memref<1x128x256xf32, #tpu.memory_space<vmem>> -> memref<128x256xf32, #tpu.memory_space<vmem>>
    %dma_wait3A_310 = arith.constant 0 : i32
    %dma_wait3A_311 = tpu.memref_slice %arg4[%add3A_223, %dma_wait3A_310] : memref<49152x256xf32, #tpu.memory_space<hbm>> -> memref<128x256xf32, #tpu.memory_space<hbm>>
    %dma_wait3A_312 = tpu.memref_slice %arg8[%dma_wait3A_305] : memref<3x!tpu.dma_semaphore, #tpu.memory_space<semaphore_mem>> -> memref<1x!tpu.dma_semaphore, #tpu.memory_space<semaphore_mem>>
    %dma_wait3A_313 = tpu.memref_squeeze %dma_wait3A_312 : memref<1x!tpu.dma_semaphore, #tpu.memory_space<semaphore_mem>> -> memref<!tpu.dma_semaphore, #tpu.memory_space<semaphore_mem>>
    %dma_wait3A_314 = arith.constant 0 : i32
    %dma_wait3A_315 = tpu.memref_slice %arg4[%add3A_223, %dma_wait3A_314] : memref<49152x256xf32, #tpu.memory_space<hbm>> -> memref<128x256xf32, #tpu.memory_space<hbm>>
    %dma_wait3A_316 = arith.constant 0 : i32
    %dma_wait3A_317 = arith.constant 0 : i32
    %dma_wait3A_318 = tpu.memref_slice %arg6[%dma_wait3A_304, %dma_wait3A_316, %dma_wait3A_317] : memref<3x128x256xf32, #tpu.memory_space<vmem>> -> memref<1x128x256xf32, #tpu.memory_space<vmem>>
    %dma_wait3A_319 = tpu.memref_squeeze %dma_wait3A_318 : memref<1x128x256xf32, #tpu.memory_space<vmem>> -> memref<128x256xf32, #tpu.memory_space<vmem>>
    tpu.wait_dma2 semaphore(%dma_wait3A_313 : memref<!tpu.dma_semaphore, #tpu.memory_space<semaphore_mem>>) src(%dma_wait3A_319 : memref<128x256xf32, #tpu.memory_space<vmem>>) dst(%dma_wait3A_315 : memref<128x256xf32, #tpu.memory_space<hbm>>)
    %dma_start3A_320 = arith.constant 6 : i32
    %dma_start3A_321 = arith.constant 0 : i32
    %dma_start3A_322 = arith.constant 0 : i32
    %dma_start3A_323 = arith.constant 0 : i32
    %dma_start3A_324 = arith.constant 0 : i32
    %dma_start3A_325 = tpu.memref_slice %arg6[%dma_start3A_321, %dma_start3A_323, %dma_start3A_324] : memref<3x128x256xf32, #tpu.memory_space<vmem>> -> memref<1x128x256xf32, #tpu.memory_space<vmem>>
    %dma_start3A_326 = tpu.memref_squeeze %dma_start3A_325 : memref<1x128x256xf32, #tpu.memory_space<vmem>> -> memref<128x256xf32, #tpu.memory_space<vmem>>
    %dma_start3A_327 = arith.constant 0 : i32
    %dma_start3A_328 = tpu.memref_slice %arg5[%dma_start3A_320, %dma_start3A_327] : memref<12x128xi32, #tpu.memory_space<vmem>> -> memref<1x128xi32, #tpu.memory_space<vmem>>
    %dma_start3A_329 = tpu.memref_squeeze %dma_start3A_328 : memref<1x128xi32, #tpu.memory_space<vmem>> -> memref<128xi32, #tpu.memory_space<vmem>>
    %dma_start3A_330 = arith.constant 0 : i32
    %dma_start3A_331 = arith.constant 0 : i32
    %dma_start3A_332 = tpu.memref_slice %arg3[%dma_start3A_330, %dma_start3A_331] : memref<8192x256xf32, #tpu.memory_space<hbm>> -> memref<8192x256xf32, #tpu.memory_space<hbm>>
    %dma_start3A_333 = tpu.memref_slice %arg7[%dma_start3A_322] : memref<3x!tpu.dma_semaphore, #tpu.memory_space<semaphore_mem>> -> memref<1x!tpu.dma_semaphore, #tpu.memory_space<semaphore_mem>>
    %dma_start3A_334 = tpu.memref_squeeze %dma_start3A_333 : memref<1x!tpu.dma_semaphore, #tpu.memory_space<semaphore_mem>> -> memref<!tpu.dma_semaphore, #tpu.memory_space<semaphore_mem>>
    tpu.enqueue_indirect_dma source(%dma_start3A_332 : memref<8192x256xf32, #tpu.memory_space<hbm>>) target(%dma_start3A_326 : memref<128x256xf32, #tpu.memory_space<vmem>>) offsets(%dma_start3A_329 : memref<128xi32, #tpu.memory_space<vmem>>) semaphore(%dma_start3A_334 : memref<!tpu.dma_semaphore, #tpu.memory_space<semaphore_mem>>)
    %dma_wait3A_335 = arith.constant 5 : i32
    %dma_wait3A_336 = arith.constant 2 : i32
    %dma_wait3A_337 = arith.constant 2 : i32
    %dma_wait3A_338 = arith.constant 0 : i32
    %dma_wait3A_339 = arith.constant 0 : i32
    %dma_wait3A_340 = tpu.memref_slice %arg6[%dma_wait3A_336, %dma_wait3A_338, %dma_wait3A_339] : memref<3x128x256xf32, #tpu.memory_space<vmem>> -> memref<1x128x256xf32, #tpu.memory_space<vmem>>
    %dma_wait3A_341 = tpu.memref_squeeze %dma_wait3A_340 : memref<1x128x256xf32, #tpu.memory_space<vmem>> -> memref<128x256xf32, #tpu.memory_space<vmem>>
    %dma_wait3A_342 = arith.constant 0 : i32
    %dma_wait3A_343 = tpu.memref_slice %arg5[%dma_wait3A_335, %dma_wait3A_342] : memref<12x128xi32, #tpu.memory_space<vmem>> -> memref<1x128xi32, #tpu.memory_space<vmem>>
    %dma_wait3A_344 = tpu.memref_squeeze %dma_wait3A_343 : memref<1x128xi32, #tpu.memory_space<vmem>> -> memref<128xi32, #tpu.memory_space<vmem>>
    %dma_wait3A_345 = arith.constant 0 : i32
    %dma_wait3A_346 = arith.constant 0 : i32
    %dma_wait3A_347 = tpu.memref_slice %arg3[%dma_wait3A_345, %dma_wait3A_346] : memref<8192x256xf32, #tpu.memory_space<hbm>> -> memref<8192x256xf32, #tpu.memory_space<hbm>>
    %dma_wait3A_348 = tpu.memref_slice %arg7[%dma_wait3A_337] : memref<3x!tpu.dma_semaphore, #tpu.memory_space<semaphore_mem>> -> memref<1x!tpu.dma_semaphore, #tpu.memory_space<semaphore_mem>>
    %dma_wait3A_349 = tpu.memref_squeeze %dma_wait3A_348 : memref<1x!tpu.dma_semaphore, #tpu.memory_space<semaphore_mem>> -> memref<!tpu.dma_semaphore, #tpu.memory_space<semaphore_mem>>
    tpu.wait_indirect_dma semaphore(%dma_wait3A_349 : memref<!tpu.dma_semaphore, #tpu.memory_space<semaphore_mem>>) src(%dma_wait3A_347 : memref<8192x256xf32, #tpu.memory_space<hbm>>) dst(%dma_wait3A_341 : memref<128x256xf32, #tpu.memory_space<vmem>>)
    %add3A_350 = arith.constant 640 : i32
    %add3A_351 = arith.addi %mul3A_2, %add3A_350 : i32
    %dma_start3A_352 = arith.constant 2 : i32
    %dma_start3A_353 = arith.constant 2 : i32
    %dma_start3A_354 = arith.constant 0 : i32
    %dma_start3A_355 = arith.constant 0 : i32
    %dma_start3A_356 = tpu.memref_slice %arg6[%dma_start3A_352, %dma_start3A_354, %dma_start3A_355] : memref<3x128x256xf32, #tpu.memory_space<vmem>> -> memref<1x128x256xf32, #tpu.memory_space<vmem>>
    %dma_start3A_357 = tpu.memref_squeeze %dma_start3A_356 : memref<1x128x256xf32, #tpu.memory_space<vmem>> -> memref<128x256xf32, #tpu.memory_space<vmem>>
    %dma_start3A_358 = arith.constant 0 : i32
    %dma_start3A_359 = tpu.memref_slice %arg4[%add3A_351, %dma_start3A_358] : memref<49152x256xf32, #tpu.memory_space<hbm>> -> memref<128x256xf32, #tpu.memory_space<hbm>>
    %dma_start3A_360 = tpu.memref_slice %arg8[%dma_start3A_353] : memref<3x!tpu.dma_semaphore, #tpu.memory_space<semaphore_mem>> -> memref<1x!tpu.dma_semaphore, #tpu.memory_space<semaphore_mem>>
    %dma_start3A_361 = tpu.memref_squeeze %dma_start3A_360 : memref<1x!tpu.dma_semaphore, #tpu.memory_space<semaphore_mem>> -> memref<!tpu.dma_semaphore, #tpu.memory_space<semaphore_mem>>
    %dma_start3A_362 = arith.constant 0 : i32
    %dma_start3A_363 = tpu.memref_slice %arg4[%add3A_351, %dma_start3A_362] : memref<49152x256xf32, #tpu.memory_space<hbm>> -> memref<128x256xf32, #tpu.memory_space<hbm>>
    %dma_start3A_364 = arith.constant 0 : i32
    %dma_start3A_365 = arith.constant 0 : i32
    %dma_start3A_366 = tpu.memref_slice %arg6[%dma_start3A_352, %dma_start3A_364, %dma_start3A_365] : memref<3x128x256xf32, #tpu.memory_space<vmem>> -> memref<1x128x256xf32, #tpu.memory_space<vmem>>
    %dma_start3A_367 = tpu.memref_squeeze %dma_start3A_366 : memref<1x128x256xf32, #tpu.memory_space<vmem>> -> memref<128x256xf32, #tpu.memory_space<vmem>>
    tpu.enqueue_dma source(%dma_start3A_367 : memref<128x256xf32, #tpu.memory_space<vmem>>) target(%dma_start3A_363 : memref<128x256xf32, #tpu.memory_space<hbm>>) target_semaphore(%dma_start3A_361 : memref<!tpu.dma_semaphore, #tpu.memory_space<semaphore_mem>>)
    %dma_wait3A_368 = arith.constant 1 : i32
    %dma_wait3A_369 = arith.constant 1 : i32
    %dma_wait3A_370 = arith.constant 0 : i32
    %dma_wait3A_371 = arith.constant 0 : i32
    %dma_wait3A_372 = tpu.memref_slice %arg6[%dma_wait3A_368, %dma_wait3A_370, %dma_wait3A_371] : memref<3x128x256xf32, #tpu.memory_space<vmem>> -> memref<1x128x256xf32, #tpu.memory_space<vmem>>
    %dma_wait3A_373 = tpu.memref_squeeze %dma_wait3A_372 : memref<1x128x256xf32, #tpu.memory_space<vmem>> -> memref<128x256xf32, #tpu.memory_space<vmem>>
    %dma_wait3A_374 = arith.constant 0 : i32
    %dma_wait3A_375 = tpu.memref_slice %arg4[%add3A_287, %dma_wait3A_374] : memref<49152x256xf32, #tpu.memory_space<hbm>> -> memref<128x256xf32, #tpu.memory_space<hbm>>
    %dma_wait3A_376 = tpu.memref_slice %arg8[%dma_wait3A_369] : memref<3x!tpu.dma_semaphore, #tpu.memory_space<semaphore_mem>> -> memref<1x!tpu.dma_semaphore, #tpu.memory_space<semaphore_mem>>
    %dma_wait3A_377 = tpu.memref_squeeze %dma_wait3A_376 : memref<1x!tpu.dma_semaphore, #tpu.memory_space<semaphore_mem>> -> memref<!tpu.dma_semaphore, #tpu.memory_space<semaphore_mem>>
    %dma_wait3A_378 = arith.constant 0 : i32
    %dma_wait3A_379 = tpu.memref_slice %arg4[%add3A_287, %dma_wait3A_378] : memref<49152x256xf32, #tpu.memory_space<hbm>> -> memref<128x256xf32, #tpu.memory_space<hbm>>
    %dma_wait3A_380 = arith.constant 0 : i32
    %dma_wait3A_381 = arith.constant 0 : i32
    %dma_wait3A_382 = tpu.memref_slice %arg6[%dma_wait3A_368, %dma_wait3A_380, %dma_wait3A_381] : memref<3x128x256xf32, #tpu.memory_space<vmem>> -> memref<1x128x256xf32, #tpu.memory_space<vmem>>
    %dma_wait3A_383 = tpu.memref_squeeze %dma_wait3A_382 : memref<1x128x256xf32, #tpu.memory_space<vmem>> -> memref<128x256xf32, #tpu.memory_space<vmem>>
    tpu.wait_dma2 semaphore(%dma_wait3A_377 : memref<!tpu.dma_semaphore, #tpu.memory_space<semaphore_mem>>) src(%dma_wait3A_383 : memref<128x256xf32, #tpu.memory_space<vmem>>) dst(%dma_wait3A_379 : memref<128x256xf32, #tpu.memory_space<hbm>>)
    %dma_start3A_384 = arith.constant 7 : i32
    %dma_start3A_385 = arith.constant 1 : i32
    %dma_start3A_386 = arith.constant 1 : i32
    %dma_start3A_387 = arith.constant 0 : i32
    %dma_start3A_388 = arith.constant 0 : i32
    %dma_start3A_389 = tpu.memref_slice %arg6[%dma_start3A_385, %dma_start3A_387, %dma_start3A_388] : memref<3x128x256xf32, #tpu.memory_space<vmem>> -> memref<1x128x256xf32, #tpu.memory_space<vmem>>
    %dma_start3A_390 = tpu.memref_squeeze %dma_start3A_389 : memref<1x128x256xf32, #tpu.memory_space<vmem>> -> memref<128x256xf32, #tpu.memory_space<vmem>>
    %dma_start3A_391 = arith.constant 0 : i32
    %dma_start3A_392 = tpu.memref_slice %arg5[%dma_start3A_384, %dma_start3A_391] : memref<12x128xi32, #tpu.memory_space<vmem>> -> memref<1x128xi32, #tpu.memory_space<vmem>>
    %dma_start3A_393 = tpu.memref_squeeze %dma_start3A_392 : memref<1x128xi32, #tpu.memory_space<vmem>> -> memref<128xi32, #tpu.memory_space<vmem>>
    %dma_start3A_394 = arith.constant 0 : i32
    %dma_start3A_395 = arith.constant 0 : i32
    %dma_start3A_396 = tpu.memref_slice %arg3[%dma_start3A_394, %dma_start3A_395] : memref<8192x256xf32, #tpu.memory_space<hbm>> -> memref<8192x256xf32, #tpu.memory_space<hbm>>
    %dma_start3A_397 = tpu.memref_slice %arg7[%dma_start3A_386] : memref<3x!tpu.dma_semaphore, #tpu.memory_space<semaphore_mem>> -> memref<1x!tpu.dma_semaphore, #tpu.memory_space<semaphore_mem>>
    %dma_start3A_398 = tpu.memref_squeeze %dma_start3A_397 : memref<1x!tpu.dma_semaphore, #tpu.memory_space<semaphore_mem>> -> memref<!tpu.dma_semaphore, #tpu.memory_space<semaphore_mem>>
    tpu.enqueue_indirect_dma source(%dma_start3A_396 : memref<8192x256xf32, #tpu.memory_space<hbm>>) target(%dma_start3A_390 : memref<128x256xf32, #tpu.memory_space<vmem>>) offsets(%dma_start3A_393 : memref<128xi32, #tpu.memory_space<vmem>>) semaphore(%dma_start3A_398 : memref<!tpu.dma_semaphore, #tpu.memory_space<semaphore_mem>>)
    %dma_wait3A_399 = arith.constant 6 : i32
    %dma_wait3A_400 = arith.constant 0 : i32
    %dma_wait3A_401 = arith.constant 0 : i32
    %dma_wait3A_402 = arith.constant 0 : i32
    %dma_wait3A_403 = arith.constant 0 : i32
    %dma_wait3A_404 = tpu.memref_slice %arg6[%dma_wait3A_400, %dma_wait3A_402, %dma_wait3A_403] : memref<3x128x256xf32, #tpu.memory_space<vmem>> -> memref<1x128x256xf32, #tpu.memory_space<vmem>>
    %dma_wait3A_405 = tpu.memref_squeeze %dma_wait3A_404 : memref<1x128x256xf32, #tpu.memory_space<vmem>> -> memref<128x256xf32, #tpu.memory_space<vmem>>
    %dma_wait3A_406 = arith.constant 0 : i32
    %dma_wait3A_407 = tpu.memref_slice %arg5[%dma_wait3A_399, %dma_wait3A_406] : memref<12x128xi32, #tpu.memory_space<vmem>> -> memref<1x128xi32, #tpu.memory_space<vmem>>
    %dma_wait3A_408 = tpu.memref_squeeze %dma_wait3A_407 : memref<1x128xi32, #tpu.memory_space<vmem>> -> memref<128xi32, #tpu.memory_space<vmem>>
    %dma_wait3A_409 = arith.constant 0 : i32
    %dma_wait3A_410 = arith.constant 0 : i32
    %dma_wait3A_411 = tpu.memref_slice %arg3[%dma_wait3A_409, %dma_wait3A_410] : memref<8192x256xf32, #tpu.memory_space<hbm>> -> memref<8192x256xf32, #tpu.memory_space<hbm>>
    %dma_wait3A_412 = tpu.memref_slice %arg7[%dma_wait3A_401] : memref<3x!tpu.dma_semaphore, #tpu.memory_space<semaphore_mem>> -> memref<1x!tpu.dma_semaphore, #tpu.memory_space<semaphore_mem>>
    %dma_wait3A_413 = tpu.memref_squeeze %dma_wait3A_412 : memref<1x!tpu.dma_semaphore, #tpu.memory_space<semaphore_mem>> -> memref<!tpu.dma_semaphore, #tpu.memory_space<semaphore_mem>>
    tpu.wait_indirect_dma semaphore(%dma_wait3A_413 : memref<!tpu.dma_semaphore, #tpu.memory_space<semaphore_mem>>) src(%dma_wait3A_411 : memref<8192x256xf32, #tpu.memory_space<hbm>>) dst(%dma_wait3A_405 : memref<128x256xf32, #tpu.memory_space<vmem>>)
    %add3A_414 = arith.constant 768 : i32
    %add3A_415 = arith.addi %mul3A_2, %add3A_414 : i32
    %dma_start3A_416 = arith.constant 0 : i32
    %dma_start3A_417 = arith.constant 0 : i32
    %dma_start3A_418 = arith.constant 0 : i32
    %dma_start3A_419 = arith.constant 0 : i32
    %dma_start3A_420 = tpu.memref_slice %arg6[%dma_start3A_416, %dma_start3A_418, %dma_start3A_419] : memref<3x128x256xf32, #tpu.memory_space<vmem>> -> memref<1x128x256xf32, #tpu.memory_space<vmem>>
    %dma_start3A_421 = tpu.memref_squeeze %dma_start3A_420 : memref<1x128x256xf32, #tpu.memory_space<vmem>> -> memref<128x256xf32, #tpu.memory_space<vmem>>
    %dma_start3A_422 = arith.constant 0 : i32
    %dma_start3A_423 = tpu.memref_slice %arg4[%add3A_415, %dma_start3A_422] : memref<49152x256xf32, #tpu.memory_space<hbm>> -> memref<128x256xf32, #tpu.memory_space<hbm>>
    %dma_start3A_424 = tpu.memref_slice %arg8[%dma_start3A_417] : memref<3x!tpu.dma_semaphore, #tpu.memory_space<semaphore_mem>> -> memref<1x!tpu.dma_semaphore, #tpu.memory_space<semaphore_mem>>
    %dma_start3A_425 = tpu.memref_squeeze %dma_start3A_424 : memref<1x!tpu.dma_semaphore, #tpu.memory_space<semaphore_mem>> -> memref<!tpu.dma_semaphore, #tpu.memory_space<semaphore_mem>>
    %dma_start3A_426 = arith.constant 0 : i32
    %dma_start3A_427 = tpu.memref_slice %arg4[%add3A_415, %dma_start3A_426] : memref<49152x256xf32, #tpu.memory_space<hbm>> -> memref<128x256xf32, #tpu.memory_space<hbm>>
    %dma_start3A_428 = arith.constant 0 : i32
    %dma_start3A_429 = arith.constant 0 : i32
    %dma_start3A_430 = tpu.memref_slice %arg6[%dma_start3A_416, %dma_start3A_428, %dma_start3A_429] : memref<3x128x256xf32, #tpu.memory_space<vmem>> -> memref<1x128x256xf32, #tpu.memory_space<vmem>>
    %dma_start3A_431 = tpu.memref_squeeze %dma_start3A_430 : memref<1x128x256xf32, #tpu.memory_space<vmem>> -> memref<128x256xf32, #tpu.memory_space<vmem>>
    tpu.enqueue_dma source(%dma_start3A_431 : memref<128x256xf32, #tpu.memory_space<vmem>>) target(%dma_start3A_427 : memref<128x256xf32, #tpu.memory_space<hbm>>) target_semaphore(%dma_start3A_425 : memref<!tpu.dma_semaphore, #tpu.memory_space<semaphore_mem>>)
    %dma_wait3A_432 = arith.constant 2 : i32
    %dma_wait3A_433 = arith.constant 2 : i32
    %dma_wait3A_434 = arith.constant 0 : i32
    %dma_wait3A_435 = arith.constant 0 : i32
    %dma_wait3A_436 = tpu.memref_slice %arg6[%dma_wait3A_432, %dma_wait3A_434, %dma_wait3A_435] : memref<3x128x256xf32, #tpu.memory_space<vmem>> -> memref<1x128x256xf32, #tpu.memory_space<vmem>>
    %dma_wait3A_437 = tpu.memref_squeeze %dma_wait3A_436 : memref<1x128x256xf32, #tpu.memory_space<vmem>> -> memref<128x256xf32, #tpu.memory_space<vmem>>
    %dma_wait3A_438 = arith.constant 0 : i32
    %dma_wait3A_439 = tpu.memref_slice %arg4[%add3A_351, %dma_wait3A_438] : memref<49152x256xf32, #tpu.memory_space<hbm>> -> memref<128x256xf32, #tpu.memory_space<hbm>>
    %dma_wait3A_440 = tpu.memref_slice %arg8[%dma_wait3A_433] : memref<3x!tpu.dma_semaphore, #tpu.memory_space<semaphore_mem>> -> memref<1x!tpu.dma_semaphore, #tpu.memory_space<semaphore_mem>>
    %dma_wait3A_441 = tpu.memref_squeeze %dma_wait3A_440 : memref<1x!tpu.dma_semaphore, #tpu.memory_space<semaphore_mem>> -> memref<!tpu.dma_semaphore, #tpu.memory_space<semaphore_mem>>
    %dma_wait3A_442 = arith.constant 0 : i32
    %dma_wait3A_443 = tpu.memref_slice %arg4[%add3A_351, %dma_wait3A_442] : memref<49152x256xf32, #tpu.memory_space<hbm>> -> memref<128x256xf32, #tpu.memory_space<hbm>>
    %dma_wait3A_444 = arith.constant 0 : i32
    %dma_wait3A_445 = arith.constant 0 : i32
    %dma_wait3A_446 = tpu.memref_slice %arg6[%dma_wait3A_432, %dma_wait3A_444, %dma_wait3A_445] : memref<3x128x256xf32, #tpu.memory_space<vmem>> -> memref<1x128x256xf32, #tpu.memory_space<vmem>>
    %dma_wait3A_447 = tpu.memref_squeeze %dma_wait3A_446 : memref<1x128x256xf32, #tpu.memory_space<vmem>> -> memref<128x256xf32, #tpu.memory_space<vmem>>
    tpu.wait_dma2 semaphore(%dma_wait3A_441 : memref<!tpu.dma_semaphore, #tpu.memory_space<semaphore_mem>>) src(%dma_wait3A_447 : memref<128x256xf32, #tpu.memory_space<vmem>>) dst(%dma_wait3A_443 : memref<128x256xf32, #tpu.memory_space<hbm>>)
    %dma_start3A_448 = arith.constant 8 : i32
    %dma_start3A_449 = arith.constant 2 : i32
    %dma_start3A_450 = arith.constant 2 : i32
    %dma_start3A_451 = arith.constant 0 : i32
    %dma_start3A_452 = arith.constant 0 : i32
    %dma_start3A_453 = tpu.memref_slice %arg6[%dma_start3A_449, %dma_start3A_451, %dma_start3A_452] : memref<3x128x256xf32, #tpu.memory_space<vmem>> -> memref<1x128x256xf32, #tpu.memory_space<vmem>>
    %dma_start3A_454 = tpu.memref_squeeze %dma_start3A_453 : memref<1x128x256xf32, #tpu.memory_space<vmem>> -> memref<128x256xf32, #tpu.memory_space<vmem>>
    %dma_start3A_455 = arith.constant 0 : i32
    %dma_start3A_456 = tpu.memref_slice %arg5[%dma_start3A_448, %dma_start3A_455] : memref<12x128xi32, #tpu.memory_space<vmem>> -> memref<1x128xi32, #tpu.memory_space<vmem>>
    %dma_start3A_457 = tpu.memref_squeeze %dma_start3A_456 : memref<1x128xi32, #tpu.memory_space<vmem>> -> memref<128xi32, #tpu.memory_space<vmem>>
    %dma_start3A_458 = arith.constant 0 : i32
    %dma_start3A_459 = arith.constant 0 : i32
    %dma_start3A_460 = tpu.memref_slice %arg3[%dma_start3A_458, %dma_start3A_459] : memref<8192x256xf32, #tpu.memory_space<hbm>> -> memref<8192x256xf32, #tpu.memory_space<hbm>>
    %dma_start3A_461 = tpu.memref_slice %arg7[%dma_start3A_450] : memref<3x!tpu.dma_semaphore, #tpu.memory_space<semaphore_mem>> -> memref<1x!tpu.dma_semaphore, #tpu.memory_space<semaphore_mem>>
    %dma_start3A_462 = tpu.memref_squeeze %dma_start3A_461 : memref<1x!tpu.dma_semaphore, #tpu.memory_space<semaphore_mem>> -> memref<!tpu.dma_semaphore, #tpu.memory_space<semaphore_mem>>
    tpu.enqueue_indirect_dma source(%dma_start3A_460 : memref<8192x256xf32, #tpu.memory_space<hbm>>) target(%dma_start3A_454 : memref<128x256xf32, #tpu.memory_space<vmem>>) offsets(%dma_start3A_457 : memref<128xi32, #tpu.memory_space<vmem>>) semaphore(%dma_start3A_462 : memref<!tpu.dma_semaphore, #tpu.memory_space<semaphore_mem>>)
    %dma_wait3A_463 = arith.constant 7 : i32
    %dma_wait3A_464 = arith.constant 1 : i32
    %dma_wait3A_465 = arith.constant 1 : i32
    %dma_wait3A_466 = arith.constant 0 : i32
    %dma_wait3A_467 = arith.constant 0 : i32
    %dma_wait3A_468 = tpu.memref_slice %arg6[%dma_wait3A_464, %dma_wait3A_466, %dma_wait3A_467] : memref<3x128x256xf32, #tpu.memory_space<vmem>> -> memref<1x128x256xf32, #tpu.memory_space<vmem>>
    %dma_wait3A_469 = tpu.memref_squeeze %dma_wait3A_468 : memref<1x128x256xf32, #tpu.memory_space<vmem>> -> memref<128x256xf32, #tpu.memory_space<vmem>>
    %dma_wait3A_470 = arith.constant 0 : i32
    %dma_wait3A_471 = tpu.memref_slice %arg5[%dma_wait3A_463, %dma_wait3A_470] : memref<12x128xi32, #tpu.memory_space<vmem>> -> memref<1x128xi32, #tpu.memory_space<vmem>>
    %dma_wait3A_472 = tpu.memref_squeeze %dma_wait3A_471 : memref<1x128xi32, #tpu.memory_space<vmem>> -> memref<128xi32, #tpu.memory_space<vmem>>
    %dma_wait3A_473 = arith.constant 0 : i32
    %dma_wait3A_474 = arith.constant 0 : i32
    %dma_wait3A_475 = tpu.memref_slice %arg3[%dma_wait3A_473, %dma_wait3A_474] : memref<8192x256xf32, #tpu.memory_space<hbm>> -> memref<8192x256xf32, #tpu.memory_space<hbm>>
    %dma_wait3A_476 = tpu.memref_slice %arg7[%dma_wait3A_465] : memref<3x!tpu.dma_semaphore, #tpu.memory_space<semaphore_mem>> -> memref<1x!tpu.dma_semaphore, #tpu.memory_space<semaphore_mem>>
    %dma_wait3A_477 = tpu.memref_squeeze %dma_wait3A_476 : memref<1x!tpu.dma_semaphore, #tpu.memory_space<semaphore_mem>> -> memref<!tpu.dma_semaphore, #tpu.memory_space<semaphore_mem>>
    tpu.wait_indirect_dma semaphore(%dma_wait3A_477 : memref<!tpu.dma_semaphore, #tpu.memory_space<semaphore_mem>>) src(%dma_wait3A_475 : memref<8192x256xf32, #tpu.memory_space<hbm>>) dst(%dma_wait3A_469 : memref<128x256xf32, #tpu.memory_space<vmem>>)
    %add3A_478 = arith.constant 896 : i32
    %add3A_479 = arith.addi %mul3A_2, %add3A_478 : i32
    %dma_start3A_480 = arith.constant 1 : i32
    %dma_start3A_481 = arith.constant 1 : i32
    %dma_start3A_482 = arith.constant 0 : i32
    %dma_start3A_483 = arith.constant 0 : i32
    %dma_start3A_484 = tpu.memref_slice %arg6[%dma_start3A_480, %dma_start3A_482, %dma_start3A_483] : memref<3x128x256xf32, #tpu.memory_space<vmem>> -> memref<1x128x256xf32, #tpu.memory_space<vmem>>
    %dma_start3A_485 = tpu.memref_squeeze %dma_start3A_484 : memref<1x128x256xf32, #tpu.memory_space<vmem>> -> memref<128x256xf32, #tpu.memory_space<vmem>>
    %dma_start3A_486 = arith.constant 0 : i32
    %dma_start3A_487 = tpu.memref_slice %arg4[%add3A_479, %dma_start3A_486] : memref<49152x256xf32, #tpu.memory_space<hbm>> -> memref<128x256xf32, #tpu.memory_space<hbm>>
    %dma_start3A_488 = tpu.memref_slice %arg8[%dma_start3A_481] : memref<3x!tpu.dma_semaphore, #tpu.memory_space<semaphore_mem>> -> memref<1x!tpu.dma_semaphore, #tpu.memory_space<semaphore_mem>>
    %dma_start3A_489 = tpu.memref_squeeze %dma_start3A_488 : memref<1x!tpu.dma_semaphore, #tpu.memory_space<semaphore_mem>> -> memref<!tpu.dma_semaphore, #tpu.memory_space<semaphore_mem>>
    %dma_start3A_490 = arith.constant 0 : i32
    %dma_start3A_491 = tpu.memref_slice %arg4[%add3A_479, %dma_start3A_490] : memref<49152x256xf32, #tpu.memory_space<hbm>> -> memref<128x256xf32, #tpu.memory_space<hbm>>
    %dma_start3A_492 = arith.constant 0 : i32
    %dma_start3A_493 = arith.constant 0 : i32
    %dma_start3A_494 = tpu.memref_slice %arg6[%dma_start3A_480, %dma_start3A_492, %dma_start3A_493] : memref<3x128x256xf32, #tpu.memory_space<vmem>> -> memref<1x128x256xf32, #tpu.memory_space<vmem>>
    %dma_start3A_495 = tpu.memref_squeeze %dma_start3A_494 : memref<1x128x256xf32, #tpu.memory_space<vmem>> -> memref<128x256xf32, #tpu.memory_space<vmem>>
    tpu.enqueue_dma source(%dma_start3A_495 : memref<128x256xf32, #tpu.memory_space<vmem>>) target(%dma_start3A_491 : memref<128x256xf32, #tpu.memory_space<hbm>>) target_semaphore(%dma_start3A_489 : memref<!tpu.dma_semaphore, #tpu.memory_space<semaphore_mem>>)
    %dma_wait3A_496 = arith.constant 0 : i32
    %dma_wait3A_497 = arith.constant 0 : i32
    %dma_wait3A_498 = arith.constant 0 : i32
    %dma_wait3A_499 = arith.constant 0 : i32
    %dma_wait3A_500 = tpu.memref_slice %arg6[%dma_wait3A_496, %dma_wait3A_498, %dma_wait3A_499] : memref<3x128x256xf32, #tpu.memory_space<vmem>> -> memref<1x128x256xf32, #tpu.memory_space<vmem>>
    %dma_wait3A_501 = tpu.memref_squeeze %dma_wait3A_500 : memref<1x128x256xf32, #tpu.memory_space<vmem>> -> memref<128x256xf32, #tpu.memory_space<vmem>>
    %dma_wait3A_502 = arith.constant 0 : i32
    %dma_wait3A_503 = tpu.memref_slice %arg4[%add3A_415, %dma_wait3A_502] : memref<49152x256xf32, #tpu.memory_space<hbm>> -> memref<128x256xf32, #tpu.memory_space<hbm>>
    %dma_wait3A_504 = tpu.memref_slice %arg8[%dma_wait3A_497] : memref<3x!tpu.dma_semaphore, #tpu.memory_space<semaphore_mem>> -> memref<1x!tpu.dma_semaphore, #tpu.memory_space<semaphore_mem>>
    %dma_wait3A_505 = tpu.memref_squeeze %dma_wait3A_504 : memref<1x!tpu.dma_semaphore, #tpu.memory_space<semaphore_mem>> -> memref<!tpu.dma_semaphore, #tpu.memory_space<semaphore_mem>>
    %dma_wait3A_506 = arith.constant 0 : i32
    %dma_wait3A_507 = tpu.memref_slice %arg4[%add3A_415, %dma_wait3A_506] : memref<49152x256xf32, #tpu.memory_space<hbm>> -> memref<128x256xf32, #tpu.memory_space<hbm>>
    %dma_wait3A_508 = arith.constant 0 : i32
    %dma_wait3A_509 = arith.constant 0 : i32
    %dma_wait3A_510 = tpu.memref_slice %arg6[%dma_wait3A_496, %dma_wait3A_508, %dma_wait3A_509] : memref<3x128x256xf32, #tpu.memory_space<vmem>> -> memref<1x128x256xf32, #tpu.memory_space<vmem>>
    %dma_wait3A_511 = tpu.memref_squeeze %dma_wait3A_510 : memref<1x128x256xf32, #tpu.memory_space<vmem>> -> memref<128x256xf32, #tpu.memory_space<vmem>>
    tpu.wait_dma2 semaphore(%dma_wait3A_505 : memref<!tpu.dma_semaphore, #tpu.memory_space<semaphore_mem>>) src(%dma_wait3A_511 : memref<128x256xf32, #tpu.memory_space<vmem>>) dst(%dma_wait3A_507 : memref<128x256xf32, #tpu.memory_space<hbm>>)
    %dma_start3A_512 = arith.constant 9 : i32
    %dma_start3A_513 = arith.constant 0 : i32
    %dma_start3A_514 = arith.constant 0 : i32
    %dma_start3A_515 = arith.constant 0 : i32
    %dma_start3A_516 = arith.constant 0 : i32
    %dma_start3A_517 = tpu.memref_slice %arg6[%dma_start3A_513, %dma_start3A_515, %dma_start3A_516] : memref<3x128x256xf32, #tpu.memory_space<vmem>> -> memref<1x128x256xf32, #tpu.memory_space<vmem>>
    %dma_start3A_518 = tpu.memref_squeeze %dma_start3A_517 : memref<1x128x256xf32, #tpu.memory_space<vmem>> -> memref<128x256xf32, #tpu.memory_space<vmem>>
    %dma_start3A_519 = arith.constant 0 : i32
    %dma_start3A_520 = tpu.memref_slice %arg5[%dma_start3A_512, %dma_start3A_519] : memref<12x128xi32, #tpu.memory_space<vmem>> -> memref<1x128xi32, #tpu.memory_space<vmem>>
    %dma_start3A_521 = tpu.memref_squeeze %dma_start3A_520 : memref<1x128xi32, #tpu.memory_space<vmem>> -> memref<128xi32, #tpu.memory_space<vmem>>
    %dma_start3A_522 = arith.constant 0 : i32
    %dma_start3A_523 = arith.constant 0 : i32
    %dma_start3A_524 = tpu.memref_slice %arg3[%dma_start3A_522, %dma_start3A_523] : memref<8192x256xf32, #tpu.memory_space<hbm>> -> memref<8192x256xf32, #tpu.memory_space<hbm>>
    %dma_start3A_525 = tpu.memref_slice %arg7[%dma_start3A_514] : memref<3x!tpu.dma_semaphore, #tpu.memory_space<semaphore_mem>> -> memref<1x!tpu.dma_semaphore, #tpu.memory_space<semaphore_mem>>
    %dma_start3A_526 = tpu.memref_squeeze %dma_start3A_525 : memref<1x!tpu.dma_semaphore, #tpu.memory_space<semaphore_mem>> -> memref<!tpu.dma_semaphore, #tpu.memory_space<semaphore_mem>>
    tpu.enqueue_indirect_dma source(%dma_start3A_524 : memref<8192x256xf32, #tpu.memory_space<hbm>>) target(%dma_start3A_518 : memref<128x256xf32, #tpu.memory_space<vmem>>) offsets(%dma_start3A_521 : memref<128xi32, #tpu.memory_space<vmem>>) semaphore(%dma_start3A_526 : memref<!tpu.dma_semaphore, #tpu.memory_space<semaphore_mem>>)
    %dma_wait3A_527 = arith.constant 8 : i32
    %dma_wait3A_528 = arith.constant 2 : i32
    %dma_wait3A_529 = arith.constant 2 : i32
    %dma_wait3A_530 = arith.constant 0 : i32
    %dma_wait3A_531 = arith.constant 0 : i32
    %dma_wait3A_532 = tpu.memref_slice %arg6[%dma_wait3A_528, %dma_wait3A_530, %dma_wait3A_531] : memref<3x128x256xf32, #tpu.memory_space<vmem>> -> memref<1x128x256xf32, #tpu.memory_space<vmem>>
    %dma_wait3A_533 = tpu.memref_squeeze %dma_wait3A_532 : memref<1x128x256xf32, #tpu.memory_space<vmem>> -> memref<128x256xf32, #tpu.memory_space<vmem>>
    %dma_wait3A_534 = arith.constant 0 : i32
    %dma_wait3A_535 = tpu.memref_slice %arg5[%dma_wait3A_527, %dma_wait3A_534] : memref<12x128xi32, #tpu.memory_space<vmem>> -> memref<1x128xi32, #tpu.memory_space<vmem>>
    %dma_wait3A_536 = tpu.memref_squeeze %dma_wait3A_535 : memref<1x128xi32, #tpu.memory_space<vmem>> -> memref<128xi32, #tpu.memory_space<vmem>>
    %dma_wait3A_537 = arith.constant 0 : i32
    %dma_wait3A_538 = arith.constant 0 : i32
    %dma_wait3A_539 = tpu.memref_slice %arg3[%dma_wait3A_537, %dma_wait3A_538] : memref<8192x256xf32, #tpu.memory_space<hbm>> -> memref<8192x256xf32, #tpu.memory_space<hbm>>
    %dma_wait3A_540 = tpu.memref_slice %arg7[%dma_wait3A_529] : memref<3x!tpu.dma_semaphore, #tpu.memory_space<semaphore_mem>> -> memref<1x!tpu.dma_semaphore, #tpu.memory_space<semaphore_mem>>
    %dma_wait3A_541 = tpu.memref_squeeze %dma_wait3A_540 : memref<1x!tpu.dma_semaphore, #tpu.memory_space<semaphore_mem>> -> memref<!tpu.dma_semaphore, #tpu.memory_space<semaphore_mem>>
    tpu.wait_indirect_dma semaphore(%dma_wait3A_541 : memref<!tpu.dma_semaphore, #tpu.memory_space<semaphore_mem>>) src(%dma_wait3A_539 : memref<8192x256xf32, #tpu.memory_space<hbm>>) dst(%dma_wait3A_533 : memref<128x256xf32, #tpu.memory_space<vmem>>)
    %add3A_542 = arith.constant 1024 : i32
    %add3A_543 = arith.addi %mul3A_2, %add3A_542 : i32
    %dma_start3A_544 = arith.constant 2 : i32
    %dma_start3A_545 = arith.constant 2 : i32
    %dma_start3A_546 = arith.constant 0 : i32
    %dma_start3A_547 = arith.constant 0 : i32
    %dma_start3A_548 = tpu.memref_slice %arg6[%dma_start3A_544, %dma_start3A_546, %dma_start3A_547] : memref<3x128x256xf32, #tpu.memory_space<vmem>> -> memref<1x128x256xf32, #tpu.memory_space<vmem>>
    %dma_start3A_549 = tpu.memref_squeeze %dma_start3A_548 : memref<1x128x256xf32, #tpu.memory_space<vmem>> -> memref<128x256xf32, #tpu.memory_space<vmem>>
    %dma_start3A_550 = arith.constant 0 : i32
    %dma_start3A_551 = tpu.memref_slice %arg4[%add3A_543, %dma_start3A_550] : memref<49152x256xf32, #tpu.memory_space<hbm>> -> memref<128x256xf32, #tpu.memory_space<hbm>>
    %dma_start3A_552 = tpu.memref_slice %arg8[%dma_start3A_545] : memref<3x!tpu.dma_semaphore, #tpu.memory_space<semaphore_mem>> -> memref<1x!tpu.dma_semaphore, #tpu.memory_space<semaphore_mem>>
    %dma_start3A_553 = tpu.memref_squeeze %dma_start3A_552 : memref<1x!tpu.dma_semaphore, #tpu.memory_space<semaphore_mem>> -> memref<!tpu.dma_semaphore, #tpu.memory_space<semaphore_mem>>
    %dma_start3A_554 = arith.constant 0 : i32
    %dma_start3A_555 = tpu.memref_slice %arg4[%add3A_543, %dma_start3A_554] : memref<49152x256xf32, #tpu.memory_space<hbm>> -> memref<128x256xf32, #tpu.memory_space<hbm>>
    %dma_start3A_556 = arith.constant 0 : i32
    %dma_start3A_557 = arith.constant 0 : i32
    %dma_start3A_558 = tpu.memref_slice %arg6[%dma_start3A_544, %dma_start3A_556, %dma_start3A_557] : memref<3x128x256xf32, #tpu.memory_space<vmem>> -> memref<1x128x256xf32, #tpu.memory_space<vmem>>
    %dma_start3A_559 = tpu.memref_squeeze %dma_start3A_558 : memref<1x128x256xf32, #tpu.memory_space<vmem>> -> memref<128x256xf32, #tpu.memory_space<vmem>>
    tpu.enqueue_dma source(%dma_start3A_559 : memref<128x256xf32, #tpu.memory_space<vmem>>) target(%dma_start3A_555 : memref<128x256xf32, #tpu.memory_space<hbm>>) target_semaphore(%dma_start3A_553 : memref<!tpu.dma_semaphore, #tpu.memory_space<semaphore_mem>>)
    %dma_wait3A_560 = arith.constant 1 : i32
    %dma_wait3A_561 = arith.constant 1 : i32
    %dma_wait3A_562 = arith.constant 0 : i32
    %dma_wait3A_563 = arith.constant 0 : i32
    %dma_wait3A_564 = tpu.memref_slice %arg6[%dma_wait3A_560, %dma_wait3A_562, %dma_wait3A_563] : memref<3x128x256xf32, #tpu.memory_space<vmem>> -> memref<1x128x256xf32, #tpu.memory_space<vmem>>
    %dma_wait3A_565 = tpu.memref_squeeze %dma_wait3A_564 : memref<1x128x256xf32, #tpu.memory_space<vmem>> -> memref<128x256xf32, #tpu.memory_space<vmem>>
    %dma_wait3A_566 = arith.constant 0 : i32
    %dma_wait3A_567 = tpu.memref_slice %arg4[%add3A_479, %dma_wait3A_566] : memref<49152x256xf32, #tpu.memory_space<hbm>> -> memref<128x256xf32, #tpu.memory_space<hbm>>
    %dma_wait3A_568 = tpu.memref_slice %arg8[%dma_wait3A_561] : memref<3x!tpu.dma_semaphore, #tpu.memory_space<semaphore_mem>> -> memref<1x!tpu.dma_semaphore, #tpu.memory_space<semaphore_mem>>
    %dma_wait3A_569 = tpu.memref_squeeze %dma_wait3A_568 : memref<1x!tpu.dma_semaphore, #tpu.memory_space<semaphore_mem>> -> memref<!tpu.dma_semaphore, #tpu.memory_space<semaphore_mem>>
    %dma_wait3A_570 = arith.constant 0 : i32
    %dma_wait3A_571 = tpu.memref_slice %arg4[%add3A_479, %dma_wait3A_570] : memref<49152x256xf32, #tpu.memory_space<hbm>> -> memref<128x256xf32, #tpu.memory_space<hbm>>
    %dma_wait3A_572 = arith.constant 0 : i32
    %dma_wait3A_573 = arith.constant 0 : i32
    %dma_wait3A_574 = tpu.memref_slice %arg6[%dma_wait3A_560, %dma_wait3A_572, %dma_wait3A_573] : memref<3x128x256xf32, #tpu.memory_space<vmem>> -> memref<1x128x256xf32, #tpu.memory_space<vmem>>
    %dma_wait3A_575 = tpu.memref_squeeze %dma_wait3A_574 : memref<1x128x256xf32, #tpu.memory_space<vmem>> -> memref<128x256xf32, #tpu.memory_space<vmem>>
    tpu.wait_dma2 semaphore(%dma_wait3A_569 : memref<!tpu.dma_semaphore, #tpu.memory_space<semaphore_mem>>) src(%dma_wait3A_575 : memref<128x256xf32, #tpu.memory_space<vmem>>) dst(%dma_wait3A_571 : memref<128x256xf32, #tpu.memory_space<hbm>>)
    %dma_start3A_576 = arith.constant 10 : i32
    %dma_start3A_577 = arith.constant 1 : i32
    %dma_start3A_578 = arith.constant 1 : i32
    %dma_start3A_579 = arith.constant 0 : i32
    %dma_start3A_580 = arith.constant 0 : i32
    %dma_start3A_581 = tpu.memref_slice %arg6[%dma_start3A_577, %dma_start3A_579, %dma_start3A_580] : memref<3x128x256xf32, #tpu.memory_space<vmem>> -> memref<1x128x256xf32, #tpu.memory_space<vmem>>
    %dma_start3A_582 = tpu.memref_squeeze %dma_start3A_581 : memref<1x128x256xf32, #tpu.memory_space<vmem>> -> memref<128x256xf32, #tpu.memory_space<vmem>>
    %dma_start3A_583 = arith.constant 0 : i32
    %dma_start3A_584 = tpu.memref_slice %arg5[%dma_start3A_576, %dma_start3A_583] : memref<12x128xi32, #tpu.memory_space<vmem>> -> memref<1x128xi32, #tpu.memory_space<vmem>>
    %dma_start3A_585 = tpu.memref_squeeze %dma_start3A_584 : memref<1x128xi32, #tpu.memory_space<vmem>> -> memref<128xi32, #tpu.memory_space<vmem>>
    %dma_start3A_586 = arith.constant 0 : i32
    %dma_start3A_587 = arith.constant 0 : i32
    %dma_start3A_588 = tpu.memref_slice %arg3[%dma_start3A_586, %dma_start3A_587] : memref<8192x256xf32, #tpu.memory_space<hbm>> -> memref<8192x256xf32, #tpu.memory_space<hbm>>
    %dma_start3A_589 = tpu.memref_slice %arg7[%dma_start3A_578] : memref<3x!tpu.dma_semaphore, #tpu.memory_space<semaphore_mem>> -> memref<1x!tpu.dma_semaphore, #tpu.memory_space<semaphore_mem>>
    %dma_start3A_590 = tpu.memref_squeeze %dma_start3A_589 : memref<1x!tpu.dma_semaphore, #tpu.memory_space<semaphore_mem>> -> memref<!tpu.dma_semaphore, #tpu.memory_space<semaphore_mem>>
    tpu.enqueue_indirect_dma source(%dma_start3A_588 : memref<8192x256xf32, #tpu.memory_space<hbm>>) target(%dma_start3A_582 : memref<128x256xf32, #tpu.memory_space<vmem>>) offsets(%dma_start3A_585 : memref<128xi32, #tpu.memory_space<vmem>>) semaphore(%dma_start3A_590 : memref<!tpu.dma_semaphore, #tpu.memory_space<semaphore_mem>>)
    %dma_wait3A_591 = arith.constant 9 : i32
    %dma_wait3A_592 = arith.constant 0 : i32
    %dma_wait3A_593 = arith.constant 0 : i32
    %dma_wait3A_594 = arith.constant 0 : i32
    %dma_wait3A_595 = arith.constant 0 : i32
    %dma_wait3A_596 = tpu.memref_slice %arg6[%dma_wait3A_592, %dma_wait3A_594, %dma_wait3A_595] : memref<3x128x256xf32, #tpu.memory_space<vmem>> -> memref<1x128x256xf32, #tpu.memory_space<vmem>>
    %dma_wait3A_597 = tpu.memref_squeeze %dma_wait3A_596 : memref<1x128x256xf32, #tpu.memory_space<vmem>> -> memref<128x256xf32, #tpu.memory_space<vmem>>
    %dma_wait3A_598 = arith.constant 0 : i32
    %dma_wait3A_599 = tpu.memref_slice %arg5[%dma_wait3A_591, %dma_wait3A_598] : memref<12x128xi32, #tpu.memory_space<vmem>> -> memref<1x128xi32, #tpu.memory_space<vmem>>
    %dma_wait3A_600 = tpu.memref_squeeze %dma_wait3A_599 : memref<1x128xi32, #tpu.memory_space<vmem>> -> memref<128xi32, #tpu.memory_space<vmem>>
    %dma_wait3A_601 = arith.constant 0 : i32
    %dma_wait3A_602 = arith.constant 0 : i32
    %dma_wait3A_603 = tpu.memref_slice %arg3[%dma_wait3A_601, %dma_wait3A_602] : memref<8192x256xf32, #tpu.memory_space<hbm>> -> memref<8192x256xf32, #tpu.memory_space<hbm>>
    %dma_wait3A_604 = tpu.memref_slice %arg7[%dma_wait3A_593] : memref<3x!tpu.dma_semaphore, #tpu.memory_space<semaphore_mem>> -> memref<1x!tpu.dma_semaphore, #tpu.memory_space<semaphore_mem>>
    %dma_wait3A_605 = tpu.memref_squeeze %dma_wait3A_604 : memref<1x!tpu.dma_semaphore, #tpu.memory_space<semaphore_mem>> -> memref<!tpu.dma_semaphore, #tpu.memory_space<semaphore_mem>>
    tpu.wait_indirect_dma semaphore(%dma_wait3A_605 : memref<!tpu.dma_semaphore, #tpu.memory_space<semaphore_mem>>) src(%dma_wait3A_603 : memref<8192x256xf32, #tpu.memory_space<hbm>>) dst(%dma_wait3A_597 : memref<128x256xf32, #tpu.memory_space<vmem>>)
    %add3A_606 = arith.constant 1152 : i32
    %add3A_607 = arith.addi %mul3A_2, %add3A_606 : i32
    %dma_start3A_608 = arith.constant 0 : i32
    %dma_start3A_609 = arith.constant 0 : i32
    %dma_start3A_610 = arith.constant 0 : i32
    %dma_start3A_611 = arith.constant 0 : i32
    %dma_start3A_612 = tpu.memref_slice %arg6[%dma_start3A_608, %dma_start3A_610, %dma_start3A_611] : memref<3x128x256xf32, #tpu.memory_space<vmem>> -> memref<1x128x256xf32, #tpu.memory_space<vmem>>
    %dma_start3A_613 = tpu.memref_squeeze %dma_start3A_612 : memref<1x128x256xf32, #tpu.memory_space<vmem>> -> memref<128x256xf32, #tpu.memory_space<vmem>>
    %dma_start3A_614 = arith.constant 0 : i32
    %dma_start3A_615 = tpu.memref_slice %arg4[%add3A_607, %dma_start3A_614] : memref<49152x256xf32, #tpu.memory_space<hbm>> -> memref<128x256xf32, #tpu.memory_space<hbm>>
    %dma_start3A_616 = tpu.memref_slice %arg8[%dma_start3A_609] : memref<3x!tpu.dma_semaphore, #tpu.memory_space<semaphore_mem>> -> memref<1x!tpu.dma_semaphore, #tpu.memory_space<semaphore_mem>>
    %dma_start3A_617 = tpu.memref_squeeze %dma_start3A_616 : memref<1x!tpu.dma_semaphore, #tpu.memory_space<semaphore_mem>> -> memref<!tpu.dma_semaphore, #tpu.memory_space<semaphore_mem>>
    %dma_start3A_618 = arith.constant 0 : i32
    %dma_start3A_619 = tpu.memref_slice %arg4[%add3A_607, %dma_start3A_618] : memref<49152x256xf32, #tpu.memory_space<hbm>> -> memref<128x256xf32, #tpu.memory_space<hbm>>
    %dma_start3A_620 = arith.constant 0 : i32
    %dma_start3A_621 = arith.constant 0 : i32
    %dma_start3A_622 = tpu.memref_slice %arg6[%dma_start3A_608, %dma_start3A_620, %dma_start3A_621] : memref<3x128x256xf32, #tpu.memory_space<vmem>> -> memref<1x128x256xf32, #tpu.memory_space<vmem>>
    %dma_start3A_623 = tpu.memref_squeeze %dma_start3A_622 : memref<1x128x256xf32, #tpu.memory_space<vmem>> -> memref<128x256xf32, #tpu.memory_space<vmem>>
    tpu.enqueue_dma source(%dma_start3A_623 : memref<128x256xf32, #tpu.memory_space<vmem>>) target(%dma_start3A_619 : memref<128x256xf32, #tpu.memory_space<hbm>>) target_semaphore(%dma_start3A_617 : memref<!tpu.dma_semaphore, #tpu.memory_space<semaphore_mem>>)
    %dma_wait3A_624 = arith.constant 2 : i32
    %dma_wait3A_625 = arith.constant 2 : i32
    %dma_wait3A_626 = arith.constant 0 : i32
    %dma_wait3A_627 = arith.constant 0 : i32
    %dma_wait3A_628 = tpu.memref_slice %arg6[%dma_wait3A_624, %dma_wait3A_626, %dma_wait3A_627] : memref<3x128x256xf32, #tpu.memory_space<vmem>> -> memref<1x128x256xf32, #tpu.memory_space<vmem>>
    %dma_wait3A_629 = tpu.memref_squeeze %dma_wait3A_628 : memref<1x128x256xf32, #tpu.memory_space<vmem>> -> memref<128x256xf32, #tpu.memory_space<vmem>>
    %dma_wait3A_630 = arith.constant 0 : i32
    %dma_wait3A_631 = tpu.memref_slice %arg4[%add3A_543, %dma_wait3A_630] : memref<49152x256xf32, #tpu.memory_space<hbm>> -> memref<128x256xf32, #tpu.memory_space<hbm>>
    %dma_wait3A_632 = tpu.memref_slice %arg8[%dma_wait3A_625] : memref<3x!tpu.dma_semaphore, #tpu.memory_space<semaphore_mem>> -> memref<1x!tpu.dma_semaphore, #tpu.memory_space<semaphore_mem>>
    %dma_wait3A_633 = tpu.memref_squeeze %dma_wait3A_632 : memref<1x!tpu.dma_semaphore, #tpu.memory_space<semaphore_mem>> -> memref<!tpu.dma_semaphore, #tpu.memory_space<semaphore_mem>>
    %dma_wait3A_634 = arith.constant 0 : i32
    %dma_wait3A_635 = tpu.memref_slice %arg4[%add3A_543, %dma_wait3A_634] : memref<49152x256xf32, #tpu.memory_space<hbm>> -> memref<128x256xf32, #tpu.memory_space<hbm>>
    %dma_wait3A_636 = arith.constant 0 : i32
    %dma_wait3A_637 = arith.constant 0 : i32
    %dma_wait3A_638 = tpu.memref_slice %arg6[%dma_wait3A_624, %dma_wait3A_636, %dma_wait3A_637] : memref<3x128x256xf32, #tpu.memory_space<vmem>> -> memref<1x128x256xf32, #tpu.memory_space<vmem>>
    %dma_wait3A_639 = tpu.memref_squeeze %dma_wait3A_638 : memref<1x128x256xf32, #tpu.memory_space<vmem>> -> memref<128x256xf32, #tpu.memory_space<vmem>>
    tpu.wait_dma2 semaphore(%dma_wait3A_633 : memref<!tpu.dma_semaphore, #tpu.memory_space<semaphore_mem>>) src(%dma_wait3A_639 : memref<128x256xf32, #tpu.memory_space<vmem>>) dst(%dma_wait3A_635 : memref<128x256xf32, #tpu.memory_space<hbm>>)
    %dma_start3A_640 = arith.constant 11 : i32
    %dma_start3A_641 = arith.constant 2 : i32
    %dma_start3A_642 = arith.constant 2 : i32
    %dma_start3A_643 = arith.constant 0 : i32
    %dma_start3A_644 = arith.constant 0 : i32
    %dma_start3A_645 = tpu.memref_slice %arg6[%dma_start3A_641, %dma_start3A_643, %dma_start3A_644] : memref<3x128x256xf32, #tpu.memory_space<vmem>> -> memref<1x128x256xf32, #tpu.memory_space<vmem>>
    %dma_start3A_646 = tpu.memref_squeeze %dma_start3A_645 : memref<1x128x256xf32, #tpu.memory_space<vmem>> -> memref<128x256xf32, #tpu.memory_space<vmem>>
    %dma_start3A_647 = arith.constant 0 : i32
    %dma_start3A_648 = tpu.memref_slice %arg5[%dma_start3A_640, %dma_start3A_647] : memref<12x128xi32, #tpu.memory_space<vmem>> -> memref<1x128xi32, #tpu.memory_space<vmem>>
    %dma_start3A_649 = tpu.memref_squeeze %dma_start3A_648 : memref<1x128xi32, #tpu.memory_space<vmem>> -> memref<128xi32, #tpu.memory_space<vmem>>
    %dma_start3A_650 = arith.constant 0 : i32
    %dma_start3A_651 = arith.constant 0 : i32
    %dma_start3A_652 = tpu.memref_slice %arg3[%dma_start3A_650, %dma_start3A_651] : memref<8192x256xf32, #tpu.memory_space<hbm>> -> memref<8192x256xf32, #tpu.memory_space<hbm>>
    %dma_start3A_653 = tpu.memref_slice %arg7[%dma_start3A_642] : memref<3x!tpu.dma_semaphore, #tpu.memory_space<semaphore_mem>> -> memref<1x!tpu.dma_semaphore, #tpu.memory_space<semaphore_mem>>
    %dma_start3A_654 = tpu.memref_squeeze %dma_start3A_653 : memref<1x!tpu.dma_semaphore, #tpu.memory_space<semaphore_mem>> -> memref<!tpu.dma_semaphore, #tpu.memory_space<semaphore_mem>>
    tpu.enqueue_indirect_dma source(%dma_start3A_652 : memref<8192x256xf32, #tpu.memory_space<hbm>>) target(%dma_start3A_646 : memref<128x256xf32, #tpu.memory_space<vmem>>) offsets(%dma_start3A_649 : memref<128xi32, #tpu.memory_space<vmem>>) semaphore(%dma_start3A_654 : memref<!tpu.dma_semaphore, #tpu.memory_space<semaphore_mem>>)
    %dma_wait3A_655 = arith.constant 10 : i32
    %dma_wait3A_656 = arith.constant 1 : i32
    %dma_wait3A_657 = arith.constant 1 : i32
    %dma_wait3A_658 = arith.constant 0 : i32
    %dma_wait3A_659 = arith.constant 0 : i32
    %dma_wait3A_660 = tpu.memref_slice %arg6[%dma_wait3A_656, %dma_wait3A_658, %dma_wait3A_659] : memref<3x128x256xf32, #tpu.memory_space<vmem>> -> memref<1x128x256xf32, #tpu.memory_space<vmem>>
    %dma_wait3A_661 = tpu.memref_squeeze %dma_wait3A_660 : memref<1x128x256xf32, #tpu.memory_space<vmem>> -> memref<128x256xf32, #tpu.memory_space<vmem>>
    %dma_wait3A_662 = arith.constant 0 : i32
    %dma_wait3A_663 = tpu.memref_slice %arg5[%dma_wait3A_655, %dma_wait3A_662] : memref<12x128xi32, #tpu.memory_space<vmem>> -> memref<1x128xi32, #tpu.memory_space<vmem>>
    %dma_wait3A_664 = tpu.memref_squeeze %dma_wait3A_663 : memref<1x128xi32, #tpu.memory_space<vmem>> -> memref<128xi32, #tpu.memory_space<vmem>>
    %dma_wait3A_665 = arith.constant 0 : i32
    %dma_wait3A_666 = arith.constant 0 : i32
    %dma_wait3A_667 = tpu.memref_slice %arg3[%dma_wait3A_665, %dma_wait3A_666] : memref<8192x256xf32, #tpu.memory_space<hbm>> -> memref<8192x256xf32, #tpu.memory_space<hbm>>
    %dma_wait3A_668 = tpu.memref_slice %arg7[%dma_wait3A_657] : memref<3x!tpu.dma_semaphore, #tpu.memory_space<semaphore_mem>> -> memref<1x!tpu.dma_semaphore, #tpu.memory_space<semaphore_mem>>
    %dma_wait3A_669 = tpu.memref_squeeze %dma_wait3A_668 : memref<1x!tpu.dma_semaphore, #tpu.memory_space<semaphore_mem>> -> memref<!tpu.dma_semaphore, #tpu.memory_space<semaphore_mem>>
    tpu.wait_indirect_dma semaphore(%dma_wait3A_669 : memref<!tpu.dma_semaphore, #tpu.memory_space<semaphore_mem>>) src(%dma_wait3A_667 : memref<8192x256xf32, #tpu.memory_space<hbm>>) dst(%dma_wait3A_661 : memref<128x256xf32, #tpu.memory_space<vmem>>)
    %add3A_670 = arith.constant 1280 : i32
    %add3A_671 = arith.addi %mul3A_2, %add3A_670 : i32
    %dma_start3A_672 = arith.constant 1 : i32
    %dma_start3A_673 = arith.constant 1 : i32
    %dma_start3A_674 = arith.constant 0 : i32
    %dma_start3A_675 = arith.constant 0 : i32
    %dma_start3A_676 = tpu.memref_slice %arg6[%dma_start3A_672, %dma_start3A_674, %dma_start3A_675] : memref<3x128x256xf32, #tpu.memory_space<vmem>> -> memref<1x128x256xf32, #tpu.memory_space<vmem>>
    %dma_start3A_677 = tpu.memref_squeeze %dma_start3A_676 : memref<1x128x256xf32, #tpu.memory_space<vmem>> -> memref<128x256xf32, #tpu.memory_space<vmem>>
    %dma_start3A_678 = arith.constant 0 : i32
    %dma_start3A_679 = tpu.memref_slice %arg4[%add3A_671, %dma_start3A_678] : memref<49152x256xf32, #tpu.memory_space<hbm>> -> memref<128x256xf32, #tpu.memory_space<hbm>>
    %dma_start3A_680 = tpu.memref_slice %arg8[%dma_start3A_673] : memref<3x!tpu.dma_semaphore, #tpu.memory_space<semaphore_mem>> -> memref<1x!tpu.dma_semaphore, #tpu.memory_space<semaphore_mem>>
    %dma_start3A_681 = tpu.memref_squeeze %dma_start3A_680 : memref<1x!tpu.dma_semaphore, #tpu.memory_space<semaphore_mem>> -> memref<!tpu.dma_semaphore, #tpu.memory_space<semaphore_mem>>
    %dma_start3A_682 = arith.constant 0 : i32
    %dma_start3A_683 = tpu.memref_slice %arg4[%add3A_671, %dma_start3A_682] : memref<49152x256xf32, #tpu.memory_space<hbm>> -> memref<128x256xf32, #tpu.memory_space<hbm>>
    %dma_start3A_684 = arith.constant 0 : i32
    %dma_start3A_685 = arith.constant 0 : i32
    %dma_start3A_686 = tpu.memref_slice %arg6[%dma_start3A_672, %dma_start3A_684, %dma_start3A_685] : memref<3x128x256xf32, #tpu.memory_space<vmem>> -> memref<1x128x256xf32, #tpu.memory_space<vmem>>
    %dma_start3A_687 = tpu.memref_squeeze %dma_start3A_686 : memref<1x128x256xf32, #tpu.memory_space<vmem>> -> memref<128x256xf32, #tpu.memory_space<vmem>>
    tpu.enqueue_dma source(%dma_start3A_687 : memref<128x256xf32, #tpu.memory_space<vmem>>) target(%dma_start3A_683 : memref<128x256xf32, #tpu.memory_space<hbm>>) target_semaphore(%dma_start3A_681 : memref<!tpu.dma_semaphore, #tpu.memory_space<semaphore_mem>>)
    %dma_wait3A_688 = arith.constant 11 : i32
    %dma_wait3A_689 = arith.constant 2 : i32
    %dma_wait3A_690 = arith.constant 2 : i32
    %dma_wait3A_691 = arith.constant 0 : i32
    %dma_wait3A_692 = arith.constant 0 : i32
    %dma_wait3A_693 = tpu.memref_slice %arg6[%dma_wait3A_689, %dma_wait3A_691, %dma_wait3A_692] : memref<3x128x256xf32, #tpu.memory_space<vmem>> -> memref<1x128x256xf32, #tpu.memory_space<vmem>>
    %dma_wait3A_694 = tpu.memref_squeeze %dma_wait3A_693 : memref<1x128x256xf32, #tpu.memory_space<vmem>> -> memref<128x256xf32, #tpu.memory_space<vmem>>
    %dma_wait3A_695 = arith.constant 0 : i32
    %dma_wait3A_696 = tpu.memref_slice %arg5[%dma_wait3A_688, %dma_wait3A_695] : memref<12x128xi32, #tpu.memory_space<vmem>> -> memref<1x128xi32, #tpu.memory_space<vmem>>
    %dma_wait3A_697 = tpu.memref_squeeze %dma_wait3A_696 : memref<1x128xi32, #tpu.memory_space<vmem>> -> memref<128xi32, #tpu.memory_space<vmem>>
    %dma_wait3A_698 = arith.constant 0 : i32
    %dma_wait3A_699 = arith.constant 0 : i32
    %dma_wait3A_700 = tpu.memref_slice %arg3[%dma_wait3A_698, %dma_wait3A_699] : memref<8192x256xf32, #tpu.memory_space<hbm>> -> memref<8192x256xf32, #tpu.memory_space<hbm>>
    %dma_wait3A_701 = tpu.memref_slice %arg7[%dma_wait3A_690] : memref<3x!tpu.dma_semaphore, #tpu.memory_space<semaphore_mem>> -> memref<1x!tpu.dma_semaphore, #tpu.memory_space<semaphore_mem>>
    %dma_wait3A_702 = tpu.memref_squeeze %dma_wait3A_701 : memref<1x!tpu.dma_semaphore, #tpu.memory_space<semaphore_mem>> -> memref<!tpu.dma_semaphore, #tpu.memory_space<semaphore_mem>>
    tpu.wait_indirect_dma semaphore(%dma_wait3A_702 : memref<!tpu.dma_semaphore, #tpu.memory_space<semaphore_mem>>) src(%dma_wait3A_700 : memref<8192x256xf32, #tpu.memory_space<hbm>>) dst(%dma_wait3A_694 : memref<128x256xf32, #tpu.memory_space<vmem>>)
    %add3A_703 = arith.constant 1408 : i32
    %add3A_704 = arith.addi %mul3A_2, %add3A_703 : i32
    %dma_start3A_705 = arith.constant 2 : i32
    %dma_start3A_706 = arith.constant 2 : i32
    %dma_start3A_707 = arith.constant 0 : i32
    %dma_start3A_708 = arith.constant 0 : i32
    %dma_start3A_709 = tpu.memref_slice %arg6[%dma_start3A_705, %dma_start3A_707, %dma_start3A_708] : memref<3x128x256xf32, #tpu.memory_space<vmem>> -> memref<1x128x256xf32, #tpu.memory_space<vmem>>
    %dma_start3A_710 = tpu.memref_squeeze %dma_start3A_709 : memref<1x128x256xf32, #tpu.memory_space<vmem>> -> memref<128x256xf32, #tpu.memory_space<vmem>>
    %dma_start3A_711 = arith.constant 0 : i32
    %dma_start3A_712 = tpu.memref_slice %arg4[%add3A_704, %dma_start3A_711] : memref<49152x256xf32, #tpu.memory_space<hbm>> -> memref<128x256xf32, #tpu.memory_space<hbm>>
    %dma_start3A_713 = tpu.memref_slice %arg8[%dma_start3A_706] : memref<3x!tpu.dma_semaphore, #tpu.memory_space<semaphore_mem>> -> memref<1x!tpu.dma_semaphore, #tpu.memory_space<semaphore_mem>>
    %dma_start3A_714 = tpu.memref_squeeze %dma_start3A_713 : memref<1x!tpu.dma_semaphore, #tpu.memory_space<semaphore_mem>> -> memref<!tpu.dma_semaphore, #tpu.memory_space<semaphore_mem>>
    %dma_start3A_715 = arith.constant 0 : i32
    %dma_start3A_716 = tpu.memref_slice %arg4[%add3A_704, %dma_start3A_715] : memref<49152x256xf32, #tpu.memory_space<hbm>> -> memref<128x256xf32, #tpu.memory_space<hbm>>
    %dma_start3A_717 = arith.constant 0 : i32
    %dma_start3A_718 = arith.constant 0 : i32
    %dma_start3A_719 = tpu.memref_slice %arg6[%dma_start3A_705, %dma_start3A_717, %dma_start3A_718] : memref<3x128x256xf32, #tpu.memory_space<vmem>> -> memref<1x128x256xf32, #tpu.memory_space<vmem>>
    %dma_start3A_720 = tpu.memref_squeeze %dma_start3A_719 : memref<1x128x256xf32, #tpu.memory_space<vmem>> -> memref<128x256xf32, #tpu.memory_space<vmem>>
    tpu.enqueue_dma source(%dma_start3A_720 : memref<128x256xf32, #tpu.memory_space<vmem>>) target(%dma_start3A_716 : memref<128x256xf32, #tpu.memory_space<hbm>>) target_semaphore(%dma_start3A_714 : memref<!tpu.dma_semaphore, #tpu.memory_space<semaphore_mem>>)
    %dma_wait3A_721 = arith.constant 0 : i32
    %dma_wait3A_722 = arith.constant 0 : i32
    %dma_wait3A_723 = arith.constant 0 : i32
    %dma_wait3A_724 = arith.constant 0 : i32
    %dma_wait3A_725 = tpu.memref_slice %arg6[%dma_wait3A_721, %dma_wait3A_723, %dma_wait3A_724] : memref<3x128x256xf32, #tpu.memory_space<vmem>> -> memref<1x128x256xf32, #tpu.memory_space<vmem>>
    %dma_wait3A_726 = tpu.memref_squeeze %dma_wait3A_725 : memref<1x128x256xf32, #tpu.memory_space<vmem>> -> memref<128x256xf32, #tpu.memory_space<vmem>>
    %dma_wait3A_727 = arith.constant 0 : i32
    %dma_wait3A_728 = tpu.memref_slice %arg4[%add3A_607, %dma_wait3A_727] : memref<49152x256xf32, #tpu.memory_space<hbm>> -> memref<128x256xf32, #tpu.memory_space<hbm>>
    %dma_wait3A_729 = tpu.memref_slice %arg8[%dma_wait3A_722] : memref<3x!tpu.dma_semaphore, #tpu.memory_space<semaphore_mem>> -> memref<1x!tpu.dma_semaphore, #tpu.memory_space<semaphore_mem>>
    %dma_wait3A_730 = tpu.memref_squeeze %dma_wait3A_729 : memref<1x!tpu.dma_semaphore, #tpu.memory_space<semaphore_mem>> -> memref<!tpu.dma_semaphore, #tpu.memory_space<semaphore_mem>>
    %dma_wait3A_731 = arith.constant 0 : i32
    %dma_wait3A_732 = tpu.memref_slice %arg4[%add3A_607, %dma_wait3A_731] : memref<49152x256xf32, #tpu.memory_space<hbm>> -> memref<128x256xf32, #tpu.memory_space<hbm>>
    %dma_wait3A_733 = arith.constant 0 : i32
    %dma_wait3A_734 = arith.constant 0 : i32
    %dma_wait3A_735 = tpu.memref_slice %arg6[%dma_wait3A_721, %dma_wait3A_733, %dma_wait3A_734] : memref<3x128x256xf32, #tpu.memory_space<vmem>> -> memref<1x128x256xf32, #tpu.memory_space<vmem>>
    %dma_wait3A_736 = tpu.memref_squeeze %dma_wait3A_735 : memref<1x128x256xf32, #tpu.memory_space<vmem>> -> memref<128x256xf32, #tpu.memory_space<vmem>>
    tpu.wait_dma2 semaphore(%dma_wait3A_730 : memref<!tpu.dma_semaphore, #tpu.memory_space<semaphore_mem>>) src(%dma_wait3A_736 : memref<128x256xf32, #tpu.memory_space<vmem>>) dst(%dma_wait3A_732 : memref<128x256xf32, #tpu.memory_space<hbm>>)
    %dma_wait3A_737 = arith.constant 1 : i32
    %dma_wait3A_738 = arith.constant 1 : i32
    %dma_wait3A_739 = arith.constant 0 : i32
    %dma_wait3A_740 = arith.constant 0 : i32
    %dma_wait3A_741 = tpu.memref_slice %arg6[%dma_wait3A_737, %dma_wait3A_739, %dma_wait3A_740] : memref<3x128x256xf32, #tpu.memory_space<vmem>> -> memref<1x128x256xf32, #tpu.memory_space<vmem>>
    %dma_wait3A_742 = tpu.memref_squeeze %dma_wait3A_741 : memref<1x128x256xf32, #tpu.memory_space<vmem>> -> memref<128x256xf32, #tpu.memory_space<vmem>>
    %dma_wait3A_743 = arith.constant 0 : i32
    %dma_wait3A_744 = tpu.memref_slice %arg4[%add3A_671, %dma_wait3A_743] : memref<49152x256xf32, #tpu.memory_space<hbm>> -> memref<128x256xf32, #tpu.memory_space<hbm>>
    %dma_wait3A_745 = tpu.memref_slice %arg8[%dma_wait3A_738] : memref<3x!tpu.dma_semaphore, #tpu.memory_space<semaphore_mem>> -> memref<1x!tpu.dma_semaphore, #tpu.memory_space<semaphore_mem>>
    %dma_wait3A_746 = tpu.memref_squeeze %dma_wait3A_745 : memref<1x!tpu.dma_semaphore, #tpu.memory_space<semaphore_mem>> -> memref<!tpu.dma_semaphore, #tpu.memory_space<semaphore_mem>>
    %dma_wait3A_747 = arith.constant 0 : i32
    %dma_wait3A_748 = tpu.memref_slice %arg4[%add3A_671, %dma_wait3A_747] : memref<49152x256xf32, #tpu.memory_space<hbm>> -> memref<128x256xf32, #tpu.memory_space<hbm>>
    %dma_wait3A_749 = arith.constant 0 : i32
    %dma_wait3A_750 = arith.constant 0 : i32
    %dma_wait3A_751 = tpu.memref_slice %arg6[%dma_wait3A_737, %dma_wait3A_749, %dma_wait3A_750] : memref<3x128x256xf32, #tpu.memory_space<vmem>> -> memref<1x128x256xf32, #tpu.memory_space<vmem>>
    %dma_wait3A_752 = tpu.memref_squeeze %dma_wait3A_751 : memref<1x128x256xf32, #tpu.memory_space<vmem>> -> memref<128x256xf32, #tpu.memory_space<vmem>>
    tpu.wait_dma2 semaphore(%dma_wait3A_746 : memref<!tpu.dma_semaphore, #tpu.memory_space<semaphore_mem>>) src(%dma_wait3A_752 : memref<128x256xf32, #tpu.memory_space<vmem>>) dst(%dma_wait3A_748 : memref<128x256xf32, #tpu.memory_space<hbm>>)
    %dma_wait3A_753 = arith.constant 2 : i32
    %dma_wait3A_754 = arith.constant 2 : i32
    %dma_wait3A_755 = arith.constant 0 : i32
    %dma_wait3A_756 = arith.constant 0 : i32
    %dma_wait3A_757 = tpu.memref_slice %arg6[%dma_wait3A_753, %dma_wait3A_755, %dma_wait3A_756] : memref<3x128x256xf32, #tpu.memory_space<vmem>> -> memref<1x128x256xf32, #tpu.memory_space<vmem>>
    %dma_wait3A_758 = tpu.memref_squeeze %dma_wait3A_757 : memref<1x128x256xf32, #tpu.memory_space<vmem>> -> memref<128x256xf32, #tpu.memory_space<vmem>>
    %dma_wait3A_759 = arith.constant 0 : i32
    %dma_wait3A_760 = tpu.memref_slice %arg4[%add3A_704, %dma_wait3A_759] : memref<49152x256xf32, #tpu.memory_space<hbm>> -> memref<128x256xf32, #tpu.memory_space<hbm>>
    %dma_wait3A_761 = tpu.memref_slice %arg8[%dma_wait3A_754] : memref<3x!tpu.dma_semaphore, #tpu.memory_space<semaphore_mem>> -> memref<1x!tpu.dma_semaphore, #tpu.memory_space<semaphore_mem>>
    %dma_wait3A_762 = tpu.memref_squeeze %dma_wait3A_761 : memref<1x!tpu.dma_semaphore, #tpu.memory_space<semaphore_mem>> -> memref<!tpu.dma_semaphore, #tpu.memory_space<semaphore_mem>>
    %dma_wait3A_763 = arith.constant 0 : i32
    %dma_wait3A_764 = tpu.memref_slice %arg4[%add3A_704, %dma_wait3A_763] : memref<49152x256xf32, #tpu.memory_space<hbm>> -> memref<128x256xf32, #tpu.memory_space<hbm>>
    %dma_wait3A_765 = arith.constant 0 : i32
    %dma_wait3A_766 = arith.constant 0 : i32
    %dma_wait3A_767 = tpu.memref_slice %arg6[%dma_wait3A_753, %dma_wait3A_765, %dma_wait3A_766] : memref<3x128x256xf32, #tpu.memory_space<vmem>> -> memref<1x128x256xf32, #tpu.memory_space<vmem>>
    %dma_wait3A_768 = tpu.memref_squeeze %dma_wait3A_767 : memref<1x128x256xf32, #tpu.memory_space<vmem>> -> memref<128x256xf32, #tpu.memory_space<vmem>>
    tpu.wait_dma2 semaphore(%dma_wait3A_762 : memref<!tpu.dma_semaphore, #tpu.memory_space<semaphore_mem>>) src(%dma_wait3A_768 : memref<128x256xf32, #tpu.memory_space<vmem>>) dst(%dma_wait3A_764 : memref<128x256xf32, #tpu.memory_space<hbm>>)
    return
  }
}

module attributes {stable_mosaic.version = 14 : i64} {
  func.func @_knn_body(%arg0: i32, %arg1: i32, %arg2: memref<1x3x512xf32, #tpu.memory_space<vmem>>, %arg3: memref<1x2048x3xf32, #tpu.memory_space<vmem>>, %arg4: memref<1x1x3x512xi32, #tpu.memory_space<vmem>>, %arg5: memref<1x1x3x512xf32, #tpu.memory_space<vmem>>) attributes {dimension_semantics = [#tpu.dimension_semantics<arbitrary>, #tpu.dimension_semantics<arbitrary>], iteration_bounds = array<i64: 4, 8>, scalar_prefetch = 0 : i64, scratch_operands = 0 : i64, tpu.core_type = #tpu.core_type<tc>, window_params = [{transform_indices = @transform_0, window_bounds = array<i64: 1, 3, 512>}, {transform_indices = @transform_1, window_bounds = array<i64: 1, 2048, 3>}, {transform_indices = @transform_2, window_bounds = array<i64: 1, 1, 3, 512>}, {transform_indices = @transform_3, window_bounds = array<i64: 1, 1, 3, 512>}]} {
    %get3A = arith.constant 0 : index
    %get3A_0 = arith.constant 0 : index
    %get3A_1 = arith.constant 0 : index
    %get3A_2 = vector.load %arg2[%get3A, %get3A_0, %get3A_1] : memref<1x3x512xf32, #tpu.memory_space<vmem>>, vector<1x3x512xf32>
    %get3A_3 = vector.shape_cast %get3A_2 : vector<1x3x512xf32> to vector<3x512xf32>
    %get3A_4 = arith.constant 0 : index
    %get3A_5 = arith.constant 0 : index
    %get3A_6 = arith.constant 0 : index
    %get3A_7 = vector.load %arg3[%get3A_4, %get3A_5, %get3A_6] : memref<1x2048x3xf32, #tpu.memory_space<vmem>>, vector<1x2048x3xf32>
    %get3A_8 = vector.shape_cast %get3A_7 : vector<1x2048x3xf32> to vector<2048x3xf32>
    %slice3A = vector.extract_strided_slice %get3A_3 {offsets = [0, 0], sizes = [1, 512], strides = [1, 1]} : vector<3x512xf32> to vector<1x512xf32>
    %slice3A_9 = vector.extract_strided_slice %get3A_3 {offsets = [0, 0], sizes = [1, 512], strides = [1, 1]} : vector<3x512xf32> to vector<1x512xf32>
    %mul3A = arith.mulf %slice3A, %slice3A_9 : vector<1x512xf32>
    %slice3A_10 = vector.extract_strided_slice %get3A_3 {offsets = [1, 0], sizes = [1, 512], strides = [1, 1]} : vector<3x512xf32> to vector<1x512xf32>
    %slice3A_11 = vector.extract_strided_slice %get3A_3 {offsets = [1, 0], sizes = [1, 512], strides = [1, 1]} : vector<3x512xf32> to vector<1x512xf32>
    %mul3A_12 = arith.mulf %slice3A_10, %slice3A_11 : vector<1x512xf32>
    %add3A = arith.addf %mul3A, %mul3A_12 : vector<1x512xf32>
    %slice3A_13 = vector.extract_strided_slice %get3A_3 {offsets = [2, 0], sizes = [1, 512], strides = [1, 1]} : vector<3x512xf32> to vector<1x512xf32>
    %slice3A_14 = vector.extract_strided_slice %get3A_3 {offsets = [2, 0], sizes = [1, 512], strides = [1, 1]} : vector<3x512xf32> to vector<1x512xf32>
    %mul3A_15 = arith.mulf %slice3A_13, %slice3A_14 : vector<1x512xf32>
    %add3A_16 = arith.addf %add3A, %mul3A_15 : vector<1x512xf32>
    %slice3A_17 = vector.extract_strided_slice %get3A_8 {offsets = [0, 0], sizes = [2048, 1], strides = [1, 1]} : vector<2048x3xf32> to vector<2048x1xf32>
    %slice3A_18 = vector.extract_strided_slice %get3A_8 {offsets = [0, 0], sizes = [2048, 1], strides = [1, 1]} : vector<2048x3xf32> to vector<2048x1xf32>
    %mul3A_19 = arith.mulf %slice3A_17, %slice3A_18 : vector<2048x1xf32>
    %slice3A_20 = vector.extract_strided_slice %get3A_8 {offsets = [0, 1], sizes = [2048, 1], strides = [1, 1]} : vector<2048x3xf32> to vector<2048x1xf32>
    %slice3A_21 = vector.extract_strided_slice %get3A_8 {offsets = [0, 1], sizes = [2048, 1], strides = [1, 1]} : vector<2048x3xf32> to vector<2048x1xf32>
    %mul3A_22 = arith.mulf %slice3A_20, %slice3A_21 : vector<2048x1xf32>
    %add3A_23 = arith.addf %mul3A_19, %mul3A_22 : vector<2048x1xf32>
    %slice3A_24 = vector.extract_strided_slice %get3A_8 {offsets = [0, 2], sizes = [2048, 1], strides = [1, 1]} : vector<2048x3xf32> to vector<2048x1xf32>
    %slice3A_25 = vector.extract_strided_slice %get3A_8 {offsets = [0, 2], sizes = [2048, 1], strides = [1, 1]} : vector<2048x3xf32> to vector<2048x1xf32>
    %mul3A_26 = arith.mulf %slice3A_24, %slice3A_25 : vector<2048x1xf32>
    %add3A_27 = arith.addf %add3A_23, %mul3A_26 : vector<2048x1xf32>
    %convert_element_type3A = arith.truncf %get3A_8 : vector<2048x3xf32> to vector<2048x3xbf16>
    %convert_element_type3A_28 = arith.truncf %get3A_3 : vector<3x512xf32> to vector<3x512xbf16>
    %dot_general3A = arith.constant dense<0.000000e+00> : vector<2048x512xf32>
    %dot_general3A_29 = tpu.matmul %convert_element_type3A, %convert_element_type3A_28, %dot_general3A {dimension_numbers = #tpu.dot_dimension_numbers<[1], [0], [0], [1], [0, 0, 1, 1], [], []>, transpose_lhs_hint = false} : vector<2048x3xbf16>, vector<3x512xbf16>, vector<2048x512xf32> -> vector<2048x512xf32>
    %add3A_30 = vector.broadcast %add3A_16 : vector<1x512xf32> to vector<2048x512xf32>
    %add3A_31 = vector.broadcast %add3A_27 : vector<2048x1xf32> to vector<2048x512xf32>
    %add3A_32 = arith.addf %add3A_30, %add3A_31 : vector<2048x512xf32>
    %mul3A_33 = arith.constant 2.000000e+00 : f32
    %mul3A_34 = vector.broadcast %mul3A_33 : f32 to vector<2048x512xf32>
    %mul3A_35 = arith.mulf %mul3A_34, %dot_general3A_29 : vector<2048x512xf32>
    %sub3A = arith.subf %add3A_32, %mul3A_35 : vector<2048x512xf32>
    %max3A = arith.constant 0.000000e+00 : f32
    %max3A_36 = vector.broadcast %max3A : f32 to vector<2048x512xf32>
    %max3A_37 = arith.maximumf %sub3A, %max3A_36 : vector<2048x512xf32>
    %iota3A = tpu.iota {dimensions = array<i32: 0>} : vector<2048x512xi32>
    %reduce_min3A = arith.constant dense<0x7F800000> : vector<512xf32>
    %reduce_min3A_38 = vector.multi_reduction <minimumf>, %max3A_37, %reduce_min3A [0] : vector<2048x512xf32> to vector<512xf32>
    %broadcast_in_dim3A = vector.shape_cast %reduce_min3A_38 : vector<512xf32> to vector<1x512xf32>
    %le3A = vector.broadcast %broadcast_in_dim3A : vector<1x512xf32> to vector<2048x512xf32>
    %le3A_39 = arith.cmpf ole, %max3A_37, %le3A : vector<2048x512xf32>
    %jit3A = arith.constant 2048 : i32
    %broadcast_in_dim3A_40 = vector.broadcast %jit3A : i32 to vector<2048x512xi32>
    %select_n3A = arith.select %le3A_39, %iota3A, %broadcast_in_dim3A_40 : vector<2048x512xi1>, vector<2048x512xi32>
    %reduce_min3A_41 = arith.constant dense<2147483647> : vector<512xi32>
    %reduce_min3A_42 = vector.multi_reduction <minsi>, %select_n3A, %reduce_min3A_41 [0] : vector<2048x512xi32> to vector<512xi32>
    %broadcast_in_dim3A_43 = vector.shape_cast %reduce_min3A_42 : vector<512xi32> to vector<1x512xi32>
    %eq3A = vector.broadcast %broadcast_in_dim3A_43 : vector<1x512xi32> to vector<2048x512xi32>
    %eq3A_44 = arith.cmpi eq, %iota3A, %eq3A : vector<2048x512xi32>
    %jit3A_45 = arith.constant 3.000000e+38 : f32
    %broadcast_in_dim3A_46 = vector.broadcast %jit3A_45 : f32 to vector<2048x512xf32>
    %select_n3A_47 = arith.select %eq3A_44, %broadcast_in_dim3A_46, %max3A_37 : vector<2048x512xi1>, vector<2048x512xf32>
    %squeeze3A = vector.shape_cast %broadcast_in_dim3A_43 : vector<1x512xi32> to vector<512xi32>
    %mul3A_48 = arith.constant 2048 : i32
    %mul3A_49 = arith.muli %arg0, %mul3A_48 : i32
    %add3A_50 = vector.broadcast %mul3A_49 : i32 to vector<512xi32>
    %add3A_51 = arith.addi %squeeze3A, %add3A_50 : vector<512xi32>
    %swap3A = arith.constant 0 : index
    %swap3A_52 = arith.constant 0 : index
    %swap3A_53 = arith.constant 0 : index
    %swap3A_54 = arith.constant 0 : index
    %swap3A_55 = vector.load %arg4[%swap3A, %swap3A_52, %swap3A_53, %swap3A_54] : memref<1x1x3x512xi32, #tpu.memory_space<vmem>>, vector<1x1x1x512xi32>
    %swap3A_56 = vector.shape_cast %swap3A_55 : vector<1x1x1x512xi32> to vector<512xi32>
    %swap3A_57 = vector.shape_cast %add3A_51 : vector<512xi32> to vector<1x1x1x512xi32>
    tpu.vector_store %arg4[%swap3A, %swap3A_52, %swap3A_53, %swap3A_54], %swap3A_57 {strides = array<i32>} : memref<1x1x3x512xi32, #tpu.memory_space<vmem>>, vector<1x1x1x512xi32>,
    %squeeze3A_58 = vector.shape_cast %broadcast_in_dim3A : vector<1x512xf32> to vector<512xf32>
    %max3A_59 = arith.constant 0.000000e+00 : f32
    %max3A_60 = vector.broadcast %max3A_59 : f32 to vector<512xf32>
    %max3A_61 = arith.maximumf %squeeze3A_58, %max3A_60 : vector<512xf32>
    %sqrt3A = math.sqrt %max3A_61 : vector<512xf32>
    %reduce_min3A_62 = arith.constant dense<0x7F800000> : vector<512xf32>
    %reduce_min3A_63 = vector.multi_reduction <minimumf>, %select_n3A_47, %reduce_min3A_62 [0] : vector<2048x512xf32> to vector<512xf32>
    %broadcast_in_dim3A_64 = vector.shape_cast %reduce_min3A_63 : vector<512xf32> to vector<1x512xf32>
    %le3A_65 = vector.broadcast %broadcast_in_dim3A_64 : vector<1x512xf32> to vector<2048x512xf32>
    %le3A_66 = arith.cmpf ole, %select_n3A_47, %le3A_65 : vector<2048x512xf32>
    %jit3A_67 = arith.constant 2048 : i32
    %broadcast_in_dim3A_68 = vector.broadcast %jit3A_67 : i32 to vector<2048x512xi32>
    %select_n3A_69 = arith.select %le3A_66, %iota3A, %broadcast_in_dim3A_68 : vector<2048x512xi1>, vector<2048x512xi32>
    %reduce_min3A_70 = arith.constant dense<2147483647> : vector<512xi32>
    %reduce_min3A_71 = vector.multi_reduction <minsi>, %select_n3A_69, %reduce_min3A_70 [0] : vector<2048x512xi32> to vector<512xi32>
    %broadcast_in_dim3A_72 = vector.shape_cast %reduce_min3A_71 : vector<512xi32> to vector<1x512xi32>
    %eq3A_73 = vector.broadcast %broadcast_in_dim3A_72 : vector<1x512xi32> to vector<2048x512xi32>
    %eq3A_74 = arith.cmpi eq, %iota3A, %eq3A_73 : vector<2048x512xi32>
    %jit3A_75 = arith.constant 3.000000e+38 : f32
    %broadcast_in_dim3A_76 = vector.broadcast %jit3A_75 : f32 to vector<2048x512xf32>
    %select_n3A_77 = arith.select %eq3A_74, %broadcast_in_dim3A_76, %select_n3A_47 : vector<2048x512xi1>, vector<2048x512xf32>
    %squeeze3A_78 = vector.shape_cast %broadcast_in_dim3A_72 : vector<1x512xi32> to vector<512xi32>
    %mul3A_79 = arith.constant 2048 : i32
    %mul3A_80 = arith.muli %arg0, %mul3A_79 : i32
    %add3A_81 = vector.broadcast %mul3A_80 : i32 to vector<512xi32>
    %add3A_82 = arith.addi %squeeze3A_78, %add3A_81 : vector<512xi32>
    %swap3A_83 = arith.constant 0 : index
    %swap3A_84 = arith.constant 0 : index
    %swap3A_85 = arith.constant 1 : index
    %swap3A_86 = arith.constant 0 : index
    %swap3A_87 = vector.load %arg4[%swap3A_83, %swap3A_84, %swap3A_85, %swap3A_86] : memref<1x1x3x512xi32, #tpu.memory_space<vmem>>, vector<1x1x1x512xi32>
    %swap3A_88 = vector.shape_cast %swap3A_87 : vector<1x1x1x512xi32> to vector<512xi32>
    %swap3A_89 = vector.shape_cast %add3A_82 : vector<512xi32> to vector<1x1x1x512xi32>
    tpu.vector_store %arg4[%swap3A_83, %swap3A_84, %swap3A_85, %swap3A_86], %swap3A_89 {strides = array<i32>} : memref<1x1x3x512xi32, #tpu.memory_space<vmem>>, vector<1x1x1x512xi32>,
    %squeeze3A_90 = vector.shape_cast %broadcast_in_dim3A_64 : vector<1x512xf32> to vector<512xf32>
    %max3A_91 = arith.constant 0.000000e+00 : f32
    %max3A_92 = vector.broadcast %max3A_91 : f32 to vector<512xf32>
    %max3A_93 = arith.maximumf %squeeze3A_90, %max3A_92 : vector<512xf32>
    %sqrt3A_94 = math.sqrt %max3A_93 : vector<512xf32>
    %reduce_min3A_95 = arith.constant dense<0x7F800000> : vector<512xf32>
    %reduce_min3A_96 = vector.multi_reduction <minimumf>, %select_n3A_77, %reduce_min3A_95 [0] : vector<2048x512xf32> to vector<512xf32>
    %broadcast_in_dim3A_97 = vector.shape_cast %reduce_min3A_96 : vector<512xf32> to vector<1x512xf32>
    %le3A_98 = vector.broadcast %broadcast_in_dim3A_97 : vector<1x512xf32> to vector<2048x512xf32>
    %le3A_99 = arith.cmpf ole, %select_n3A_77, %le3A_98 : vector<2048x512xf32>
    %jit3A_100 = arith.constant 2048 : i32
    %broadcast_in_dim3A_101 = vector.broadcast %jit3A_100 : i32 to vector<2048x512xi32>
    %select_n3A_102 = arith.select %le3A_99, %iota3A, %broadcast_in_dim3A_101 : vector<2048x512xi1>, vector<2048x512xi32>
    %reduce_min3A_103 = arith.constant dense<2147483647> : vector<512xi32>
    %reduce_min3A_104 = vector.multi_reduction <minsi>, %select_n3A_102, %reduce_min3A_103 [0] : vector<2048x512xi32> to vector<512xi32>
    %broadcast_in_dim3A_105 = vector.shape_cast %reduce_min3A_104 : vector<512xi32> to vector<1x512xi32>
    %squeeze3A_106 = vector.shape_cast %broadcast_in_dim3A_105 : vector<1x512xi32> to vector<512xi32>
    %mul3A_107 = arith.constant 2048 : i32
    %mul3A_108 = arith.muli %arg0, %mul3A_107 : i32
    %add3A_109 = vector.broadcast %mul3A_108 : i32 to vector<512xi32>
    %add3A_110 = arith.addi %squeeze3A_106, %add3A_109 : vector<512xi32>
    %swap3A_111 = arith.constant 0 : index
    %swap3A_112 = arith.constant 0 : index
    %swap3A_113 = arith.constant 2 : index
    %swap3A_114 = arith.constant 0 : index
    %swap3A_115 = vector.load %arg4[%swap3A_111, %swap3A_112, %swap3A_113, %swap3A_114] : memref<1x1x3x512xi32, #tpu.memory_space<vmem>>, vector<1x1x1x512xi32>
    %swap3A_116 = vector.shape_cast %swap3A_115 : vector<1x1x1x512xi32> to vector<512xi32>
    %swap3A_117 = vector.shape_cast %add3A_110 : vector<512xi32> to vector<1x1x1x512xi32>
    tpu.vector_store %arg4[%swap3A_111, %swap3A_112, %swap3A_113, %swap3A_114], %swap3A_117 {strides = array<i32>} : memref<1x1x3x512xi32, #tpu.memory_space<vmem>>, vector<1x1x1x512xi32>,
    %squeeze3A_118 = vector.shape_cast %broadcast_in_dim3A_97 : vector<1x512xf32> to vector<512xf32>
    %max3A_119 = arith.constant 0.000000e+00 : f32
    %max3A_120 = vector.broadcast %max3A_119 : f32 to vector<512xf32>
    %max3A_121 = arith.maximumf %squeeze3A_118, %max3A_120 : vector<512xf32>
    %sqrt3A_122 = math.sqrt %max3A_121 : vector<512xf32>
    %add3A_123 = arith.constant 9.99999993E-9 : f32
    %add3A_124 = vector.broadcast %add3A_123 : f32 to vector<512xf32>
    %add3A_125 = arith.addf %sqrt3A, %add3A_124 : vector<512xf32>
    %div3A = arith.constant 1.000000e+00 : f32
    %div3A_126 = vector.broadcast %div3A : f32 to vector<512xf32>
    %div3A_127 = arith.divf %div3A_126, %add3A_125 : vector<512xf32>
    %add3A_128 = arith.constant 9.99999993E-9 : f32
    %add3A_129 = vector.broadcast %add3A_128 : f32 to vector<512xf32>
    %add3A_130 = arith.addf %sqrt3A_94, %add3A_129 : vector<512xf32>
    %div3A_131 = arith.constant 1.000000e+00 : f32
    %div3A_132 = vector.broadcast %div3A_131 : f32 to vector<512xf32>
    %div3A_133 = arith.divf %div3A_132, %add3A_130 : vector<512xf32>
    %add3A_134 = arith.constant 9.99999993E-9 : f32
    %add3A_135 = vector.broadcast %add3A_134 : f32 to vector<512xf32>
    %add3A_136 = arith.addf %sqrt3A_122, %add3A_135 : vector<512xf32>
    %div3A_137 = arith.constant 1.000000e+00 : f32
    %div3A_138 = vector.broadcast %div3A_137 : f32 to vector<512xf32>
    %div3A_139 = arith.divf %div3A_138, %add3A_136 : vector<512xf32>
    %add3A_140 = arith.addf %div3A_127, %div3A_133 : vector<512xf32>
    %add3A_141 = arith.addf %add3A_140, %div3A_139 : vector<512xf32>
    %div3A_142 = arith.divf %div3A_127, %add3A_141 : vector<512xf32>
    %swap3A_143 = arith.constant 0 : index
    %swap3A_144 = arith.constant 0 : index
    %swap3A_145 = arith.constant 0 : index
    %swap3A_146 = arith.constant 0 : index
    %swap3A_147 = vector.load %arg5[%swap3A_143, %swap3A_144, %swap3A_145, %swap3A_146] : memref<1x1x3x512xf32, #tpu.memory_space<vmem>>, vector<1x1x1x512xf32>
    %swap3A_148 = vector.shape_cast %swap3A_147 : vector<1x1x1x512xf32> to vector<512xf32>
    %swap3A_149 = vector.shape_cast %div3A_142 : vector<512xf32> to vector<1x1x1x512xf32>
    tpu.vector_store %arg5[%swap3A_143, %swap3A_144, %swap3A_145, %swap3A_146], %swap3A_149 {strides = array<i32>} : memref<1x1x3x512xf32, #tpu.memory_space<vmem>>, vector<1x1x1x512xf32>,
    %div3A_150 = arith.divf %div3A_133, %add3A_141 : vector<512xf32>
    %swap3A_151 = arith.constant 0 : index
    %swap3A_152 = arith.constant 0 : index
    %swap3A_153 = arith.constant 1 : index
    %swap3A_154 = arith.constant 0 : index
    %swap3A_155 = vector.load %arg5[%swap3A_151, %swap3A_152, %swap3A_153, %swap3A_154] : memref<1x1x3x512xf32, #tpu.memory_space<vmem>>, vector<1x1x1x512xf32>
    %swap3A_156 = vector.shape_cast %swap3A_155 : vector<1x1x1x512xf32> to vector<512xf32>
    %swap3A_157 = vector.shape_cast %div3A_150 : vector<512xf32> to vector<1x1x1x512xf32>
    tpu.vector_store %arg5[%swap3A_151, %swap3A_152, %swap3A_153, %swap3A_154], %swap3A_157 {strides = array<i32>} : memref<1x1x3x512xf32, #tpu.memory_space<vmem>>, vector<1x1x1x512xf32>,
    %div3A_158 = arith.divf %div3A_139, %add3A_141 : vector<512xf32>
    %swap3A_159 = arith.constant 0 : index
    %swap3A_160 = arith.constant 0 : index
    %swap3A_161 = arith.constant 2 : index
    %swap3A_162 = arith.constant 0 : index
    %swap3A_163 = vector.load %arg5[%swap3A_159, %swap3A_160, %swap3A_161, %swap3A_162] : memref<1x1x3x512xf32, #tpu.memory_space<vmem>>, vector<1x1x1x512xf32>
    %swap3A_164 = vector.shape_cast %swap3A_163 : vector<1x1x1x512xf32> to vector<512xf32>
    %swap3A_165 = vector.shape_cast %div3A_158 : vector<512xf32> to vector<1x1x1x512xf32>
    tpu.vector_store %arg5[%swap3A_159, %swap3A_160, %swap3A_161, %swap3A_162], %swap3A_165 {strides = array<i32>} : memref<1x1x3x512xf32, #tpu.memory_space<vmem>>, vector<1x1x1x512xf32>,
    return
  }
  func.func @transform_0(%arg0: i32, %arg1: i32) -> (i32, i32, i32) {
    %c0_i32 = arith.constant 0 : i32
    %c0_i32_0 = arith.constant 0 : i32
    return %arg0, %c0_i32, %arg1 : i32, i32, i32
  }
  func.func @transform_1(%arg0: i32, %arg1: i32) -> (i32, i32, i32) {
    %c0_i32 = arith.constant 0 : i32
    %c0_i32_0 = arith.constant 0 : i32
    %c0_i32_1 = arith.constant 0 : i32
    return %arg0, %c0_i32, %c0_i32_0 : i32, i32, i32
  }
  func.func @transform_2(%arg0: i32, %arg1: i32) -> (i32, i32, i32, i32) {
    %c0_i32 = arith.constant 0 : i32
    %c0_i32_0 = arith.constant 0 : i32
    %c0_i32_1 = arith.constant 0 : i32
    return %arg0, %arg1, %c0_i32, %c0_i32_0 : i32, i32, i32, i32
  }
  func.func @transform_3(%arg0: i32, %arg1: i32) -> (i32, i32, i32, i32) {
    %c0_i32 = arith.constant 0 : i32
    %c0_i32_0 = arith.constant 0 : i32
    %c0_i32_1 = arith.constant 0 : i32
    return %arg0, %arg1, %c0_i32, %c0_i32_0 : i32, i32, i32, i32
  }
}

module attributes {stable_mosaic.version = 14 : i64} {
  func.func @_mlp_body(%arg0: i32, %arg1: i32, %arg2: memref<1x1x3x512x256xf32, #tpu.memory_space<vmem>>, %arg3: memref<1x512x128xf32, #tpu.memory_space<vmem>>, %arg4: memref<1x1x3x512xf32, #tpu.memory_space<vmem>>, %arg5: memref<128x256xf32, #tpu.memory_space<vmem>>, %arg6: memref<256x256xf32, #tpu.memory_space<vmem>>, %arg7: memref<1x256xf32, #tpu.memory_space<vmem>>, %arg8: memref<256x256xf32, #tpu.memory_space<vmem>>, %arg9: memref<1x256xf32, #tpu.memory_space<vmem>>, %arg10: memref<1x256xf32, #tpu.memory_space<vmem>>, %arg11: memref<1x256xf32, #tpu.memory_space<vmem>>, %arg12: memref<1x512x256xf32, #tpu.memory_space<vmem>>) attributes {dimension_semantics = [#tpu.dimension_semantics<arbitrary>, #tpu.dimension_semantics<arbitrary>], iteration_bounds = array<i64: 4, 8>, scalar_prefetch = 0 : i64, scratch_operands = 0 : i64, tpu.core_type = #tpu.core_type<tc>, window_params = [{transform_indices = @transform_0, window_bounds = array<i64: 1, 1, 3, 512, 256>}, {transform_indices = @transform_1, window_bounds = array<i64: 1, 512, 128>}, {transform_indices = @transform_2, window_bounds = array<i64: 1, 1, 3, 512>}, {pipeline_mode = #tpu.pipeline_mode<synchronous>, transform_indices = @transform_3, window_bounds = array<i64: 128, 256>}, {pipeline_mode = #tpu.pipeline_mode<synchronous>, transform_indices = @transform_4, window_bounds = array<i64: 256, 256>}, {pipeline_mode = #tpu.pipeline_mode<synchronous>, transform_indices = @transform_5, window_bounds = array<i64: 1, 256>}, {pipeline_mode = #tpu.pipeline_mode<synchronous>, transform_indices = @transform_6, window_bounds = array<i64: 256, 256>}, {pipeline_mode = #tpu.pipeline_mode<synchronous>, transform_indices = @transform_7, window_bounds = array<i64: 1, 256>}, {pipeline_mode = #tpu.pipeline_mode<synchronous>, transform_indices = @transform_8, window_bounds = array<i64: 1, 256>}, {pipeline_mode = #tpu.pipeline_mode<synchronous>, transform_indices = @transform_9, window_bounds = array<i64: 1, 256>}, {transform_indices = @transform_10, window_bounds = array<i64: 1, 512, 256>}]} {
    %get3A = arith.constant 0 : index
    %get3A_0 = arith.constant 0 : index
    %get3A_1 = arith.constant 0 : index
    %get3A_2 = arith.constant 0 : index
    %get3A_3 = arith.constant 0 : index
    %get3A_4 = vector.load %arg2[%get3A, %get3A_0, %get3A_1, %get3A_2, %get3A_3] : memref<1x1x3x512x256xf32, #tpu.memory_space<vmem>>, vector<1x1x3x512x256xf32>
    %get3A_5 = vector.shape_cast %get3A_4 : vector<1x1x3x512x256xf32> to vector<3x512x256xf32>
    %get3A_6 = arith.constant 0 : index
    %get3A_7 = arith.constant 0 : index
    %get3A_8 = arith.constant 0 : index
    %get3A_9 = arith.constant 0 : index
    %get3A_10 = vector.load %arg4[%get3A_6, %get3A_7, %get3A_8, %get3A_9] : memref<1x1x3x512xf32, #tpu.memory_space<vmem>>, vector<1x1x3x512xf32>
    %get3A_11 = vector.shape_cast %get3A_10 : vector<1x1x3x512xf32> to vector<3x512xf32>
    %slice3A = vector.extract_strided_slice %get3A_11 {offsets = [0, 0], sizes = [1, 512], strides = [1, 1]} : vector<3x512xf32> to vector<1x512xf32>
    %squeeze3A = vector.shape_cast %slice3A : vector<1x512xf32> to vector<512xf32>
    %broadcast_in_dim3A = vector.shape_cast %squeeze3A : vector<512xf32> to vector<512x1xf32>
    %slice3A_12 = vector.extract_strided_slice %get3A_5 {offsets = [0, 0, 0], sizes = [1, 512, 256], strides = [1, 1, 1]} : vector<3x512x256xf32> to vector<1x512x256xf32>
    %squeeze3A_13 = vector.shape_cast %slice3A_12 : vector<1x512x256xf32> to vector<512x256xf32>
    %mul3A = vector.broadcast %broadcast_in_dim3A : vector<512x1xf32> to vector<512x256xf32>
    %mul3A_14 = arith.mulf %mul3A, %squeeze3A_13 : vector<512x256xf32>
    %slice3A_15 = vector.extract_strided_slice %get3A_11 {offsets = [1, 0], sizes = [1, 512], strides = [1, 1]} : vector<3x512xf32> to vector<1x512xf32>
    %squeeze3A_16 = vector.shape_cast %slice3A_15 : vector<1x512xf32> to vector<512xf32>
    %broadcast_in_dim3A_17 = vector.shape_cast %squeeze3A_16 : vector<512xf32> to vector<512x1xf32>
    %slice3A_18 = vector.extract_strided_slice %get3A_5 {offsets = [1, 0, 0], sizes = [1, 512, 256], strides = [1, 1, 1]} : vector<3x512x256xf32> to vector<1x512x256xf32>
    %squeeze3A_19 = vector.shape_cast %slice3A_18 : vector<1x512x256xf32> to vector<512x256xf32>
    %mul3A_20 = vector.broadcast %broadcast_in_dim3A_17 : vector<512x1xf32> to vector<512x256xf32>
    %mul3A_21 = arith.mulf %mul3A_20, %squeeze3A_19 : vector<512x256xf32>
    %add3A = arith.addf %mul3A_14, %mul3A_21 : vector<512x256xf32>
    %slice3A_22 = vector.extract_strided_slice %get3A_11 {offsets = [2, 0], sizes = [1, 512], strides = [1, 1]} : vector<3x512xf32> to vector<1x512xf32>
    %squeeze3A_23 = vector.shape_cast %slice3A_22 : vector<1x512xf32> to vector<512xf32>
    %broadcast_in_dim3A_24 = vector.shape_cast %squeeze3A_23 : vector<512xf32> to vector<512x1xf32>
    %slice3A_25 = vector.extract_strided_slice %get3A_5 {offsets = [2, 0, 0], sizes = [1, 512, 256], strides = [1, 1, 1]} : vector<3x512x256xf32> to vector<1x512x256xf32>
    %squeeze3A_26 = vector.shape_cast %slice3A_25 : vector<1x512x256xf32> to vector<512x256xf32>
    %mul3A_27 = vector.broadcast %broadcast_in_dim3A_24 : vector<512x1xf32> to vector<512x256xf32>
    %mul3A_28 = arith.mulf %mul3A_27, %squeeze3A_26 : vector<512x256xf32>
    %add3A_29 = arith.addf %add3A, %mul3A_28 : vector<512x256xf32>
    %get3A_30 = arith.constant 0 : index
    %get3A_31 = arith.constant 0 : index
    %get3A_32 = arith.constant 0 : index
    %get3A_33 = vector.load %arg3[%get3A_30, %get3A_31, %get3A_32] : memref<1x512x128xf32, #tpu.memory_space<vmem>>, vector<1x512x128xf32>
    %get3A_34 = vector.shape_cast %get3A_33 : vector<1x512x128xf32> to vector<512x128xf32>
    %get3A_35 = arith.constant 0 : index
    %get3A_36 = arith.constant 0 : index
    %get3A_37 = vector.load %arg5[%get3A_35, %get3A_36] : memref<128x256xf32, #tpu.memory_space<vmem>>, vector<128x256xf32>
    %dot_general3A = arith.constant dense<0.000000e+00> : vector<512x256xf32>
    %dot_general3A_38 = tpu.matmul %get3A_34, %get3A_37, %dot_general3A {dimension_numbers = #tpu.dot_dimension_numbers<[1], [0], [0], [1], [0, 0, 1, 1], [], []>, transpose_lhs_hint = false} : vector<512x128xf32>, vector<128x256xf32>, vector<512x256xf32> -> vector<512x256xf32>
    %get3A_39 = arith.constant 0 : index
    %get3A_40 = arith.constant 0 : index
    %get3A_41 = vector.load %arg6[%get3A_39, %get3A_40] : memref<256x256xf32, #tpu.memory_space<vmem>>, vector<256x256xf32>
    %dot_general3A_42 = arith.constant dense<0.000000e+00> : vector<512x256xf32>
    %dot_general3A_43 = tpu.matmul %add3A_29, %get3A_41, %dot_general3A_42 {dimension_numbers = #tpu.dot_dimension_numbers<[1], [0], [0], [1], [0, 0, 1, 1], [], []>, transpose_lhs_hint = false} : vector<512x256xf32>, vector<256x256xf32>, vector<512x256xf32> -> vector<512x256xf32>
    %add3A_44 = arith.addf %dot_general3A_38, %dot_general3A_43 : vector<512x256xf32>
    %get3A_45 = arith.constant 0 : index
    %get3A_46 = arith.constant 0 : index
    %get3A_47 = vector.load %arg7[%get3A_45, %get3A_46] : memref<1x256xf32, #tpu.memory_space<vmem>>, vector<1x256xf32>
    %add3A_48 = vector.broadcast %get3A_47 : vector<1x256xf32> to vector<512x256xf32>
    %add3A_49 = arith.addf %add3A_44, %add3A_48 : vector<512x256xf32>
    %max3A = arith.constant 0.000000e+00 : f32
    %max3A_50 = vector.broadcast %max3A : f32 to vector<512x256xf32>
    %max3A_51 = arith.maximumf %add3A_49, %max3A_50 : vector<512x256xf32>
    %get3A_52 = arith.constant 0 : index
    %get3A_53 = arith.constant 0 : index
    %get3A_54 = vector.load %arg8[%get3A_52, %get3A_53] : memref<256x256xf32, #tpu.memory_space<vmem>>, vector<256x256xf32>
    %dot_general3A_55 = arith.constant dense<0.000000e+00> : vector<512x256xf32>
    %dot_general3A_56 = tpu.matmul %max3A_51, %get3A_54, %dot_general3A_55 {dimension_numbers = #tpu.dot_dimension_numbers<[1], [0], [0], [1], [0, 0, 1, 1], [], []>, transpose_lhs_hint = false} : vector<512x256xf32>, vector<256x256xf32>, vector<512x256xf32> -> vector<512x256xf32>
    %get3A_57 = arith.constant 0 : index
    %get3A_58 = arith.constant 0 : index
    %get3A_59 = vector.load %arg9[%get3A_57, %get3A_58] : memref<1x256xf32, #tpu.memory_space<vmem>>, vector<1x256xf32>
    %add3A_60 = vector.broadcast %get3A_59 : vector<1x256xf32> to vector<512x256xf32>
    %add3A_61 = arith.addf %dot_general3A_56, %add3A_60 : vector<512x256xf32>
    %reduce_sum3A = arith.constant dense<0.000000e+00> : vector<512xf32>
    %reduce_sum3A_62 = vector.multi_reduction <add>, %add3A_61, %reduce_sum3A [1] : vector<512x256xf32> to vector<512xf32>
    %broadcast_in_dim3A_63 = vector.shape_cast %reduce_sum3A_62 : vector<512xf32> to vector<512x1xf32>
    %div3A = arith.constant 2.560000e+02 : f32
    %div3A_64 = vector.broadcast %div3A : f32 to vector<512x1xf32>
    %div3A_65 = arith.divf %broadcast_in_dim3A_63, %div3A_64 : vector<512x1xf32>
    %sub3A = vector.broadcast %div3A_65 : vector<512x1xf32> to vector<512x256xf32>
    %sub3A_66 = arith.subf %add3A_61, %sub3A : vector<512x256xf32>
    %mul3A_67 = arith.mulf %sub3A_66, %sub3A_66 : vector<512x256xf32>
    %reduce_sum3A_68 = arith.constant dense<0.000000e+00> : vector<512xf32>
    %reduce_sum3A_69 = vector.multi_reduction <add>, %mul3A_67, %reduce_sum3A_68 [1] : vector<512x256xf32> to vector<512xf32>
    %broadcast_in_dim3A_70 = vector.shape_cast %reduce_sum3A_69 : vector<512xf32> to vector<512x1xf32>
    %div3A_71 = arith.constant 2.560000e+02 : f32
    %div3A_72 = vector.broadcast %div3A_71 : f32 to vector<512x1xf32>
    %div3A_73 = arith.divf %broadcast_in_dim3A_70, %div3A_72 : vector<512x1xf32>
    %add3A_74 = arith.constant 9.99999974E-6 : f32
    %add3A_75 = vector.broadcast %add3A_74 : f32 to vector<512x1xf32>
    %add3A_76 = arith.addf %div3A_73, %add3A_75 : vector<512x1xf32>
    %rsqrt3A = math.rsqrt %add3A_76 : vector<512x1xf32>
    %mul3A_77 = vector.broadcast %rsqrt3A : vector<512x1xf32> to vector<512x256xf32>
    %mul3A_78 = arith.mulf %sub3A_66, %mul3A_77 : vector<512x256xf32>
    %get3A_79 = arith.constant 0 : index
    %get3A_80 = arith.constant 0 : index
    %get3A_81 = vector.load %arg10[%get3A_79, %get3A_80] : memref<1x256xf32, #tpu.memory_space<vmem>>, vector<1x256xf32>
    %mul3A_82 = vector.broadcast %get3A_81 : vector<1x256xf32> to vector<512x256xf32>
    %mul3A_83 = arith.mulf %mul3A_78, %mul3A_82 : vector<512x256xf32>
    %get3A_84 = arith.constant 0 : index
    %get3A_85 = arith.constant 0 : index
    %get3A_86 = vector.load %arg11[%get3A_84, %get3A_85] : memref<1x256xf32, #tpu.memory_space<vmem>>, vector<1x256xf32>
    %add3A_87 = vector.broadcast %get3A_86 : vector<1x256xf32> to vector<512x256xf32>
    %add3A_88 = arith.addf %mul3A_83, %add3A_87 : vector<512x256xf32>
    %swap3A = arith.constant 0 : index
    %swap3A_89 = arith.constant 0 : index
    %swap3A_90 = arith.constant 0 : index
    %swap3A_91 = vector.load %arg12[%swap3A, %swap3A_89, %swap3A_90] : memref<1x512x256xf32, #tpu.memory_space<vmem>>, vector<1x512x256xf32>
    %swap3A_92 = vector.shape_cast %swap3A_91 : vector<1x512x256xf32> to vector<512x256xf32>
    %swap3A_93 = vector.shape_cast %add3A_88 : vector<512x256xf32> to vector<1x512x256xf32>
    tpu.vector_store %arg12[%swap3A, %swap3A_89, %swap3A_90], %swap3A_93 {strides = array<i32>} : memref<1x512x256xf32, #tpu.memory_space<vmem>>, vector<1x512x256xf32>,
    return
  }
  func.func @transform_0(%arg0: i32, %arg1: i32) -> (i32, i32, i32, i32, i32) {
    %c0_i32 = arith.constant 0 : i32
    %c0_i32_0 = arith.constant 0 : i32
    %c0_i32_1 = arith.constant 0 : i32
    %c0_i32_2 = arith.constant 0 : i32
    return %arg0, %arg1, %c0_i32, %c0_i32_0, %c0_i32_1 : i32, i32, i32, i32, i32
  }
  func.func @transform_1(%arg0: i32, %arg1: i32) -> (i32, i32, i32) {
    %c0_i32 = arith.constant 0 : i32
    %c0_i32_0 = arith.constant 0 : i32
    return %arg0, %arg1, %c0_i32 : i32, i32, i32
  }
  func.func @transform_2(%arg0: i32, %arg1: i32) -> (i32, i32, i32, i32) {
    %c0_i32 = arith.constant 0 : i32
    %c0_i32_0 = arith.constant 0 : i32
    %c0_i32_1 = arith.constant 0 : i32
    return %arg0, %arg1, %c0_i32, %c0_i32_0 : i32, i32, i32, i32
  }
  func.func @transform_3(%arg0: i32, %arg1: i32) -> (i32, i32) {
    %c0_i32 = arith.constant 0 : i32
    %c0_i32_0 = arith.constant 0 : i32
    %c0_i32_1 = arith.constant 0 : i32
    return %c0_i32, %c0_i32_0 : i32, i32
  }
  func.func @transform_4(%arg0: i32, %arg1: i32) -> (i32, i32) {
    %c0_i32 = arith.constant 0 : i32
    %c0_i32_0 = arith.constant 0 : i32
    %c0_i32_1 = arith.constant 0 : i32
    return %c0_i32, %c0_i32_0 : i32, i32
  }
  func.func @transform_5(%arg0: i32, %arg1: i32) -> (i32, i32) {
    %c0_i32 = arith.constant 0 : i32
    %c0_i32_0 = arith.constant 0 : i32
    %c0_i32_1 = arith.constant 0 : i32
    return %c0_i32, %c0_i32_0 : i32, i32
  }
  func.func @transform_6(%arg0: i32, %arg1: i32) -> (i32, i32) {
    %c0_i32 = arith.constant 0 : i32
    %c0_i32_0 = arith.constant 0 : i32
    %c0_i32_1 = arith.constant 0 : i32
    return %c0_i32, %c0_i32_0 : i32, i32
  }
  func.func @transform_7(%arg0: i32, %arg1: i32) -> (i32, i32) {
    %c0_i32 = arith.constant 0 : i32
    %c0_i32_0 = arith.constant 0 : i32
    %c0_i32_1 = arith.constant 0 : i32
    return %c0_i32, %c0_i32_0 : i32, i32
  }
  func.func @transform_8(%arg0: i32, %arg1: i32) -> (i32, i32) {
    %c0_i32 = arith.constant 0 : i32
    %c0_i32_0 = arith.constant 0 : i32
    %c0_i32_1 = arith.constant 0 : i32
    return %c0_i32, %c0_i32_0 : i32, i32
  }
  func.func @transform_9(%arg0: i32, %arg1: i32) -> (i32, i32) {
    %c0_i32 = arith.constant 0 : i32
    %c0_i32_0 = arith.constant 0 : i32
    %c0_i32_1 = arith.constant 0 : i32
    return %c0_i32, %c0_i32_0 : i32, i32
  }
  func.func @transform_10(%arg0: i32, %arg1: i32) -> (i32, i32, i32) {
    %c0_i32 = arith.constant 0 : i32
    %c0_i32_0 = arith.constant 0 : i32
    return %arg0, %arg1, %c0_i32 : i32, i32, i32
  }
}

</mosaic_0001>

<sc_bundles>
// kernel: kernel.11.cloned.1.call-start
scs
__scs_entry_jumppad:
0x0: {  	(pc) =	sbr.rel $0x88, $3  }
0x1: {  	(tag) =	ssettag $0x0;
	lr =	simm.s32 $0x1  }
0x2: {  	[smem:$0x3F97] =	sst lr;
	_ =	strace $0xD0000000  }
0x3: {  	_ = 	snop  }
0x4: {  	_ = 	snop  }
0x5: {  	_ = 	snop  }
0x6: {  	_ = 	snop  }
0x7: {  	_ = 	snop  }
__scs_overlays_trampoline_lowered:
0x8: {  	[smem:$0x3FA6] =	sst s0  }
0x9: {  	[smem:$0x3FA7] =	sst s1  }
0xa: {  	[smem:$0x3FA8] =	sst s2  }
0xb: {  	[smem:$0x3FA9] =	sst s3  }
0xc: {  	[smem:$0x3FAA] =	sst s4  }
0xd: {  	[smem:$0x3FAB] =	sst s5  }
0xe: {  	[smem:$0x3FAC] =	sst s6  }
0xf: {  	[smem:$0x3FAD] =	sst s7  }
0x10: {  	[smem:$0x3FAE] =	sst s8  }
0x11: {  	[smem:$0x3FAF] =	sst s9;
	s0 =	simm.s32 @!p0 $0x0  }
0x12: {  	s1 =	sld [smem:$0x3F95];
	s0 =	simm.s32 @p0 $0x1  }
0x13: {  	[smem:$0x3FB0] =	sst s0;
	s0 =	simm.s32 @!p1 $0x0  }
0x14: {  	s2 =	sld [smem:$0x3F94];
	s0 =	simm.s32 @p1 $0x1  }
0x15: {  	[smem:$0x3FB1] =	sst s0;
	s0 =	simm.s32 @!p2 $0x0  }
0x16: {  	s3 =	sld [smem:$0x3FDB];
	s0 =	simm.s32 @p2 $0x1  }
0x17: {  	s4 =	simm.s32 $0x1BF5;
	[smem:$0x3FB3] =	sst s0  }
0x18: {  	s0 =	sld [smem:$0x3F96];
	_ =	swait.ge [sflag:s4], $0x0  }
0x19: {  	s7 =	sld [smem:$0x3F97]  }
0x1a: {  	s8 =	sadd.s32 $0xFFFFE003, lr  }
0x1b: {  	s9 =	sadd.s32 $0xFFFFFEF7, lr;
	s5 =	simm.s32 $0xFFFFFFFF;
	p2 =	slt.u32 s8, $0xFFFFF086  }
0x1c: {  	p1 =	slt.u32 s9, $0xF7A;
	s5 =	simm.s32 @!p2 $0x0  }
0x1d: {  	s5 =	simm.s32 @p1 $0x1;
	p0 =	seq.s32 s7, s2  }
0x1e: {  	s7 =	smul.u32 @!p0 $0xF7A, s2;
	p2 =	seq.s32 @!p0 s5, $0x0  }
0x1f: {  	s9 =	smul.u32 $0xF7A, s1;
	s8 =	simm.s32 @!p0 $0x1BF5;
	p2 =	por !p2, p0  }
0x20: {  	[sflag:s8] =	ssyncset.s32 @!p0 $0xFFFFF086;
	s6 =	sadd.s32 @!p0 s3, s7;
	s7 =	simm.s32 @!p0 $0x108  }
0x21: {  	s3 =	sadd.s32 s3, s9;
	s6 =	sadd.s32 @!p0 $0x88, s6;
	s7 =	simm.s32 @p2 $0x1082  }
0x22: {  	[simem:s7], [sflag:s8] =	dma.local @!p0 [hbm:s6], $0xF7A  }
0x23: {  	s9 =	sor.u32 $0xD0000000, s2;
	s6 =	simm.s32 $0x108;
	_ =	swait.ge @!p0 [sflag:s8], $0x0  }
0x24: {  	s3 =	sadd.s32 $0x88, s3;
	s6 =	simm.s32 @!p1 $0x1082;
	[sflag:s4] =	ssyncset.s32 $0xFFFFF086  }
0x25: {  	[simem:s6], [sflag:s4] =	dma.local [hbm:s3], $0xF7A  }
0x26: {  	[smem:$0x3F97] =	sst s1;
	(tag) =	ssettag s2;
	_ =	strace s9  }
0x27: {  	s1 =	sld [smem:$0x3FA7]  }
0x28: {  	s2 =	sld [smem:$0x3FA8]  }
0x29: {  	s4 =	sld [smem:$0x3FAA]  }
0x2a: {  	p0 =	seq.s32 s5, $0x0;
	s5 =	sld [smem:$0x3FAB]  }
0x2b: {  	s6 =	sld [smem:$0x3FAC]  }
0x2c: {  	s7 =	sld [smem:$0x3FAD]  }
0x2d: {  	s3 =	simm.s32 $0x108;
	s8 =	sld [smem:$0x3FAE]  }
0x2e: {  	s3 =	simm.s32 @!p0 $0x1082;
	s9 =	sld [smem:$0x3FAF]  }
0x2f: {  	lr =	sadd.s32 s0, s3;
	s0 =	sld [smem:$0x3FA6]  }
0x30: {  	s3 =	sld [smem:$0x3FA9]  }
0x31: {  	[smem:$0x3FB2] =	sst s10  }
0x32: {  	s10 =	sld [smem:$0x3FB0];
	_ =	sdelay $0x3  }
0x33: {  	p0 =	seq.s32 s10, $0x1;
	s10 =	sld [smem:$0x3FB2];
	_ =	sdelay $0x3  }
0x34: {  	[smem:$0x3FB2] =	sst s10  }
0x35: {  	s10 =	sld [smem:$0x3FB1];
	_ =	sdelay $0x3  }
0x36: {  	p1 =	seq.s32 s10, $0x1;
	s10 =	sld [smem:$0x3FB2];
	_ =	sdelay $0x3  }
0x37: {  	[smem:$0x3FB2] =	sst s10  }
0x38: {  	s10 =	sld [smem:$0x3FB3]  }
0x39: {  	_ = 	snop;
	(pc) =	sbr.ind lr, $3  }
0x3a: {  	_ = 	snop  }
0x3b: {  	_ = 	snop  }
0x3c: {  	p2 =	seq.s32 s10, $0x1;
	s10 =	sld [smem:$0x3FB2]  }
0x3d: {  	_ =	shalt  }
0x3e: {  	_ =	shalt  }
0x3f: {  	_ =	shalt  }
0x40: {  	_ =	shalt  }
0x41: {  	_ =	shalt  }
0x42: {  	_ =	shalt  }
0x43: {  	_ =	shalt  }
0x44: {  	_ =	shalt  }
0x45: {  	_ =	shalt  }
0x46: {  	_ =	shalt  }
0x47: {  	_ =	shalt  }
0x48: {  	_ =	shalt  }
0x49: {  	_ =	shalt  }
0x4a: {  	_ =	shalt  }
0x4b: {  	_ =	shalt  }
0x4c: {  	_ =	shalt  }
0x4d: {  	_ =	shalt  }
0x4e: {  	_ =	shalt  }
0x4f: {  	_ =	shalt  }
0x50: {  	_ =	shalt  }
0x51: {  	_ =	shalt  }
0x52: {  	_ =	shalt  }
0x53: {  	_ =	shalt  }
0x54: {  	_ =	shalt  }
0x55: {  	_ =	shalt  }
0x56: {  	_ =	shalt  }
0x57: {  	_ =	shalt  }
0x58: {  	_ =	shalt  }
0x59: {  	_ =	shalt  }
0x5a: {  	_ =	shalt  }
0x5b: {  	_ =	shalt  }
0x5c: {  	_ =	shalt  }
0x5d: {  	_ =	shalt  }
0x5e: {  	_ =	shalt  }
0x5f: {  	_ =	shalt  }
0x60: {  	_ =	shalt  }
0x61: {  	_ =	shalt  }
0x62: {  	_ =	shalt  }
0x63: {  	_ =	shalt  }
0x64: {  	_ =	shalt  }
0x65: {  	_ =	shalt  }
0x66: {  	_ =	shalt  }
0x67: {  	_ =	shalt  }
0x68: {  	_ =	shalt  }
0x69: {  	_ =	shalt  }
0x6a: {  	_ =	shalt  }
0x6b: {  	_ =	shalt  }
0x6c: {  	_ =	shalt  }
0x6d: {  	_ =	shalt  }
0x6e: {  	_ =	shalt  }
0x6f: {  	_ =	shalt  }
0x70: {  	_ =	shalt  }
0x71: {  	_ =	shalt  }
0x72: {  	_ =	shalt  }
0x73: {  	_ =	shalt  }
0x74: {  	_ =	shalt  }
0x75: {  	_ =	shalt  }
0x76: {  	_ =	shalt  }
0x77: {  	_ =	shalt  }
0x78: {  	_ =	shalt  }
0x79: {  	_ =	shalt  }
0x7a: {  	_ =	shalt  }
0x7b: {  	_ =	shalt  }
0x7c: {  	_ =	shalt  }
0x7d: {  	_ =	shalt  }
0x7e: {  	_ =	shalt  }
0x7f: {  	_ =	shalt  }
0x80: {  	_ =	shalt  }
0x81: {  	_ =	shalt  }
0x82: {  	_ =	shalt  }
0x83: {  	_ =	shalt  }
0x84: {  	_ =	shalt  }
0x85: {  	_ =	shalt  }
0x86: {  	_ =	shalt  }
0x87: {  	_ =	shalt  }
.Lfunc_end0:
.L_simem_size_0:
called_computation.1_lowered:
.L_overlay_start_0:
0x88: {  	s2 =	sld [smem:$0x3FD9]  }
0x89: {  	s3 =	sld [smem:$0x3FFE];
	_ =	sdelay $0x1  }
0x8a: {  	s1 =	srdreg.scid  }
0x8b: {  	s0 =	sand.u32 $0x1, s1  }
0x8c: {  	s17 =	sshll.u32 s0, $0xA;
	s2 =	sadd.s32 s3, s2  }
0x8d: {  	s2 =	sadd.s32 s2, s17  }
0x8e: {  	[smem:$0x3FBE] =	sst s2  }
0x8f: {  	_ = 	snop  }
0x90: {  	s2 =	sld [smem:$0x3FC6]  }
0x91: {  	s18 =	sld [smem:$0x3FD0];
	(tm) =	ssettm $0x1  }
0x92: {  	s4 =	sld [smem:$0x3FFB];
	_ =	sdelay $0x3  }
0x93: {  	_ =	strace s4  }
0x94: {  	s4 =	sld [smem:$0x3FFC];
	_ =	sdelay $0x3  }
0x95: {  	_ =	strace s4  }
0x96: {  	s4 =	sld [smem:$0x3FFD];
	_ =	sdelay $0x3  }
0x97: {  	_ =	strace s4  }
0x98: {  	_ =	strace $0x8FFFFFFF  }
0x99: {  	s19 =	sld [smem:$0x3FDB];
	_ =	sdelay $0x1  }
0x9a: {  	s5 =	simm.s32 $_scs_section_size  }
0x9b: {  	s6 =	simm.s32 $_size__tile_overlayer_lowered;
	s7 =	simm.s32 $_tile_overlayer_lowered  }
0x9c: {  	s22 =	simm.s32 $0x1BFF;
	s21 =	sshll.u32 s7, $0x1;
	s4 =	sadd.s32 s5, s19  }
0x9d: {  	s8 =	simm.s32 $0x0;
	s20 =	sshll.u32 s6, $0x1;
	s6 =	sadd.s32 s21, s4  }
0x9e: {  	[timem:s8], [sflag:s22] =	dma.local [hbm:s6], s20  }
0x9f: {  	_ =	swait.ge [sflag:s22], s20  }
0xa0: {  	s5 =	ssub.s32 $0x0, s20;
	[sflag:s22] =	ssyncset.done $0x0  }
0xa1: {  	[sflag:s22] =	ssyncadd.s32 s5;
	_ =	sdelay $0x1  }
0xa2: {  	s23 =	simm.s32 $0x1B8B  }
0xa3: {  	_ =	swait.ge [sflag:s23], $0x1  }
0xa4: {  	[sflag:s23] =	ssyncset.done $0x0  }
0xa5: {  	s25 =	simm.s32 $0x1B8E;
	s24 =	sld [smem:$0x3FFE];
	[sflag:s23] =	ssyncadd.s32 $0xFFFFFFFF  }
0xa6: {  	s26 =	simm.s32 $execute0_lowered;
	[smem:$0x3FD2] =	sst s25  }
0xa7: {  	s6 =	sshll.u32 s26, $0x1;
	_ =	strace $0x80000046;
	[dreg:$0x1] =	wrdreg $0xFFFFFFFF  }
0xa8: {  	s28 =	simm.s32 $_size_execute0_lowered;
	s4 =	sadd.s32 s4, s6;
	[dreg:$0x0] =	wrdreg $0x0  }
0xa9: {  	s6 =	sshll.u32 s28, $0x1;
	[dreg:$0x2] =	wrdreg s4  }
0xaa: {  	[dreg:$0x3] =	wrdreg s6  }
0xab: {  	[dreg:$0x4] =	wrdreg $0xC0  }
0xac: {  	_ =	task [dreg:s8], $0x5FFFF  }
0xad: {  	[dreg:$0x1] =	wrdreg $0xFFFFFFFF  }
0xae: {  	[dreg:$0x0] =	wrdreg $0x60  }
0xaf: {  	[dreg:$0x2] =	wrdreg s18  }
0xb0: {  	[dreg:$0x3] =	wrdreg s2  }
0xb1: {  	[dreg:$0x4] =	wrdreg s24  }
0xb2: {  	[dreg:$0x5] =	wrdreg $0xA  }
0xb3: {  	_ =	task.clear_ibuf [dreg:s8], $0x6FFFF;
	_ =	strace $0x90000046  }
0xb4: {  	s29 =	simm.s32 $0xA;
	_ =	strace $0x80000048  }
0xb5: {  	_ =	swait.ge [sflag:s29], $0x1  }
0xb6: {  	[sflag:s29] =	ssyncadd.s32 $0xFFFFFFFF  }
0xb7: {  	_ =	strace $0x90000048  }
0xb8: {  	_ =	sfence  }
0xb9: {  	s30 =	sld [smem:$0x0];
	_ =	sdelay $0x2  }
0xba: {  	s31 =	sshll.u32 s1, $0xD;
	s1 =	sshrl.u32 s1, $0x2  }
0xbb: {  	s3 =	sand.u32 $0x4000, s31;
	s1 =	sadd.s32 s1, s30  }
0xbc: {  	s0 =	sor.u32 s3, s0;
	s1 =	sshll.u32 s1, $0x11  }
0xbd: {  	s0 =	sor.u32 s1, s0  }
0xbe: {  	s0 =	sadd.s32 $0x8F2B, s0  }
0xbf: {  	[sflag:s0] =	ssyncadd.remote.s32 $0x1  }
0xc0: {  	_ =	sfence.sel $0xFFFF  }
0xc1: {  	[dreg:$0x0] =	wrdreg $0xFFFFFFFF;
	(pc) =	sbr.abs _section_cstart, $3  }
0xc2: {  	[dreg:$0x1] =	wrdreg $0xFFFFFFFF  }
0xc3: {  	_ =	task.clear_ibuf [dreg:s8], $0x2FFFF;
	_ =	strace $0x9FFFFFFF  }
0xc4: {  	(tm) =	ssettm $0x7FFFFFFF  }
0xc5: {  	_ =	shalt  }
tec
execute0_lowered:
.L_overlay_start_1:
0x0: {  	(tag) =	ssettag $0x1  }
0x1: {  	s0 =	rddreg [dreg:$0x0]  }
0x2: {  	s2 =	rddreg [dreg:$0x1];
	s1 =	srdreg.scid  }
0x3: {  	s3 =	stileid.u32;
	s4 =	rddreg [dreg:$0x2]  }
0x4: {  	s17 =	simm.s32 $0x8800;
	s1 =	sand.u32 $0x1, s1;
	s5 =	sshll.u32 s3, $0x1  }
0x5: {  	s12 =	simm.s32 $0x1;
	s3 =	simm.s32 $0x0;
	s5 =	sor.u32 s1, s5  }
0x6: {  	[smem:$0x7FF] =	sst s3;
	s6 =	smul.u32 $0xC000, s5;
	s7 =	sshll.u32 s5, $0x8  }
0x7: {  	s4 =	sadd.s32 $0x1E00, s4;
	_ =	strace $0x80000047;
	s0 =	sadd.s32 s0, s7  }
0x8: {  	s5 =	smul.u32 $0x60000, s5;
	s6 =	sadd.s32 s4, s6;
	[dreg:$0x4] =	wrdreg s0  }
0x9: {  	s13 =	simm.s32 $0x10800;
	s18 =	sadd.s32 $0x1000, s6;
	[dreg:$0x10] =	wrdreg s6  }
0xa: {  	s5 =	sshrl.u32 s5, $0x3;
	s19 =	sadd.s32 $0x2000, s6;
	[dreg:$0x5] =	wrdreg s18  }
0xb: {  	s20 =	sadd.s32 $0x3000, s6;
	s4 =	sadd.s32 s4, s5;
	[dreg:$0x6] =	wrdreg s19  }
0xc: {  	s31 =	simm.s32 $0x2;
	[dreg:$0x7] =	wrdreg s20;
	s21 =	sadd.s32 $0x4000, s4  }
0xd: {  	s9 =	simm.s32 $0x800;
	s22 =	sadd.s32 $0x5000, s4;
	[dreg:$0x8] =	wrdreg s21  }
0xe: {  	s1 =	ssub.s32 $0x2, s1;
	s23 =	sadd.s32 $0x6000, s4;
	[dreg:$0x9] =	wrdreg s22  }
0xf: {  	s28 =	sshrl.u32 s1, $0x1;
	s24 =	sadd.s32 $0x7000, s4;
	[dreg:$0xa] =	wrdreg s23  }
0x10: {  	s1 =	ssub.s32 s1, s28;
	s25 =	sadd.s32 $0x8000, s4;
	[dreg:$0xb] =	wrdreg s24  }
0x11: {  	s0 =	simm.s32 $0x3;
	s26 =	sadd.s32 $0x9000, s4;
	[dreg:$0xc] =	wrdreg s25  }
0x12: {  	v2 =	vlaneseq.u32;
	s5 =	smax.u32 s1, $0x1;
	s29 =	sadd.s32 $0xA000, s4;
	[dreg:$0xd] =	wrdreg s26  }
0x13: {  	vm0 =	vmmov $0xffff;
	v1 =	vshrl.u32 v2, $0x3;
	s1 =	simm.s32 $0x4;
	s30 =	sadd.s32 $0xB000, s4;
	[dreg:$0xe] =	wrdreg s29  }
0x14: {  	v0 =	vand.u32 $0x7, v2;
	v2 =	vor.u32 $0x8, v2;
	v1 =	vmul.u32 $0x8, v1;
	s6 =	simm.s32 $0x6;
	s4 =	simm.s32 $0x5;
	[dreg:$0xf] =	wrdreg s30  }
.LBB2_1:
0x15: {  	s8 =	rddreg [dreg:$0x4];
	s10 =	simm.s32 $0x7  }
0x16: {  	[tilespmem:s3], [sflag:$0x7] =	stream.linear.gather [hbm4b:s8+s3], $0x600, $0x38;
	[tilespmem:$0x18800] =	vst v63  }
0x17: {  	_ =	swait.ge [sflag:s10], $0x600  }
0x18: {  	[sflag:s10] =	ssyncset.done $0x0  }
0x19: {  	[sflag:s10] =	ssyncadd.s32 $0xFFFFFA00  }
0x1a: {  	v3 =	vld [tilespmem:$0x0];
	_ =	sdelay $0x4  }
0x1b: {  	v4 =	vshll.u32 v3, $0x1  }
0x1c: {  	v3 =	vand.u32 $0x7, v3;
	v4 =	vand.u32 $0xFFFFFFF0, v4  }
0x1d: {  	v3 =	vor.u32 v3, v4  }
0x1e: {  	v4 =	vperm.xlane v3, v0;
	_ =	sdelay $0x1  }
0x1f: {  	v3 =	vperm.xlane v3, v2;
	v4 =	vadd.s32 v1, v4;
	_ =	sdelay $0x1  }
0x20: {  	v3 =	vadd.s32 v1, v3;
	_ =	sdelay $0x2  }
0x21: {  	[tilespmem:s9], [sflag:$0x1] =	stream.indirect_vreg.gather [hbm4b:s2+s3], $0x80, v4, vm0, $0xb8;
	[tilespmem:$0x18800] =	vst v63  }
0x22: {  	s7 =	simm.s32 $0x1000  }
0x23: {  	[tilespmem:s7], [sflag:$0x1] =	stream.indirect_vreg.gather [hbm4b:s2+s3], $0x80, v3, vm0, $0xb8;
	[tilespmem:$0x18800] =	vst v63  }
0x24: {  	v3 =	vld [tilespmem:$0x10];
	_ =	sdelay $0x4  }
0x25: {  	v25 =	vshll.u32 v3, $0x1  }
0x26: {  	v3 =	vand.u32 $0x7, v3;
	v4 =	vand.u32 $0xFFFFFFF0, v25  }
0x27: {  	v3 =	vor.u32 v3, v4  }
0x28: {  	v4 =	vperm.xlane v3, v0;
	_ =	sdelay $0x1  }
0x29: {  	v3 =	vperm.xlane v3, v2;
	v4 =	vadd.s32 v1, v4;
	_ =	sdelay $0x1  }
0x2a: {  	v3 =	vadd.s32 v1, v3;
	_ =	sdelay $0x1  }
0x2b: {  	s11 =	simm.s32 $0x1800  }
0x2c: {  	[tilespmem:s11], [sflag:$0x1] =	stream.indirect_vreg.gather [hbm4b:s2+s3], $0x80, v4, vm0, $0xb8;
	[tilespmem:$0x18800] =	vst v63  }
0x2d: {  	s14 =	simm.s32 $0x2000  }
0x2e: {  	[tilespmem:s14], [sflag:$0x1] =	stream.indirect_vreg.gather [hbm4b:s2+s3], $0x80, v3, vm0, $0xb8;
	[tilespmem:$0x18800] =	vst v63  }
0x2f: {  	v3 =	vld [tilespmem:$0x20];
	_ =	sdelay $0x4  }
0x30: {  	v26 =	vshll.u32 v3, $0x1  }
0x31: {  	v3 =	vand.u32 $0x7, v3;
	v4 =	vand.u32 $0xFFFFFFF0, v26  }
0x32: {  	v3 =	vor.u32 v3, v4  }
0x33: {  	v4 =	vperm.xlane v3, v0;
	_ =	sdelay $0x1  }
0x34: {  	v3 =	vperm.xlane v3, v2;
	v4 =	vadd.s32 v1, v4;
	_ =	sdelay $0x1  }
0x35: {  	v3 =	vadd.s32 v1, v3;
	_ =	sdelay $0x1  }
0x36: {  	s15 =	simm.s32 $0x2800  }
0x37: {  	[tilespmem:s15], [sflag:$0x1] =	stream.indirect_vreg.gather [hbm4b:s2+s3], $0x80, v4, vm0, $0xb8;
	[tilespmem:$0x18800] =	vst v63  }
0x38: {  	s16 =	simm.s32 $0x3000  }
0x39: {  	[tilespmem:s16], [sflag:$0x1] =	stream.indirect_vreg.gather [hbm4b:s2+s3], $0x80, v3, vm0, $0xb8;
	[tilespmem:$0x18800] =	vst v63  }
0x3a: {  	v3 =	vld [tilespmem:$0x30];
	_ =	sdelay $0x4  }
0x3b: {  	v27 =	vshll.u32 v3, $0x1  }
0x3c: {  	v3 =	vand.u32 $0x7, v3;
	v4 =	vand.u32 $0xFFFFFFF0, v27  }
0x3d: {  	v3 =	vor.u32 v3, v4  }
0x3e: {  	v4 =	vperm.xlane v3, v0;
	_ =	sdelay $0x1  }
0x3f: {  	v3 =	vperm.xlane v3, v2;
	v4 =	vadd.s32 v1, v4;
	_ =	sdelay $0x1  }
0x40: {  	v3 =	vadd.s32 v1, v3;
	_ =	sdelay $0x1  }
0x41: {  	s18 =	simm.s32 $0x3800  }
0x42: {  	[tilespmem:s18], [sflag:$0x1] =	stream.indirect_vreg.gather [hbm4b:s2+s3], $0x80, v4, vm0, $0xb8;
	[tilespmem:$0x18800] =	vst v63  }
0x43: {  	s19 =	simm.s32 $0x4000  }
0x44: {  	[tilespmem:s19], [sflag:$0x1] =	stream.indirect_vreg.gather [hbm4b:s2+s3], $0x80, v3, vm0, $0xb8;
	[tilespmem:$0x18800] =	vst v63  }
0x45: {  	v3 =	vld [tilespmem:$0x40];
	_ =	sdelay $0x4  }
0x46: {  	v28 =	vshll.u32 v3, $0x1  }
0x47: {  	v3 =	vand.u32 $0x7, v3;
	v4 =	vand.u32 $0xFFFFFFF0, v28  }
0x48: {  	v3 =	vor.u32 v3, v4  }
0x49: {  	v4 =	vperm.xlane v3, v0;
	_ =	sdelay $0x1  }
0x4a: {  	v3 =	vperm.xlane v3, v2;
	v4 =	vadd.s32 v1, v4;
	_ =	sdelay $0x1  }
0x4b: {  	v3 =	vadd.s32 v1, v3;
	_ =	sdelay $0x1  }
0x4c: {  	s20 =	simm.s32 $0x4800  }
0x4d: {  	[tilespmem:s20], [sflag:$0x1] =	stream.indirect_vreg.gather [hbm4b:s2+s3], $0x80, v4, vm0, $0xb8;
	[tilespmem:$0x18800] =	vst v63  }
0x4e: {  	s21 =	simm.s32 $0x5000  }
0x4f: {  	[tilespmem:s21], [sflag:$0x1] =	stream.indirect_vreg.gather [hbm4b:s2+s3], $0x80, v3, vm0, $0xb8;
	[tilespmem:$0x18800] =	vst v63  }
0x50: {  	v3 =	vld [tilespmem:$0x50];
	_ =	sdelay $0x4  }
0x51: {  	v29 =	vshll.u32 v3, $0x1  }
0x52: {  	v3 =	vand.u32 $0x7, v3;
	v4 =	vand.u32 $0xFFFFFFF0, v29  }
0x53: {  	v3 =	vor.u32 v3, v4  }
0x54: {  	v4 =	vperm.xlane v3, v0;
	_ =	sdelay $0x1  }
0x55: {  	v3 =	vperm.xlane v3, v2;
	v4 =	vadd.s32 v1, v4;
	_ =	sdelay $0x1  }
0x56: {  	v3 =	vadd.s32 v1, v3;
	_ =	sdelay $0x1  }
0x57: {  	s24 =	simm.s32 $0x5800  }
0x58: {  	[tilespmem:s24], [sflag:$0x1] =	stream.indirect_vreg.gather [hbm4b:s2+s3], $0x80, v4, vm0, $0xb8;
	[tilespmem:$0x18800] =	vst v63  }
0x59: {  	s26 =	simm.s32 $0x6000  }
0x5a: {  	[tilespmem:s26], [sflag:$0x1] =	stream.indirect_vreg.gather [hbm4b:s2+s3], $0x80, v3, vm0, $0xb8;
	[tilespmem:$0x18800] =	vst v63  }
0x5b: {  	v3 =	vld [tilespmem:$0x60];
	_ =	sdelay $0x4  }
0x5c: {  	v30 =	vshll.u32 v3, $0x1  }
0x5d: {  	v3 =	vand.u32 $0x7, v3;
	v4 =	vand.u32 $0xFFFFFFF0, v30  }
0x5e: {  	v3 =	vor.u32 v3, v4  }
0x5f: {  	v4 =	vperm.xlane v3, v0;
	_ =	sdelay $0x1  }
0x60: {  	v3 =	vperm.xlane v3, v2;
	v4 =	vadd.s32 v1, v4;
	_ =	sdelay $0x1  }
0x61: {  	v3 =	vadd.s32 v1, v3;
	_ =	sdelay $0x1  }
0x62: {  	s28 =	simm.s32 $0x6800  }
0x63: {  	[tilespmem:s28], [sflag:$0x1] =	stream.indirect_vreg.gather [hbm4b:s2+s3], $0x80, v4, vm0, $0xb8;
	[tilespmem:$0x18800] =	vst v63  }
0x64: {  	s29 =	simm.s32 $0x7000  }
0x65: {  	[tilespmem:s29], [sflag:$0x1] =	stream.indirect_vreg.gather [hbm4b:s2+s3], $0x80, v3, vm0, $0xb8;
	[tilespmem:$0x18800] =	vst v63  }
0x66: {  	v3 =	vld [tilespmem:$0x70];
	_ =	sdelay $0x4  }
0x67: {  	v31 =	vshll.u32 v3, $0x1  }
0x68: {  	v3 =	vand.u32 $0x7, v3;
	v4 =	vand.u32 $0xFFFFFFF0, v31  }
0x69: {  	v3 =	vor.u32 v3, v4  }
0x6a: {  	v4 =	vperm.xlane v3, v0;
	_ =	sdelay $0x1  }
0x6b: {  	v3 =	vperm.xlane v3, v2;
	v4 =	vadd.s32 v1, v4;
	_ =	sdelay $0x1  }
0x6c: {  	v3 =	vadd.s32 v1, v3;
	_ =	sdelay $0x1  }
0x6d: {  	s30 =	simm.s32 $0x7800  }
0x6e: {  	[tilespmem:s30], [sflag:$0x1] =	stream.indirect_vreg.gather [hbm4b:s2+s3], $0x80, v4, vm0, $0xb8;
	[tilespmem:$0x18800] =	vst v63  }
0x6f: {  	s8 =	simm.s32 $0x8000  }
0x70: {  	[tilespmem:s8], [sflag:$0x1] =	stream.indirect_vreg.gather [hbm4b:s2+s3], $0x80, v3, vm0, $0xb8;
	[tilespmem:$0x18800] =	vst v63  }
0x71: {  	v3 =	vld [tilespmem:$0x80];
	_ =	sdelay $0x4  }
0x72: {  	v32 =	vshll.u32 v3, $0x1  }
0x73: {  	v3 =	vand.u32 $0x7, v3;
	v4 =	vand.u32 $0xFFFFFFF0, v32  }
0x74: {  	v3 =	vor.u32 v3, v4  }
0x75: {  	v4 =	vperm.xlane v3, v0;
	_ =	sdelay $0x1  }
0x76: {  	v3 =	vperm.xlane v3, v2;
	v4 =	vadd.s32 v1, v4;
	_ =	sdelay $0x1  }
0x77: {  	v3 =	vadd.s32 v1, v3;
	_ =	sdelay $0x2  }
0x78: {  	[tilespmem:s17], [sflag:$0x2] =	stream.indirect_vreg.gather [hbm4b:s2+s3], $0x80, v4, vm0, $0xb8;
	[tilespmem:$0x18800] =	vst v63  }
0x79: {  	s11 =	simm.s32 $0x9000  }
0x7a: {  	[tilespmem:s11], [sflag:$0x2] =	stream.indirect_vreg.gather [hbm4b:s2+s3], $0x80, v3, vm0, $0xb8;
	[tilespmem:$0x18800] =	vst v63  }
0x7b: {  	v3 =	vld [tilespmem:$0x90];
	_ =	sdelay $0x4  }
0x7c: {  	v33 =	vshll.u32 v3, $0x1  }
0x7d: {  	v3 =	vand.u32 $0x7, v3;
	v4 =	vand.u32 $0xFFFFFFF0, v33  }
0x7e: {  	v3 =	vor.u32 v3, v4  }
0x7f: {  	v4 =	vperm.xlane v3, v0;
	_ =	sdelay $0x1  }
0x80: {  	v3 =	vperm.xlane v3, v2;
	v4 =	vadd.s32 v1, v4;
	_ =	sdelay $0x1  }
0x81: {  	v3 =	vadd.s32 v1, v3;
	_ =	sdelay $0x1  }
0x82: {  	s14 =	simm.s32 $0x9800  }
0x83: {  	[tilespmem:s14], [sflag:$0x2] =	stream.indirect_vreg.gather [hbm4b:s2+s3], $0x80, v4, vm0, $0xb8;
	[tilespmem:$0x18800] =	vst v63  }
0x84: {  	s15 =	simm.s32 $0xA000  }
0x85: {  	[tilespmem:s15], [sflag:$0x2] =	stream.indirect_vreg.gather [hbm4b:s2+s3], $0x80, v3, vm0, $0xb8;
	[tilespmem:$0x18800] =	vst v63  }
0x86: {  	v3 =	vld [tilespmem:$0xA0];
	_ =	sdelay $0x4  }
0x87: {  	v34 =	vshll.u32 v3, $0x1  }
0x88: {  	v3 =	vand.u32 $0x7, v3;
	v4 =	vand.u32 $0xFFFFFFF0, v34  }
0x89: {  	v3 =	vor.u32 v3, v4  }
0x8a: {  	v4 =	vperm.xlane v3, v0;
	_ =	sdelay $0x1  }
0x8b: {  	v3 =	vperm.xlane v3, v2;
	v4 =	vadd.s32 v1, v4;
	_ =	sdelay $0x1  }
0x8c: {  	v3 =	vadd.s32 v1, v3;
	_ =	sdelay $0x1  }
0x8d: {  	s18 =	simm.s32 $0xA800  }
0x8e: {  	[tilespmem:s18], [sflag:$0x2] =	stream.indirect_vreg.gather [hbm4b:s2+s3], $0x80, v4, vm0, $0xb8;
	[tilespmem:$0x18800] =	vst v63  }
0x8f: {  	s19 =	simm.s32 $0xB000  }
0x90: {  	[tilespmem:s19], [sflag:$0x2] =	stream.indirect_vreg.gather [hbm4b:s2+s3], $0x80, v3, vm0, $0xb8;
	[tilespmem:$0x18800] =	vst v63  }
0x91: {  	v3 =	vld [tilespmem:$0xB0];
	_ =	sdelay $0x4  }
0x92: {  	v35 =	vshll.u32 v3, $0x1  }
0x93: {  	v3 =	vand.u32 $0x7, v3;
	v4 =	vand.u32 $0xFFFFFFF0, v35  }
0x94: {  	v3 =	vor.u32 v3, v4  }
0x95: {  	v4 =	vperm.xlane v3, v0;
	_ =	sdelay $0x1  }
0x96: {  	v3 =	vperm.xlane v3, v2;
	v4 =	vadd.s32 v1, v4;
	_ =	sdelay $0x1  }
0x97: {  	v3 =	vadd.s32 v1, v3;
	_ =	sdelay $0x1  }
0x98: {  	s20 =	simm.s32 $0xB800  }
0x99: {  	[tilespmem:s20], [sflag:$0x2] =	stream.indirect_vreg.gather [hbm4b:s2+s3], $0x80, v4, vm0, $0xb8;
	[tilespmem:$0x18800] =	vst v63  }
0x9a: {  	s21 =	simm.s32 $0xC000  }
0x9b: {  	[tilespmem:s21], [sflag:$0x2] =	stream.indirect_vreg.gather [hbm4b:s2+s3], $0x80, v3, vm0, $0xb8;
	[tilespmem:$0x18800] =	vst v63  }
0x9c: {  	v3 =	vld [tilespmem:$0xC0];
	_ =	sdelay $0x4  }
0x9d: {  	v36 =	vshll.u32 v3, $0x1  }
0x9e: {  	v3 =	vand.u32 $0x7, v3;
	v4 =	vand.u32 $0xFFFFFFF0, v36  }
0x9f: {  	v3 =	vor.u32 v3, v4  }
0xa0: {  	v4 =	vperm.xlane v3, v0;
	_ =	sdelay $0x1  }
0xa1: {  	v3 =	vperm.xlane v3, v2;
	v4 =	vadd.s32 v1, v4;
	_ =	sdelay $0x1  }
0xa2: {  	v3 =	vadd.s32 v1, v3;
	_ =	sdelay $0x1  }
0xa3: {  	s24 =	simm.s32 $0xC800  }
0xa4: {  	[tilespmem:s24], [sflag:$0x2] =	stream.indirect_vreg.gather [hbm4b:s2+s3], $0x80, v4, vm0, $0xb8;
	[tilespmem:$0x18800] =	vst v63  }
0xa5: {  	s7 =	simm.s32 $0xD000  }
0xa6: {  	[tilespmem:s7], [sflag:$0x2] =	stream.indirect_vreg.gather [hbm4b:s2+s3], $0x80, v3, vm0, $0xb8;
	[tilespmem:$0x18800] =	vst v63  }
0xa7: {  	v3 =	vld [tilespmem:$0xD0];
	_ =	sdelay $0x4  }
0xa8: {  	v37 =	vshll.u32 v3, $0x1  }
0xa9: {  	v3 =	vand.u32 $0x7, v3;
	v4 =	vand.u32 $0xFFFFFFF0, v37  }
0xaa: {  	v3 =	vor.u32 v3, v4  }
0xab: {  	v4 =	vperm.xlane v3, v0;
	_ =	sdelay $0x1  }
0xac: {  	v3 =	vperm.xlane v3, v2;
	v4 =	vadd.s32 v1, v4;
	_ =	sdelay $0x1  }
0xad: {  	v3 =	vadd.s32 v1, v3;
	_ =	sdelay $0x1  }
0xae: {  	s11 =	simm.s32 $0xD800  }
0xaf: {  	[tilespmem:s11], [sflag:$0x2] =	stream.indirect_vreg.gather [hbm4b:s2+s3], $0x80, v4, vm0, $0xb8;
	[tilespmem:$0x18800] =	vst v63  }
0xb0: {  	s14 =	simm.s32 $0xE000  }
0xb1: {  	[tilespmem:s14], [sflag:$0x2] =	stream.indirect_vreg.gather [hbm4b:s2+s3], $0x80, v3, vm0, $0xb8;
	[tilespmem:$0x18800] =	vst v63  }
0xb2: {  	v3 =	vld [tilespmem:$0xE0];
	_ =	sdelay $0x4  }
0xb3: {  	v38 =	vshll.u32 v3, $0x1  }
0xb4: {  	v3 =	vand.u32 $0x7, v3;
	v4 =	vand.u32 $0xFFFFFFF0, v38  }
0xb5: {  	v3 =	vor.u32 v3, v4  }
0xb6: {  	v4 =	vperm.xlane v3, v0;
	_ =	sdelay $0x1  }
0xb7: {  	v3 =	vperm.xlane v3, v2;
	v4 =	vadd.s32 v1, v4;
	_ =	sdelay $0x1  }
0xb8: {  	v3 =	vadd.s32 v1, v3;
	_ =	sdelay $0x1  }
0xb9: {  	s15 =	simm.s32 $0xE800  }
0xba: {  	[tilespmem:s15], [sflag:$0x2] =	stream.indirect_vreg.gather [hbm4b:s2+s3], $0x80, v4, vm0, $0xb8;
	[tilespmem:$0x18800] =	vst v63  }
0xbb: {  	s19 =	simm.s32 $0xF000  }
0xbc: {  	[tilespmem:s19], [sflag:$0x2] =	stream.indirect_vreg.gather [hbm4b:s2+s3], $0x80, v3, vm0, $0xb8;
	[tilespmem:$0x18800] =	vst v63  }
0xbd: {  	v3 =	vld [tilespmem:$0xF0];
	_ =	sdelay $0x4  }
0xbe: {  	v39 =	vshll.u32 v3, $0x1  }
0xbf: {  	v3 =	vand.u32 $0x7, v3;
	v4 =	vand.u32 $0xFFFFFFF0, v39  }
0xc0: {  	v3 =	vor.u32 v3, v4  }
0xc1: {  	v4 =	vperm.xlane v3, v0;
	_ =	sdelay $0x1  }
0xc2: {  	v3 =	vperm.xlane v3, v2;
	v4 =	vadd.s32 v1, v4;
	_ =	sdelay $0x1  }
0xc3: {  	v3 =	vadd.s32 v1, v3;
	_ =	sdelay $0x1  }
0xc4: {  	s20 =	simm.s32 $0xF800  }
0xc5: {  	[tilespmem:s20], [sflag:$0x2] =	stream.indirect_vreg.gather [hbm4b:s2+s3], $0x80, v4, vm0, $0xb8;
	[tilespmem:$0x18800] =	vst v63  }
0xc6: {  	s21 =	simm.s32 $0x10000  }
0xc7: {  	[tilespmem:s21], [sflag:$0x2] =	stream.indirect_vreg.gather [hbm4b:s2+s3], $0x80, v3, vm0, $0xb8;
	[tilespmem:$0x18800] =	vst v63  }
0xc8: {  	_ =	swait.ge [sflag:s12], $0x8000  }
0xc9: {  	[sflag:s12] =	ssyncset.done $0x0  }
0xca: {  	s24 =	rddreg [dreg:$0x10];
	[sflag:s12] =	ssyncadd.s32 $0xFFFF8000  }
0xcb: {  	[hbm4b:s24+s3] =	stream.linear.scatter [tilespmem:s9], [sflag:$0x4], $0x8000, $0x38;
	[tilespmem:$0x18800] =	vst v63  }
0xcc: {  	v3 =	vld [tilespmem:$0x100];
	_ =	sdelay $0x4  }
0xcd: {  	v40 =	vshll.u32 v3, $0x1  }
0xce: {  	v3 =	vand.u32 $0x7, v3;
	v4 =	vand.u32 $0xFFFFFFF0, v40  }
0xcf: {  	v3 =	vor.u32 v3, v4  }
0xd0: {  	v4 =	vperm.xlane v3, v0;
	_ =	sdelay $0x1  }
0xd1: {  	v3 =	vperm.xlane v3, v2;
	v4 =	vadd.s32 v1, v4;
	_ =	sdelay $0x1  }
0xd2: {  	v3 =	vadd.s32 v1, v3;
	_ =	sdelay $0x2  }
0xd3: {  	[tilespmem:s13], [sflag:$0x3] =	stream.indirect_vreg.gather [hbm4b:s2+s3], $0x80, v4, vm0, $0xb8;
	[tilespmem:$0x18800] =	vst v63  }
0xd4: {  	s7 =	simm.s32 $0x11000  }
0xd5: {  	[tilespmem:s7], [sflag:$0x3] =	stream.indirect_vreg.gather [hbm4b:s2+s3], $0x80, v3, vm0, $0xb8;
	[tilespmem:$0x18800] =	vst v63  }
0xd6: {  	v3 =	vld [tilespmem:$0x110];
	_ =	sdelay $0x4  }
0xd7: {  	v41 =	vshll.u32 v3, $0x1  }
0xd8: {  	v3 =	vand.u32 $0x7, v3;
	v4 =	vand.u32 $0xFFFFFFF0, v41  }
0xd9: {  	v3 =	vor.u32 v3, v4  }
0xda: {  	v4 =	vperm.xlane v3, v0;
	_ =	sdelay $0x1  }
0xdb: {  	v3 =	vperm.xlane v3, v2;
	v4 =	vadd.s32 v1, v4;
	_ =	sdelay $0x1  }
0xdc: {  	v3 =	vadd.s32 v1, v3;
	_ =	sdelay $0x1  }
0xdd: {  	s11 =	simm.s32 $0x11800  }
0xde: {  	[tilespmem:s11], [sflag:$0x3] =	stream.indirect_vreg.gather [hbm4b:s2+s3], $0x80, v4, vm0, $0xb8;
	[tilespmem:$0x18800] =	vst v63  }
0xdf: {  	s14 =	simm.s32 $0x12000  }
0xe0: {  	[tilespmem:s14], [sflag:$0x3] =	stream.indirect_vreg.gather [hbm4b:s2+s3], $0x80, v3, vm0, $0xb8;
	[tilespmem:$0x18800] =	vst v63  }
0xe1: {  	v3 =	vld [tilespmem:$0x120];
	_ =	sdelay $0x4  }
0xe2: {  	v42 =	vshll.u32 v3, $0x1  }
0xe3: {  	v3 =	vand.u32 $0x7, v3;
	v4 =	vand.u32 $0xFFFFFFF0, v42  }
0xe4: {  	v3 =	vor.u32 v3, v4  }
0xe5: {  	v4 =	vperm.xlane v3, v0;
	_ =	sdelay $0x1  }
0xe6: {  	v3 =	vperm.xlane v3, v2;
	v4 =	vadd.s32 v1, v4;
	_ =	sdelay $0x1  }
0xe7: {  	v3 =	vadd.s32 v1, v3;
	_ =	sdelay $0x1  }
0xe8: {  	s15 =	simm.s32 $0x12800  }
0xe9: {  	[tilespmem:s15], [sflag:$0x3] =	stream.indirect_vreg.gather [hbm4b:s2+s3], $0x80, v4, vm0, $0xb8;
	[tilespmem:$0x18800] =	vst v63  }
0xea: {  	s21 =	simm.s32 $0x13000  }
0xeb: {  	[tilespmem:s21], [sflag:$0x3] =	stream.indirect_vreg.gather [hbm4b:s2+s3], $0x80, v3, vm0, $0xb8;
	[tilespmem:$0x18800] =	vst v63  }
0xec: {  	v3 =	vld [tilespmem:$0x130];
	_ =	sdelay $0x4  }
0xed: {  	v43 =	vshll.u32 v3, $0x1  }
0xee: {  	v3 =	vand.u32 $0x7, v3;
	v4 =	vand.u32 $0xFFFFFFF0, v43  }
0xef: {  	v3 =	vor.u32 v3, v4  }
0xf0: {  	v4 =	vperm.xlane v3, v0;
	_ =	sdelay $0x1  }
0xf1: {  	v3 =	vperm.xlane v3, v2;
	v4 =	vadd.s32 v1, v4;
	_ =	sdelay $0x1  }
0xf2: {  	v3 =	vadd.s32 v1, v3;
	_ =	sdelay $0x1  }
0xf3: {  	s24 =	simm.s32 $0x13800  }
0xf4: {  	[tilespmem:s24], [sflag:$0x3] =	stream.indirect_vreg.gather [hbm4b:s2+s3], $0x80, v4, vm0, $0xb8;
	[tilespmem:$0x18800] =	vst v63  }
0xf5: {  	s7 =	simm.s32 $0x14000  }
0xf6: {  	[tilespmem:s7], [sflag:$0x3] =	stream.indirect_vreg.gather [hbm4b:s2+s3], $0x80, v3, vm0, $0xb8;
	[tilespmem:$0x18800] =	vst v63  }
0xf7: {  	v3 =	vld [tilespmem:$0x140];
	_ =	sdelay $0x4  }
0xf8: {  	v44 =	vshll.u32 v3, $0x1  }
0xf9: {  	v3 =	vand.u32 $0x7, v3;
	v4 =	vand.u32 $0xFFFFFFF0, v44  }
0xfa: {  	v3 =	vor.u32 v3, v4  }
0xfb: {  	v4 =	vperm.xlane v3, v0;
	_ =	sdelay $0x1  }
0xfc: {  	v3 =	vperm.xlane v3, v2;
	v4 =	vadd.s32 v1, v4;
	_ =	sdelay $0x1  }
0xfd: {  	v3 =	vadd.s32 v1, v3;
	_ =	sdelay $0x1  }
0xfe: {  	s11 =	simm.s32 $0x14800  }
0xff: {  	[tilespmem:s11], [sflag:$0x3] =	stream.indirect_vreg.gather [hbm4b:s2+s3], $0x80, v4, vm0, $0xb8;
	[tilespmem:$0x18800] =	vst v63  }
0x100: {  	s14 =	simm.s32 $0x15000  }
0x101: {  	[tilespmem:s14], [sflag:$0x3] =	stream.indirect_vreg.gather [hbm4b:s2+s3], $0x80, v3, vm0, $0xb8;
	[tilespmem:$0x18800] =	vst v63  }
0x102: {  	v3 =	vld [tilespmem:$0x150];
	_ =	sdelay $0x4  }
0x103: {  	v45 =	vshll.u32 v3, $0x1  }
0x104: {  	v3 =	vand.u32 $0x7, v3;
	v4 =	vand.u32 $0xFFFFFFF0, v45  }
0x105: {  	v3 =	vor.u32 v3, v4  }
0x106: {  	v4 =	vperm.xlane v3, v0;
	_ =	sdelay $0x1  }
0x107: {  	v3 =	vperm.xlane v3, v2;
	v4 =	vadd.s32 v1, v4;
	_ =	sdelay $0x1  }
0x108: {  	v3 =	vadd.s32 v1, v3;
	_ =	sdelay $0x1  }
0x109: {  	s15 =	simm.s32 $0x15800  }
0x10a: {  	[tilespmem:s15], [sflag:$0x3] =	stream.indirect_vreg.gather [hbm4b:s2+s3], $0x80, v4, vm0, $0xb8;
	[tilespmem:$0x18800] =	vst v63  }
0x10b: {  	s21 =	simm.s32 $0x16000  }
0x10c: {  	[tilespmem:s21], [sflag:$0x3] =	stream.indirect_vreg.gather [hbm4b:s2+s3], $0x80, v3, vm0, $0xb8;
	[tilespmem:$0x18800] =	vst v63  }
0x10d: {  	v3 =	vld [tilespmem:$0x160];
	_ =	sdelay $0x4  }
0x10e: {  	v46 =	vshll.u32 v3, $0x1  }
0x10f: {  	v3 =	vand.u32 $0x7, v3;
	v4 =	vand.u32 $0xFFFFFFF0, v46  }
0x110: {  	v3 =	vor.u32 v3, v4  }
0x111: {  	v4 =	vperm.xlane v3, v0;
	_ =	sdelay $0x1  }
0x112: {  	v3 =	vperm.xlane v3, v2;
	v4 =	vadd.s32 v1, v4;
	_ =	sdelay $0x1  }
0x113: {  	v3 =	vadd.s32 v1, v3;
	_ =	sdelay $0x1  }
0x114: {  	s24 =	simm.s32 $0x16800  }
0x115: {  	[tilespmem:s24], [sflag:$0x3] =	stream.indirect_vreg.gather [hbm4b:s2+s3], $0x80, v4, vm0, $0xb8;
	[tilespmem:$0x18800] =	vst v63  }
0x116: {  	s7 =	simm.s32 $0x17000  }
0x117: {  	[tilespmem:s7], [sflag:$0x3] =	stream.indirect_vreg.gather [hbm4b:s2+s3], $0x80, v3, vm0, $0xb8;
	[tilespmem:$0x18800] =	vst v63  }
0x118: {  	v3 =	vld [tilespmem:$0x170];
	_ =	sdelay $0x4  }
0x119: {  	v47 =	vshll.u32 v3, $0x1  }
0x11a: {  	v3 =	vand.u32 $0x7, v3;
	v4 =	vand.u32 $0xFFFFFFF0, v47  }
0x11b: {  	v3 =	vor.u32 v3, v4  }
0x11c: {  	v4 =	vperm.xlane v3, v0;
	_ =	sdelay $0x1  }
0x11d: {  	v3 =	vperm.xlane v3, v2;
	v4 =	vadd.s32 v1, v4;
	_ =	sdelay $0x1  }
0x11e: {  	v3 =	vadd.s32 v1, v3;
	_ =	sdelay $0x1  }
0x11f: {  	s11 =	simm.s32 $0x17800  }
0x120: {  	[tilespmem:s11], [sflag:$0x3] =	stream.indirect_vreg.gather [hbm4b:s2+s3], $0x80, v4, vm0, $0xb8;
	[tilespmem:$0x18800] =	vst v63  }
0x121: {  	s14 =	simm.s32 $0x18000  }
0x122: {  	[tilespmem:s14], [sflag:$0x3] =	stream.indirect_vreg.gather [hbm4b:s2+s3], $0x80, v3, vm0, $0xb8;
	[tilespmem:$0x18800] =	vst v63  }
0x123: {  	_ =	swait.ge [sflag:s31], $0x8000  }
0x124: {  	[sflag:s31] =	ssyncset.done $0x0  }
0x125: {  	s15 =	rddreg [dreg:$0x5];
	[sflag:s31] =	ssyncadd.s32 $0xFFFF8000  }
0x126: {  	[hbm4b:s15+s3] =	stream.linear.scatter [tilespmem:s17], [sflag:$0x5], $0x8000, $0x38;
	[tilespmem:$0x18800] =	vst v63  }
0x127: {  	_ =	swait.ge [sflag:s1], $0x8000  }
0x128: {  	[sflag:s1] =	ssyncset.done $0x0  }
0x129: {  	[sflag:s1] =	ssyncadd.s32 $0xFFFF8000  }
0x12a: {  	v3 =	vld [tilespmem:$0x180];
	_ =	sdelay $0x4  }
0x12b: {  	v48 =	vshll.u32 v3, $0x1  }
0x12c: {  	v3 =	vand.u32 $0x7, v3;
	v4 =	vand.u32 $0xFFFFFFF0, v48  }
0x12d: {  	v3 =	vor.u32 v3, v4  }
0x12e: {  	v4 =	vperm.xlane v3, v0;
	_ =	sdelay $0x1  }
0x12f: {  	v3 =	vperm.xlane v3, v2;
	v4 =	vadd.s32 v1, v4;
	_ =	sdelay $0x1  }
0x130: {  	v3 =	vadd.s32 v1, v3;
	_ =	sdelay $0x2  }
0x131: {  	[tilespmem:s9], [sflag:$0x1] =	stream.indirect_vreg.gather [hbm4b:s2+s3], $0x80, v4, vm0, $0xb8;
	[tilespmem:$0x18800] =	vst v63  }
0x132: {  	s10 =	simm.s32 $0x1000  }
0x133: {  	[tilespmem:s10], [sflag:$0x1] =	stream.indirect_vreg.gather [hbm4b:s2+s3], $0x80, v3, vm0, $0xb8;
	[tilespmem:$0x18800] =	vst v63  }
0x134: {  	v3 =	vld [tilespmem:$0x190];
	_ =	sdelay $0x4  }
0x135: {  	v49 =	vshll.u32 v3, $0x1  }
0x136: {  	v3 =	vand.u32 $0x7, v3;
	v4 =	vand.u32 $0xFFFFFFF0, v49  }
0x137: {  	v3 =	vor.u32 v3, v4  }
0x138: {  	v4 =	vperm.xlane v3, v0;
	_ =	sdelay $0x1  }
0x139: {  	v3 =	vperm.xlane v3, v2;
	v4 =	vadd.s32 v1, v4;
	_ =	sdelay $0x1  }
0x13a: {  	v3 =	vadd.s32 v1, v3;
	_ =	sdelay $0x1  }
0x13b: {  	s21 =	simm.s32 $0x1800  }
0x13c: {  	[tilespmem:s21], [sflag:$0x1] =	stream.indirect_vreg.gather [hbm4b:s2+s3], $0x80, v4, vm0, $0xb8;
	[tilespmem:$0x18800] =	vst v63  }
0x13d: {  	s22 =	simm.s32 $0x2000  }
0x13e: {  	[tilespmem:s22], [sflag:$0x1] =	stream.indirect_vreg.gather [hbm4b:s2+s3], $0x80, v3, vm0, $0xb8;
	[tilespmem:$0x18800] =	vst v63  }
0x13f: {  	v3 =	vld [tilespmem:$0x1A0];
	_ =	sdelay $0x4  }
0x140: {  	v50 =	vshll.u32 v3, $0x1  }
0x141: {  	v3 =	vand.u32 $0x7, v3;
	v4 =	vand.u32 $0xFFFFFFF0, v50  }
0x142: {  	v3 =	vor.u32 v3, v4  }
0x143: {  	v4 =	vperm.xlane v3, v0;
	_ =	sdelay $0x1  }
0x144: {  	v3 =	vperm.xlane v3, v2;
	v4 =	vadd.s32 v1, v4;
	_ =	sdelay $0x1  }
0x145: {  	v3 =	vadd.s32 v1, v3;
	_ =	sdelay $0x1  }
0x146: {  	s22 =	simm.s32 $0x2800  }
0x147: {  	[tilespmem:s22], [sflag:$0x1] =	stream.indirect_vreg.gather [hbm4b:s2+s3], $0x80, v4, vm0, $0xb8;
	[tilespmem:$0x18800] =	vst v63  }
0x148: {  	s23 =	simm.s32 $0x3000  }
0x149: {  	[tilespmem:s23], [sflag:$0x1] =	stream.indirect_vreg.gather [hbm4b:s2+s3], $0x80, v3, vm0, $0xb8;
	[tilespmem:$0x18800] =	vst v63  }
0x14a: {  	v3 =	vld [tilespmem:$0x1B0];
	_ =	sdelay $0x4  }
0x14b: {  	v51 =	vshll.u32 v3, $0x1  }
0x14c: {  	v3 =	vand.u32 $0x7, v3;
	v4 =	vand.u32 $0xFFFFFFF0, v51  }
0x14d: {  	v3 =	vor.u32 v3, v4  }
0x14e: {  	v4 =	vperm.xlane v3, v0;
	_ =	sdelay $0x1  }
0x14f: {  	v3 =	vperm.xlane v3, v2;
	v4 =	vadd.s32 v1, v4;
	_ =	sdelay $0x1  }
0x150: {  	v3 =	vadd.s32 v1, v3;
	_ =	sdelay $0x1  }
0x151: {  	s24 =	simm.s32 $0x3800  }
0x152: {  	[tilespmem:s24], [sflag:$0x1] =	stream.indirect_vreg.gather [hbm4b:s2+s3], $0x80, v4, vm0, $0xb8;
	[tilespmem:$0x18800] =	vst v63  }
0x153: {  	s25 =	simm.s32 $0x4000  }
0x154: {  	[tilespmem:s25], [sflag:$0x1] =	stream.indirect_vreg.gather [hbm4b:s2+s3], $0x80, v3, vm0, $0xb8;
	[tilespmem:$0x18800] =	vst v63  }
0x155: {  	v3 =	vld [tilespmem:$0x1C0];
	_ =	sdelay $0x4  }
0x156: {  	v52 =	vshll.u32 v3, $0x1  }
0x157: {  	v3 =	vand.u32 $0x7, v3;
	v4 =	vand.u32 $0xFFFFFFF0, v52  }
0x158: {  	v3 =	vor.u32 v3, v4  }
0x159: {  	v4 =	vperm.xlane v3, v0;
	_ =	sdelay $0x1  }
0x15a: {  	v3 =	vperm.xlane v3, v2;
	v4 =	vadd.s32 v1, v4;
	_ =	sdelay $0x1  }
0x15b: {  	v3 =	vadd.s32 v1, v3;
	_ =	sdelay $0x1  }
0x15c: {  	s25 =	simm.s32 $0x4800  }
0x15d: {  	[tilespmem:s25], [sflag:$0x1] =	stream.indirect_vreg.gather [hbm4b:s2+s3], $0x80, v4, vm0, $0xb8;
	[tilespmem:$0x18800] =	vst v63  }
0x15e: {  	s11 =	simm.s32 $0x5000  }
0x15f: {  	[tilespmem:s11], [sflag:$0x1] =	stream.indirect_vreg.gather [hbm4b:s2+s3], $0x80, v3, vm0, $0xb8;
	[tilespmem:$0x18800] =	vst v63  }
0x160: {  	v3 =	vld [tilespmem:$0x1D0];
	_ =	sdelay $0x4  }
0x161: {  	v53 =	vshll.u32 v3, $0x1  }
0x162: {  	v3 =	vand.u32 $0x7, v3;
	v4 =	vand.u32 $0xFFFFFFF0, v53  }
0x163: {  	v3 =	vor.u32 v3, v4  }
0x164: {  	v4 =	vperm.xlane v3, v0;
	_ =	sdelay $0x1  }
0x165: {  	v3 =	vperm.xlane v3, v2;
	v4 =	vadd.s32 v1, v4;
	_ =	sdelay $0x1  }
0x166: {  	v3 =	vadd.s32 v1, v3;
	_ =	sdelay $0x1  }
0x167: {  	s7 =	simm.s32 $0x5800  }
0x168: {  	[tilespmem:s7], [sflag:$0x1] =	stream.indirect_vreg.gather [hbm4b:s2+s3], $0x80, v4, vm0, $0xb8;
	[tilespmem:$0x18800] =	vst v63  }
0x169: {  	s14 =	simm.s32 $0x6000  }
0x16a: {  	[tilespmem:s14], [sflag:$0x1] =	stream.indirect_vreg.gather [hbm4b:s2+s3], $0x80, v3, vm0, $0xb8;
	[tilespmem:$0x18800] =	vst v63  }
0x16b: {  	v3 =	vld [tilespmem:$0x1E0];
	_ =	sdelay $0x4  }
0x16c: {  	v54 =	vshll.u32 v3, $0x1  }
0x16d: {  	v3 =	vand.u32 $0x7, v3;
	v4 =	vand.u32 $0xFFFFFFF0, v54  }
0x16e: {  	v3 =	vor.u32 v3, v4  }
0x16f: {  	v4 =	vperm.xlane v3, v0;
	_ =	sdelay $0x1  }
0x170: {  	v3 =	vperm.xlane v3, v2;
	v4 =	vadd.s32 v1, v4;
	_ =	sdelay $0x1  }
0x171: {  	v3 =	vadd.s32 v1, v3;
	_ =	sdelay $0x1  }
0x172: {  	s23 =	simm.s32 $0x6800  }
0x173: {  	[tilespmem:s23], [sflag:$0x1] =	stream.indirect_vreg.gather [hbm4b:s2+s3], $0x80, v4, vm0, $0xb8;
	[tilespmem:$0x18800] =	vst v63  }
0x174: {  	s15 =	simm.s32 $0x7000  }
0x175: {  	[tilespmem:s15], [sflag:$0x1] =	stream.indirect_vreg.gather [hbm4b:s2+s3], $0x80, v3, vm0, $0xb8;
	[tilespmem:$0x18800] =	vst v63  }
0x176: {  	v3 =	vld [tilespmem:$0x1F0];
	_ =	sdelay $0x4  }
0x177: {  	v55 =	vshll.u32 v3, $0x1  }
0x178: {  	v3 =	vand.u32 $0x7, v3;
	v4 =	vand.u32 $0xFFFFFFF0, v55  }
0x179: {  	v3 =	vor.u32 v3, v4  }
0x17a: {  	v4 =	vperm.xlane v3, v0;
	_ =	sdelay $0x1  }
0x17b: {  	v3 =	vperm.xlane v3, v2;
	v4 =	vadd.s32 v1, v4;
	_ =	sdelay $0x1  }
0x17c: {  	v3 =	vadd.s32 v1, v3;
	_ =	sdelay $0x1  }
0x17d: {  	s10 =	simm.s32 $0x7800  }
0x17e: {  	[tilespmem:s10], [sflag:$0x1] =	stream.indirect_vreg.gather [hbm4b:s2+s3], $0x80, v4, vm0, $0xb8;
	[tilespmem:$0x18800] =	vst v63  }
0x17f: {  	s16 =	simm.s32 $0x8000  }
0x180: {  	[tilespmem:s16], [sflag:$0x1] =	stream.indirect_vreg.gather [hbm4b:s2+s3], $0x80, v3, vm0, $0xb8;
	[tilespmem:$0x18800] =	vst v63  }
0x181: {  	_ =	swait.ge [sflag:s0], $0x8000  }
0x182: {  	[sflag:s0] =	ssyncset.done $0x0  }
0x183: {  	s16 =	rddreg [dreg:$0x6];
	[sflag:s0] =	ssyncadd.s32 $0xFFFF8000  }
0x184: {  	[hbm4b:s16+s3] =	stream.linear.scatter [tilespmem:s13], [sflag:$0x6], $0x8000, $0x38;
	[tilespmem:$0x18800] =	vst v63  }
0x185: {  	_ =	swait.ge [sflag:s4], $0x8000  }
0x186: {  	[sflag:s4] =	ssyncset.done $0x0  }
0x187: {  	[sflag:s4] =	ssyncadd.s32 $0xFFFF8000  }
0x188: {  	v3 =	vld [tilespmem:$0x200];
	_ =	sdelay $0x4  }
0x189: {  	v56 =	vshll.u32 v3, $0x1  }
0x18a: {  	v3 =	vand.u32 $0x7, v3;
	v4 =	vand.u32 $0xFFFFFFF0, v56  }
0x18b: {  	v3 =	vor.u32 v3, v4  }
0x18c: {  	v4 =	vperm.xlane v3, v0;
	_ =	sdelay $0x1  }
0x18d: {  	v3 =	vperm.xlane v3, v2;
	v4 =	vadd.s32 v1, v4;
	_ =	sdelay $0x1  }
0x18e: {  	v3 =	vadd.s32 v1, v3;
	_ =	sdelay $0x2  }
0x18f: {  	[tilespmem:s17], [sflag:$0x2] =	stream.indirect_vreg.gather [hbm4b:s2+s3], $0x80, v4, vm0, $0xb8;
	[tilespmem:$0x18800] =	vst v63  }
0x190: {  	s28 =	simm.s32 $0x9000  }
0x191: {  	[tilespmem:s28], [sflag:$0x2] =	stream.indirect_vreg.gather [hbm4b:s2+s3], $0x80, v3, vm0, $0xb8;
	[tilespmem:$0x18800] =	vst v63  }
0x192: {  	v3 =	vld [tilespmem:$0x210];
	_ =	sdelay $0x4  }
0x193: {  	v57 =	vshll.u32 v3, $0x1  }
0x194: {  	v3 =	vand.u32 $0x7, v3;
	v4 =	vand.u32 $0xFFFFFFF0, v57  }
0x195: {  	v3 =	vor.u32 v3, v4  }
0x196: {  	v4 =	vperm.xlane v3, v0;
	_ =	sdelay $0x1  }
0x197: {  	v3 =	vperm.xlane v3, v2;
	v4 =	vadd.s32 v1, v4;
	_ =	sdelay $0x1  }
0x198: {  	v3 =	vadd.s32 v1, v3;
	_ =	sdelay $0x1  }
0x199: {  	s16 =	simm.s32 $0x9800  }
0x19a: {  	[tilespmem:s16], [sflag:$0x2] =	stream.indirect_vreg.gather [hbm4b:s2+s3], $0x80, v4, vm0, $0xb8;
	[tilespmem:$0x18800] =	vst v63  }
0x19b: {  	s26 =	simm.s32 $0xA000  }
0x19c: {  	[tilespmem:s26], [sflag:$0x2] =	stream.indirect_vreg.gather [hbm4b:s2+s3], $0x80, v3, vm0, $0xb8;
	[tilespmem:$0x18800] =	vst v63  }
0x19d: {  	v3 =	vld [tilespmem:$0x220];
	_ =	sdelay $0x4  }
0x19e: {  	v58 =	vshll.u32 v3, $0x1  }
0x19f: {  	v3 =	vand.u32 $0x7, v3;
	v4 =	vand.u32 $0xFFFFFFF0, v58  }
0x1a0: {  	v3 =	vor.u32 v3, v4  }
0x1a1: {  	v4 =	vperm.xlane v3, v0;
	_ =	sdelay $0x1  }
0x1a2: {  	v3 =	vperm.xlane v3, v2;
	v4 =	vadd.s32 v1, v4;
	_ =	sdelay $0x1  }
0x1a3: {  	v3 =	vadd.s32 v1, v3;
	_ =	sdelay $0x1  }
0x1a4: {  	s28 =	simm.s32 $0xA800  }
0x1a5: {  	[tilespmem:s28], [sflag:$0x2] =	stream.indirect_vreg.gather [hbm4b:s2+s3], $0x80, v4, vm0, $0xb8;
	[tilespmem:$0x18800] =	vst v63  }
0x1a6: {  	s29 =	simm.s32 $0xB000  }
0x1a7: {  	[tilespmem:s29], [sflag:$0x2] =	stream.indirect_vreg.gather [hbm4b:s2+s3], $0x80, v3, vm0, $0xb8;
	[tilespmem:$0x18800] =	vst v63  }
0x1a8: {  	v3 =	vld [tilespmem:$0x230];
	_ =	sdelay $0x4  }
0x1a9: {  	v59 =	vshll.u32 v3, $0x1  }
0x1aa: {  	v3 =	vand.u32 $0x7, v3;
	v4 =	vand.u32 $0xFFFFFFF0, v59  }
0x1ab: {  	v3 =	vor.u32 v3, v4  }
0x1ac: {  	v4 =	vperm.xlane v3, v0;
	_ =	sdelay $0x1  }
0x1ad: {  	v3 =	vperm.xlane v3, v2;
	v4 =	vadd.s32 v1, v4;
	_ =	sdelay $0x1  }
0x1ae: {  	v3 =	vadd.s32 v1, v3;
	_ =	sdelay $0x1  }
0x1af: {  	s29 =	simm.s32 $0xB800  }
0x1b0: {  	[tilespmem:s29], [sflag:$0x2] =	stream.indirect_vreg.gather [hbm4b:s2+s3], $0x80, v4, vm0, $0xb8;
	[tilespmem:$0x18800] =	vst v63  }
0x1b1: {  	s30 =	simm.s32 $0xC000  }
0x1b2: {  	[tilespmem:s30], [sflag:$0x2] =	stream.indirect_vreg.gather [hbm4b:s2+s3], $0x80, v3, vm0, $0xb8;
	[tilespmem:$0x18800] =	vst v63  }
0x1b3: {  	v3 =	vld [tilespmem:$0x240];
	_ =	sdelay $0x4  }
0x1b4: {  	v60 =	vshll.u32 v3, $0x1  }
0x1b5: {  	v3 =	vand.u32 $0x7, v3;
	v4 =	vand.u32 $0xFFFFFFF0, v60  }
0x1b6: {  	v3 =	vor.u32 v3, v4  }
0x1b7: {  	v4 =	vperm.xlane v3, v0;
	_ =	sdelay $0x1  }
0x1b8: {  	v3 =	vperm.xlane v3, v2;
	v4 =	vadd.s32 v1, v4;
	_ =	sdelay $0x1  }
0x1b9: {  	v3 =	vadd.s32 v1, v3;
	_ =	sdelay $0x1  }
0x1ba: {  	s30 =	simm.s32 $0xC800  }
0x1bb: {  	[tilespmem:s30], [sflag:$0x2] =	stream.indirect_vreg.gather [hbm4b:s2+s3], $0x80, v4, vm0, $0xb8;
	[tilespmem:$0x18800] =	vst v63  }
0x1bc: {  	s16 =	simm.s32 $0xD000  }
0x1bd: {  	[tilespmem:s16], [sflag:$0x2] =	stream.indirect_vreg.gather [hbm4b:s2+s3], $0x80, v3, vm0, $0xb8;
	[tilespmem:$0x18800] =	vst v63  }
0x1be: {  	v3 =	vld [tilespmem:$0x250];
	_ =	sdelay $0x4  }
0x1bf: {  	v61 =	vshll.u32 v3, $0x1  }
0x1c0: {  	v3 =	vand.u32 $0x7, v3;
	v4 =	vand.u32 $0xFFFFFFF0, v61  }
0x1c1: {  	v3 =	vor.u32 v3, v4  }
0x1c2: {  	v4 =	vperm.xlane v3, v0;
	_ =	sdelay $0x1  }
0x1c3: {  	v3 =	vperm.xlane v3, v2;
	v4 =	vadd.s32 v1, v4;
	_ =	sdelay $0x1  }
0x1c4: {  	v3 =	vadd.s32 v1, v3;
	_ =	sdelay $0x1  }
0x1c5: {  	s26 =	simm.s32 $0xD800  }
0x1c6: {  	[tilespmem:s26], [sflag:$0x2] =	stream.indirect_vreg.gather [hbm4b:s2+s3], $0x80, v4, vm0, $0xb8;
	[tilespmem:$0x18800] =	vst v63  }
0x1c7: {  	s18 =	simm.s32 $0xE000  }
0x1c8: {  	[tilespmem:s18], [sflag:$0x2] =	stream.indirect_vreg.gather [hbm4b:s2+s3], $0x80, v3, vm0, $0xb8;
	[tilespmem:$0x18800] =	vst v63  }
0x1c9: {  	v3 =	vld [tilespmem:$0x260];
	_ =	sdelay $0x4  }
0x1ca: {  	v62 =	vshll.u32 v3, $0x1  }
0x1cb: {  	v3 =	vand.u32 $0x7, v3;
	v4 =	vand.u32 $0xFFFFFFF0, v62  }
0x1cc: {  	v3 =	vor.u32 v3, v4  }
0x1cd: {  	v4 =	vperm.xlane v3, v0;
	_ =	sdelay $0x1  }
0x1ce: {  	v3 =	vperm.xlane v3, v2;
	v4 =	vadd.s32 v1, v4;
	_ =	sdelay $0x1  }
0x1cf: {  	v3 =	vadd.s32 v1, v3;
	_ =	sdelay $0x1  }
0x1d0: {  	s28 =	simm.s32 $0xE800  }
0x1d1: {  	[tilespmem:s28], [sflag:$0x2] =	stream.indirect_vreg.gather [hbm4b:s2+s3], $0x80, v4, vm0, $0xb8;
	[tilespmem:$0x18800] =	vst v63  }
0x1d2: {  	s19 =	simm.s32 $0xF000  }
0x1d3: {  	[tilespmem:s19], [sflag:$0x2] =	stream.indirect_vreg.gather [hbm4b:s2+s3], $0x80, v3, vm0, $0xb8;
	[tilespmem:$0x18800] =	vst v63  }
0x1d4: {  	v3 =	vld [tilespmem:$0x270];
	_ =	sdelay $0x4  }
0x1d5: {  	v63 =	vshll.u32 v3, $0x1  }
0x1d6: {  	v3 =	vand.u32 $0x7, v3;
	v4 =	vand.u32 $0xFFFFFFF0, v63  }
0x1d7: {  	v3 =	vor.u32 v3, v4  }
0x1d8: {  	v4 =	vperm.xlane v3, v0;
	_ =	sdelay $0x1  }
0x1d9: {  	v3 =	vperm.xlane v3, v2;
	v4 =	vadd.s32 v1, v4;
	_ =	sdelay $0x1  }
0x1da: {  	v3 =	vadd.s32 v1, v3;
	_ =	sdelay $0x1  }
0x1db: {  	s29 =	simm.s32 $0xF800  }
0x1dc: {  	[tilespmem:s29], [sflag:$0x2] =	stream.indirect_vreg.gather [hbm4b:s2+s3], $0x80, v4, vm0, $0xb8;
	[tilespmem:$0x18800] =	vst v63  }
0x1dd: {  	s20 =	simm.s32 $0x10000  }
0x1de: {  	[tilespmem:s20], [sflag:$0x2] =	stream.indirect_vreg.gather [hbm4b:s2+s3], $0x80, v3, vm0, $0xb8;
	[tilespmem:$0x18800] =	vst v63  }
0x1df: {  	_ =	swait.ge [sflag:s12], $0x8000  }
0x1e0: {  	[sflag:s12] =	ssyncset.done $0x0  }
0x1e1: {  	s30 =	rddreg [dreg:$0x7];
	[sflag:s12] =	ssyncadd.s32 $0xFFFF8000  }
0x1e2: {  	[hbm4b:s30+s3] =	stream.linear.scatter [tilespmem:s9], [sflag:$0x4], $0x8000, $0x38;
	[tilespmem:$0x18800] =	vst v63  }
0x1e3: {  	_ =	swait.ge [sflag:s6], $0x8000  }
0x1e4: {  	[sflag:s6] =	ssyncset.done $0x0  }
0x1e5: {  	[sflag:s6] =	ssyncadd.s32 $0xFFFF8000  }
0x1e6: {  	v3 =	vld [tilespmem:$0x280];
	_ =	sdelay $0x4  }
0x1e7: {  	v8 =	vshll.u32 v3, $0x1  }
0x1e8: {  	v3 =	vand.u32 $0x7, v3;
	v4 =	vand.u32 $0xFFFFFFF0, v8  }
0x1e9: {  	v3 =	vor.u32 v3, v4  }
0x1ea: {  	v4 =	vperm.xlane v3, v0;
	_ =	sdelay $0x1  }
0x1eb: {  	v3 =	vperm.xlane v3, v2;
	v4 =	vadd.s32 v1, v4;
	_ =	sdelay $0x1  }
0x1ec: {  	v3 =	vadd.s32 v1, v3;
	_ =	sdelay $0x2  }
0x1ed: {  	[tilespmem:s13], [sflag:$0x3] =	stream.indirect_vreg.gather [hbm4b:s2+s3], $0x80, v4, vm0, $0xb8;
	[tilespmem:$0x18800] =	vst v63  }
0x1ee: {  	s16 =	simm.s32 $0x11000  }
0x1ef: {  	[tilespmem:s16], [sflag:$0x3] =	stream.indirect_vreg.gather [hbm4b:s2+s3], $0x80, v3, vm0, $0xb8;
	[tilespmem:$0x18800] =	vst v63  }
0x1f0: {  	v3 =	vld [tilespmem:$0x290];
	_ =	sdelay $0x4  }
0x1f1: {  	v9 =	vshll.u32 v3, $0x1  }
0x1f2: {  	v3 =	vand.u32 $0x7, v3;
	v4 =	vand.u32 $0xFFFFFFF0, v9  }
0x1f3: {  	v3 =	vor.u32 v3, v4  }
0x1f4: {  	v4 =	vperm.xlane v3, v0;
	_ =	sdelay $0x1  }
0x1f5: {  	v3 =	vperm.xlane v3, v2;
	v4 =	vadd.s32 v1, v4;
	_ =	sdelay $0x1  }
0x1f6: {  	v3 =	vadd.s32 v1, v3;
	_ =	sdelay $0x1  }
0x1f7: {  	s18 =	simm.s32 $0x11800  }
0x1f8: {  	[tilespmem:s18], [sflag:$0x3] =	stream.indirect_vreg.gather [hbm4b:s2+s3], $0x80, v4, vm0, $0xb8;
	[tilespmem:$0x18800] =	vst v63  }
0x1f9: {  	s19 =	simm.s32 $0x12000  }
0x1fa: {  	[tilespmem:s19], [sflag:$0x3] =	stream.indirect_vreg.gather [hbm4b:s2+s3], $0x80, v3, vm0, $0xb8;
	[tilespmem:$0x18800] =	vst v63  }
0x1fb: {  	v3 =	vld [tilespmem:$0x2A0];
	_ =	sdelay $0x4  }
0x1fc: {  	v10 =	vshll.u32 v3, $0x1  }
0x1fd: {  	v3 =	vand.u32 $0x7, v3;
	v4 =	vand.u32 $0xFFFFFFF0, v10  }
0x1fe: {  	v3 =	vor.u32 v3, v4  }
0x1ff: {  	v4 =	vperm.xlane v3, v0;
	_ =	sdelay $0x1  }
0x200: {  	v3 =	vperm.xlane v3, v2;
	v4 =	vadd.s32 v1, v4;
	_ =	sdelay $0x1  }
0x201: {  	v3 =	vadd.s32 v1, v3;
	_ =	sdelay $0x1  }
0x202: {  	s20 =	simm.s32 $0x12800  }
0x203: {  	[tilespmem:s20], [sflag:$0x3] =	stream.indirect_vreg.gather [hbm4b:s2+s3], $0x80, v4, vm0, $0xb8;
	[tilespmem:$0x18800] =	vst v63  }
0x204: {  	s26 =	simm.s32 $0x13000  }
0x205: {  	[tilespmem:s26], [sflag:$0x3] =	stream.indirect_vreg.gather [hbm4b:s2+s3], $0x80, v3, vm0, $0xb8;
	[tilespmem:$0x18800] =	vst v63  }
0x206: {  	v3 =	vld [tilespmem:$0x2B0];
	_ =	sdelay $0x4  }
0x207: {  	v11 =	vshll.u32 v3, $0x1  }
0x208: {  	v3 =	vand.u32 $0x7, v3;
	v4 =	vand.u32 $0xFFFFFFF0, v11  }
0x209: {  	v3 =	vor.u32 v3, v4  }
0x20a: {  	v4 =	vperm.xlane v3, v0;
	_ =	sdelay $0x1  }
0x20b: {  	v3 =	vperm.xlane v3, v2;
	v4 =	vadd.s32 v1, v4;
	_ =	sdelay $0x1  }
0x20c: {  	v3 =	vadd.s32 v1, v3;
	_ =	sdelay $0x1  }
0x20d: {  	s28 =	simm.s32 $0x13800  }
0x20e: {  	[tilespmem:s28], [sflag:$0x3] =	stream.indirect_vreg.gather [hbm4b:s2+s3], $0x80, v4, vm0, $0xb8;
	[tilespmem:$0x18800] =	vst v63  }
0x20f: {  	s29 =	simm.s32 $0x14000  }
0x210: {  	[tilespmem:s29], [sflag:$0x3] =	stream.indirect_vreg.gather [hbm4b:s2+s3], $0x80, v3, vm0, $0xb8;
	[tilespmem:$0x18800] =	vst v63  }
0x211: {  	v3 =	vld [tilespmem:$0x2C0];
	_ =	sdelay $0x4  }
0x212: {  	v12 =	vshll.u32 v3, $0x1  }
0x213: {  	v3 =	vand.u32 $0x7, v3;
	v4 =	vand.u32 $0xFFFFFFF0, v12  }
0x214: {  	v3 =	vor.u32 v3, v4  }
0x215: {  	v4 =	vperm.xlane v3, v0;
	_ =	sdelay $0x1  }
0x216: {  	v3 =	vperm.xlane v3, v2;
	v4 =	vadd.s32 v1, v4;
	_ =	sdelay $0x1  }
0x217: {  	v3 =	vadd.s32 v1, v3;
	_ =	sdelay $0x1  }
0x218: {  	s20 =	simm.s32 $0x14800  }
0x219: {  	[tilespmem:s20], [sflag:$0x3] =	stream.indirect_vreg.gather [hbm4b:s2+s3], $0x80, v4, vm0, $0xb8;
	[tilespmem:$0x18800] =	vst v63  }
0x21a: {  	s26 =	simm.s32 $0x15000  }
0x21b: {  	[tilespmem:s26], [sflag:$0x3] =	stream.indirect_vreg.gather [hbm4b:s2+s3], $0x80, v3, vm0, $0xb8;
	[tilespmem:$0x18800] =	vst v63  }
0x21c: {  	v3 =	vld [tilespmem:$0x2D0];
	_ =	sdelay $0x4  }
0x21d: {  	v13 =	vshll.u32 v3, $0x1  }
0x21e: {  	v3 =	vand.u32 $0x7, v3;
	v4 =	vand.u32 $0xFFFFFFF0, v13  }
0x21f: {  	v3 =	vor.u32 v3, v4  }
0x220: {  	v4 =	vperm.xlane v3, v0;
	_ =	sdelay $0x1  }
0x221: {  	v3 =	vperm.xlane v3, v2;
	v4 =	vadd.s32 v1, v4;
	_ =	sdelay $0x1  }
0x222: {  	v3 =	vadd.s32 v1, v3;
	_ =	sdelay $0x1  }
0x223: {  	s28 =	simm.s32 $0x15800  }
0x224: {  	[tilespmem:s28], [sflag:$0x3] =	stream.indirect_vreg.gather [hbm4b:s2+s3], $0x80, v4, vm0, $0xb8;
	[tilespmem:$0x18800] =	vst v63  }
0x225: {  	s29 =	simm.s32 $0x16000  }
0x226: {  	[tilespmem:s29], [sflag:$0x3] =	stream.indirect_vreg.gather [hbm4b:s2+s3], $0x80, v3, vm0, $0xb8;
	[tilespmem:$0x18800] =	vst v63  }
0x227: {  	v3 =	vld [tilespmem:$0x2E0];
	_ =	sdelay $0x4  }
0x228: {  	v14 =	vshll.u32 v3, $0x1  }
0x229: {  	v3 =	vand.u32 $0x7, v3;
	v4 =	vand.u32 $0xFFFFFFF0, v14  }
0x22a: {  	v3 =	vor.u32 v3, v4  }
0x22b: {  	v4 =	vperm.xlane v3, v0;
	_ =	sdelay $0x1  }
0x22c: {  	v3 =	vperm.xlane v3, v2;
	v4 =	vadd.s32 v1, v4;
	_ =	sdelay $0x1  }
0x22d: {  	v3 =	vadd.s32 v1, v3;
	_ =	sdelay $0x1  }
0x22e: {  	s28 =	simm.s32 $0x16800  }
0x22f: {  	[tilespmem:s28], [sflag:$0x3] =	stream.indirect_vreg.gather [hbm4b:s2+s3], $0x80, v4, vm0, $0xb8;
	[tilespmem:$0x18800] =	vst v63  }
0x230: {  	s29 =	simm.s32 $0x17000  }
0x231: {  	[tilespmem:s29], [sflag:$0x3] =	stream.indirect_vreg.gather [hbm4b:s2+s3], $0x80, v3, vm0, $0xb8;
	[tilespmem:$0x18800] =	vst v63  }
0x232: {  	v3 =	vld [tilespmem:$0x2F0];
	_ =	sdelay $0x4  }
0x233: {  	v15 =	vshll.u32 v3, $0x1  }
0x234: {  	v3 =	vand.u32 $0x7, v3;
	v4 =	vand.u32 $0xFFFFFFF0, v15  }
0x235: {  	v3 =	vor.u32 v3, v4  }
0x236: {  	v4 =	vperm.xlane v3, v0;
	_ =	sdelay $0x1  }
0x237: {  	v3 =	vperm.xlane v3, v2;
	v4 =	vadd.s32 v1, v4;
	_ =	sdelay $0x1  }
0x238: {  	v3 =	vadd.s32 v1, v3;
	_ =	sdelay $0x1  }
0x239: {  	s29 =	simm.s32 $0x17800  }
0x23a: {  	[tilespmem:s29], [sflag:$0x3] =	stream.indirect_vreg.gather [hbm4b:s2+s3], $0x80, v4, vm0, $0xb8;
	[tilespmem:$0x18800] =	vst v63  }
0x23b: {  	s8 =	simm.s32 $0x18000  }
0x23c: {  	[tilespmem:s8], [sflag:$0x3] =	stream.indirect_vreg.gather [hbm4b:s2+s3], $0x80, v3, vm0, $0xb8;
	[tilespmem:$0x18800] =	vst v63  }
0x23d: {  	_ =	swait.ge [sflag:s31], $0x8000  }
0x23e: {  	[sflag:s31] =	ssyncset.done $0x0  }
0x23f: {  	s8 =	rddreg [dreg:$0x8];
	[sflag:s31] =	ssyncadd.s32 $0xFFFF8000  }
0x240: {  	[hbm4b:s8+s3] =	stream.linear.scatter [tilespmem:s17], [sflag:$0x5], $0x8000, $0x38;
	[tilespmem:$0x18800] =	vst v63  }
0x241: {  	_ =	swait.ge [sflag:s1], $0x8000  }
0x242: {  	[sflag:s1] =	ssyncset.done $0x0  }
0x243: {  	[sflag:s1] =	ssyncadd.s32 $0xFFFF8000  }
0x244: {  	v3 =	vld [tilespmem:$0x300];
	_ =	sdelay $0x4  }
0x245: {  	v16 =	vshll.u32 v3, $0x1  }
0x246: {  	v3 =	vand.u32 $0x7, v3;
	v4 =	vand.u32 $0xFFFFFFF0, v16  }
0x247: {  	v3 =	vor.u32 v3, v4  }
0x248: {  	v4 =	vperm.xlane v3, v0;
	_ =	sdelay $0x1  }
0x249: {  	v3 =	vperm.xlane v3, v2;
	v4 =	vadd.s32 v1, v4;
	_ =	sdelay $0x1  }
0x24a: {  	v3 =	vadd.s32 v1, v3;
	_ =	sdelay $0x2  }
0x24b: {  	[tilespmem:s9], [sflag:$0x1] =	stream.indirect_vreg.gather [hbm4b:s2+s3], $0x80, v4, vm0, $0xb8;
	[tilespmem:$0x18800] =	vst v63  }
0x24c: {  	s8 =	simm.s32 $0x1000  }
0x24d: {  	[tilespmem:s8], [sflag:$0x1] =	stream.indirect_vreg.gather [hbm4b:s2+s3], $0x80, v3, vm0, $0xb8;
	[tilespmem:$0x18800] =	vst v63  }
0x24e: {  	v3 =	vld [tilespmem:$0x310];
	_ =	sdelay $0x4  }
0x24f: {  	v17 =	vshll.u32 v3, $0x1  }
0x250: {  	v3 =	vand.u32 $0x7, v3;
	v4 =	vand.u32 $0xFFFFFFF0, v17  }
0x251: {  	v3 =	vor.u32 v3, v4  }
0x252: {  	v4 =	vperm.xlane v3, v0;
	_ =	sdelay $0x1  }
0x253: {  	v3 =	vperm.xlane v3, v2;
	v4 =	vadd.s32 v1, v4;
	_ =	sdelay $0x1  }
0x254: {  	v3 =	vadd.s32 v1, v3;
	_ =	sdelay $0x2  }
0x255: {  	[tilespmem:s21], [sflag:$0x1] =	stream.indirect_vreg.gather [hbm4b:s2+s3], $0x80, v4, vm0, $0xb8;
	[tilespmem:$0x18800] =	vst v63  }
0x256: {  	s8 =	simm.s32 $0x2000  }
0x257: {  	[tilespmem:s8], [sflag:$0x1] =	stream.indirect_vreg.gather [hbm4b:s2+s3], $0x80, v3, vm0, $0xb8;
	[tilespmem:$0x18800] =	vst v63  }
0x258: {  	v3 =	vld [tilespmem:$0x320];
	_ =	sdelay $0x4  }
0x259: {  	v18 =	vshll.u32 v3, $0x1  }
0x25a: {  	v3 =	vand.u32 $0x7, v3;
	v4 =	vand.u32 $0xFFFFFFF0, v18  }
0x25b: {  	v3 =	vor.u32 v3, v4  }
0x25c: {  	v4 =	vperm.xlane v3, v0;
	_ =	sdelay $0x1  }
0x25d: {  	v3 =	vperm.xlane v3, v2;
	v4 =	vadd.s32 v1, v4;
	_ =	sdelay $0x1  }
0x25e: {  	v3 =	vadd.s32 v1, v3;
	_ =	sdelay $0x2  }
0x25f: {  	[tilespmem:s22], [sflag:$0x1] =	stream.indirect_vreg.gather [hbm4b:s2+s3], $0x80, v4, vm0, $0xb8;
	[tilespmem:$0x18800] =	vst v63  }
0x260: {  	s8 =	simm.s32 $0x3000  }
0x261: {  	[tilespmem:s8], [sflag:$0x1] =	stream.indirect_vreg.gather [hbm4b:s2+s3], $0x80, v3, vm0, $0xb8;
	[tilespmem:$0x18800] =	vst v63  }
0x262: {  	v3 =	vld [tilespmem:$0x330];
	_ =	sdelay $0x4  }
0x263: {  	v19 =	vshll.u32 v3, $0x1  }
0x264: {  	v3 =	vand.u32 $0x7, v3;
	v4 =	vand.u32 $0xFFFFFFF0, v19  }
0x265: {  	v3 =	vor.u32 v3, v4  }
0x266: {  	v4 =	vperm.xlane v3, v0;
	_ =	sdelay $0x1  }
0x267: {  	v3 =	vperm.xlane v3, v2;
	v4 =	vadd.s32 v1, v4;
	_ =	sdelay $0x1  }
0x268: {  	v3 =	vadd.s32 v1, v3;
	_ =	sdelay $0x2  }
0x269: {  	[tilespmem:s24], [sflag:$0x1] =	stream.indirect_vreg.gather [hbm4b:s2+s3], $0x80, v4, vm0, $0xb8;
	[tilespmem:$0x18800] =	vst v63  }
0x26a: {  	s8 =	simm.s32 $0x4000  }
0x26b: {  	[tilespmem:s8], [sflag:$0x1] =	stream.indirect_vreg.gather [hbm4b:s2+s3], $0x80, v3, vm0, $0xb8;
	[tilespmem:$0x18800] =	vst v63  }
0x26c: {  	v3 =	vld [tilespmem:$0x340];
	_ =	sdelay $0x4  }
0x26d: {  	v20 =	vshll.u32 v3, $0x1  }
0x26e: {  	v3 =	vand.u32 $0x7, v3;
	v4 =	vand.u32 $0xFFFFFFF0, v20  }
0x26f: {  	v3 =	vor.u32 v3, v4  }
0x270: {  	v4 =	vperm.xlane v3, v0;
	_ =	sdelay $0x1  }
0x271: {  	v3 =	vperm.xlane v3, v2;
	v4 =	vadd.s32 v1, v4;
	_ =	sdelay $0x1  }
0x272: {  	v3 =	vadd.s32 v1, v3;
	_ =	sdelay $0x2  }
0x273: {  	[tilespmem:s25], [sflag:$0x1] =	stream.indirect_vreg.gather [hbm4b:s2+s3], $0x80, v4, vm0, $0xb8;
	[tilespmem:$0x18800] =	vst v63  }
0x274: {  	_ = 	snop  }
0x275: {  	[tilespmem:s11], [sflag:$0x1] =	stream.indirect_vreg.gather [hbm4b:s2+s3], $0x80, v3, vm0, $0xb8;
	[tilespmem:$0x18800] =	vst v63  }
0x276: {  	v3 =	vld [tilespmem:$0x350];
	_ =	sdelay $0x4  }
0x277: {  	v21 =	vshll.u32 v3, $0x1  }
0x278: {  	v3 =	vand.u32 $0x7, v3;
	v4 =	vand.u32 $0xFFFFFFF0, v21  }
0x279: {  	v3 =	vor.u32 v3, v4  }
0x27a: {  	v4 =	vperm.xlane v3, v0;
	_ =	sdelay $0x1  }
0x27b: {  	v3 =	vperm.xlane v3, v2;
	v4 =	vadd.s32 v1, v4;
	_ =	sdelay $0x1  }
0x27c: {  	v3 =	vadd.s32 v1, v3;
	_ =	sdelay $0x2  }
0x27d: {  	[tilespmem:s7], [sflag:$0x1] =	stream.indirect_vreg.gather [hbm4b:s2+s3], $0x80, v4, vm0, $0xb8;
	[tilespmem:$0x18800] =	vst v63  }
0x27e: {  	_ = 	snop  }
0x27f: {  	[tilespmem:s14], [sflag:$0x1] =	stream.indirect_vreg.gather [hbm4b:s2+s3], $0x80, v3, vm0, $0xb8;
	[tilespmem:$0x18800] =	vst v63  }
0x280: {  	v3 =	vld [tilespmem:$0x360];
	_ =	sdelay $0x4  }
0x281: {  	v22 =	vshll.u32 v3, $0x1  }
0x282: {  	v3 =	vand.u32 $0x7, v3;
	v4 =	vand.u32 $0xFFFFFFF0, v22  }
0x283: {  	v3 =	vor.u32 v3, v4  }
0x284: {  	v4 =	vperm.xlane v3, v0;
	_ =	sdelay $0x1  }
0x285: {  	v3 =	vperm.xlane v3, v2;
	v4 =	vadd.s32 v1, v4;
	_ =	sdelay $0x1  }
0x286: {  	v3 =	vadd.s32 v1, v3;
	_ =	sdelay $0x2  }
0x287: {  	[tilespmem:s23], [sflag:$0x1] =	stream.indirect_vreg.gather [hbm4b:s2+s3], $0x80, v4, vm0, $0xb8;
	[tilespmem:$0x18800] =	vst v63  }
0x288: {  	_ = 	snop  }
0x289: {  	[tilespmem:s15], [sflag:$0x1] =	stream.indirect_vreg.gather [hbm4b:s2+s3], $0x80, v3, vm0, $0xb8;
	[tilespmem:$0x18800] =	vst v63  }
0x28a: {  	v3 =	vld [tilespmem:$0x370];
	_ =	sdelay $0x4  }
0x28b: {  	v23 =	vshll.u32 v3, $0x1  }
0x28c: {  	v3 =	vand.u32 $0x7, v3;
	v4 =	vand.u32 $0xFFFFFFF0, v23  }
0x28d: {  	v3 =	vor.u32 v3, v4  }
0x28e: {  	v4 =	vperm.xlane v3, v0;
	_ =	sdelay $0x1  }
0x28f: {  	v3 =	vperm.xlane v3, v2;
	v4 =	vadd.s32 v1, v4;
	_ =	sdelay $0x1  }
0x290: {  	v3 =	vadd.s32 v1, v3;
	_ =	sdelay $0x2  }
0x291: {  	[tilespmem:s10], [sflag:$0x1] =	stream.indirect_vreg.gather [hbm4b:s2+s3], $0x80, v4, vm0, $0xb8;
	[tilespmem:$0x18800] =	vst v63  }
0x292: {  	s8 =	simm.s32 $0x8000  }
0x293: {  	[tilespmem:s8], [sflag:$0x1] =	stream.indirect_vreg.gather [hbm4b:s2+s3], $0x80, v3, vm0, $0xb8;
	[tilespmem:$0x18800] =	vst v63  }
0x294: {  	_ =	swait.ge [sflag:s0], $0x8000  }
0x295: {  	[sflag:s0] =	ssyncset.done $0x0  }
0x296: {  	s8 =	rddreg [dreg:$0x9];
	[sflag:s0] =	ssyncadd.s32 $0xFFFF8000  }
0x297: {  	[hbm4b:s8+s3] =	stream.linear.scatter [tilespmem:s13], [sflag:$0x6], $0x8000, $0x38;
	[tilespmem:$0x18800] =	vst v63  }
0x298: {  	_ =	swait.ge [sflag:s4], $0x8000  }
0x299: {  	[sflag:s4] =	ssyncset.done $0x0  }
0x29a: {  	[sflag:s4] =	ssyncadd.s32 $0xFFFF8000  }
0x29b: {  	v3 =	vld [tilespmem:$0x380];
	_ =	sdelay $0x4  }
0x29c: {  	v24 =	vshll.u32 v3, $0x1  }
0x29d: {  	v3 =	vand.u32 $0x7, v3;
	v4 =	vand.u32 $0xFFFFFFF0, v24  }
0x29e: {  	v3 =	vor.u32 v3, v4  }
0x29f: {  	v4 =	vperm.xlane v3, v0;
	_ =	sdelay $0x1  }
0x2a0: {  	v3 =	vperm.xlane v3, v2;
	v4 =	vadd.s32 v1, v4;
	_ =	sdelay $0x1  }
0x2a1: {  	v3 =	vadd.s32 v1, v3;
	_ =	sdelay $0x2  }
0x2a2: {  	[tilespmem:s17], [sflag:$0x2] =	stream.indirect_vreg.gather [hbm4b:s2+s3], $0x80, v4, vm0, $0xb8;
	[tilespmem:$0x18800] =	vst v63  }
0x2a3: {  	s8 =	simm.s32 $0x9000  }
0x2a4: {  	[tilespmem:s8], [sflag:$0x2] =	stream.indirect_vreg.gather [hbm4b:s2+s3], $0x80, v3, vm0, $0xb8;
	[tilespmem:$0x18800] =	vst v63  }
0x2a5: {  	v3 =	vld [tilespmem:$0x390];
	_ =	sdelay $0x4  }
0x2a6: {  	v25 =	vshll.u32 v3, $0x1  }
0x2a7: {  	v3 =	vand.u32 $0x7, v3;
	v4 =	vand.u32 $0xFFFFFFF0, v25  }
0x2a8: {  	v3 =	vor.u32 v3, v4  }
0x2a9: {  	v4 =	vperm.xlane v3, v0;
	_ =	sdelay $0x1  }
0x2aa: {  	v3 =	vperm.xlane v3, v2;
	v4 =	vadd.s32 v1, v4;
	_ =	sdelay $0x1  }
0x2ab: {  	v3 =	vadd.s32 v1, v3;
	_ =	sdelay $0x1  }
0x2ac: {  	s8 =	simm.s32 $0x9800  }
0x2ad: {  	[tilespmem:s8], [sflag:$0x2] =	stream.indirect_vreg.gather [hbm4b:s2+s3], $0x80, v4, vm0, $0xb8;
	[tilespmem:$0x18800] =	vst v63  }
0x2ae: {  	s8 =	simm.s32 $0xA000  }
0x2af: {  	[tilespmem:s8], [sflag:$0x2] =	stream.indirect_vreg.gather [hbm4b:s2+s3], $0x80, v3, vm0, $0xb8;
	[tilespmem:$0x18800] =	vst v63  }
0x2b0: {  	v3 =	vld [tilespmem:$0x3A0];
	_ =	sdelay $0x4  }
0x2b1: {  	v26 =	vshll.u32 v3, $0x1  }
0x2b2: {  	v3 =	vand.u32 $0x7, v3;
	v4 =	vand.u32 $0xFFFFFFF0, v26  }
0x2b3: {  	v3 =	vor.u32 v3, v4  }
0x2b4: {  	v4 =	vperm.xlane v3, v0;
	_ =	sdelay $0x1  }
0x2b5: {  	v3 =	vperm.xlane v3, v2;
	v4 =	vadd.s32 v1, v4;
	_ =	sdelay $0x1  }
0x2b6: {  	v3 =	vadd.s32 v1, v3;
	_ =	sdelay $0x1  }
0x2b7: {  	s8 =	simm.s32 $0xA800  }
0x2b8: {  	[tilespmem:s8], [sflag:$0x2] =	stream.indirect_vreg.gather [hbm4b:s2+s3], $0x80, v4, vm0, $0xb8;
	[tilespmem:$0x18800] =	vst v63  }
0x2b9: {  	s8 =	simm.s32 $0xB000  }
0x2ba: {  	[tilespmem:s8], [sflag:$0x2] =	stream.indirect_vreg.gather [hbm4b:s2+s3], $0x80, v3, vm0, $0xb8;
	[tilespmem:$0x18800] =	vst v63  }
0x2bb: {  	v3 =	vld [tilespmem:$0x3B0];
	_ =	sdelay $0x4  }
0x2bc: {  	v27 =	vshll.u32 v3, $0x1  }
0x2bd: {  	v3 =	vand.u32 $0x7, v3;
	v4 =	vand.u32 $0xFFFFFFF0, v27  }
0x2be: {  	v3 =	vor.u32 v3, v4  }
0x2bf: {  	v4 =	vperm.xlane v3, v0;
	_ =	sdelay $0x1  }
0x2c0: {  	v3 =	vperm.xlane v3, v2;
	v4 =	vadd.s32 v1, v4;
	_ =	sdelay $0x1  }
0x2c1: {  	v3 =	vadd.s32 v1, v3;
	_ =	sdelay $0x1  }
0x2c2: {  	s8 =	simm.s32 $0xB800  }
0x2c3: {  	[tilespmem:s8], [sflag:$0x2] =	stream.indirect_vreg.gather [hbm4b:s2+s3], $0x80, v4, vm0, $0xb8;
	[tilespmem:$0x18800] =	vst v63  }
0x2c4: {  	s8 =	simm.s32 $0xC000  }
0x2c5: {  	[tilespmem:s8], [sflag:$0x2] =	stream.indirect_vreg.gather [hbm4b:s2+s3], $0x80, v3, vm0, $0xb8;
	[tilespmem:$0x18800] =	vst v63  }
0x2c6: {  	v3 =	vld [tilespmem:$0x3C0];
	_ =	sdelay $0x4  }
0x2c7: {  	v28 =	vshll.u32 v3, $0x1  }
0x2c8: {  	v3 =	vand.u32 $0x7, v3;
	v4 =	vand.u32 $0xFFFFFFF0, v28  }
0x2c9: {  	v3 =	vor.u32 v3, v4  }
0x2ca: {  	v4 =	vperm.xlane v3, v0;
	_ =	sdelay $0x1  }
0x2cb: {  	v3 =	vperm.xlane v3, v2;
	v4 =	vadd.s32 v1, v4;
	_ =	sdelay $0x1  }
0x2cc: {  	v3 =	vadd.s32 v1, v3;
	_ =	sdelay $0x1  }
0x2cd: {  	s8 =	simm.s32 $0xC800  }
0x2ce: {  	[tilespmem:s8], [sflag:$0x2] =	stream.indirect_vreg.gather [hbm4b:s2+s3], $0x80, v4, vm0, $0xb8;
	[tilespmem:$0x18800] =	vst v63  }
0x2cf: {  	s8 =	simm.s32 $0xD000  }
0x2d0: {  	[tilespmem:s8], [sflag:$0x2] =	stream.indirect_vreg.gather [hbm4b:s2+s3], $0x80, v3, vm0, $0xb8;
	[tilespmem:$0x18800] =	vst v63  }
0x2d1: {  	v3 =	vld [tilespmem:$0x3D0];
	_ =	sdelay $0x4  }
0x2d2: {  	v29 =	vshll.u32 v3, $0x1  }
0x2d3: {  	v3 =	vand.u32 $0x7, v3;
	v4 =	vand.u32 $0xFFFFFFF0, v29  }
0x2d4: {  	v3 =	vor.u32 v3, v4  }
0x2d5: {  	v4 =	vperm.xlane v3, v0;
	_ =	sdelay $0x1  }
0x2d6: {  	v3 =	vperm.xlane v3, v2;
	v4 =	vadd.s32 v1, v4;
	_ =	sdelay $0x1  }
0x2d7: {  	v3 =	vadd.s32 v1, v3;
	_ =	sdelay $0x1  }
0x2d8: {  	s8 =	simm.s32 $0xD800  }
0x2d9: {  	[tilespmem:s8], [sflag:$0x2] =	stream.indirect_vreg.gather [hbm4b:s2+s3], $0x80, v4, vm0, $0xb8;
	[tilespmem:$0x18800] =	vst v63  }
0x2da: {  	s8 =	simm.s32 $0xE000  }
0x2db: {  	[tilespmem:s8], [sflag:$0x2] =	stream.indirect_vreg.gather [hbm4b:s2+s3], $0x80, v3, vm0, $0xb8;
	[tilespmem:$0x18800] =	vst v63  }
0x2dc: {  	v3 =	vld [tilespmem:$0x3E0];
	_ =	sdelay $0x4  }
0x2dd: {  	v30 =	vshll.u32 v3, $0x1  }
0x2de: {  	v3 =	vand.u32 $0x7, v3;
	v4 =	vand.u32 $0xFFFFFFF0, v30  }
0x2df: {  	v3 =	vor.u32 v3, v4  }
0x2e0: {  	v4 =	vperm.xlane v3, v0;
	_ =	sdelay $0x1  }
0x2e1: {  	v3 =	vperm.xlane v3, v2;
	v4 =	vadd.s32 v1, v4;
	_ =	sdelay $0x1  }
0x2e2: {  	v3 =	vadd.s32 v1, v3;
	_ =	sdelay $0x1  }
0x2e3: {  	s8 =	simm.s32 $0xE800  }
0x2e4: {  	[tilespmem:s8], [sflag:$0x2] =	stream.indirect_vreg.gather [hbm4b:s2+s3], $0x80, v4, vm0, $0xb8;
	[tilespmem:$0x18800] =	vst v63  }
0x2e5: {  	s8 =	simm.s32 $0xF000  }
0x2e6: {  	[tilespmem:s8], [sflag:$0x2] =	stream.indirect_vreg.gather [hbm4b:s2+s3], $0x80, v3, vm0, $0xb8;
	[tilespmem:$0x18800] =	vst v63  }
0x2e7: {  	v3 =	vld [tilespmem:$0x3F0];
	_ =	sdelay $0x4  }
0x2e8: {  	v31 =	vshll.u32 v3, $0x1  }
0x2e9: {  	v3 =	vand.u32 $0x7, v3;
	v4 =	vand.u32 $0xFFFFFFF0, v31  }
0x2ea: {  	v3 =	vor.u32 v3, v4  }
0x2eb: {  	v4 =	vperm.xlane v3, v0;
	_ =	sdelay $0x1  }
0x2ec: {  	v3 =	vperm.xlane v3, v2;
	v4 =	vadd.s32 v1, v4;
	_ =	sdelay $0x1  }
0x2ed: {  	v3 =	vadd.s32 v1, v3;
	_ =	sdelay $0x1  }
0x2ee: {  	s8 =	simm.s32 $0xF800  }
0x2ef: {  	[tilespmem:s8], [sflag:$0x2] =	stream.indirect_vreg.gather [hbm4b:s2+s3], $0x80, v4, vm0, $0xb8;
	[tilespmem:$0x18800] =	vst v63  }
0x2f0: {  	s8 =	simm.s32 $0x10000  }
0x2f1: {  	[tilespmem:s8], [sflag:$0x2] =	stream.indirect_vreg.gather [hbm4b:s2+s3], $0x80, v3, vm0, $0xb8;
	[tilespmem:$0x18800] =	vst v63  }
0x2f2: {  	_ =	swait.ge [sflag:s12], $0x8000  }
0x2f3: {  	[sflag:s12] =	ssyncset.done $0x0  }
0x2f4: {  	s8 =	rddreg [dreg:$0xa];
	[sflag:s12] =	ssyncadd.s32 $0xFFFF8000  }
0x2f5: {  	[hbm4b:s8+s3] =	stream.linear.scatter [tilespmem:s9], [sflag:$0x4], $0x8000, $0x38;
	[tilespmem:$0x18800] =	vst v63  }
0x2f6: {  	_ =	swait.ge [sflag:s6], $0x8000  }
0x2f7: {  	[sflag:s6] =	ssyncset.done $0x0  }
0x2f8: {  	[sflag:s6] =	ssyncadd.s32 $0xFFFF8000  }
0x2f9: {  	v3 =	vld [tilespmem:$0x400];
	_ =	sdelay $0x4  }
0x2fa: {  	v32 =	vshll.u32 v3, $0x1  }
0x2fb: {  	v3 =	vand.u32 $0x7, v3;
	v4 =	vand.u32 $0xFFFFFFF0, v32  }
0x2fc: {  	v3 =	vor.u32 v3, v4  }
0x2fd: {  	v4 =	vperm.xlane v3, v0;
	_ =	sdelay $0x1  }
0x2fe: {  	v3 =	vperm.xlane v3, v2;
	v4 =	vadd.s32 v1, v4;
	_ =	sdelay $0x1  }
0x2ff: {  	v3 =	vadd.s32 v1, v3;
	_ =	sdelay $0x2  }
0x300: {  	[tilespmem:s13], [sflag:$0x3] =	stream.indirect_vreg.gather [hbm4b:s2+s3], $0x80, v4, vm0, $0xb8;
	[tilespmem:$0x18800] =	vst v63  }
0x301: {  	s30 =	simm.s32 $0x11000  }
0x302: {  	[tilespmem:s30], [sflag:$0x3] =	stream.indirect_vreg.gather [hbm4b:s2+s3], $0x80, v3, vm0, $0xb8;
	[tilespmem:$0x18800] =	vst v63  }
0x303: {  	v3 =	vld [tilespmem:$0x410];
	_ =	sdelay $0x4  }
0x304: {  	v33 =	vshll.u32 v3, $0x1  }
0x305: {  	v3 =	vand.u32 $0x7, v3;
	v4 =	vand.u32 $0xFFFFFFF0, v33  }
0x306: {  	v3 =	vor.u32 v3, v4  }
0x307: {  	v4 =	vperm.xlane v3, v0;
	_ =	sdelay $0x1  }
0x308: {  	v3 =	vperm.xlane v3, v2;
	v4 =	vadd.s32 v1, v4;
	_ =	sdelay $0x1  }
0x309: {  	v3 =	vadd.s32 v1, v3;
	_ =	sdelay $0x1  }
0x30a: {  	s16 =	simm.s32 $0x11800  }
0x30b: {  	[tilespmem:s16], [sflag:$0x3] =	stream.indirect_vreg.gather [hbm4b:s2+s3], $0x80, v4, vm0, $0xb8;
	[tilespmem:$0x18800] =	vst v63  }
0x30c: {  	s8 =	simm.s32 $0x12000  }
0x30d: {  	[tilespmem:s8], [sflag:$0x3] =	stream.indirect_vreg.gather [hbm4b:s2+s3], $0x80, v3, vm0, $0xb8;
	[tilespmem:$0x18800] =	vst v63  }
0x30e: {  	v3 =	vld [tilespmem:$0x420];
	_ =	sdelay $0x4  }
0x30f: {  	v34 =	vshll.u32 v3, $0x1  }
0x310: {  	v3 =	vand.u32 $0x7, v3;
	v4 =	vand.u32 $0xFFFFFFF0, v34  }
0x311: {  	v3 =	vor.u32 v3, v4  }
0x312: {  	v4 =	vperm.xlane v3, v0;
	_ =	sdelay $0x1  }
0x313: {  	v3 =	vperm.xlane v3, v2;
	v4 =	vadd.s32 v1, v4;
	_ =	sdelay $0x1  }
0x314: {  	v3 =	vadd.s32 v1, v3;
	_ =	sdelay $0x1  }
0x315: {  	s18 =	simm.s32 $0x12800  }
0x316: {  	[tilespmem:s18], [sflag:$0x3] =	stream.indirect_vreg.gather [hbm4b:s2+s3], $0x80, v4, vm0, $0xb8;
	[tilespmem:$0x18800] =	vst v63  }
0x317: {  	s8 =	simm.s32 $0x13000  }
0x318: {  	[tilespmem:s8], [sflag:$0x3] =	stream.indirect_vreg.gather [hbm4b:s2+s3], $0x80, v3, vm0, $0xb8;
	[tilespmem:$0x18800] =	vst v63  }
0x319: {  	v3 =	vld [tilespmem:$0x430];
	_ =	sdelay $0x4  }
0x31a: {  	v35 =	vshll.u32 v3, $0x1  }
0x31b: {  	v3 =	vand.u32 $0x7, v3;
	v4 =	vand.u32 $0xFFFFFFF0, v35  }
0x31c: {  	v3 =	vor.u32 v3, v4  }
0x31d: {  	v4 =	vperm.xlane v3, v0;
	_ =	sdelay $0x1  }
0x31e: {  	v3 =	vperm.xlane v3, v2;
	v4 =	vadd.s32 v1, v4;
	_ =	sdelay $0x1  }
0x31f: {  	v3 =	vadd.s32 v1, v3;
	_ =	sdelay $0x1  }
0x320: {  	s19 =	simm.s32 $0x13800  }
0x321: {  	[tilespmem:s19], [sflag:$0x3] =	stream.indirect_vreg.gather [hbm4b:s2+s3], $0x80, v4, vm0, $0xb8;
	[tilespmem:$0x18800] =	vst v63  }
0x322: {  	s8 =	simm.s32 $0x14000  }
0x323: {  	[tilespmem:s8], [sflag:$0x3] =	stream.indirect_vreg.gather [hbm4b:s2+s3], $0x80, v3, vm0, $0xb8;
	[tilespmem:$0x18800] =	vst v63  }
0x324: {  	v3 =	vld [tilespmem:$0x440];
	_ =	sdelay $0x4  }
0x325: {  	v36 =	vshll.u32 v3, $0x1  }
0x326: {  	v3 =	vand.u32 $0x7, v3;
	v4 =	vand.u32 $0xFFFFFFF0, v36  }
0x327: {  	v3 =	vor.u32 v3, v4  }
0x328: {  	v4 =	vperm.xlane v3, v0;
	_ =	sdelay $0x1  }
0x329: {  	v3 =	vperm.xlane v3, v2;
	v4 =	vadd.s32 v1, v4;
	_ =	sdelay $0x1  }
0x32a: {  	v3 =	vadd.s32 v1, v3;
	_ =	sdelay $0x1  }
0x32b: {  	s20 =	simm.s32 $0x14800  }
0x32c: {  	[tilespmem:s20], [sflag:$0x3] =	stream.indirect_vreg.gather [hbm4b:s2+s3], $0x80, v4, vm0, $0xb8;
	[tilespmem:$0x18800] =	vst v63  }
0x32d: {  	s8 =	simm.s32 $0x15000  }
0x32e: {  	[tilespmem:s8], [sflag:$0x3] =	stream.indirect_vreg.gather [hbm4b:s2+s3], $0x80, v3, vm0, $0xb8;
	[tilespmem:$0x18800] =	vst v63  }
0x32f: {  	v3 =	vld [tilespmem:$0x450];
	_ =	sdelay $0x4  }
0x330: {  	v37 =	vshll.u32 v3, $0x1  }
0x331: {  	v3 =	vand.u32 $0x7, v3;
	v4 =	vand.u32 $0xFFFFFFF0, v37  }
0x332: {  	v3 =	vor.u32 v3, v4  }
0x333: {  	v4 =	vperm.xlane v3, v0;
	_ =	sdelay $0x1  }
0x334: {  	v3 =	vperm.xlane v3, v2;
	v4 =	vadd.s32 v1, v4;
	_ =	sdelay $0x1  }
0x335: {  	v3 =	vadd.s32 v1, v3;
	_ =	sdelay $0x1  }
0x336: {  	s26 =	simm.s32 $0x15800  }
0x337: {  	[tilespmem:s26], [sflag:$0x3] =	stream.indirect_vreg.gather [hbm4b:s2+s3], $0x80, v4, vm0, $0xb8;
	[tilespmem:$0x18800] =	vst v63  }
0x338: {  	s8 =	simm.s32 $0x16000  }
0x339: {  	[tilespmem:s8], [sflag:$0x3] =	stream.indirect_vreg.gather [hbm4b:s2+s3], $0x80, v3, vm0, $0xb8;
	[tilespmem:$0x18800] =	vst v63  }
0x33a: {  	v3 =	vld [tilespmem:$0x460];
	_ =	sdelay $0x4  }
0x33b: {  	v38 =	vshll.u32 v3, $0x1  }
0x33c: {  	v3 =	vand.u32 $0x7, v3;
	v4 =	vand.u32 $0xFFFFFFF0, v38  }
0x33d: {  	v3 =	vor.u32 v3, v4  }
0x33e: {  	v4 =	vperm.xlane v3, v0;
	_ =	sdelay $0x1  }
0x33f: {  	v3 =	vperm.xlane v3, v2;
	v4 =	vadd.s32 v1, v4;
	_ =	sdelay $0x1  }
0x340: {  	v3 =	vadd.s32 v1, v3;
	_ =	sdelay $0x1  }
0x341: {  	s28 =	simm.s32 $0x16800  }
0x342: {  	[tilespmem:s28], [sflag:$0x3] =	stream.indirect_vreg.gather [hbm4b:s2+s3], $0x80, v4, vm0, $0xb8;
	[tilespmem:$0x18800] =	vst v63  }
0x343: {  	s8 =	simm.s32 $0x17000  }
0x344: {  	[tilespmem:s8], [sflag:$0x3] =	stream.indirect_vreg.gather [hbm4b:s2+s3], $0x80, v3, vm0, $0xb8;
	[tilespmem:$0x18800] =	vst v63  }
0x345: {  	v3 =	vld [tilespmem:$0x470];
	_ =	sdelay $0x4  }
0x346: {  	v39 =	vshll.u32 v3, $0x1  }
0x347: {  	v3 =	vand.u32 $0x7, v3;
	v4 =	vand.u32 $0xFFFFFFF0, v39  }
0x348: {  	v3 =	vor.u32 v3, v4  }
0x349: {  	v4 =	vperm.xlane v3, v0;
	_ =	sdelay $0x1  }
0x34a: {  	v3 =	vperm.xlane v3, v2;
	v4 =	vadd.s32 v1, v4;
	_ =	sdelay $0x1  }
0x34b: {  	v3 =	vadd.s32 v1, v3;
	_ =	sdelay $0x1  }
0x34c: {  	s29 =	simm.s32 $0x17800  }
0x34d: {  	[tilespmem:s29], [sflag:$0x3] =	stream.indirect_vreg.gather [hbm4b:s2+s3], $0x80, v4, vm0, $0xb8;
	[tilespmem:$0x18800] =	vst v63  }
0x34e: {  	s8 =	simm.s32 $0x18000  }
0x34f: {  	[tilespmem:s8], [sflag:$0x3] =	stream.indirect_vreg.gather [hbm4b:s2+s3], $0x80, v3, vm0, $0xb8;
	[tilespmem:$0x18800] =	vst v63  }
0x350: {  	_ =	swait.ge [sflag:s31], $0x8000  }
0x351: {  	[sflag:s31] =	ssyncset.done $0x0  }
0x352: {  	s8 =	rddreg [dreg:$0xb];
	[sflag:s31] =	ssyncadd.s32 $0xFFFF8000  }
0x353: {  	[hbm4b:s8+s3] =	stream.linear.scatter [tilespmem:s17], [sflag:$0x5], $0x8000, $0x38;
	[tilespmem:$0x18800] =	vst v63  }
0x354: {  	_ =	swait.ge [sflag:s1], $0x8000  }
0x355: {  	[sflag:s1] =	ssyncset.done $0x0  }
0x356: {  	[sflag:s1] =	ssyncadd.s32 $0xFFFF8000  }
0x357: {  	v3 =	vld [tilespmem:$0x480];
	_ =	sdelay $0x4  }
0x358: {  	v40 =	vshll.u32 v3, $0x1  }
0x359: {  	v3 =	vand.u32 $0x7, v3;
	v4 =	vand.u32 $0xFFFFFFF0, v40  }
0x35a: {  	v3 =	vor.u32 v3, v4  }
0x35b: {  	v4 =	vperm.xlane v3, v0;
	_ =	sdelay $0x1  }
0x35c: {  	v3 =	vperm.xlane v3, v2;
	v4 =	vadd.s32 v1, v4;
	_ =	sdelay $0x1  }
0x35d: {  	v3 =	vadd.s32 v1, v3;
	_ =	sdelay $0x2  }
0x35e: {  	[tilespmem:s9], [sflag:$0x1] =	stream.indirect_vreg.gather [hbm4b:s2+s3], $0x80, v4, vm0, $0xb8;
	[tilespmem:$0x18800] =	vst v63  }
0x35f: {  	s8 =	simm.s32 $0x1000  }
0x360: {  	[tilespmem:s8], [sflag:$0x1] =	stream.indirect_vreg.gather [hbm4b:s2+s3], $0x80, v3, vm0, $0xb8;
	[tilespmem:$0x18800] =	vst v63  }
0x361: {  	v3 =	vld [tilespmem:$0x490];
	_ =	sdelay $0x4  }
0x362: {  	v41 =	vshll.u32 v3, $0x1  }
0x363: {  	v3 =	vand.u32 $0x7, v3;
	v4 =	vand.u32 $0xFFFFFFF0, v41  }
0x364: {  	v3 =	vor.u32 v3, v4  }
0x365: {  	v4 =	vperm.xlane v3, v0;
	_ =	sdelay $0x1  }
0x366: {  	v3 =	vperm.xlane v3, v2;
	v4 =	vadd.s32 v1, v4;
	_ =	sdelay $0x1  }
0x367: {  	v3 =	vadd.s32 v1, v3;
	_ =	sdelay $0x1  }
0x368: {  	s21 =	simm.s32 $0x1800  }
0x369: {  	[tilespmem:s21], [sflag:$0x1] =	stream.indirect_vreg.gather [hbm4b:s2+s3], $0x80, v4, vm0, $0xb8;
	[tilespmem:$0x18800] =	vst v63  }
0x36a: {  	s21 =	simm.s32 $0x2000  }
0x36b: {  	[tilespmem:s21], [sflag:$0x1] =	stream.indirect_vreg.gather [hbm4b:s2+s3], $0x80, v3, vm0, $0xb8;
	[tilespmem:$0x18800] =	vst v63  }
0x36c: {  	v3 =	vld [tilespmem:$0x4A0];
	_ =	sdelay $0x4  }
0x36d: {  	v42 =	vshll.u32 v3, $0x1  }
0x36e: {  	v3 =	vand.u32 $0x7, v3;
	v4 =	vand.u32 $0xFFFFFFF0, v42  }
0x36f: {  	v3 =	vor.u32 v3, v4  }
0x370: {  	v4 =	vperm.xlane v3, v0;
	_ =	sdelay $0x1  }
0x371: {  	v3 =	vperm.xlane v3, v2;
	v4 =	vadd.s32 v1, v4;
	_ =	sdelay $0x1  }
0x372: {  	v3 =	vadd.s32 v1, v3;
	_ =	sdelay $0x1  }
0x373: {  	s22 =	simm.s32 $0x2800  }
0x374: {  	[tilespmem:s22], [sflag:$0x1] =	stream.indirect_vreg.gather [hbm4b:s2+s3], $0x80, v4, vm0, $0xb8;
	[tilespmem:$0x18800] =	vst v63  }
0x375: {  	s21 =	simm.s32 $0x3000  }
0x376: {  	[tilespmem:s21], [sflag:$0x1] =	stream.indirect_vreg.gather [hbm4b:s2+s3], $0x80, v3, vm0, $0xb8;
	[tilespmem:$0x18800] =	vst v63  }
0x377: {  	v3 =	vld [tilespmem:$0x4B0];
	_ =	sdelay $0x4  }
0x378: {  	v43 =	vshll.u32 v3, $0x1  }
0x379: {  	v3 =	vand.u32 $0x7, v3;
	v4 =	vand.u32 $0xFFFFFFF0, v43  }
0x37a: {  	v3 =	vor.u32 v3, v4  }
0x37b: {  	v4 =	vperm.xlane v3, v0;
	_ =	sdelay $0x1  }
0x37c: {  	v3 =	vperm.xlane v3, v2;
	v4 =	vadd.s32 v1, v4;
	_ =	sdelay $0x1  }
0x37d: {  	v3 =	vadd.s32 v1, v3;
	_ =	sdelay $0x1  }
0x37e: {  	s24 =	simm.s32 $0x3800  }
0x37f: {  	[tilespmem:s24], [sflag:$0x1] =	stream.indirect_vreg.gather [hbm4b:s2+s3], $0x80, v4, vm0, $0xb8;
	[tilespmem:$0x18800] =	vst v63  }
0x380: {  	s22 =	simm.s32 $0x4000  }
0x381: {  	[tilespmem:s22], [sflag:$0x1] =	stream.indirect_vreg.gather [hbm4b:s2+s3], $0x80, v3, vm0, $0xb8;
	[tilespmem:$0x18800] =	vst v63  }
0x382: {  	v3 =	vld [tilespmem:$0x4C0];
	_ =	sdelay $0x4  }
0x383: {  	v44 =	vshll.u32 v3, $0x1  }
0x384: {  	v3 =	vand.u32 $0x7, v3;
	v4 =	vand.u32 $0xFFFFFFF0, v44  }
0x385: {  	v3 =	vor.u32 v3, v4  }
0x386: {  	v4 =	vperm.xlane v3, v0;
	_ =	sdelay $0x1  }
0x387: {  	v3 =	vperm.xlane v3, v2;
	v4 =	vadd.s32 v1, v4;
	_ =	sdelay $0x1  }
0x388: {  	v3 =	vadd.s32 v1, v3;
	_ =	sdelay $0x1  }
0x389: {  	s25 =	simm.s32 $0x4800  }
0x38a: {  	[tilespmem:s25], [sflag:$0x1] =	stream.indirect_vreg.gather [hbm4b:s2+s3], $0x80, v4, vm0, $0xb8;
	[tilespmem:$0x18800] =	vst v63  }
0x38b: {  	s11 =	simm.s32 $0x5000  }
0x38c: {  	[tilespmem:s11], [sflag:$0x1] =	stream.indirect_vreg.gather [hbm4b:s2+s3], $0x80, v3, vm0, $0xb8;
	[tilespmem:$0x18800] =	vst v63  }
0x38d: {  	v3 =	vld [tilespmem:$0x4D0];
	_ =	sdelay $0x4  }
0x38e: {  	v45 =	vshll.u32 v3, $0x1  }
0x38f: {  	v3 =	vand.u32 $0x7, v3;
	v4 =	vand.u32 $0xFFFFFFF0, v45  }
0x390: {  	v3 =	vor.u32 v3, v4  }
0x391: {  	v4 =	vperm.xlane v3, v0;
	_ =	sdelay $0x1  }
0x392: {  	v3 =	vperm.xlane v3, v2;
	v4 =	vadd.s32 v1, v4;
	_ =	sdelay $0x1  }
0x393: {  	v3 =	vadd.s32 v1, v3;
	_ =	sdelay $0x1  }
0x394: {  	s7 =	simm.s32 $0x5800  }
0x395: {  	[tilespmem:s7], [sflag:$0x1] =	stream.indirect_vreg.gather [hbm4b:s2+s3], $0x80, v4, vm0, $0xb8;
	[tilespmem:$0x18800] =	vst v63  }
0x396: {  	s14 =	simm.s32 $0x6000  }
0x397: {  	[tilespmem:s14], [sflag:$0x1] =	stream.indirect_vreg.gather [hbm4b:s2+s3], $0x80, v3, vm0, $0xb8;
	[tilespmem:$0x18800] =	vst v63  }
0x398: {  	v3 =	vld [tilespmem:$0x4E0];
	_ =	sdelay $0x4  }
0x399: {  	v46 =	vshll.u32 v3, $0x1  }
0x39a: {  	v3 =	vand.u32 $0x7, v3;
	v4 =	vand.u32 $0xFFFFFFF0, v46  }
0x39b: {  	v3 =	vor.u32 v3, v4  }
0x39c: {  	v4 =	vperm.xlane v3, v0;
	_ =	sdelay $0x1  }
0x39d: {  	v3 =	vperm.xlane v3, v2;
	v4 =	vadd.s32 v1, v4;
	_ =	sdelay $0x1  }
0x39e: {  	v3 =	vadd.s32 v1, v3;
	_ =	sdelay $0x1  }
0x39f: {  	s23 =	simm.s32 $0x6800  }
0x3a0: {  	[tilespmem:s23], [sflag:$0x1] =	stream.indirect_vreg.gather [hbm4b:s2+s3], $0x80, v4, vm0, $0xb8;
	[tilespmem:$0x18800] =	vst v63  }
0x3a1: {  	s15 =	simm.s32 $0x7000  }
0x3a2: {  	[tilespmem:s15], [sflag:$0x1] =	stream.indirect_vreg.gather [hbm4b:s2+s3], $0x80, v3, vm0, $0xb8;
	[tilespmem:$0x18800] =	vst v63  }
0x3a3: {  	v3 =	vld [tilespmem:$0x4F0];
	_ =	sdelay $0x4  }
0x3a4: {  	v47 =	vshll.u32 v3, $0x1  }
0x3a5: {  	v3 =	vand.u32 $0x7, v3;
	v4 =	vand.u32 $0xFFFFFFF0, v47  }
0x3a6: {  	v3 =	vor.u32 v3, v4  }
0x3a7: {  	v4 =	vperm.xlane v3, v0;
	_ =	sdelay $0x1  }
0x3a8: {  	v3 =	vperm.xlane v3, v2;
	v4 =	vadd.s32 v1, v4;
	_ =	sdelay $0x1  }
0x3a9: {  	v3 =	vadd.s32 v1, v3;
	_ =	sdelay $0x1  }
0x3aa: {  	s10 =	simm.s32 $0x7800  }
0x3ab: {  	[tilespmem:s10], [sflag:$0x1] =	stream.indirect_vreg.gather [hbm4b:s2+s3], $0x80, v4, vm0, $0xb8;
	[tilespmem:$0x18800] =	vst v63  }
0x3ac: {  	s23 =	simm.s32 $0x8000  }
0x3ad: {  	[tilespmem:s23], [sflag:$0x1] =	stream.indirect_vreg.gather [hbm4b:s2+s3], $0x80, v3, vm0, $0xb8;
	[tilespmem:$0x18800] =	vst v63  }
0x3ae: {  	_ =	swait.ge [sflag:s0], $0x8000  }
0x3af: {  	[sflag:s0] =	ssyncset.done $0x0  }
0x3b0: {  	s24 =	rddreg [dreg:$0xc];
	[sflag:s0] =	ssyncadd.s32 $0xFFFF8000  }
0x3b1: {  	[hbm4b:s24+s3] =	stream.linear.scatter [tilespmem:s13], [sflag:$0x6], $0x8000, $0x38;
	[tilespmem:$0x18800] =	vst v63  }
0x3b2: {  	_ =	swait.ge [sflag:s4], $0x8000  }
0x3b3: {  	[sflag:s4] =	ssyncset.done $0x0  }
0x3b4: {  	[sflag:s4] =	ssyncadd.s32 $0xFFFF8000  }
0x3b5: {  	v3 =	vld [tilespmem:$0x500];
	_ =	sdelay $0x4  }
0x3b6: {  	v48 =	vshll.u32 v3, $0x1  }
0x3b7: {  	v3 =	vand.u32 $0x7, v3;
	v4 =	vand.u32 $0xFFFFFFF0, v48  }
0x3b8: {  	v3 =	vor.u32 v3, v4  }
0x3b9: {  	v4 =	vperm.xlane v3, v0;
	_ =	sdelay $0x1  }
0x3ba: {  	v3 =	vperm.xlane v3, v2;
	v4 =	vadd.s32 v1, v4;
	_ =	sdelay $0x1  }
0x3bb: {  	v3 =	vadd.s32 v1, v3;
	_ =	sdelay $0x2  }
0x3bc: {  	[tilespmem:s17], [sflag:$0x2] =	stream.indirect_vreg.gather [hbm4b:s2+s3], $0x80, v4, vm0, $0xb8;
	[tilespmem:$0x18800] =	vst v63  }
0x3bd: {  	s25 =	simm.s32 $0x9000  }
0x3be: {  	[tilespmem:s25], [sflag:$0x2] =	stream.indirect_vreg.gather [hbm4b:s2+s3], $0x80, v3, vm0, $0xb8;
	[tilespmem:$0x18800] =	vst v63  }
0x3bf: {  	v3 =	vld [tilespmem:$0x510];
	_ =	sdelay $0x4  }
0x3c0: {  	v49 =	vshll.u32 v3, $0x1  }
0x3c1: {  	v3 =	vand.u32 $0x7, v3;
	v4 =	vand.u32 $0xFFFFFFF0, v49  }
0x3c2: {  	v3 =	vor.u32 v3, v4  }
0x3c3: {  	v4 =	vperm.xlane v3, v0;
	_ =	sdelay $0x1  }
0x3c4: {  	v3 =	vperm.xlane v3, v2;
	v4 =	vadd.s32 v1, v4;
	_ =	sdelay $0x1  }
0x3c5: {  	v3 =	vadd.s32 v1, v3;
	_ =	sdelay $0x1  }
0x3c6: {  	s8 =	simm.s32 $0x9800  }
0x3c7: {  	[tilespmem:s8], [sflag:$0x2] =	stream.indirect_vreg.gather [hbm4b:s2+s3], $0x80, v4, vm0, $0xb8;
	[tilespmem:$0x18800] =	vst v63  }
0x3c8: {  	s10 =	simm.s32 $0xA000  }
0x3c9: {  	[tilespmem:s10], [sflag:$0x2] =	stream.indirect_vreg.gather [hbm4b:s2+s3], $0x80, v3, vm0, $0xb8;
	[tilespmem:$0x18800] =	vst v63  }
0x3ca: {  	v3 =	vld [tilespmem:$0x520];
	_ =	sdelay $0x4  }
0x3cb: {  	v50 =	vshll.u32 v3, $0x1  }
0x3cc: {  	v3 =	vand.u32 $0x7, v3;
	v4 =	vand.u32 $0xFFFFFFF0, v50  }
0x3cd: {  	v3 =	vor.u32 v3, v4  }
0x3ce: {  	v4 =	vperm.xlane v3, v0;
	_ =	sdelay $0x1  }
0x3cf: {  	v3 =	vperm.xlane v3, v2;
	v4 =	vadd.s32 v1, v4;
	_ =	sdelay $0x1  }
0x3d0: {  	v3 =	vadd.s32 v1, v3;
	_ =	sdelay $0x1  }
0x3d1: {  	s11 =	simm.s32 $0xA800  }
0x3d2: {  	[tilespmem:s11], [sflag:$0x2] =	stream.indirect_vreg.gather [hbm4b:s2+s3], $0x80, v4, vm0, $0xb8;
	[tilespmem:$0x18800] =	vst v63  }
0x3d3: {  	s14 =	simm.s32 $0xB000  }
0x3d4: {  	[tilespmem:s14], [sflag:$0x2] =	stream.indirect_vreg.gather [hbm4b:s2+s3], $0x80, v3, vm0, $0xb8;
	[tilespmem:$0x18800] =	vst v63  }
0x3d5: {  	v3 =	vld [tilespmem:$0x530];
	_ =	sdelay $0x4  }
0x3d6: {  	v51 =	vshll.u32 v3, $0x1  }
0x3d7: {  	v3 =	vand.u32 $0x7, v3;
	v4 =	vand.u32 $0xFFFFFFF0, v51  }
0x3d8: {  	v3 =	vor.u32 v3, v4  }
0x3d9: {  	v4 =	vperm.xlane v3, v0;
	_ =	sdelay $0x1  }
0x3da: {  	v3 =	vperm.xlane v3, v2;
	v4 =	vadd.s32 v1, v4;
	_ =	sdelay $0x1  }
0x3db: {  	v3 =	vadd.s32 v1, v3;
	_ =	sdelay $0x1  }
0x3dc: {  	s15 =	simm.s32 $0xB800  }
0x3dd: {  	[tilespmem:s15], [sflag:$0x2] =	stream.indirect_vreg.gather [hbm4b:s2+s3], $0x80, v4, vm0, $0xb8;
	[tilespmem:$0x18800] =	vst v63  }
0x3de: {  	s21 =	simm.s32 $0xC000  }
0x3df: {  	[tilespmem:s21], [sflag:$0x2] =	stream.indirect_vreg.gather [hbm4b:s2+s3], $0x80, v3, vm0, $0xb8;
	[tilespmem:$0x18800] =	vst v63  }
0x3e0: {  	v3 =	vld [tilespmem:$0x540];
	_ =	sdelay $0x4  }
0x3e1: {  	v52 =	vshll.u32 v3, $0x1  }
0x3e2: {  	v3 =	vand.u32 $0x7, v3;
	v4 =	vand.u32 $0xFFFFFFF0, v52  }
0x3e3: {  	v3 =	vor.u32 v3, v4  }
0x3e4: {  	v4 =	vperm.xlane v3, v0;
	_ =	sdelay $0x1  }
0x3e5: {  	v3 =	vperm.xlane v3, v2;
	v4 =	vadd.s32 v1, v4;
	_ =	sdelay $0x1  }
0x3e6: {  	v3 =	vadd.s32 v1, v3;
	_ =	sdelay $0x1  }
0x3e7: {  	s22 =	simm.s32 $0xC800  }
0x3e8: {  	[tilespmem:s22], [sflag:$0x2] =	stream.indirect_vreg.gather [hbm4b:s2+s3], $0x80, v4, vm0, $0xb8;
	[tilespmem:$0x18800] =	vst v63  }
0x3e9: {  	s23 =	simm.s32 $0xD000  }
0x3ea: {  	[tilespmem:s23], [sflag:$0x2] =	stream.indirect_vreg.gather [hbm4b:s2+s3], $0x80, v3, vm0, $0xb8;
	[tilespmem:$0x18800] =	vst v63  }
0x3eb: {  	v3 =	vld [tilespmem:$0x550];
	_ =	sdelay $0x4  }
0x3ec: {  	v53 =	vshll.u32 v3, $0x1  }
0x3ed: {  	v3 =	vand.u32 $0x7, v3;
	v4 =	vand.u32 $0xFFFFFFF0, v53  }
0x3ee: {  	v3 =	vor.u32 v3, v4  }
0x3ef: {  	v4 =	vperm.xlane v3, v0;
	_ =	sdelay $0x1  }
0x3f0: {  	v3 =	vperm.xlane v3, v2;
	v4 =	vadd.s32 v1, v4;
	_ =	sdelay $0x1  }
0x3f1: {  	v3 =	vadd.s32 v1, v3;
	_ =	sdelay $0x1  }
0x3f2: {  	s24 =	simm.s32 $0xD800  }
0x3f3: {  	[tilespmem:s24], [sflag:$0x2] =	stream.indirect_vreg.gather [hbm4b:s2+s3], $0x80, v4, vm0, $0xb8;
	[tilespmem:$0x18800] =	vst v63  }
0x3f4: {  	s25 =	simm.s32 $0xE000  }
0x3f5: {  	[tilespmem:s25], [sflag:$0x2] =	stream.indirect_vreg.gather [hbm4b:s2+s3], $0x80, v3, vm0, $0xb8;
	[tilespmem:$0x18800] =	vst v63  }
0x3f6: {  	v3 =	vld [tilespmem:$0x560];
	_ =	sdelay $0x4  }
0x3f7: {  	v54 =	vshll.u32 v3, $0x1  }
0x3f8: {  	v3 =	vand.u32 $0x7, v3;
	v4 =	vand.u32 $0xFFFFFFF0, v54  }
0x3f9: {  	v3 =	vor.u32 v3, v4  }
0x3fa: {  	v4 =	vperm.xlane v3, v0;
	_ =	sdelay $0x1  }
0x3fb: {  	v3 =	vperm.xlane v3, v2;
	v4 =	vadd.s32 v1, v4;
	_ =	sdelay $0x1  }
0x3fc: {  	v3 =	vadd.s32 v1, v3;
	_ =	sdelay $0x1  }
0x3fd: {  	s8 =	simm.s32 $0xE800  }
0x3fe: {  	[tilespmem:s8], [sflag:$0x2] =	stream.indirect_vreg.gather [hbm4b:s2+s3], $0x80, v4, vm0, $0xb8;
	[tilespmem:$0x18800] =	vst v63  }
0x3ff: {  	s10 =	simm.s32 $0xF000  }
0x400: {  	[tilespmem:s10], [sflag:$0x2] =	stream.indirect_vreg.gather [hbm4b:s2+s3], $0x80, v3, vm0, $0xb8;
	[tilespmem:$0x18800] =	vst v63  }
0x401: {  	v3 =	vld [tilespmem:$0x570];
	_ =	sdelay $0x4  }
0x402: {  	v55 =	vshll.u32 v3, $0x1  }
0x403: {  	v3 =	vand.u32 $0x7, v3;
	v4 =	vand.u32 $0xFFFFFFF0, v55  }
0x404: {  	v3 =	vor.u32 v3, v4  }
0x405: {  	v4 =	vperm.xlane v3, v0;
	_ =	sdelay $0x1  }
0x406: {  	v3 =	vperm.xlane v3, v2;
	v4 =	vadd.s32 v1, v4;
	_ =	sdelay $0x1  }
0x407: {  	v3 =	vadd.s32 v1, v3;
	_ =	sdelay $0x1  }
0x408: {  	s11 =	simm.s32 $0xF800  }
0x409: {  	[tilespmem:s11], [sflag:$0x2] =	stream.indirect_vreg.gather [hbm4b:s2+s3], $0x80, v4, vm0, $0xb8;
	[tilespmem:$0x18800] =	vst v63  }
0x40a: {  	s14 =	simm.s32 $0x10000  }
0x40b: {  	[tilespmem:s14], [sflag:$0x2] =	stream.indirect_vreg.gather [hbm4b:s2+s3], $0x80, v3, vm0, $0xb8;
	[tilespmem:$0x18800] =	vst v63  }
0x40c: {  	_ =	swait.ge [sflag:s12], $0x8000  }
0x40d: {  	[sflag:s12] =	ssyncset.done $0x0  }
0x40e: {  	s15 =	rddreg [dreg:$0xd];
	[sflag:s12] =	ssyncadd.s32 $0xFFFF8000  }
0x40f: {  	[hbm4b:s15+s3] =	stream.linear.scatter [tilespmem:s9], [sflag:$0x4], $0x8000, $0x38;
	[tilespmem:$0x18800] =	vst v63  }
0x410: {  	_ =	swait.ge [sflag:s6], $0x8000  }
0x411: {  	[sflag:s6] =	ssyncset.done $0x0  }
0x412: {  	[sflag:s6] =	ssyncadd.s32 $0xFFFF8000  }
0x413: {  	v3 =	vld [tilespmem:$0x580];
	_ =	sdelay $0x4  }
0x414: {  	v56 =	vshll.u32 v3, $0x1  }
0x415: {  	v3 =	vand.u32 $0x7, v3;
	v4 =	vand.u32 $0xFFFFFFF0, v56  }
0x416: {  	v3 =	vor.u32 v3, v4  }
0x417: {  	v4 =	vperm.xlane v3, v0;
	_ =	sdelay $0x1  }
0x418: {  	v3 =	vperm.xlane v3, v2;
	v4 =	vadd.s32 v1, v4;
	_ =	sdelay $0x1  }
0x419: {  	v3 =	vadd.s32 v1, v3;
	_ =	sdelay $0x2  }
0x41a: {  	[tilespmem:s13], [sflag:$0x3] =	stream.indirect_vreg.gather [hbm4b:s2+s3], $0x80, v4, vm0, $0xb8;
	[tilespmem:$0x18800] =	vst v63  }
0x41b: {  	s30 =	simm.s32 $0x11000  }
0x41c: {  	[tilespmem:s30], [sflag:$0x3] =	stream.indirect_vreg.gather [hbm4b:s2+s3], $0x80, v3, vm0, $0xb8;
	[tilespmem:$0x18800] =	vst v63  }
0x41d: {  	v3 =	vld [tilespmem:$0x590];
	_ =	sdelay $0x4  }
0x41e: {  	v57 =	vshll.u32 v3, $0x1  }
0x41f: {  	v3 =	vand.u32 $0x7, v3;
	v4 =	vand.u32 $0xFFFFFFF0, v57  }
0x420: {  	v3 =	vor.u32 v3, v4  }
0x421: {  	v4 =	vperm.xlane v3, v0;
	_ =	sdelay $0x1  }
0x422: {  	v3 =	vperm.xlane v3, v2;
	v4 =	vadd.s32 v1, v4;
	_ =	sdelay $0x1  }
0x423: {  	v3 =	vadd.s32 v1, v3;
	_ =	sdelay $0x1  }
0x424: {  	s16 =	simm.s32 $0x11800  }
0x425: {  	[tilespmem:s16], [sflag:$0x3] =	stream.indirect_vreg.gather [hbm4b:s2+s3], $0x80, v4, vm0, $0xb8;
	[tilespmem:$0x18800] =	vst v63  }
0x426: {  	s21 =	simm.s32 $0x12000  }
0x427: {  	[tilespmem:s21], [sflag:$0x3] =	stream.indirect_vreg.gather [hbm4b:s2+s3], $0x80, v3, vm0, $0xb8;
	[tilespmem:$0x18800] =	vst v63  }
0x428: {  	v3 =	vld [tilespmem:$0x5A0];
	_ =	sdelay $0x4  }
0x429: {  	v58 =	vshll.u32 v3, $0x1  }
0x42a: {  	v3 =	vand.u32 $0x7, v3;
	v4 =	vand.u32 $0xFFFFFFF0, v58  }
0x42b: {  	v3 =	vor.u32 v3, v4  }
0x42c: {  	v4 =	vperm.xlane v3, v0;
	_ =	sdelay $0x1  }
0x42d: {  	v3 =	vperm.xlane v3, v2;
	v4 =	vadd.s32 v1, v4;
	_ =	sdelay $0x1  }
0x42e: {  	v3 =	vadd.s32 v1, v3;
	_ =	sdelay $0x1  }
0x42f: {  	s18 =	simm.s32 $0x12800  }
0x430: {  	[tilespmem:s18], [sflag:$0x3] =	stream.indirect_vreg.gather [hbm4b:s2+s3], $0x80, v4, vm0, $0xb8;
	[tilespmem:$0x18800] =	vst v63  }
0x431: {  	s22 =	simm.s32 $0x13000  }
0x432: {  	[tilespmem:s22], [sflag:$0x3] =	stream.indirect_vreg.gather [hbm4b:s2+s3], $0x80, v3, vm0, $0xb8;
	[tilespmem:$0x18800] =	vst v63  }
0x433: {  	v3 =	vld [tilespmem:$0x5B0];
	_ =	sdelay $0x4  }
0x434: {  	v59 =	vshll.u32 v3, $0x1  }
0x435: {  	v3 =	vand.u32 $0x7, v3;
	v4 =	vand.u32 $0xFFFFFFF0, v59  }
0x436: {  	v3 =	vor.u32 v3, v4  }
0x437: {  	v4 =	vperm.xlane v3, v0;
	_ =	sdelay $0x1  }
0x438: {  	v3 =	vperm.xlane v3, v2;
	v4 =	vadd.s32 v1, v4;
	_ =	sdelay $0x1  }
0x439: {  	v3 =	vadd.s32 v1, v3;
	_ =	sdelay $0x1  }
0x43a: {  	s19 =	simm.s32 $0x13800  }
0x43b: {  	[tilespmem:s19], [sflag:$0x3] =	stream.indirect_vreg.gather [hbm4b:s2+s3], $0x80, v4, vm0, $0xb8;
	[tilespmem:$0x18800] =	vst v63  }
0x43c: {  	s23 =	simm.s32 $0x14000  }
0x43d: {  	[tilespmem:s23], [sflag:$0x3] =	stream.indirect_vreg.gather [hbm4b:s2+s3], $0x80, v3, vm0, $0xb8;
	[tilespmem:$0x18800] =	vst v63  }
0x43e: {  	v3 =	vld [tilespmem:$0x5C0];
	_ =	sdelay $0x4  }
0x43f: {  	v60 =	vshll.u32 v3, $0x1  }
0x440: {  	v3 =	vand.u32 $0x7, v3;
	v4 =	vand.u32 $0xFFFFFFF0, v60  }
0x441: {  	v3 =	vor.u32 v3, v4  }
0x442: {  	v4 =	vperm.xlane v3, v0;
	_ =	sdelay $0x1  }
0x443: {  	v3 =	vperm.xlane v3, v2;
	v4 =	vadd.s32 v1, v4;
	_ =	sdelay $0x1  }
0x444: {  	v3 =	vadd.s32 v1, v3;
	_ =	sdelay $0x1  }
0x445: {  	s20 =	simm.s32 $0x14800  }
0x446: {  	[tilespmem:s20], [sflag:$0x3] =	stream.indirect_vreg.gather [hbm4b:s2+s3], $0x80, v4, vm0, $0xb8;
	[tilespmem:$0x18800] =	vst v63  }
0x447: {  	s24 =	simm.s32 $0x15000  }
0x448: {  	[tilespmem:s24], [sflag:$0x3] =	stream.indirect_vreg.gather [hbm4b:s2+s3], $0x80, v3, vm0, $0xb8;
	[tilespmem:$0x18800] =	vst v63  }
0x449: {  	v3 =	vld [tilespmem:$0x5D0];
	_ =	sdelay $0x4  }
0x44a: {  	v61 =	vshll.u32 v3, $0x1  }
0x44b: {  	v3 =	vand.u32 $0x7, v3;
	v4 =	vand.u32 $0xFFFFFFF0, v61  }
0x44c: {  	v3 =	vor.u32 v3, v4  }
0x44d: {  	v4 =	vperm.xlane v3, v0;
	_ =	sdelay $0x1  }
0x44e: {  	v3 =	vperm.xlane v3, v2;
	v4 =	vadd.s32 v1, v4;
	_ =	sdelay $0x1  }
0x44f: {  	v3 =	vadd.s32 v1, v3;
	_ =	sdelay $0x1  }
0x450: {  	s26 =	simm.s32 $0x15800  }
0x451: {  	[tilespmem:s26], [sflag:$0x3] =	stream.indirect_vreg.gather [hbm4b:s2+s3], $0x80, v4, vm0, $0xb8;
	[tilespmem:$0x18800] =	vst v63  }
0x452: {  	s25 =	simm.s32 $0x16000  }
0x453: {  	[tilespmem:s25], [sflag:$0x3] =	stream.indirect_vreg.gather [hbm4b:s2+s3], $0x80, v3, vm0, $0xb8;
	[tilespmem:$0x18800] =	vst v63  }
0x454: {  	v3 =	vld [tilespmem:$0x5E0];
	_ =	sdelay $0x4  }
0x455: {  	v62 =	vshll.u32 v3, $0x1  }
0x456: {  	v3 =	vand.u32 $0x7, v3;
	v4 =	vand.u32 $0xFFFFFFF0, v62  }
0x457: {  	v3 =	vor.u32 v3, v4  }
0x458: {  	v4 =	vperm.xlane v3, v0;
	_ =	sdelay $0x1  }
0x459: {  	v3 =	vperm.xlane v3, v2;
	v4 =	vadd.s32 v1, v4;
	_ =	sdelay $0x1  }
0x45a: {  	v3 =	vadd.s32 v1, v3;
	_ =	sdelay $0x1  }
0x45b: {  	s28 =	simm.s32 $0x16800  }
0x45c: {  	[tilespmem:s28], [sflag:$0x3] =	stream.indirect_vreg.gather [hbm4b:s2+s3], $0x80, v4, vm0, $0xb8;
	[tilespmem:$0x18800] =	vst v63  }
0x45d: {  	s26 =	simm.s32 $0x17000  }
0x45e: {  	[tilespmem:s26], [sflag:$0x3] =	stream.indirect_vreg.gather [hbm4b:s2+s3], $0x80, v3, vm0, $0xb8;
	[tilespmem:$0x18800] =	vst v63  }
0x45f: {  	v3 =	vld [tilespmem:$0x5F0];
	_ =	sdelay $0x4  }
0x460: {  	v63 =	vshll.u32 v3, $0x1  }
0x461: {  	v3 =	vand.u32 $0x7, v3;
	v4 =	vand.u32 $0xFFFFFFF0, v63  }
0x462: {  	v3 =	vor.u32 v3, v4  }
0x463: {  	v4 =	vperm.xlane v3, v0;
	_ =	sdelay $0x1  }
0x464: {  	v3 =	vperm.xlane v3, v2;
	v4 =	vadd.s32 v1, v4;
	_ =	sdelay $0x1  }
0x465: {  	v3 =	vadd.s32 v1, v3;
	_ =	sdelay $0x1  }
0x466: {  	s29 =	simm.s32 $0x17800  }
0x467: {  	[tilespmem:s29], [sflag:$0x3] =	stream.indirect_vreg.gather [hbm4b:s2+s3], $0x80, v4, vm0, $0xb8;
	[tilespmem:$0x18800] =	vst v63  }
0x468: {  	s28 =	simm.s32 $0x18000  }
0x469: {  	[tilespmem:s28], [sflag:$0x3] =	stream.indirect_vreg.gather [hbm4b:s2+s3], $0x80, v3, vm0, $0xb8;
	[tilespmem:$0x18800] =	vst v63  }
0x46a: {  	_ =	swait.ge [sflag:s31], $0x8000  }
0x46b: {  	[sflag:s31] =	ssyncset.done $0x0  }
0x46c: {  	s29 =	rddreg [dreg:$0xe];
	[sflag:s31] =	ssyncadd.s32 $0xFFFF8000  }
0x46d: {  	[hbm4b:s29+s3] =	stream.linear.scatter [tilespmem:s17], [sflag:$0x5], $0x8000, $0x38;
	[tilespmem:$0x18800] =	vst v63  }
0x46e: {  	_ =	swait.ge [sflag:s0], $0x8000  }
0x46f: {  	[sflag:s0] =	ssyncset.done $0x0  }
0x470: {  	s30 =	rddreg [dreg:$0xf];
	[sflag:s0] =	ssyncadd.s32 $0xFFFF8000  }
0x471: {  	[hbm4b:s30+s3] =	stream.linear.scatter [tilespmem:s13], [sflag:$0x6], $0x8000, $0x38;
	[tilespmem:$0x18800] =	vst v63  }
0x472: {  	_ =	swait.ge [sflag:s1], $0x8000  }
0x473: {  	[sflag:s1] =	ssyncset.done $0x0  }
0x474: {  	[sflag:s1] =	ssyncadd.s32 $0xFFFF8000  }
0x475: {  	p0 =	sne.s32 s5, $0x1;
	_ =	swait.ge [sflag:s4], $0x8000  }
.Ltmp0:
0x476: {  	[sflag:s4] =	ssyncset.done $0x0;
	(pc) =	sbr.rel @p0 .LBB2_1-.Ltmp0, $4  }
0x477: {  	[sflag:s4] =	ssyncadd.s32 $0xFFFF8000  }
0x478: {  	_ =	swait.ge [sflag:s6], $0x8000  }
0x479: {  	[sflag:s6] =	ssyncset.done $0x0  }
0x47a: {  	s5 =	sadd.s32 $0xFFFFFFFF, s5;
	[sflag:s6] =	ssyncadd.s32 $0xFFFF8000  }
0x47b: {  	_ =	sfence.sel $0x180000  }
0x47c: {  	[bflag:$0x0] =	sbarrier.arrive $0xFFFF  }
0x47d: {  	_ =	strace $0x90000047  }
0x47e: {  	s0 =	stileid.u32;
	[bflag:$0x2] =	sbarrier.arrive $0xFFFF  }
0x47f: {  	p0 =	sne.s32 s0, $0x0;
	s0 =	rddreg [dreg:$0x3]  }
0x480: {  	s0 =	sadd.s32 @!p0 $0x100000, s0  }
0x481: {  	[sflag:s0] =	ssyncadd.tile.s32 @!p0 $0x1;
	_ =	shalt  }
.Lfunc_end2:
_tile_overlayer_lowered:
.L_overlay_start_2:
0x482: {  	(tag) =	ssettag $0x2  }
0x483: {  	s0 =	rddreg [dreg:$0x0];
	s2 =	stileid.u32  }
0x484: {  	s1 =	rddreg [dreg:$0x1];
	p0 =	sne.s32 s2, $0x0  }
0x485: {  	s3 =	rddreg [dreg:$0x2];
	[bflag:$0x3] =	sbarrier.arrive $0xFFFF;
	s2 =	simm.s32 @!p0 $0x1C07  }
0x486: {  	[timem:s3], [sflag:s2] =	dma.local @!p0 [hbm:s0], s1  }
0x487: {  	s0 =	simm.s32 @!p0 $0x7  }
0x488: {  	_ =	swait.ge @!p0 [sflag:s0], s1  }
0x489: {  	s1 =	ssub.s32 @!p0 $0x0, s1;
	[sflag:s0] =	ssyncset.done @!p0 $0x0  }
0x48a: {  	[sflag:s0] =	ssyncadd.s32 @!p0 s1  }
0x48b: {  	[bflag:$0x3] =	sbarrier.arrive $0xFFFF  }
0x48c: {  	_ =	shalt  }

// kernel: kernel.8.cloned.1.call-start
scs
__scs_entry_jumppad:
0x0: {  	(pc) =	sbr.rel $0x88, $3  }
0x1: {  	(tag) =	ssettag $0x0;
	lr =	simm.s32 $0x1  }
0x2: {  	[smem:$0x3F97] =	sst lr;
	_ =	strace $0xD0000000  }
0x3: {  	_ = 	snop  }
0x4: {  	_ = 	snop  }
0x5: {  	_ = 	snop  }
0x6: {  	_ = 	snop  }
0x7: {  	_ = 	snop  }
__scs_overlays_trampoline_lowered:
0x8: {  	[smem:$0x3FA6] =	sst s0  }
0x9: {  	[smem:$0x3FA7] =	sst s1  }
0xa: {  	[smem:$0x3FA8] =	sst s2  }
0xb: {  	[smem:$0x3FA9] =	sst s3  }
0xc: {  	[smem:$0x3FAA] =	sst s4  }
0xd: {  	[smem:$0x3FAB] =	sst s5  }
0xe: {  	[smem:$0x3FAC] =	sst s6  }
0xf: {  	[smem:$0x3FAD] =	sst s7  }
0x10: {  	[smem:$0x3FAE] =	sst s8  }
0x11: {  	[smem:$0x3FAF] =	sst s9;
	s0 =	simm.s32 @!p0 $0x0  }
0x12: {  	s1 =	sld [smem:$0x3F95];
	s0 =	simm.s32 @p0 $0x1  }
0x13: {  	[smem:$0x3FB0] =	sst s0;
	s0 =	simm.s32 @!p1 $0x0  }
0x14: {  	s2 =	sld [smem:$0x3F94];
	s0 =	simm.s32 @p1 $0x1  }
0x15: {  	[smem:$0x3FB1] =	sst s0;
	s0 =	simm.s32 @!p2 $0x0  }
0x16: {  	s3 =	sld [smem:$0x3FDB];
	s0 =	simm.s32 @p2 $0x1  }
0x17: {  	s4 =	simm.s32 $0x1BF5;
	[smem:$0x3FB3] =	sst s0  }
0x18: {  	s0 =	sld [smem:$0x3F96];
	_ =	swait.ge [sflag:s4], $0x0  }
0x19: {  	s7 =	sld [smem:$0x3F97]  }
0x1a: {  	s8 =	sadd.s32 $0xFFFFE003, lr  }
0x1b: {  	s9 =	sadd.s32 $0xFFFFFEF7, lr;
	s5 =	simm.s32 $0xFFFFFFFF;
	p2 =	slt.u32 s8, $0xFFFFF086  }
0x1c: {  	p1 =	slt.u32 s9, $0xF7A;
	s5 =	simm.s32 @!p2 $0x0  }
0x1d: {  	s5 =	simm.s32 @p1 $0x1;
	p0 =	seq.s32 s7, s2  }
0x1e: {  	s7 =	smul.u32 @!p0 $0xF7A, s2;
	p2 =	seq.s32 @!p0 s5, $0x0  }
0x1f: {  	s9 =	smul.u32 $0xF7A, s1;
	s8 =	simm.s32 @!p0 $0x1BF5;
	p2 =	por !p2, p0  }
0x20: {  	[sflag:s8] =	ssyncset.s32 @!p0 $0xFFFFF086;
	s6 =	sadd.s32 @!p0 s3, s7;
	s7 =	simm.s32 @!p0 $0x108  }
0x21: {  	s3 =	sadd.s32 s3, s9;
	s6 =	sadd.s32 @!p0 $0x88, s6;
	s7 =	simm.s32 @p2 $0x1082  }
0x22: {  	[simem:s7], [sflag:s8] =	dma.local @!p0 [hbm:s6], $0xF7A  }
0x23: {  	s9 =	sor.u32 $0xD0000000, s2;
	s6 =	simm.s32 $0x108;
	_ =	swait.ge @!p0 [sflag:s8], $0x0  }
0x24: {  	s3 =	sadd.s32 $0x88, s3;
	s6 =	simm.s32 @!p1 $0x1082;
	[sflag:s4] =	ssyncset.s32 $0xFFFFF086  }
0x25: {  	[simem:s6], [sflag:s4] =	dma.local [hbm:s3], $0xF7A  }
0x26: {  	[smem:$0x3F97] =	sst s1;
	(tag) =	ssettag s2;
	_ =	strace s9  }
0x27: {  	s1 =	sld [smem:$0x3FA7]  }
0x28: {  	s2 =	sld [smem:$0x3FA8]  }
0x29: {  	s4 =	sld [smem:$0x3FAA]  }
0x2a: {  	p0 =	seq.s32 s5, $0x0;
	s5 =	sld [smem:$0x3FAB]  }
0x2b: {  	s6 =	sld [smem:$0x3FAC]  }
0x2c: {  	s7 =	sld [smem:$0x3FAD]  }
0x2d: {  	s3 =	simm.s32 $0x108;
	s8 =	sld [smem:$0x3FAE]  }
0x2e: {  	s3 =	simm.s32 @!p0 $0x1082;
	s9 =	sld [smem:$0x3FAF]  }
0x2f: {  	lr =	sadd.s32 s0, s3;
	s0 =	sld [smem:$0x3FA6]  }
0x30: {  	s3 =	sld [smem:$0x3FA9]  }
0x31: {  	[smem:$0x3FB2] =	sst s10  }
0x32: {  	s10 =	sld [smem:$0x3FB0];
	_ =	sdelay $0x3  }
0x33: {  	p0 =	seq.s32 s10, $0x1;
	s10 =	sld [smem:$0x3FB2];
	_ =	sdelay $0x3  }
0x34: {  	[smem:$0x3FB2] =	sst s10  }
0x35: {  	s10 =	sld [smem:$0x3FB1];
	_ =	sdelay $0x3  }
0x36: {  	p1 =	seq.s32 s10, $0x1;
	s10 =	sld [smem:$0x3FB2];
	_ =	sdelay $0x3  }
0x37: {  	[smem:$0x3FB2] =	sst s10  }
0x38: {  	s10 =	sld [smem:$0x3FB3]  }
0x39: {  	_ = 	snop;
	(pc) =	sbr.ind lr, $3  }
0x3a: {  	_ = 	snop  }
0x3b: {  	_ = 	snop  }
0x3c: {  	p2 =	seq.s32 s10, $0x1;
	s10 =	sld [smem:$0x3FB2]  }
0x3d: {  	_ =	shalt  }
0x3e: {  	_ =	shalt  }
0x3f: {  	_ =	shalt  }
0x40: {  	_ =	shalt  }
0x41: {  	_ =	shalt  }
0x42: {  	_ =	shalt  }
0x43: {  	_ =	shalt  }
0x44: {  	_ =	shalt  }
0x45: {  	_ =	shalt  }
0x46: {  	_ =	shalt  }
0x47: {  	_ =	shalt  }
0x48: {  	_ =	shalt  }
0x49: {  	_ =	shalt  }
0x4a: {  	_ =	shalt  }
0x4b: {  	_ =	shalt  }
0x4c: {  	_ =	shalt  }
0x4d: {  	_ =	shalt  }
0x4e: {  	_ =	shalt  }
0x4f: {  	_ =	shalt  }
0x50: {  	_ =	shalt  }
0x51: {  	_ =	shalt  }
0x52: {  	_ =	shalt  }
0x53: {  	_ =	shalt  }
0x54: {  	_ =	shalt  }
0x55: {  	_ =	shalt  }
0x56: {  	_ =	shalt  }
0x57: {  	_ =	shalt  }
0x58: {  	_ =	shalt  }
0x59: {  	_ =	shalt  }
0x5a: {  	_ =	shalt  }
0x5b: {  	_ =	shalt  }
0x5c: {  	_ =	shalt  }
0x5d: {  	_ =	shalt  }
0x5e: {  	_ =	shalt  }
0x5f: {  	_ =	shalt  }
0x60: {  	_ =	shalt  }
0x61: {  	_ =	shalt  }
0x62: {  	_ =	shalt  }
0x63: {  	_ =	shalt  }
0x64: {  	_ =	shalt  }
0x65: {  	_ =	shalt  }
0x66: {  	_ =	shalt  }
0x67: {  	_ =	shalt  }
0x68: {  	_ =	shalt  }
0x69: {  	_ =	shalt  }
0x6a: {  	_ =	shalt  }
0x6b: {  	_ =	shalt  }
0x6c: {  	_ =	shalt  }
0x6d: {  	_ =	shalt  }
0x6e: {  	_ =	shalt  }
0x6f: {  	_ =	shalt  }
0x70: {  	_ =	shalt  }
0x71: {  	_ =	shalt  }
0x72: {  	_ =	shalt  }
0x73: {  	_ =	shalt  }
0x74: {  	_ =	shalt  }
0x75: {  	_ =	shalt  }
0x76: {  	_ =	shalt  }
0x77: {  	_ =	shalt  }
0x78: {  	_ =	shalt  }
0x79: {  	_ =	shalt  }
0x7a: {  	_ =	shalt  }
0x7b: {  	_ =	shalt  }
0x7c: {  	_ =	shalt  }
0x7d: {  	_ =	shalt  }
0x7e: {  	_ =	shalt  }
0x7f: {  	_ =	shalt  }
0x80: {  	_ =	shalt  }
0x81: {  	_ =	shalt  }
0x82: {  	_ =	shalt  }
0x83: {  	_ =	shalt  }
0x84: {  	_ =	shalt  }
0x85: {  	_ =	shalt  }
0x86: {  	_ =	shalt  }
0x87: {  	_ =	shalt  }
.Lfunc_end0:
.L_simem_size_0:
called_computation_lowered:
.L_overlay_start_0:
0x88: {  	s2 =	sld [smem:$0x3FD9]  }
0x89: {  	s3 =	sld [smem:$0x3FFE];
	_ =	sdelay $0x1  }
0x8a: {  	s1 =	srdreg.scid  }
0x8b: {  	s0 =	sand.u32 $0x1, s1  }
0x8c: {  	s17 =	sshll.u32 s0, $0xA;
	s2 =	sadd.s32 s3, s2  }
0x8d: {  	s2 =	sadd.s32 s2, s17  }
0x8e: {  	[smem:$0x3FBE] =	sst s2  }
0x8f: {  	_ = 	snop  }
0x90: {  	s18 =	sld [smem:$0x3FC6];
	(tm) =	ssettm $0x1  }
0x91: {  	s19 =	sld [smem:$0x3FFB];
	_ =	sdelay $0x3  }
0x92: {  	_ =	strace s19  }
0x93: {  	s2 =	sld [smem:$0x3FFC];
	_ =	sdelay $0x3  }
0x94: {  	_ =	strace s2  }
0x95: {  	s2 =	sld [smem:$0x3FFD];
	_ =	sdelay $0x3  }
0x96: {  	_ =	strace s2  }
0x97: {  	_ =	strace $0x8FFFFFFF  }
0x98: {  	s20 =	sld [smem:$0x3FDB];
	_ =	sdelay $0x1  }
0x99: {  	s4 =	simm.s32 $_scs_section_size  }
0x9a: {  	s5 =	simm.s32 $_size__tile_overlayer_lowered;
	s6 =	simm.s32 $_tile_overlayer_lowered  }
0x9b: {  	s7 =	simm.s32 $0x1BFF;
	s21 =	sshll.u32 s6, $0x1;
	s4 =	sadd.s32 s4, s20  }
0x9c: {  	s22 =	simm.s32 $0x0;
	s5 =	sshll.u32 s5, $0x1;
	s6 =	sadd.s32 s21, s4  }
0x9d: {  	[timem:s22], [sflag:s7] =	dma.local [hbm:s6], s5  }
0x9e: {  	_ =	swait.ge [sflag:s7], s5  }
0x9f: {  	s5 =	ssub.s32 $0x0, s5;
	[sflag:s7] =	ssyncset.done $0x0  }
0xa0: {  	[sflag:s7] =	ssyncadd.s32 s5;
	_ =	sdelay $0x1  }
0xa1: {  	s23 =	simm.s32 $0x1B8B  }
0xa2: {  	_ =	swait.ge [sflag:s23], $0x1  }
0xa3: {  	[sflag:s23] =	ssyncset.done $0x0  }
0xa4: {  	[sflag:s23] =	ssyncadd.s32 $0xFFFFFFFF  }
0xa5: {  	s5 =	sld [smem:$0x0]  }
0xa6: {  	s6 =	sand.u32 $0xFFFFFFFE, s1  }
0xa7: {  	p0 =	sne.s32 s1, s6  }
0xa8: {  	s6 =	sshll.u32 @p0 s6, $0xE  }
0xa9: {  	s6 =	sadd.s32 @p0 $0x11B8D, s6;
	s7 =	sshll.u32 @p0 s5, $0x11  }
0xaa: {  	s6 =	sor.u32 @p0 s7, s6  }
0xab: {  	[sflag:s6] =	ssyncadd.remote.s32 @p0 $0x1;
	_ =	sdelay $0x1  }
0xac: {  	s6 =	simm.s32 @p0 $0x1B8D  }
0xad: {  	_ =	swait.eq @p0 [sflag:s6], $0x1  }
0xae: {  	[sflag:s6] =	ssyncadd.s32 @p0 $0xFFFFFFFF  }
0xaf: {  	s7 =	sshll.u32 @!p0 s1, $0xE  }
0xb0: {  	s7 =	sor.u32 @!p0 $0x4000, s7;
	s6 =	simm.s32 @!p0 $0x1B8D  }
0xb1: {  	s5 =	sshll.u32 @!p0 s5, $0x11;
	s7 =	sadd.s32 @!p0 $0x11B8D, s7;
	_ =	swait.eq @!p0 [sflag:s6], $0x1  }
0xb2: {  	s5 =	sor.u32 @!p0 s5, s7;
	[sflag:s6] =	ssyncadd.s32 @!p0 $0xFFFFFFFF  }
0xb3: {  	s25 =	simm.s32 $0x1B8E;
	s24 =	sld [smem:$0x3FFE];
	[sflag:s5] =	ssyncadd.remote.s32 @!p0 $0x1  }
0xb4: {  	s26 =	simm.s32 $execute0_lowered;
	[smem:$0x3FD2] =	sst s25  }
0xb5: {  	s6 =	sshll.u32 s26, $0x1;
	_ =	strace $0x80000049;
	[dreg:$0x1] =	wrdreg $0xFFFFFFFF  }
0xb6: {  	s28 =	simm.s32 $_size_execute0_lowered;
	s4 =	sadd.s32 s4, s6;
	[dreg:$0x0] =	wrdreg $0x0  }
0xb7: {  	s6 =	sshll.u32 s28, $0x1;
	[dreg:$0x2] =	wrdreg s4  }
0xb8: {  	[dreg:$0x3] =	wrdreg s6  }
0xb9: {  	[dreg:$0x4] =	wrdreg $0xC0  }
0xba: {  	_ =	task [dreg:s22], $0x5FFFF  }
0xbb: {  	[dreg:$0x1] =	wrdreg $0xFFFFFFFF  }
0xbc: {  	[dreg:$0x0] =	wrdreg $0x60  }
0xbd: {  	[dreg:$0x2] =	wrdreg s24  }
0xbe: {  	[dreg:$0x3] =	wrdreg s18  }
0xbf: {  	[dreg:$0x4] =	wrdreg $0x9  }
0xc0: {  	_ =	task.clear_ibuf [dreg:s22], $0x5FFFF;
	_ =	strace $0x90000049  }
0xc1: {  	s29 =	simm.s32 $0x9;
	_ =	strace $0x8000004B  }
0xc2: {  	_ =	swait.ge [sflag:s29], $0x1  }
0xc3: {  	[sflag:s29] =	ssyncadd.s32 $0xFFFFFFFF  }
0xc4: {  	_ =	strace $0x9000004B  }
0xc5: {  	_ =	sfence  }
0xc6: {  	s30 =	sld [smem:$0x0];
	_ =	sdelay $0x2  }
0xc7: {  	s31 =	sshll.u32 s1, $0xD;
	s1 =	sshrl.u32 s1, $0x2  }
0xc8: {  	s4 =	sand.u32 $0x4000, s31;
	s1 =	sadd.s32 s1, s30  }
0xc9: {  	s0 =	sor.u32 s4, s0;
	s1 =	sshll.u32 s1, $0x11  }
0xca: {  	s0 =	sor.u32 s1, s0  }
0xcb: {  	s0 =	sadd.s32 $0x8F2B, s0  }
0xcc: {  	[sflag:s0] =	ssyncadd.remote.s32 $0x1  }
0xcd: {  	_ =	sfence.sel $0xFFFF  }
0xce: {  	[dreg:$0x0] =	wrdreg $0xFFFFFFFF;
	(pc) =	sbr.abs _section_cstart, $3  }
0xcf: {  	[dreg:$0x1] =	wrdreg $0xFFFFFFFF  }
0xd0: {  	_ =	task.clear_ibuf [dreg:s22], $0x2FFFF;
	_ =	strace $0x9FFFFFFF  }
0xd1: {  	(tm) =	ssettm $0x7FFFFFFF  }
tec
execute0_lowered:
.L_overlay_start_1:
0x0: {  	(tag) =	ssettag $0x1  }
0x1: {  	s1 =	srdreg.scid;
	s3 =	stileid.u32  }
0x2: {  	s0 =	rddreg [dreg:$0x0];
	s1 =	sand.u32 $0x1, s1;
	s4 =	sshll.u32 s3, $0x1  }
0x3: {  	s2 =	rddreg [dreg:$0x1];
	s3 =	simm.s32 $0x0;
	s4 =	sor.u32 s1, s4  }
0x4: {  	s17 =	simm.s32 $0x8800;
	[smem:$0x7FF] =	sst s3;
	s5 =	sshll.u32 s4, $0x8  }
0x5: {  	s6 =	smul.u32 $0xC000, s4;
	_ =	strace $0x8000004A;
	s5 =	sadd.s32 s5, s0  }
0x6: {  	s12 =	simm.s32 $0x1;
	s0 =	sadd.s32 $0x183E00, s0;
	s5 =	sadd.s32 $0x181E00, s5  }
0x7: {  	s4 =	smul.u32 $0x60000, s4;
	s6 =	sadd.s32 s0, s6;
	[dreg:$0x3] =	wrdreg s5  }
0x8: {  	s13 =	simm.s32 $0x10800;
	s20 =	sadd.s32 $0x1000, s6;
	[dreg:$0xf] =	wrdreg s6  }
0x9: {  	s4 =	sshrl.u32 s4, $0x3;
	s21 =	sadd.s32 $0x2000, s6;
	[dreg:$0x4] =	wrdreg s20  }
0xa: {  	s22 =	sadd.s32 $0x3000, s6;
	s0 =	sadd.s32 s0, s4;
	[dreg:$0x5] =	wrdreg s21  }
0xb: {  	s31 =	simm.s32 $0x2;
	[dreg:$0x6] =	wrdreg s22;
	s4 =	sadd.s32 $0x4000, s0  }
0xc: {  	s9 =	simm.s32 $0x800;
	s23 =	sadd.s32 $0x5000, s0;
	[dreg:$0x7] =	wrdreg s4  }
0xd: {  	s1 =	ssub.s32 $0x2, s1;
	s24 =	sadd.s32 $0x6000, s0;
	[dreg:$0x8] =	wrdreg s23  }
0xe: {  	s29 =	sshrl.u32 s1, $0x1;
	s25 =	sadd.s32 $0x7000, s0;
	[dreg:$0x9] =	wrdreg s24  }
0xf: {  	s1 =	ssub.s32 s1, s29;
	s26 =	sadd.s32 $0x8000, s0;
	[dreg:$0xa] =	wrdreg s25  }
0x10: {  	s5 =	smax.u32 s1, $0x1;
	s28 =	sadd.s32 $0x9000, s0;
	[dreg:$0xb] =	wrdreg s26  }
0x11: {  	v2 =	vlaneseq.u32;
	s1 =	simm.s32 $0x4;
	s30 =	sadd.s32 $0xA000, s0;
	[dreg:$0xc] =	wrdreg s28  }
0x12: {  	vm0 =	vmmov $0xffff;
	v1 =	vshrl.u32 v2, $0x3;
	s6 =	simm.s32 $0x6;
	s0 =	sadd.s32 $0xB000, s0;
	[dreg:$0xd] =	wrdreg s30  }
0x13: {  	v0 =	vand.u32 $0x7, v2;
	v2 =	vor.u32 $0x8, v2;
	v1 =	vmul.u32 $0x8, v1;
	[dreg:$0xe] =	wrdreg s0;
	s0 =	simm.s32 $0x3;
	s4 =	simm.s32 $0x5  }
.LBB2_1:
0x14: {  	s8 =	rddreg [dreg:$0x3];
	s10 =	simm.s32 $0x7  }
0x15: {  	[tilespmem:s3], [sflag:$0x7] =	stream.linear.gather [hbm4b:s8+s3], $0x600, $0x38;
	[tilespmem:$0x18800] =	vst v63  }
0x16: {  	_ =	swait.ge [sflag:s10], $0x600  }
0x17: {  	[sflag:s10] =	ssyncset.done $0x0  }
0x18: {  	[sflag:s10] =	ssyncadd.s32 $0xFFFFFA00  }
0x19: {  	v3 =	vld [tilespmem:$0x0];
	_ =	sdelay $0x4  }
0x1a: {  	v4 =	vshll.u32 v3, $0x1  }
0x1b: {  	v3 =	vand.u32 $0x7, v3;
	v4 =	vand.u32 $0xFFFFFFF0, v4  }
0x1c: {  	v3 =	vor.u32 v3, v4  }
0x1d: {  	v4 =	vperm.xlane v3, v0;
	_ =	sdelay $0x1  }
0x1e: {  	v3 =	vperm.xlane v3, v2;
	v4 =	vadd.s32 v1, v4;
	_ =	sdelay $0x1  }
0x1f: {  	v3 =	vadd.s32 v1, v3;
	_ =	sdelay $0x2  }
0x20: {  	[tilespmem:s9], [sflag:$0x1] =	stream.indirect_vreg.gather [hbm4b:s2+s3], $0x80, v4, vm0, $0xb8;
	[tilespmem:$0x18800] =	vst v63  }
0x21: {  	s7 =	simm.s32 $0x1000  }
0x22: {  	[tilespmem:s7], [sflag:$0x1] =	stream.indirect_vreg.gather [hbm4b:s2+s3], $0x80, v3, vm0, $0xb8;
	[tilespmem:$0x18800] =	vst v63  }
0x23: {  	v3 =	vld [tilespmem:$0x10];
	_ =	sdelay $0x4  }
0x24: {  	v25 =	vshll.u32 v3, $0x1  }
0x25: {  	v3 =	vand.u32 $0x7, v3;
	v4 =	vand.u32 $0xFFFFFFF0, v25  }
0x26: {  	v3 =	vor.u32 v3, v4  }
0x27: {  	v4 =	vperm.xlane v3, v0;
	_ =	sdelay $0x1  }
0x28: {  	v3 =	vperm.xlane v3, v2;
	v4 =	vadd.s32 v1, v4;
	_ =	sdelay $0x1  }
0x29: {  	v3 =	vadd.s32 v1, v3;
	_ =	sdelay $0x1  }
0x2a: {  	s11 =	simm.s32 $0x1800  }
0x2b: {  	[tilespmem:s11], [sflag:$0x1] =	stream.indirect_vreg.gather [hbm4b:s2+s3], $0x80, v4, vm0, $0xb8;
	[tilespmem:$0x18800] =	vst v63  }
0x2c: {  	s14 =	simm.s32 $0x2000  }
0x2d: {  	[tilespmem:s14], [sflag:$0x1] =	stream.indirect_vreg.gather [hbm4b:s2+s3], $0x80, v3, vm0, $0xb8;
	[tilespmem:$0x18800] =	vst v63  }
0x2e: {  	v3 =	vld [tilespmem:$0x20];
	_ =	sdelay $0x4  }
0x2f: {  	v26 =	vshll.u32 v3, $0x1  }
0x30: {  	v3 =	vand.u32 $0x7, v3;
	v4 =	vand.u32 $0xFFFFFFF0, v26  }
0x31: {  	v3 =	vor.u32 v3, v4  }
0x32: {  	v4 =	vperm.xlane v3, v0;
	_ =	sdelay $0x1  }
0x33: {  	v3 =	vperm.xlane v3, v2;
	v4 =	vadd.s32 v1, v4;
	_ =	sdelay $0x1  }
0x34: {  	v3 =	vadd.s32 v1, v3;
	_ =	sdelay $0x1  }
0x35: {  	s15 =	simm.s32 $0x2800  }
0x36: {  	[tilespmem:s15], [sflag:$0x1] =	stream.indirect_vreg.gather [hbm4b:s2+s3], $0x80, v4, vm0, $0xb8;
	[tilespmem:$0x18800] =	vst v63  }
0x37: {  	s16 =	simm.s32 $0x3000  }
0x38: {  	[tilespmem:s16], [sflag:$0x1] =	stream.indirect_vreg.gather [hbm4b:s2+s3], $0x80, v3, vm0, $0xb8;
	[tilespmem:$0x18800] =	vst v63  }
0x39: {  	v3 =	vld [tilespmem:$0x30];
	_ =	sdelay $0x4  }
0x3a: {  	v27 =	vshll.u32 v3, $0x1  }
0x3b: {  	v3 =	vand.u32 $0x7, v3;
	v4 =	vand.u32 $0xFFFFFFF0, v27  }
0x3c: {  	v3 =	vor.u32 v3, v4  }
0x3d: {  	v4 =	vperm.xlane v3, v0;
	_ =	sdelay $0x1  }
0x3e: {  	v3 =	vperm.xlane v3, v2;
	v4 =	vadd.s32 v1, v4;
	_ =	sdelay $0x1  }
0x3f: {  	v3 =	vadd.s32 v1, v3;
	_ =	sdelay $0x1  }
0x40: {  	s18 =	simm.s32 $0x3800  }
0x41: {  	[tilespmem:s18], [sflag:$0x1] =	stream.indirect_vreg.gather [hbm4b:s2+s3], $0x80, v4, vm0, $0xb8;
	[tilespmem:$0x18800] =	vst v63  }
0x42: {  	s19 =	simm.s32 $0x4000  }
0x43: {  	[tilespmem:s19], [sflag:$0x1] =	stream.indirect_vreg.gather [hbm4b:s2+s3], $0x80, v3, vm0, $0xb8;
	[tilespmem:$0x18800] =	vst v63  }
0x44: {  	v3 =	vld [tilespmem:$0x40];
	_ =	sdelay $0x4  }
0x45: {  	v28 =	vshll.u32 v3, $0x1  }
0x46: {  	v3 =	vand.u32 $0x7, v3;
	v4 =	vand.u32 $0xFFFFFFF0, v28  }
0x47: {  	v3 =	vor.u32 v3, v4  }
0x48: {  	v4 =	vperm.xlane v3, v0;
	_ =	sdelay $0x1  }
0x49: {  	v3 =	vperm.xlane v3, v2;
	v4 =	vadd.s32 v1, v4;
	_ =	sdelay $0x1  }
0x4a: {  	v3 =	vadd.s32 v1, v3;
	_ =	sdelay $0x1  }
0x4b: {  	s20 =	simm.s32 $0x4800  }
0x4c: {  	[tilespmem:s20], [sflag:$0x1] =	stream.indirect_vreg.gather [hbm4b:s2+s3], $0x80, v4, vm0, $0xb8;
	[tilespmem:$0x18800] =	vst v63  }
0x4d: {  	s21 =	simm.s32 $0x5000  }
0x4e: {  	[tilespmem:s21], [sflag:$0x1] =	stream.indirect_vreg.gather [hbm4b:s2+s3], $0x80, v3, vm0, $0xb8;
	[tilespmem:$0x18800] =	vst v63  }
0x4f: {  	v3 =	vld [tilespmem:$0x50];
	_ =	sdelay $0x4  }
0x50: {  	v29 =	vshll.u32 v3, $0x1  }
0x51: {  	v3 =	vand.u32 $0x7, v3;
	v4 =	vand.u32 $0xFFFFFFF0, v29  }
0x52: {  	v3 =	vor.u32 v3, v4  }
0x53: {  	v4 =	vperm.xlane v3, v0;
	_ =	sdelay $0x1  }
0x54: {  	v3 =	vperm.xlane v3, v2;
	v4 =	vadd.s32 v1, v4;
	_ =	sdelay $0x1  }
0x55: {  	v3 =	vadd.s32 v1, v3;
	_ =	sdelay $0x1  }
0x56: {  	s24 =	simm.s32 $0x5800  }
0x57: {  	[tilespmem:s24], [sflag:$0x1] =	stream.indirect_vreg.gather [hbm4b:s2+s3], $0x80, v4, vm0, $0xb8;
	[tilespmem:$0x18800] =	vst v63  }
0x58: {  	s26 =	simm.s32 $0x6000  }
0x59: {  	[tilespmem:s26], [sflag:$0x1] =	stream.indirect_vreg.gather [hbm4b:s2+s3], $0x80, v3, vm0, $0xb8;
	[tilespmem:$0x18800] =	vst v63  }
0x5a: {  	v3 =	vld [tilespmem:$0x60];
	_ =	sdelay $0x4  }
0x5b: {  	v30 =	vshll.u32 v3, $0x1  }
0x5c: {  	v3 =	vand.u32 $0x7, v3;
	v4 =	vand.u32 $0xFFFFFFF0, v30  }
0x5d: {  	v3 =	vor.u32 v3, v4  }
0x5e: {  	v4 =	vperm.xlane v3, v0;
	_ =	sdelay $0x1  }
0x5f: {  	v3 =	vperm.xlane v3, v2;
	v4 =	vadd.s32 v1, v4;
	_ =	sdelay $0x1  }
0x60: {  	v3 =	vadd.s32 v1, v3;
	_ =	sdelay $0x1  }
0x61: {  	s28 =	simm.s32 $0x6800  }
0x62: {  	[tilespmem:s28], [sflag:$0x1] =	stream.indirect_vreg.gather [hbm4b:s2+s3], $0x80, v4, vm0, $0xb8;
	[tilespmem:$0x18800] =	vst v63  }
0x63: {  	s29 =	simm.s32 $0x7000  }
0x64: {  	[tilespmem:s29], [sflag:$0x1] =	stream.indirect_vreg.gather [hbm4b:s2+s3], $0x80, v3, vm0, $0xb8;
	[tilespmem:$0x18800] =	vst v63  }
0x65: {  	v3 =	vld [tilespmem:$0x70];
	_ =	sdelay $0x4  }
0x66: {  	v31 =	vshll.u32 v3, $0x1  }
0x67: {  	v3 =	vand.u32 $0x7, v3;
	v4 =	vand.u32 $0xFFFFFFF0, v31  }
0x68: {  	v3 =	vor.u32 v3, v4  }
0x69: {  	v4 =	vperm.xlane v3, v0;
	_ =	sdelay $0x1  }
0x6a: {  	v3 =	vperm.xlane v3, v2;
	v4 =	vadd.s32 v1, v4;
	_ =	sdelay $0x1  }
0x6b: {  	v3 =	vadd.s32 v1, v3;
	_ =	sdelay $0x1  }
0x6c: {  	s30 =	simm.s32 $0x7800  }
0x6d: {  	[tilespmem:s30], [sflag:$0x1] =	stream.indirect_vreg.gather [hbm4b:s2+s3], $0x80, v4, vm0, $0xb8;
	[tilespmem:$0x18800] =	vst v63  }
0x6e: {  	s8 =	simm.s32 $0x8000  }
0x6f: {  	[tilespmem:s8], [sflag:$0x1] =	stream.indirect_vreg.gather [hbm4b:s2+s3], $0x80, v3, vm0, $0xb8;
	[tilespmem:$0x18800] =	vst v63  }
0x70: {  	v3 =	vld [tilespmem:$0x80];
	_ =	sdelay $0x4  }
0x71: {  	v32 =	vshll.u32 v3, $0x1  }
0x72: {  	v3 =	vand.u32 $0x7, v3;
	v4 =	vand.u32 $0xFFFFFFF0, v32  }
0x73: {  	v3 =	vor.u32 v3, v4  }
0x74: {  	v4 =	vperm.xlane v3, v0;
	_ =	sdelay $0x1  }
0x75: {  	v3 =	vperm.xlane v3, v2;
	v4 =	vadd.s32 v1, v4;
	_ =	sdelay $0x1  }
0x76: {  	v3 =	vadd.s32 v1, v3;
	_ =	sdelay $0x2  }
0x77: {  	[tilespmem:s17], [sflag:$0x2] =	stream.indirect_vreg.gather [hbm4b:s2+s3], $0x80, v4, vm0, $0xb8;
	[tilespmem:$0x18800] =	vst v63  }
0x78: {  	s11 =	simm.s32 $0x9000  }
0x79: {  	[tilespmem:s11], [sflag:$0x2] =	stream.indirect_vreg.gather [hbm4b:s2+s3], $0x80, v3, vm0, $0xb8;
	[tilespmem:$0x18800] =	vst v63  }
0x7a: {  	v3 =	vld [tilespmem:$0x90];
	_ =	sdelay $0x4  }
0x7b: {  	v33 =	vshll.u32 v3, $0x1  }
0x7c: {  	v3 =	vand.u32 $0x7, v3;
	v4 =	vand.u32 $0xFFFFFFF0, v33  }
0x7d: {  	v3 =	vor.u32 v3, v4  }
0x7e: {  	v4 =	vperm.xlane v3, v0;
	_ =	sdelay $0x1  }
0x7f: {  	v3 =	vperm.xlane v3, v2;
	v4 =	vadd.s32 v1, v4;
	_ =	sdelay $0x1  }
0x80: {  	v3 =	vadd.s32 v1, v3;
	_ =	sdelay $0x1  }
0x81: {  	s14 =	simm.s32 $0x9800  }
0x82: {  	[tilespmem:s14], [sflag:$0x2] =	stream.indirect_vreg.gather [hbm4b:s2+s3], $0x80, v4, vm0, $0xb8;
	[tilespmem:$0x18800] =	vst v63  }
0x83: {  	s15 =	simm.s32 $0xA000  }
0x84: {  	[tilespmem:s15], [sflag:$0x2] =	stream.indirect_vreg.gather [hbm4b:s2+s3], $0x80, v3, vm0, $0xb8;
	[tilespmem:$0x18800] =	vst v63  }
0x85: {  	v3 =	vld [tilespmem:$0xA0];
	_ =	sdelay $0x4  }
0x86: {  	v34 =	vshll.u32 v3, $0x1  }
0x87: {  	v3 =	vand.u32 $0x7, v3;
	v4 =	vand.u32 $0xFFFFFFF0, v34  }
0x88: {  	v3 =	vor.u32 v3, v4  }
0x89: {  	v4 =	vperm.xlane v3, v0;
	_ =	sdelay $0x1  }
0x8a: {  	v3 =	vperm.xlane v3, v2;
	v4 =	vadd.s32 v1, v4;
	_ =	sdelay $0x1  }
0x8b: {  	v3 =	vadd.s32 v1, v3;
	_ =	sdelay $0x1  }
0x8c: {  	s18 =	simm.s32 $0xA800  }
0x8d: {  	[tilespmem:s18], [sflag:$0x2] =	stream.indirect_vreg.gather [hbm4b:s2+s3], $0x80, v4, vm0, $0xb8;
	[tilespmem:$0x18800] =	vst v63  }
0x8e: {  	s19 =	simm.s32 $0xB000  }
0x8f: {  	[tilespmem:s19], [sflag:$0x2] =	stream.indirect_vreg.gather [hbm4b:s2+s3], $0x80, v3, vm0, $0xb8;
	[tilespmem:$0x18800] =	vst v63  }
0x90: {  	v3 =	vld [tilespmem:$0xB0];
	_ =	sdelay $0x4  }
0x91: {  	v35 =	vshll.u32 v3, $0x1  }
0x92: {  	v3 =	vand.u32 $0x7, v3;
	v4 =	vand.u32 $0xFFFFFFF0, v35  }
0x93: {  	v3 =	vor.u32 v3, v4  }
0x94: {  	v4 =	vperm.xlane v3, v0;
	_ =	sdelay $0x1  }
0x95: {  	v3 =	vperm.xlane v3, v2;
	v4 =	vadd.s32 v1, v4;
	_ =	sdelay $0x1  }
0x96: {  	v3 =	vadd.s32 v1, v3;
	_ =	sdelay $0x1  }
0x97: {  	s20 =	simm.s32 $0xB800  }
0x98: {  	[tilespmem:s20], [sflag:$0x2] =	stream.indirect_vreg.gather [hbm4b:s2+s3], $0x80, v4, vm0, $0xb8;
	[tilespmem:$0x18800] =	vst v63  }
0x99: {  	s21 =	simm.s32 $0xC000  }
0x9a: {  	[tilespmem:s21], [sflag:$0x2] =	stream.indirect_vreg.gather [hbm4b:s2+s3], $0x80, v3, vm0, $0xb8;
	[tilespmem:$0x18800] =	vst v63  }
0x9b: {  	v3 =	vld [tilespmem:$0xC0];
	_ =	sdelay $0x4  }
0x9c: {  	v36 =	vshll.u32 v3, $0x1  }
0x9d: {  	v3 =	vand.u32 $0x7, v3;
	v4 =	vand.u32 $0xFFFFFFF0, v36  }
0x9e: {  	v3 =	vor.u32 v3, v4  }
0x9f: {  	v4 =	vperm.xlane v3, v0;
	_ =	sdelay $0x1  }
0xa0: {  	v3 =	vperm.xlane v3, v2;
	v4 =	vadd.s32 v1, v4;
	_ =	sdelay $0x1  }
0xa1: {  	v3 =	vadd.s32 v1, v3;
	_ =	sdelay $0x1  }
0xa2: {  	s24 =	simm.s32 $0xC800  }
0xa3: {  	[tilespmem:s24], [sflag:$0x2] =	stream.indirect_vreg.gather [hbm4b:s2+s3], $0x80, v4, vm0, $0xb8;
	[tilespmem:$0x18800] =	vst v63  }
0xa4: {  	s7 =	simm.s32 $0xD000  }
0xa5: {  	[tilespmem:s7], [sflag:$0x2] =	stream.indirect_vreg.gather [hbm4b:s2+s3], $0x80, v3, vm0, $0xb8;
	[tilespmem:$0x18800] =	vst v63  }
0xa6: {  	v3 =	vld [tilespmem:$0xD0];
	_ =	sdelay $0x4  }
0xa7: {  	v37 =	vshll.u32 v3, $0x1  }
0xa8: {  	v3 =	vand.u32 $0x7, v3;
	v4 =	vand.u32 $0xFFFFFFF0, v37  }
0xa9: {  	v3 =	vor.u32 v3, v4  }
0xaa: {  	v4 =	vperm.xlane v3, v0;
	_ =	sdelay $0x1  }
0xab: {  	v3 =	vperm.xlane v3, v2;
	v4 =	vadd.s32 v1, v4;
	_ =	sdelay $0x1  }
0xac: {  	v3 =	vadd.s32 v1, v3;
	_ =	sdelay $0x1  }
0xad: {  	s11 =	simm.s32 $0xD800  }
0xae: {  	[tilespmem:s11], [sflag:$0x2] =	stream.indirect_vreg.gather [hbm4b:s2+s3], $0x80, v4, vm0, $0xb8;
	[tilespmem:$0x18800] =	vst v63  }
0xaf: {  	s14 =	simm.s32 $0xE000  }
0xb0: {  	[tilespmem:s14], [sflag:$0x2] =	stream.indirect_vreg.gather [hbm4b:s2+s3], $0x80, v3, vm0, $0xb8;
	[tilespmem:$0x18800] =	vst v63  }
0xb1: {  	v3 =	vld [tilespmem:$0xE0];
	_ =	sdelay $0x4  }
0xb2: {  	v38 =	vshll.u32 v3, $0x1  }
0xb3: {  	v3 =	vand.u32 $0x7, v3;
	v4 =	vand.u32 $0xFFFFFFF0, v38  }
0xb4: {  	v3 =	vor.u32 v3, v4  }
0xb5: {  	v4 =	vperm.xlane v3, v0;
	_ =	sdelay $0x1  }
0xb6: {  	v3 =	vperm.xlane v3, v2;
	v4 =	vadd.s32 v1, v4;
	_ =	sdelay $0x1  }
0xb7: {  	v3 =	vadd.s32 v1, v3;
	_ =	sdelay $0x1  }
0xb8: {  	s15 =	simm.s32 $0xE800  }
0xb9: {  	[tilespmem:s15], [sflag:$0x2] =	stream.indirect_vreg.gather [hbm4b:s2+s3], $0x80, v4, vm0, $0xb8;
	[tilespmem:$0x18800] =	vst v63  }
0xba: {  	s19 =	simm.s32 $0xF000  }
0xbb: {  	[tilespmem:s19], [sflag:$0x2] =	stream.indirect_vreg.gather [hbm4b:s2+s3], $0x80, v3, vm0, $0xb8;
	[tilespmem:$0x18800] =	vst v63  }
0xbc: {  	v3 =	vld [tilespmem:$0xF0];
	_ =	sdelay $0x4  }
0xbd: {  	v39 =	vshll.u32 v3, $0x1  }
0xbe: {  	v3 =	vand.u32 $0x7, v3;
	v4 =	vand.u32 $0xFFFFFFF0, v39  }
0xbf: {  	v3 =	vor.u32 v3, v4  }
0xc0: {  	v4 =	vperm.xlane v3, v0;
	_ =	sdelay $0x1  }
0xc1: {  	v3 =	vperm.xlane v3, v2;
	v4 =	vadd.s32 v1, v4;
	_ =	sdelay $0x1  }
0xc2: {  	v3 =	vadd.s32 v1, v3;
	_ =	sdelay $0x1  }
0xc3: {  	s20 =	simm.s32 $0xF800  }
0xc4: {  	[tilespmem:s20], [sflag:$0x2] =	stream.indirect_vreg.gather [hbm4b:s2+s3], $0x80, v4, vm0, $0xb8;
	[tilespmem:$0x18800] =	vst v63  }
0xc5: {  	s21 =	simm.s32 $0x10000  }
0xc6: {  	[tilespmem:s21], [sflag:$0x2] =	stream.indirect_vreg.gather [hbm4b:s2+s3], $0x80, v3, vm0, $0xb8;
	[tilespmem:$0x18800] =	vst v63  }
0xc7: {  	_ =	swait.ge [sflag:s12], $0x8000  }
0xc8: {  	[sflag:s12] =	ssyncset.done $0x0  }
0xc9: {  	s24 =	rddreg [dreg:$0xf];
	[sflag:s12] =	ssyncadd.s32 $0xFFFF8000  }
0xca: {  	[hbm4b:s24+s3] =	stream.linear.scatter [tilespmem:s9], [sflag:$0x4], $0x8000, $0x38;
	[tilespmem:$0x18800] =	vst v63  }
0xcb: {  	v3 =	vld [tilespmem:$0x100];
	_ =	sdelay $0x4  }
0xcc: {  	v40 =	vshll.u32 v3, $0x1  }
0xcd: {  	v3 =	vand.u32 $0x7, v3;
	v4 =	vand.u32 $0xFFFFFFF0, v40  }
0xce: {  	v3 =	vor.u32 v3, v4  }
0xcf: {  	v4 =	vperm.xlane v3, v0;
	_ =	sdelay $0x1  }
0xd0: {  	v3 =	vperm.xlane v3, v2;
	v4 =	vadd.s32 v1, v4;
	_ =	sdelay $0x1  }
0xd1: {  	v3 =	vadd.s32 v1, v3;
	_ =	sdelay $0x2  }
0xd2: {  	[tilespmem:s13], [sflag:$0x3] =	stream.indirect_vreg.gather [hbm4b:s2+s3], $0x80, v4, vm0, $0xb8;
	[tilespmem:$0x18800] =	vst v63  }
0xd3: {  	s7 =	simm.s32 $0x11000  }
0xd4: {  	[tilespmem:s7], [sflag:$0x3] =	stream.indirect_vreg.gather [hbm4b:s2+s3], $0x80, v3, vm0, $0xb8;
	[tilespmem:$0x18800] =	vst v63  }
0xd5: {  	v3 =	vld [tilespmem:$0x110];
	_ =	sdelay $0x4  }
0xd6: {  	v41 =	vshll.u32 v3, $0x1  }
0xd7: {  	v3 =	vand.u32 $0x7, v3;
	v4 =	vand.u32 $0xFFFFFFF0, v41  }
0xd8: {  	v3 =	vor.u32 v3, v4  }
0xd9: {  	v4 =	vperm.xlane v3, v0;
	_ =	sdelay $0x1  }
0xda: {  	v3 =	vperm.xlane v3, v2;
	v4 =	vadd.s32 v1, v4;
	_ =	sdelay $0x1  }
0xdb: {  	v3 =	vadd.s32 v1, v3;
	_ =	sdelay $0x1  }
0xdc: {  	s11 =	simm.s32 $0x11800  }
0xdd: {  	[tilespmem:s11], [sflag:$0x3] =	stream.indirect_vreg.gather [hbm4b:s2+s3], $0x80, v4, vm0, $0xb8;
	[tilespmem:$0x18800] =	vst v63  }
0xde: {  	s14 =	simm.s32 $0x12000  }
0xdf: {  	[tilespmem:s14], [sflag:$0x3] =	stream.indirect_vreg.gather [hbm4b:s2+s3], $0x80, v3, vm0, $0xb8;
	[tilespmem:$0x18800] =	vst v63  }
0xe0: {  	v3 =	vld [tilespmem:$0x120];
	_ =	sdelay $0x4  }
0xe1: {  	v42 =	vshll.u32 v3, $0x1  }
0xe2: {  	v3 =	vand.u32 $0x7, v3;
	v4 =	vand.u32 $0xFFFFFFF0, v42  }
0xe3: {  	v3 =	vor.u32 v3, v4  }
0xe4: {  	v4 =	vperm.xlane v3, v0;
	_ =	sdelay $0x1  }
0xe5: {  	v3 =	vperm.xlane v3, v2;
	v4 =	vadd.s32 v1, v4;
	_ =	sdelay $0x1  }
0xe6: {  	v3 =	vadd.s32 v1, v3;
	_ =	sdelay $0x1  }
0xe7: {  	s15 =	simm.s32 $0x12800  }
0xe8: {  	[tilespmem:s15], [sflag:$0x3] =	stream.indirect_vreg.gather [hbm4b:s2+s3], $0x80, v4, vm0, $0xb8;
	[tilespmem:$0x18800] =	vst v63  }
0xe9: {  	s21 =	simm.s32 $0x13000  }
0xea: {  	[tilespmem:s21], [sflag:$0x3] =	stream.indirect_vreg.gather [hbm4b:s2+s3], $0x80, v3, vm0, $0xb8;
	[tilespmem:$0x18800] =	vst v63  }
0xeb: {  	v3 =	vld [tilespmem:$0x130];
	_ =	sdelay $0x4  }
0xec: {  	v43 =	vshll.u32 v3, $0x1  }
0xed: {  	v3 =	vand.u32 $0x7, v3;
	v4 =	vand.u32 $0xFFFFFFF0, v43  }
0xee: {  	v3 =	vor.u32 v3, v4  }
0xef: {  	v4 =	vperm.xlane v3, v0;
	_ =	sdelay $0x1  }
0xf0: {  	v3 =	vperm.xlane v3, v2;
	v4 =	vadd.s32 v1, v4;
	_ =	sdelay $0x1  }
0xf1: {  	v3 =	vadd.s32 v1, v3;
	_ =	sdelay $0x1  }
0xf2: {  	s24 =	simm.s32 $0x13800  }
0xf3: {  	[tilespmem:s24], [sflag:$0x3] =	stream.indirect_vreg.gather [hbm4b:s2+s3], $0x80, v4, vm0, $0xb8;
	[tilespmem:$0x18800] =	vst v63  }
0xf4: {  	s7 =	simm.s32 $0x14000  }
0xf5: {  	[tilespmem:s7], [sflag:$0x3] =	stream.indirect_vreg.gather [hbm4b:s2+s3], $0x80, v3, vm0, $0xb8;
	[tilespmem:$0x18800] =	vst v63  }
0xf6: {  	v3 =	vld [tilespmem:$0x140];
	_ =	sdelay $0x4  }
0xf7: {  	v44 =	vshll.u32 v3, $0x1  }
0xf8: {  	v3 =	vand.u32 $0x7, v3;
	v4 =	vand.u32 $0xFFFFFFF0, v44  }
0xf9: {  	v3 =	vor.u32 v3, v4  }
0xfa: {  	v4 =	vperm.xlane v3, v0;
	_ =	sdelay $0x1  }
0xfb: {  	v3 =	vperm.xlane v3, v2;
	v4 =	vadd.s32 v1, v4;
	_ =	sdelay $0x1  }
0xfc: {  	v3 =	vadd.s32 v1, v3;
	_ =	sdelay $0x1  }
0xfd: {  	s11 =	simm.s32 $0x14800  }
0xfe: {  	[tilespmem:s11], [sflag:$0x3] =	stream.indirect_vreg.gather [hbm4b:s2+s3], $0x80, v4, vm0, $0xb8;
	[tilespmem:$0x18800] =	vst v63  }
0xff: {  	s14 =	simm.s32 $0x15000  }
0x100: {  	[tilespmem:s14], [sflag:$0x3] =	stream.indirect_vreg.gather [hbm4b:s2+s3], $0x80, v3, vm0, $0xb8;
	[tilespmem:$0x18800] =	vst v63  }
0x101: {  	v3 =	vld [tilespmem:$0x150];
	_ =	sdelay $0x4  }
0x102: {  	v45 =	vshll.u32 v3, $0x1  }
0x103: {  	v3 =	vand.u32 $0x7, v3;
	v4 =	vand.u32 $0xFFFFFFF0, v45  }
0x104: {  	v3 =	vor.u32 v3, v4  }
0x105: {  	v4 =	vperm.xlane v3, v0;
	_ =	sdelay $0x1  }
0x106: {  	v3 =	vperm.xlane v3, v2;
	v4 =	vadd.s32 v1, v4;
	_ =	sdelay $0x1  }
0x107: {  	v3 =	vadd.s32 v1, v3;
	_ =	sdelay $0x1  }
0x108: {  	s15 =	simm.s32 $0x15800  }
0x109: {  	[tilespmem:s15], [sflag:$0x3] =	stream.indirect_vreg.gather [hbm4b:s2+s3], $0x80, v4, vm0, $0xb8;
	[tilespmem:$0x18800] =	vst v63  }
0x10a: {  	s21 =	simm.s32 $0x16000  }
0x10b: {  	[tilespmem:s21], [sflag:$0x3] =	stream.indirect_vreg.gather [hbm4b:s2+s3], $0x80, v3, vm0, $0xb8;
	[tilespmem:$0x18800] =	vst v63  }
0x10c: {  	v3 =	vld [tilespmem:$0x160];
	_ =	sdelay $0x4  }
0x10d: {  	v46 =	vshll.u32 v3, $0x1  }
0x10e: {  	v3 =	vand.u32 $0x7, v3;
	v4 =	vand.u32 $0xFFFFFFF0, v46  }
0x10f: {  	v3 =	vor.u32 v3, v4  }
0x110: {  	v4 =	vperm.xlane v3, v0;
	_ =	sdelay $0x1  }
0x111: {  	v3 =	vperm.xlane v3, v2;
	v4 =	vadd.s32 v1, v4;
	_ =	sdelay $0x1  }
0x112: {  	v3 =	vadd.s32 v1, v3;
	_ =	sdelay $0x1  }
0x113: {  	s24 =	simm.s32 $0x16800  }
0x114: {  	[tilespmem:s24], [sflag:$0x3] =	stream.indirect_vreg.gather [hbm4b:s2+s3], $0x80, v4, vm0, $0xb8;
	[tilespmem:$0x18800] =	vst v63  }
0x115: {  	s7 =	simm.s32 $0x17000  }
0x116: {  	[tilespmem:s7], [sflag:$0x3] =	stream.indirect_vreg.gather [hbm4b:s2+s3], $0x80, v3, vm0, $0xb8;
	[tilespmem:$0x18800] =	vst v63  }
0x117: {  	v3 =	vld [tilespmem:$0x170];
	_ =	sdelay $0x4  }
0x118: {  	v47 =	vshll.u32 v3, $0x1  }
0x119: {  	v3 =	vand.u32 $0x7, v3;
	v4 =	vand.u32 $0xFFFFFFF0, v47  }
0x11a: {  	v3 =	vor.u32 v3, v4  }
0x11b: {  	v4 =	vperm.xlane v3, v0;
	_ =	sdelay $0x1  }
0x11c: {  	v3 =	vperm.xlane v3, v2;
	v4 =	vadd.s32 v1, v4;
	_ =	sdelay $0x1  }
0x11d: {  	v3 =	vadd.s32 v1, v3;
	_ =	sdelay $0x1  }
0x11e: {  	s11 =	simm.s32 $0x17800  }
0x11f: {  	[tilespmem:s11], [sflag:$0x3] =	stream.indirect_vreg.gather [hbm4b:s2+s3], $0x80, v4, vm0, $0xb8;
	[tilespmem:$0x18800] =	vst v63  }
0x120: {  	s14 =	simm.s32 $0x18000  }
0x121: {  	[tilespmem:s14], [sflag:$0x3] =	stream.indirect_vreg.gather [hbm4b:s2+s3], $0x80, v3, vm0, $0xb8;
	[tilespmem:$0x18800] =	vst v63  }
0x122: {  	_ =	swait.ge [sflag:s31], $0x8000  }
0x123: {  	[sflag:s31] =	ssyncset.done $0x0  }
0x124: {  	s15 =	rddreg [dreg:$0x4];
	[sflag:s31] =	ssyncadd.s32 $0xFFFF8000  }
0x125: {  	[hbm4b:s15+s3] =	stream.linear.scatter [tilespmem:s17], [sflag:$0x5], $0x8000, $0x38;
	[tilespmem:$0x18800] =	vst v63  }
0x126: {  	_ =	swait.ge [sflag:s1], $0x8000  }
0x127: {  	[sflag:s1] =	ssyncset.done $0x0  }
0x128: {  	[sflag:s1] =	ssyncadd.s32 $0xFFFF8000  }
0x129: {  	v3 =	vld [tilespmem:$0x180];
	_ =	sdelay $0x4  }
0x12a: {  	v48 =	vshll.u32 v3, $0x1  }
0x12b: {  	v3 =	vand.u32 $0x7, v3;
	v4 =	vand.u32 $0xFFFFFFF0, v48  }
0x12c: {  	v3 =	vor.u32 v3, v4  }
0x12d: {  	v4 =	vperm.xlane v3, v0;
	_ =	sdelay $0x1  }
0x12e: {  	v3 =	vperm.xlane v3, v2;
	v4 =	vadd.s32 v1, v4;
	_ =	sdelay $0x1  }
0x12f: {  	v3 =	vadd.s32 v1, v3;
	_ =	sdelay $0x2  }
0x130: {  	[tilespmem:s9], [sflag:$0x1] =	stream.indirect_vreg.gather [hbm4b:s2+s3], $0x80, v4, vm0, $0xb8;
	[tilespmem:$0x18800] =	vst v63  }
0x131: {  	s10 =	simm.s32 $0x1000  }
0x132: {  	[tilespmem:s10], [sflag:$0x1] =	stream.indirect_vreg.gather [hbm4b:s2+s3], $0x80, v3, vm0, $0xb8;
	[tilespmem:$0x18800] =	vst v63  }
0x133: {  	v3 =	vld [tilespmem:$0x190];
	_ =	sdelay $0x4  }
0x134: {  	v49 =	vshll.u32 v3, $0x1  }
0x135: {  	v3 =	vand.u32 $0x7, v3;
	v4 =	vand.u32 $0xFFFFFFF0, v49  }
0x136: {  	v3 =	vor.u32 v3, v4  }
0x137: {  	v4 =	vperm.xlane v3, v0;
	_ =	sdelay $0x1  }
0x138: {  	v3 =	vperm.xlane v3, v2;
	v4 =	vadd.s32 v1, v4;
	_ =	sdelay $0x1  }
0x139: {  	v3 =	vadd.s32 v1, v3;
	_ =	sdelay $0x1  }
0x13a: {  	s21 =	simm.s32 $0x1800  }
0x13b: {  	[tilespmem:s21], [sflag:$0x1] =	stream.indirect_vreg.gather [hbm4b:s2+s3], $0x80, v4, vm0, $0xb8;
	[tilespmem:$0x18800] =	vst v63  }
0x13c: {  	s22 =	simm.s32 $0x2000  }
0x13d: {  	[tilespmem:s22], [sflag:$0x1] =	stream.indirect_vreg.gather [hbm4b:s2+s3], $0x80, v3, vm0, $0xb8;
	[tilespmem:$0x18800] =	vst v63  }
0x13e: {  	v3 =	vld [tilespmem:$0x1A0];
	_ =	sdelay $0x4  }
0x13f: {  	v50 =	vshll.u32 v3, $0x1  }
0x140: {  	v3 =	vand.u32 $0x7, v3;
	v4 =	vand.u32 $0xFFFFFFF0, v50  }
0x141: {  	v3 =	vor.u32 v3, v4  }
0x142: {  	v4 =	vperm.xlane v3, v0;
	_ =	sdelay $0x1  }
0x143: {  	v3 =	vperm.xlane v3, v2;
	v4 =	vadd.s32 v1, v4;
	_ =	sdelay $0x1  }
0x144: {  	v3 =	vadd.s32 v1, v3;
	_ =	sdelay $0x1  }
0x145: {  	s22 =	simm.s32 $0x2800  }
0x146: {  	[tilespmem:s22], [sflag:$0x1] =	stream.indirect_vreg.gather [hbm4b:s2+s3], $0x80, v4, vm0, $0xb8;
	[tilespmem:$0x18800] =	vst v63  }
0x147: {  	s23 =	simm.s32 $0x3000  }
0x148: {  	[tilespmem:s23], [sflag:$0x1] =	stream.indirect_vreg.gather [hbm4b:s2+s3], $0x80, v3, vm0, $0xb8;
	[tilespmem:$0x18800] =	vst v63  }
0x149: {  	v3 =	vld [tilespmem:$0x1B0];
	_ =	sdelay $0x4  }
0x14a: {  	v51 =	vshll.u32 v3, $0x1  }
0x14b: {  	v3 =	vand.u32 $0x7, v3;
	v4 =	vand.u32 $0xFFFFFFF0, v51  }
0x14c: {  	v3 =	vor.u32 v3, v4  }
0x14d: {  	v4 =	vperm.xlane v3, v0;
	_ =	sdelay $0x1  }
0x14e: {  	v3 =	vperm.xlane v3, v2;
	v4 =	vadd.s32 v1, v4;
	_ =	sdelay $0x1  }
0x14f: {  	v3 =	vadd.s32 v1, v3;
	_ =	sdelay $0x1  }
0x150: {  	s24 =	simm.s32 $0x3800  }
0x151: {  	[tilespmem:s24], [sflag:$0x1] =	stream.indirect_vreg.gather [hbm4b:s2+s3], $0x80, v4, vm0, $0xb8;
	[tilespmem:$0x18800] =	vst v63  }
0x152: {  	s25 =	simm.s32 $0x4000  }
0x153: {  	[tilespmem:s25], [sflag:$0x1] =	stream.indirect_vreg.gather [hbm4b:s2+s3], $0x80, v3, vm0, $0xb8;
	[tilespmem:$0x18800] =	vst v63  }
0x154: {  	v3 =	vld [tilespmem:$0x1C0];
	_ =	sdelay $0x4  }
0x155: {  	v52 =	vshll.u32 v3, $0x1  }
0x156: {  	v3 =	vand.u32 $0x7, v3;
	v4 =	vand.u32 $0xFFFFFFF0, v52  }
0x157: {  	v3 =	vor.u32 v3, v4  }
0x158: {  	v4 =	vperm.xlane v3, v0;
	_ =	sdelay $0x1  }
0x159: {  	v3 =	vperm.xlane v3, v2;
	v4 =	vadd.s32 v1, v4;
	_ =	sdelay $0x1  }
0x15a: {  	v3 =	vadd.s32 v1, v3;
	_ =	sdelay $0x1  }
0x15b: {  	s25 =	simm.s32 $0x4800  }
0x15c: {  	[tilespmem:s25], [sflag:$0x1] =	stream.indirect_vreg.gather [hbm4b:s2+s3], $0x80, v4, vm0, $0xb8;
	[tilespmem:$0x18800] =	vst v63  }
0x15d: {  	s11 =	simm.s32 $0x5000  }
0x15e: {  	[tilespmem:s11], [sflag:$0x1] =	stream.indirect_vreg.gather [hbm4b:s2+s3], $0x80, v3, vm0, $0xb8;
	[tilespmem:$0x18800] =	vst v63  }
0x15f: {  	v3 =	vld [tilespmem:$0x1D0];
	_ =	sdelay $0x4  }
0x160: {  	v53 =	vshll.u32 v3, $0x1  }
0x161: {  	v3 =	vand.u32 $0x7, v3;
	v4 =	vand.u32 $0xFFFFFFF0, v53  }
0x162: {  	v3 =	vor.u32 v3, v4  }
0x163: {  	v4 =	vperm.xlane v3, v0;
	_ =	sdelay $0x1  }
0x164: {  	v3 =	vperm.xlane v3, v2;
	v4 =	vadd.s32 v1, v4;
	_ =	sdelay $0x1  }
0x165: {  	v3 =	vadd.s32 v1, v3;
	_ =	sdelay $0x1  }
0x166: {  	s7 =	simm.s32 $0x5800  }
0x167: {  	[tilespmem:s7], [sflag:$0x1] =	stream.indirect_vreg.gather [hbm4b:s2+s3], $0x80, v4, vm0, $0xb8;
	[tilespmem:$0x18800] =	vst v63  }
0x168: {  	s14 =	simm.s32 $0x6000  }
0x169: {  	[tilespmem:s14], [sflag:$0x1] =	stream.indirect_vreg.gather [hbm4b:s2+s3], $0x80, v3, vm0, $0xb8;
	[tilespmem:$0x18800] =	vst v63  }
0x16a: {  	v3 =	vld [tilespmem:$0x1E0];
	_ =	sdelay $0x4  }
0x16b: {  	v54 =	vshll.u32 v3, $0x1  }
0x16c: {  	v3 =	vand.u32 $0x7, v3;
	v4 =	vand.u32 $0xFFFFFFF0, v54  }
0x16d: {  	v3 =	vor.u32 v3, v4  }
0x16e: {  	v4 =	vperm.xlane v3, v0;
	_ =	sdelay $0x1  }
0x16f: {  	v3 =	vperm.xlane v3, v2;
	v4 =	vadd.s32 v1, v4;
	_ =	sdelay $0x1  }
0x170: {  	v3 =	vadd.s32 v1, v3;
	_ =	sdelay $0x1  }
0x171: {  	s23 =	simm.s32 $0x6800  }
0x172: {  	[tilespmem:s23], [sflag:$0x1] =	stream.indirect_vreg.gather [hbm4b:s2+s3], $0x80, v4, vm0, $0xb8;
	[tilespmem:$0x18800] =	vst v63  }
0x173: {  	s15 =	simm.s32 $0x7000  }
0x174: {  	[tilespmem:s15], [sflag:$0x1] =	stream.indirect_vreg.gather [hbm4b:s2+s3], $0x80, v3, vm0, $0xb8;
	[tilespmem:$0x18800] =	vst v63  }
0x175: {  	v3 =	vld [tilespmem:$0x1F0];
	_ =	sdelay $0x4  }
0x176: {  	v55 =	vshll.u32 v3, $0x1  }
0x177: {  	v3 =	vand.u32 $0x7, v3;
	v4 =	vand.u32 $0xFFFFFFF0, v55  }
0x178: {  	v3 =	vor.u32 v3, v4  }
0x179: {  	v4 =	vperm.xlane v3, v0;
	_ =	sdelay $0x1  }
0x17a: {  	v3 =	vperm.xlane v3, v2;
	v4 =	vadd.s32 v1, v4;
	_ =	sdelay $0x1  }
0x17b: {  	v3 =	vadd.s32 v1, v3;
	_ =	sdelay $0x1  }
0x17c: {  	s10 =	simm.s32 $0x7800  }
0x17d: {  	[tilespmem:s10], [sflag:$0x1] =	stream.indirect_vreg.gather [hbm4b:s2+s3], $0x80, v4, vm0, $0xb8;
	[tilespmem:$0x18800] =	vst v63  }
0x17e: {  	s16 =	simm.s32 $0x8000  }
0x17f: {  	[tilespmem:s16], [sflag:$0x1] =	stream.indirect_vreg.gather [hbm4b:s2+s3], $0x80, v3, vm0, $0xb8;
	[tilespmem:$0x18800] =	vst v63  }
0x180: {  	_ =	swait.ge [sflag:s0], $0x8000  }
0x181: {  	[sflag:s0] =	ssyncset.done $0x0  }
0x182: {  	s16 =	rddreg [dreg:$0x5];
	[sflag:s0] =	ssyncadd.s32 $0xFFFF8000  }
0x183: {  	[hbm4b:s16+s3] =	stream.linear.scatter [tilespmem:s13], [sflag:$0x6], $0x8000, $0x38;
	[tilespmem:$0x18800] =	vst v63  }
0x184: {  	_ =	swait.ge [sflag:s4], $0x8000  }
0x185: {  	[sflag:s4] =	ssyncset.done $0x0  }
0x186: {  	[sflag:s4] =	ssyncadd.s32 $0xFFFF8000  }
0x187: {  	v3 =	vld [tilespmem:$0x200];
	_ =	sdelay $0x4  }
0x188: {  	v56 =	vshll.u32 v3, $0x1  }
0x189: {  	v3 =	vand.u32 $0x7, v3;
	v4 =	vand.u32 $0xFFFFFFF0, v56  }
0x18a: {  	v3 =	vor.u32 v3, v4  }
0x18b: {  	v4 =	vperm.xlane v3, v0;
	_ =	sdelay $0x1  }
0x18c: {  	v3 =	vperm.xlane v3, v2;
	v4 =	vadd.s32 v1, v4;
	_ =	sdelay $0x1  }
0x18d: {  	v3 =	vadd.s32 v1, v3;
	_ =	sdelay $0x2  }
0x18e: {  	[tilespmem:s17], [sflag:$0x2] =	stream.indirect_vreg.gather [hbm4b:s2+s3], $0x80, v4, vm0, $0xb8;
	[tilespmem:$0x18800] =	vst v63  }
0x18f: {  	s28 =	simm.s32 $0x9000  }
0x190: {  	[tilespmem:s28], [sflag:$0x2] =	stream.indirect_vreg.gather [hbm4b:s2+s3], $0x80, v3, vm0, $0xb8;
	[tilespmem:$0x18800] =	vst v63  }
0x191: {  	v3 =	vld [tilespmem:$0x210];
	_ =	sdelay $0x4  }
0x192: {  	v57 =	vshll.u32 v3, $0x1  }
0x193: {  	v3 =	vand.u32 $0x7, v3;
	v4 =	vand.u32 $0xFFFFFFF0, v57  }
0x194: {  	v3 =	vor.u32 v3, v4  }
0x195: {  	v4 =	vperm.xlane v3, v0;
	_ =	sdelay $0x1  }
0x196: {  	v3 =	vperm.xlane v3, v2;
	v4 =	vadd.s32 v1, v4;
	_ =	sdelay $0x1  }
0x197: {  	v3 =	vadd.s32 v1, v3;
	_ =	sdelay $0x1  }
0x198: {  	s16 =	simm.s32 $0x9800  }
0x199: {  	[tilespmem:s16], [sflag:$0x2] =	stream.indirect_vreg.gather [hbm4b:s2+s3], $0x80, v4, vm0, $0xb8;
	[tilespmem:$0x18800] =	vst v63  }
0x19a: {  	s26 =	simm.s32 $0xA000  }
0x19b: {  	[tilespmem:s26], [sflag:$0x2] =	stream.indirect_vreg.gather [hbm4b:s2+s3], $0x80, v3, vm0, $0xb8;
	[tilespmem:$0x18800] =	vst v63  }
0x19c: {  	v3 =	vld [tilespmem:$0x220];
	_ =	sdelay $0x4  }
0x19d: {  	v58 =	vshll.u32 v3, $0x1  }
0x19e: {  	v3 =	vand.u32 $0x7, v3;
	v4 =	vand.u32 $0xFFFFFFF0, v58  }
0x19f: {  	v3 =	vor.u32 v3, v4  }
0x1a0: {  	v4 =	vperm.xlane v3, v0;
	_ =	sdelay $0x1  }
0x1a1: {  	v3 =	vperm.xlane v3, v2;
	v4 =	vadd.s32 v1, v4;
	_ =	sdelay $0x1  }
0x1a2: {  	v3 =	vadd.s32 v1, v3;
	_ =	sdelay $0x1  }
0x1a3: {  	s28 =	simm.s32 $0xA800  }
0x1a4: {  	[tilespmem:s28], [sflag:$0x2] =	stream.indirect_vreg.gather [hbm4b:s2+s3], $0x80, v4, vm0, $0xb8;
	[tilespmem:$0x18800] =	vst v63  }
0x1a5: {  	s29 =	simm.s32 $0xB000  }
0x1a6: {  	[tilespmem:s29], [sflag:$0x2] =	stream.indirect_vreg.gather [hbm4b:s2+s3], $0x80, v3, vm0, $0xb8;
	[tilespmem:$0x18800] =	vst v63  }
0x1a7: {  	v3 =	vld [tilespmem:$0x230];
	_ =	sdelay $0x4  }
0x1a8: {  	v59 =	vshll.u32 v3, $0x1  }
0x1a9: {  	v3 =	vand.u32 $0x7, v3;
	v4 =	vand.u32 $0xFFFFFFF0, v59  }
0x1aa: {  	v3 =	vor.u32 v3, v4  }
0x1ab: {  	v4 =	vperm.xlane v3, v0;
	_ =	sdelay $0x1  }
0x1ac: {  	v3 =	vperm.xlane v3, v2;
	v4 =	vadd.s32 v1, v4;
	_ =	sdelay $0x1  }
0x1ad: {  	v3 =	vadd.s32 v1, v3;
	_ =	sdelay $0x1  }
0x1ae: {  	s29 =	simm.s32 $0xB800  }
0x1af: {  	[tilespmem:s29], [sflag:$0x2] =	stream.indirect_vreg.gather [hbm4b:s2+s3], $0x80, v4, vm0, $0xb8;
	[tilespmem:$0x18800] =	vst v63  }
0x1b0: {  	s30 =	simm.s32 $0xC000  }
0x1b1: {  	[tilespmem:s30], [sflag:$0x2] =	stream.indirect_vreg.gather [hbm4b:s2+s3], $0x80, v3, vm0, $0xb8;
	[tilespmem:$0x18800] =	vst v63  }
0x1b2: {  	v3 =	vld [tilespmem:$0x240];
	_ =	sdelay $0x4  }
0x1b3: {  	v60 =	vshll.u32 v3, $0x1  }
0x1b4: {  	v3 =	vand.u32 $0x7, v3;
	v4 =	vand.u32 $0xFFFFFFF0, v60  }
0x1b5: {  	v3 =	vor.u32 v3, v4  }
0x1b6: {  	v4 =	vperm.xlane v3, v0;
	_ =	sdelay $0x1  }
0x1b7: {  	v3 =	vperm.xlane v3, v2;
	v4 =	vadd.s32 v1, v4;
	_ =	sdelay $0x1  }
0x1b8: {  	v3 =	vadd.s32 v1, v3;
	_ =	sdelay $0x1  }
0x1b9: {  	s30 =	simm.s32 $0xC800  }
0x1ba: {  	[tilespmem:s30], [sflag:$0x2] =	stream.indirect_vreg.gather [hbm4b:s2+s3], $0x80, v4, vm0, $0xb8;
	[tilespmem:$0x18800] =	vst v63  }
0x1bb: {  	s16 =	simm.s32 $0xD000  }
0x1bc: {  	[tilespmem:s16], [sflag:$0x2] =	stream.indirect_vreg.gather [hbm4b:s2+s3], $0x80, v3, vm0, $0xb8;
	[tilespmem:$0x18800] =	vst v63  }
0x1bd: {  	v3 =	vld [tilespmem:$0x250];
	_ =	sdelay $0x4  }
0x1be: {  	v61 =	vshll.u32 v3, $0x1  }
0x1bf: {  	v3 =	vand.u32 $0x7, v3;
	v4 =	vand.u32 $0xFFFFFFF0, v61  }
0x1c0: {  	v3 =	vor.u32 v3, v4  }
0x1c1: {  	v4 =	vperm.xlane v3, v0;
	_ =	sdelay $0x1  }
0x1c2: {  	v3 =	vperm.xlane v3, v2;
	v4 =	vadd.s32 v1, v4;
	_ =	sdelay $0x1  }
0x1c3: {  	v3 =	vadd.s32 v1, v3;
	_ =	sdelay $0x1  }
0x1c4: {  	s26 =	simm.s32 $0xD800  }
0x1c5: {  	[tilespmem:s26], [sflag:$0x2] =	stream.indirect_vreg.gather [hbm4b:s2+s3], $0x80, v4, vm0, $0xb8;
	[tilespmem:$0x18800] =	vst v63  }
0x1c6: {  	s18 =	simm.s32 $0xE000  }
0x1c7: {  	[tilespmem:s18], [sflag:$0x2] =	stream.indirect_vreg.gather [hbm4b:s2+s3], $0x80, v3, vm0, $0xb8;
	[tilespmem:$0x18800] =	vst v63  }
0x1c8: {  	v3 =	vld [tilespmem:$0x260];
	_ =	sdelay $0x4  }
0x1c9: {  	v62 =	vshll.u32 v3, $0x1  }
0x1ca: {  	v3 =	vand.u32 $0x7, v3;
	v4 =	vand.u32 $0xFFFFFFF0, v62  }
0x1cb: {  	v3 =	vor.u32 v3, v4  }
0x1cc: {  	v4 =	vperm.xlane v3, v0;
	_ =	sdelay $0x1  }
0x1cd: {  	v3 =	vperm.xlane v3, v2;
	v4 =	vadd.s32 v1, v4;
	_ =	sdelay $0x1  }
0x1ce: {  	v3 =	vadd.s32 v1, v3;
	_ =	sdelay $0x1  }
0x1cf: {  	s28 =	simm.s32 $0xE800  }
0x1d0: {  	[tilespmem:s28], [sflag:$0x2] =	stream.indirect_vreg.gather [hbm4b:s2+s3], $0x80, v4, vm0, $0xb8;
	[tilespmem:$0x18800] =	vst v63  }
0x1d1: {  	s19 =	simm.s32 $0xF000  }
0x1d2: {  	[tilespmem:s19], [sflag:$0x2] =	stream.indirect_vreg.gather [hbm4b:s2+s3], $0x80, v3, vm0, $0xb8;
	[tilespmem:$0x18800] =	vst v63  }
0x1d3: {  	v3 =	vld [tilespmem:$0x270];
	_ =	sdelay $0x4  }
0x1d4: {  	v63 =	vshll.u32 v3, $0x1  }
0x1d5: {  	v3 =	vand.u32 $0x7, v3;
	v4 =	vand.u32 $0xFFFFFFF0, v63  }
0x1d6: {  	v3 =	vor.u32 v3, v4  }
0x1d7: {  	v4 =	vperm.xlane v3, v0;
	_ =	sdelay $0x1  }
0x1d8: {  	v3 =	vperm.xlane v3, v2;
	v4 =	vadd.s32 v1, v4;
	_ =	sdelay $0x1  }
0x1d9: {  	v3 =	vadd.s32 v1, v3;
	_ =	sdelay $0x1  }
0x1da: {  	s29 =	simm.s32 $0xF800  }
0x1db: {  	[tilespmem:s29], [sflag:$0x2] =	stream.indirect_vreg.gather [hbm4b:s2+s3], $0x80, v4, vm0, $0xb8;
	[tilespmem:$0x18800] =	vst v63  }
0x1dc: {  	s20 =	simm.s32 $0x10000  }
0x1dd: {  	[tilespmem:s20], [sflag:$0x2] =	stream.indirect_vreg.gather [hbm4b:s2+s3], $0x80, v3, vm0, $0xb8;
	[tilespmem:$0x18800] =	vst v63  }
0x1de: {  	_ =	swait.ge [sflag:s12], $0x8000  }
0x1df: {  	[sflag:s12] =	ssyncset.done $0x0  }
0x1e0: {  	s30 =	rddreg [dreg:$0x6];
	[sflag:s12] =	ssyncadd.s32 $0xFFFF8000  }
0x1e1: {  	[hbm4b:s30+s3] =	stream.linear.scatter [tilespmem:s9], [sflag:$0x4], $0x8000, $0x38;
	[tilespmem:$0x18800] =	vst v63  }
0x1e2: {  	_ =	swait.ge [sflag:s6], $0x8000  }
0x1e3: {  	[sflag:s6] =	ssyncset.done $0x0  }
0x1e4: {  	[sflag:s6] =	ssyncadd.s32 $0xFFFF8000  }
0x1e5: {  	v3 =	vld [tilespmem:$0x280];
	_ =	sdelay $0x4  }
0x1e6: {  	v8 =	vshll.u32 v3, $0x1  }
0x1e7: {  	v3 =	vand.u32 $0x7, v3;
	v4 =	vand.u32 $0xFFFFFFF0, v8  }
0x1e8: {  	v3 =	vor.u32 v3, v4  }
0x1e9: {  	v4 =	vperm.xlane v3, v0;
	_ =	sdelay $0x1  }
0x1ea: {  	v3 =	vperm.xlane v3, v2;
	v4 =	vadd.s32 v1, v4;
	_ =	sdelay $0x1  }
0x1eb: {  	v3 =	vadd.s32 v1, v3;
	_ =	sdelay $0x2  }
0x1ec: {  	[tilespmem:s13], [sflag:$0x3] =	stream.indirect_vreg.gather [hbm4b:s2+s3], $0x80, v4, vm0, $0xb8;
	[tilespmem:$0x18800] =	vst v63  }
0x1ed: {  	s16 =	simm.s32 $0x11000  }
0x1ee: {  	[tilespmem:s16], [sflag:$0x3] =	stream.indirect_vreg.gather [hbm4b:s2+s3], $0x80, v3, vm0, $0xb8;
	[tilespmem:$0x18800] =	vst v63  }
0x1ef: {  	v3 =	vld [tilespmem:$0x290];
	_ =	sdelay $0x4  }
0x1f0: {  	v9 =	vshll.u32 v3, $0x1  }
0x1f1: {  	v3 =	vand.u32 $0x7, v3;
	v4 =	vand.u32 $0xFFFFFFF0, v9  }
0x1f2: {  	v3 =	vor.u32 v3, v4  }
0x1f3: {  	v4 =	vperm.xlane v3, v0;
	_ =	sdelay $0x1  }
0x1f4: {  	v3 =	vperm.xlane v3, v2;
	v4 =	vadd.s32 v1, v4;
	_ =	sdelay $0x1  }
0x1f5: {  	v3 =	vadd.s32 v1, v3;
	_ =	sdelay $0x1  }
0x1f6: {  	s18 =	simm.s32 $0x11800  }
0x1f7: {  	[tilespmem:s18], [sflag:$0x3] =	stream.indirect_vreg.gather [hbm4b:s2+s3], $0x80, v4, vm0, $0xb8;
	[tilespmem:$0x18800] =	vst v63  }
0x1f8: {  	s19 =	simm.s32 $0x12000  }
0x1f9: {  	[tilespmem:s19], [sflag:$0x3] =	stream.indirect_vreg.gather [hbm4b:s2+s3], $0x80, v3, vm0, $0xb8;
	[tilespmem:$0x18800] =	vst v63  }
0x1fa: {  	v3 =	vld [tilespmem:$0x2A0];
	_ =	sdelay $0x4  }
0x1fb: {  	v10 =	vshll.u32 v3, $0x1  }
0x1fc: {  	v3 =	vand.u32 $0x7, v3;
	v4 =	vand.u32 $0xFFFFFFF0, v10  }
0x1fd: {  	v3 =	vor.u32 v3, v4  }
0x1fe: {  	v4 =	vperm.xlane v3, v0;
	_ =	sdelay $0x1  }
0x1ff: {  	v3 =	vperm.xlane v3, v2;
	v4 =	vadd.s32 v1, v4;
	_ =	sdelay $0x1  }
0x200: {  	v3 =	vadd.s32 v1, v3;
	_ =	sdelay $0x1  }
0x201: {  	s20 =	simm.s32 $0x12800  }
0x202: {  	[tilespmem:s20], [sflag:$0x3] =	stream.indirect_vreg.gather [hbm4b:s2+s3], $0x80, v4, vm0, $0xb8;
	[tilespmem:$0x18800] =	vst v63  }
0x203: {  	s26 =	simm.s32 $0x13000  }
0x204: {  	[tilespmem:s26], [sflag:$0x3] =	stream.indirect_vreg.gather [hbm4b:s2+s3], $0x80, v3, vm0, $0xb8;
	[tilespmem:$0x18800] =	vst v63  }
0x205: {  	v3 =	vld [tilespmem:$0x2B0];
	_ =	sdelay $0x4  }
0x206: {  	v11 =	vshll.u32 v3, $0x1  }
0x207: {  	v3 =	vand.u32 $0x7, v3;
	v4 =	vand.u32 $0xFFFFFFF0, v11  }
0x208: {  	v3 =	vor.u32 v3, v4  }
0x209: {  	v4 =	vperm.xlane v3, v0;
	_ =	sdelay $0x1  }
0x20a: {  	v3 =	vperm.xlane v3, v2;
	v4 =	vadd.s32 v1, v4;
	_ =	sdelay $0x1  }
0x20b: {  	v3 =	vadd.s32 v1, v3;
	_ =	sdelay $0x1  }
0x20c: {  	s28 =	simm.s32 $0x13800  }
0x20d: {  	[tilespmem:s28], [sflag:$0x3] =	stream.indirect_vreg.gather [hbm4b:s2+s3], $0x80, v4, vm0, $0xb8;
	[tilespmem:$0x18800] =	vst v63  }
0x20e: {  	s29 =	simm.s32 $0x14000  }
0x20f: {  	[tilespmem:s29], [sflag:$0x3] =	stream.indirect_vreg.gather [hbm4b:s2+s3], $0x80, v3, vm0, $0xb8;
	[tilespmem:$0x18800] =	vst v63  }
0x210: {  	v3 =	vld [tilespmem:$0x2C0];
	_ =	sdelay $0x4  }
0x211: {  	v12 =	vshll.u32 v3, $0x1  }
0x212: {  	v3 =	vand.u32 $0x7, v3;
	v4 =	vand.u32 $0xFFFFFFF0, v12  }
0x213: {  	v3 =	vor.u32 v3, v4  }
0x214: {  	v4 =	vperm.xlane v3, v0;
	_ =	sdelay $0x1  }
0x215: {  	v3 =	vperm.xlane v3, v2;
	v4 =	vadd.s32 v1, v4;
	_ =	sdelay $0x1  }
0x216: {  	v3 =	vadd.s32 v1, v3;
	_ =	sdelay $0x1  }
0x217: {  	s20 =	simm.s32 $0x14800  }
0x218: {  	[tilespmem:s20], [sflag:$0x3] =	stream.indirect_vreg.gather [hbm4b:s2+s3], $0x80, v4, vm0, $0xb8;
	[tilespmem:$0x18800] =	vst v63  }
0x219: {  	s26 =	simm.s32 $0x15000  }
0x21a: {  	[tilespmem:s26], [sflag:$0x3] =	stream.indirect_vreg.gather [hbm4b:s2+s3], $0x80, v3, vm0, $0xb8;
	[tilespmem:$0x18800] =	vst v63  }
0x21b: {  	v3 =	vld [tilespmem:$0x2D0];
	_ =	sdelay $0x4  }
0x21c: {  	v13 =	vshll.u32 v3, $0x1  }
0x21d: {  	v3 =	vand.u32 $0x7, v3;
	v4 =	vand.u32 $0xFFFFFFF0, v13  }
0x21e: {  	v3 =	vor.u32 v3, v4  }
0x21f: {  	v4 =	vperm.xlane v3, v0;
	_ =	sdelay $0x1  }
0x220: {  	v3 =	vperm.xlane v3, v2;
	v4 =	vadd.s32 v1, v4;
	_ =	sdelay $0x1  }
0x221: {  	v3 =	vadd.s32 v1, v3;
	_ =	sdelay $0x1  }
0x222: {  	s28 =	simm.s32 $0x15800  }
0x223: {  	[tilespmem:s28], [sflag:$0x3] =	stream.indirect_vreg.gather [hbm4b:s2+s3], $0x80, v4, vm0, $0xb8;
	[tilespmem:$0x18800] =	vst v63  }
0x224: {  	s29 =	simm.s32 $0x16000  }
0x225: {  	[tilespmem:s29], [sflag:$0x3] =	stream.indirect_vreg.gather [hbm4b:s2+s3], $0x80, v3, vm0, $0xb8;
	[tilespmem:$0x18800] =	vst v63  }
0x226: {  	v3 =	vld [tilespmem:$0x2E0];
	_ =	sdelay $0x4  }
0x227: {  	v14 =	vshll.u32 v3, $0x1  }
0x228: {  	v3 =	vand.u32 $0x7, v3;
	v4 =	vand.u32 $0xFFFFFFF0, v14  }
0x229: {  	v3 =	vor.u32 v3, v4  }
0x22a: {  	v4 =	vperm.xlane v3, v0;
	_ =	sdelay $0x1  }
0x22b: {  	v3 =	vperm.xlane v3, v2;
	v4 =	vadd.s32 v1, v4;
	_ =	sdelay $0x1  }
0x22c: {  	v3 =	vadd.s32 v1, v3;
	_ =	sdelay $0x1  }
0x22d: {  	s28 =	simm.s32 $0x16800  }
0x22e: {  	[tilespmem:s28], [sflag:$0x3] =	stream.indirect_vreg.gather [hbm4b:s2+s3], $0x80, v4, vm0, $0xb8;
	[tilespmem:$0x18800] =	vst v63  }
0x22f: {  	s29 =	simm.s32 $0x17000  }
0x230: {  	[tilespmem:s29], [sflag:$0x3] =	stream.indirect_vreg.gather [hbm4b:s2+s3], $0x80, v3, vm0, $0xb8;
	[tilespmem:$0x18800] =	vst v63  }
0x231: {  	v3 =	vld [tilespmem:$0x2F0];
	_ =	sdelay $0x4  }
0x232: {  	v15 =	vshll.u32 v3, $0x1  }
0x233: {  	v3 =	vand.u32 $0x7, v3;
	v4 =	vand.u32 $0xFFFFFFF0, v15  }
0x234: {  	v3 =	vor.u32 v3, v4  }
0x235: {  	v4 =	vperm.xlane v3, v0;
	_ =	sdelay $0x1  }
0x236: {  	v3 =	vperm.xlane v3, v2;
	v4 =	vadd.s32 v1, v4;
	_ =	sdelay $0x1  }
0x237: {  	v3 =	vadd.s32 v1, v3;
	_ =	sdelay $0x1  }
0x238: {  	s29 =	simm.s32 $0x17800  }
0x239: {  	[tilespmem:s29], [sflag:$0x3] =	stream.indirect_vreg.gather [hbm4b:s2+s3], $0x80, v4, vm0, $0xb8;
	[tilespmem:$0x18800] =	vst v63  }
0x23a: {  	s8 =	simm.s32 $0x18000  }
0x23b: {  	[tilespmem:s8], [sflag:$0x3] =	stream.indirect_vreg.gather [hbm4b:s2+s3], $0x80, v3, vm0, $0xb8;
	[tilespmem:$0x18800] =	vst v63  }
0x23c: {  	_ =	swait.ge [sflag:s31], $0x8000  }
0x23d: {  	[sflag:s31] =	ssyncset.done $0x0  }
0x23e: {  	s8 =	rddreg [dreg:$0x7];
	[sflag:s31] =	ssyncadd.s32 $0xFFFF8000  }
0x23f: {  	[hbm4b:s8+s3] =	stream.linear.scatter [tilespmem:s17], [sflag:$0x5], $0x8000, $0x38;
	[tilespmem:$0x18800] =	vst v63  }
0x240: {  	_ =	swait.ge [sflag:s1], $0x8000  }
0x241: {  	[sflag:s1] =	ssyncset.done $0x0  }
0x242: {  	[sflag:s1] =	ssyncadd.s32 $0xFFFF8000  }
0x243: {  	v3 =	vld [tilespmem:$0x300];
	_ =	sdelay $0x4  }
0x244: {  	v16 =	vshll.u32 v3, $0x1  }
0x245: {  	v3 =	vand.u32 $0x7, v3;
	v4 =	vand.u32 $0xFFFFFFF0, v16  }
0x246: {  	v3 =	vor.u32 v3, v4  }
0x247: {  	v4 =	vperm.xlane v3, v0;
	_ =	sdelay $0x1  }
0x248: {  	v3 =	vperm.xlane v3, v2;
	v4 =	vadd.s32 v1, v4;
	_ =	sdelay $0x1  }
0x249: {  	v3 =	vadd.s32 v1, v3;
	_ =	sdelay $0x2  }
0x24a: {  	[tilespmem:s9], [sflag:$0x1] =	stream.indirect_vreg.gather [hbm4b:s2+s3], $0x80, v4, vm0, $0xb8;
	[tilespmem:$0x18800] =	vst v63  }
0x24b: {  	s8 =	simm.s32 $0x1000  }
0x24c: {  	[tilespmem:s8], [sflag:$0x1] =	stream.indirect_vreg.gather [hbm4b:s2+s3], $0x80, v3, vm0, $0xb8;
	[tilespmem:$0x18800] =	vst v63  }
0x24d: {  	v3 =	vld [tilespmem:$0x310];
	_ =	sdelay $0x4  }
0x24e: {  	v17 =	vshll.u32 v3, $0x1  }
0x24f: {  	v3 =	vand.u32 $0x7, v3;
	v4 =	vand.u32 $0xFFFFFFF0, v17  }
0x250: {  	v3 =	vor.u32 v3, v4  }
0x251: {  	v4 =	vperm.xlane v3, v0;
	_ =	sdelay $0x1  }
0x252: {  	v3 =	vperm.xlane v3, v2;
	v4 =	vadd.s32 v1, v4;
	_ =	sdelay $0x1  }
0x253: {  	v3 =	vadd.s32 v1, v3;
	_ =	sdelay $0x2  }
0x254: {  	[tilespmem:s21], [sflag:$0x1] =	stream.indirect_vreg.gather [hbm4b:s2+s3], $0x80, v4, vm0, $0xb8;
	[tilespmem:$0x18800] =	vst v63  }
0x255: {  	s8 =	simm.s32 $0x2000  }
0x256: {  	[tilespmem:s8], [sflag:$0x1] =	stream.indirect_vreg.gather [hbm4b:s2+s3], $0x80, v3, vm0, $0xb8;
	[tilespmem:$0x18800] =	vst v63  }
0x257: {  	v3 =	vld [tilespmem:$0x320];
	_ =	sdelay $0x4  }
0x258: {  	v18 =	vshll.u32 v3, $0x1  }
0x259: {  	v3 =	vand.u32 $0x7, v3;
	v4 =	vand.u32 $0xFFFFFFF0, v18  }
0x25a: {  	v3 =	vor.u32 v3, v4  }
0x25b: {  	v4 =	vperm.xlane v3, v0;
	_ =	sdelay $0x1  }
0x25c: {  	v3 =	vperm.xlane v3, v2;
	v4 =	vadd.s32 v1, v4;
	_ =	sdelay $0x1  }
0x25d: {  	v3 =	vadd.s32 v1, v3;
	_ =	sdelay $0x2  }
0x25e: {  	[tilespmem:s22], [sflag:$0x1] =	stream.indirect_vreg.gather [hbm4b:s2+s3], $0x80, v4, vm0, $0xb8;
	[tilespmem:$0x18800] =	vst v63  }
0x25f: {  	s8 =	simm.s32 $0x3000  }
0x260: {  	[tilespmem:s8], [sflag:$0x1] =	stream.indirect_vreg.gather [hbm4b:s2+s3], $0x80, v3, vm0, $0xb8;
	[tilespmem:$0x18800] =	vst v63  }
0x261: {  	v3 =	vld [tilespmem:$0x330];
	_ =	sdelay $0x4  }
0x262: {  	v19 =	vshll.u32 v3, $0x1  }
0x263: {  	v3 =	vand.u32 $0x7, v3;
	v4 =	vand.u32 $0xFFFFFFF0, v19  }
0x264: {  	v3 =	vor.u32 v3, v4  }
0x265: {  	v4 =	vperm.xlane v3, v0;
	_ =	sdelay $0x1  }
0x266: {  	v3 =	vperm.xlane v3, v2;
	v4 =	vadd.s32 v1, v4;
	_ =	sdelay $0x1  }
0x267: {  	v3 =	vadd.s32 v1, v3;
	_ =	sdelay $0x2  }
0x268: {  	[tilespmem:s24], [sflag:$0x1] =	stream.indirect_vreg.gather [hbm4b:s2+s3], $0x80, v4, vm0, $0xb8;
	[tilespmem:$0x18800] =	vst v63  }
0x269: {  	s8 =	simm.s32 $0x4000  }
0x26a: {  	[tilespmem:s8], [sflag:$0x1] =	stream.indirect_vreg.gather [hbm4b:s2+s3], $0x80, v3, vm0, $0xb8;
	[tilespmem:$0x18800] =	vst v63  }
0x26b: {  	v3 =	vld [tilespmem:$0x340];
	_ =	sdelay $0x4  }
0x26c: {  	v20 =	vshll.u32 v3, $0x1  }
0x26d: {  	v3 =	vand.u32 $0x7, v3;
	v4 =	vand.u32 $0xFFFFFFF0, v20  }
0x26e: {  	v3 =	vor.u32 v3, v4  }
0x26f: {  	v4 =	vperm.xlane v3, v0;
	_ =	sdelay $0x1  }
0x270: {  	v3 =	vperm.xlane v3, v2;
	v4 =	vadd.s32 v1, v4;
	_ =	sdelay $0x1  }
0x271: {  	v3 =	vadd.s32 v1, v3;
	_ =	sdelay $0x2  }
0x272: {  	[tilespmem:s25], [sflag:$0x1] =	stream.indirect_vreg.gather [hbm4b:s2+s3], $0x80, v4, vm0, $0xb8;
	[tilespmem:$0x18800] =	vst v63  }
0x273: {  	_ = 	snop  }
0x274: {  	[tilespmem:s11], [sflag:$0x1] =	stream.indirect_vreg.gather [hbm4b:s2+s3], $0x80, v3, vm0, $0xb8;
	[tilespmem:$0x18800] =	vst v63  }
0x275: {  	v3 =	vld [tilespmem:$0x350];
	_ =	sdelay $0x4  }
0x276: {  	v21 =	vshll.u32 v3, $0x1  }
0x277: {  	v3 =	vand.u32 $0x7, v3;
	v4 =	vand.u32 $0xFFFFFFF0, v21  }
0x278: {  	v3 =	vor.u32 v3, v4  }
0x279: {  	v4 =	vperm.xlane v3, v0;
	_ =	sdelay $0x1  }
0x27a: {  	v3 =	vperm.xlane v3, v2;
	v4 =	vadd.s32 v1, v4;
	_ =	sdelay $0x1  }
0x27b: {  	v3 =	vadd.s32 v1, v3;
	_ =	sdelay $0x2  }
0x27c: {  	[tilespmem:s7], [sflag:$0x1] =	stream.indirect_vreg.gather [hbm4b:s2+s3], $0x80, v4, vm0, $0xb8;
	[tilespmem:$0x18800] =	vst v63  }
0x27d: {  	_ = 	snop  }
0x27e: {  	[tilespmem:s14], [sflag:$0x1] =	stream.indirect_vreg.gather [hbm4b:s2+s3], $0x80, v3, vm0, $0xb8;
	[tilespmem:$0x18800] =	vst v63  }
0x27f: {  	v3 =	vld [tilespmem:$0x360];
	_ =	sdelay $0x4  }
0x280: {  	v22 =	vshll.u32 v3, $0x1  }
0x281: {  	v3 =	vand.u32 $0x7, v3;
	v4 =	vand.u32 $0xFFFFFFF0, v22  }
0x282: {  	v3 =	vor.u32 v3, v4  }
0x283: {  	v4 =	vperm.xlane v3, v0;
	_ =	sdelay $0x1  }
0x284: {  	v3 =	vperm.xlane v3, v2;
	v4 =	vadd.s32 v1, v4;
	_ =	sdelay $0x1  }
0x285: {  	v3 =	vadd.s32 v1, v3;
	_ =	sdelay $0x2  }
0x286: {  	[tilespmem:s23], [sflag:$0x1] =	stream.indirect_vreg.gather [hbm4b:s2+s3], $0x80, v4, vm0, $0xb8;
	[tilespmem:$0x18800] =	vst v63  }
0x287: {  	_ = 	snop  }
0x288: {  	[tilespmem:s15], [sflag:$0x1] =	stream.indirect_vreg.gather [hbm4b:s2+s3], $0x80, v3, vm0, $0xb8;
	[tilespmem:$0x18800] =	vst v63  }
0x289: {  	v3 =	vld [tilespmem:$0x370];
	_ =	sdelay $0x4  }
0x28a: {  	v23 =	vshll.u32 v3, $0x1  }
0x28b: {  	v3 =	vand.u32 $0x7, v3;
	v4 =	vand.u32 $0xFFFFFFF0, v23  }
0x28c: {  	v3 =	vor.u32 v3, v4  }
0x28d: {  	v4 =	vperm.xlane v3, v0;
	_ =	sdelay $0x1  }
0x28e: {  	v3 =	vperm.xlane v3, v2;
	v4 =	vadd.s32 v1, v4;
	_ =	sdelay $0x1  }
0x28f: {  	v3 =	vadd.s32 v1, v3;
	_ =	sdelay $0x2  }
0x290: {  	[tilespmem:s10], [sflag:$0x1] =	stream.indirect_vreg.gather [hbm4b:s2+s3], $0x80, v4, vm0, $0xb8;
	[tilespmem:$0x18800] =	vst v63  }
0x291: {  	s8 =	simm.s32 $0x8000  }
0x292: {  	[tilespmem:s8], [sflag:$0x1] =	stream.indirect_vreg.gather [hbm4b:s2+s3], $0x80, v3, vm0, $0xb8;
	[tilespmem:$0x18800] =	vst v63  }
0x293: {  	_ =	swait.ge [sflag:s0], $0x8000  }
0x294: {  	[sflag:s0] =	ssyncset.done $0x0  }
0x295: {  	s8 =	rddreg [dreg:$0x8];
	[sflag:s0] =	ssyncadd.s32 $0xFFFF8000  }
0x296: {  	[hbm4b:s8+s3] =	stream.linear.scatter [tilespmem:s13], [sflag:$0x6], $0x8000, $0x38;
	[tilespmem:$0x18800] =	vst v63  }
0x297: {  	_ =	swait.ge [sflag:s4], $0x8000  }
0x298: {  	[sflag:s4] =	ssyncset.done $0x0  }
0x299: {  	[sflag:s4] =	ssyncadd.s32 $0xFFFF8000  }
0x29a: {  	v3 =	vld [tilespmem:$0x380];
	_ =	sdelay $0x4  }
0x29b: {  	v24 =	vshll.u32 v3, $0x1  }
0x29c: {  	v3 =	vand.u32 $0x7, v3;
	v4 =	vand.u32 $0xFFFFFFF0, v24  }
0x29d: {  	v3 =	vor.u32 v3, v4  }
0x29e: {  	v4 =	vperm.xlane v3, v0;
	_ =	sdelay $0x1  }
0x29f: {  	v3 =	vperm.xlane v3, v2;
	v4 =	vadd.s32 v1, v4;
	_ =	sdelay $0x1  }
0x2a0: {  	v3 =	vadd.s32 v1, v3;
	_ =	sdelay $0x2  }
0x2a1: {  	[tilespmem:s17], [sflag:$0x2] =	stream.indirect_vreg.gather [hbm4b:s2+s3], $0x80, v4, vm0, $0xb8;
	[tilespmem:$0x18800] =	vst v63  }
0x2a2: {  	s8 =	simm.s32 $0x9000  }
0x2a3: {  	[tilespmem:s8], [sflag:$0x2] =	stream.indirect_vreg.gather [hbm4b:s2+s3], $0x80, v3, vm0, $0xb8;
	[tilespmem:$0x18800] =	vst v63  }
0x2a4: {  	v3 =	vld [tilespmem:$0x390];
	_ =	sdelay $0x4  }
0x2a5: {  	v25 =	vshll.u32 v3, $0x1  }
0x2a6: {  	v3 =	vand.u32 $0x7, v3;
	v4 =	vand.u32 $0xFFFFFFF0, v25  }
0x2a7: {  	v3 =	vor.u32 v3, v4  }
0x2a8: {  	v4 =	vperm.xlane v3, v0;
	_ =	sdelay $0x1  }
0x2a9: {  	v3 =	vperm.xlane v3, v2;
	v4 =	vadd.s32 v1, v4;
	_ =	sdelay $0x1  }
0x2aa: {  	v3 =	vadd.s32 v1, v3;
	_ =	sdelay $0x1  }
0x2ab: {  	s8 =	simm.s32 $0x9800  }
0x2ac: {  	[tilespmem:s8], [sflag:$0x2] =	stream.indirect_vreg.gather [hbm4b:s2+s3], $0x80, v4, vm0, $0xb8;
	[tilespmem:$0x18800] =	vst v63  }
0x2ad: {  	s8 =	simm.s32 $0xA000  }
0x2ae: {  	[tilespmem:s8], [sflag:$0x2] =	stream.indirect_vreg.gather [hbm4b:s2+s3], $0x80, v3, vm0, $0xb8;
	[tilespmem:$0x18800] =	vst v63  }
0x2af: {  	v3 =	vld [tilespmem:$0x3A0];
	_ =	sdelay $0x4  }
0x2b0: {  	v26 =	vshll.u32 v3, $0x1  }
0x2b1: {  	v3 =	vand.u32 $0x7, v3;
	v4 =	vand.u32 $0xFFFFFFF0, v26  }
0x2b2: {  	v3 =	vor.u32 v3, v4  }
0x2b3: {  	v4 =	vperm.xlane v3, v0;
	_ =	sdelay $0x1  }
0x2b4: {  	v3 =	vperm.xlane v3, v2;
	v4 =	vadd.s32 v1, v4;
	_ =	sdelay $0x1  }
0x2b5: {  	v3 =	vadd.s32 v1, v3;
	_ =	sdelay $0x1  }
0x2b6: {  	s8 =	simm.s32 $0xA800  }
0x2b7: {  	[tilespmem:s8], [sflag:$0x2] =	stream.indirect_vreg.gather [hbm4b:s2+s3], $0x80, v4, vm0, $0xb8;
	[tilespmem:$0x18800] =	vst v63  }
0x2b8: {  	s8 =	simm.s32 $0xB000  }
0x2b9: {  	[tilespmem:s8], [sflag:$0x2] =	stream.indirect_vreg.gather [hbm4b:s2+s3], $0x80, v3, vm0, $0xb8;
	[tilespmem:$0x18800] =	vst v63  }
0x2ba: {  	v3 =	vld [tilespmem:$0x3B0];
	_ =	sdelay $0x4  }
0x2bb: {  	v27 =	vshll.u32 v3, $0x1  }
0x2bc: {  	v3 =	vand.u32 $0x7, v3;
	v4 =	vand.u32 $0xFFFFFFF0, v27  }
0x2bd: {  	v3 =	vor.u32 v3, v4  }
0x2be: {  	v4 =	vperm.xlane v3, v0;
	_ =	sdelay $0x1  }
0x2bf: {  	v3 =	vperm.xlane v3, v2;
	v4 =	vadd.s32 v1, v4;
	_ =	sdelay $0x1  }
0x2c0: {  	v3 =	vadd.s32 v1, v3;
	_ =	sdelay $0x1  }
0x2c1: {  	s8 =	simm.s32 $0xB800  }
0x2c2: {  	[tilespmem:s8], [sflag:$0x2] =	stream.indirect_vreg.gather [hbm4b:s2+s3], $0x80, v4, vm0, $0xb8;
	[tilespmem:$0x18800] =	vst v63  }
0x2c3: {  	s8 =	simm.s32 $0xC000  }
0x2c4: {  	[tilespmem:s8], [sflag:$0x2] =	stream.indirect_vreg.gather [hbm4b:s2+s3], $0x80, v3, vm0, $0xb8;
	[tilespmem:$0x18800] =	vst v63  }
0x2c5: {  	v3 =	vld [tilespmem:$0x3C0];
	_ =	sdelay $0x4  }
0x2c6: {  	v28 =	vshll.u32 v3, $0x1  }
0x2c7: {  	v3 =	vand.u32 $0x7, v3;
	v4 =	vand.u32 $0xFFFFFFF0, v28  }
0x2c8: {  	v3 =	vor.u32 v3, v4  }
0x2c9: {  	v4 =	vperm.xlane v3, v0;
	_ =	sdelay $0x1  }
0x2ca: {  	v3 =	vperm.xlane v3, v2;
	v4 =	vadd.s32 v1, v4;
	_ =	sdelay $0x1  }
0x2cb: {  	v3 =	vadd.s32 v1, v3;
	_ =	sdelay $0x1  }
0x2cc: {  	s8 =	simm.s32 $0xC800  }
0x2cd: {  	[tilespmem:s8], [sflag:$0x2] =	stream.indirect_vreg.gather [hbm4b:s2+s3], $0x80, v4, vm0, $0xb8;
	[tilespmem:$0x18800] =	vst v63  }
0x2ce: {  	s8 =	simm.s32 $0xD000  }
0x2cf: {  	[tilespmem:s8], [sflag:$0x2] =	stream.indirect_vreg.gather [hbm4b:s2+s3], $0x80, v3, vm0, $0xb8;
	[tilespmem:$0x18800] =	vst v63  }
0x2d0: {  	v3 =	vld [tilespmem:$0x3D0];
	_ =	sdelay $0x4  }
0x2d1: {  	v29 =	vshll.u32 v3, $0x1  }
0x2d2: {  	v3 =	vand.u32 $0x7, v3;
	v4 =	vand.u32 $0xFFFFFFF0, v29  }
0x2d3: {  	v3 =	vor.u32 v3, v4  }
0x2d4: {  	v4 =	vperm.xlane v3, v0;
	_ =	sdelay $0x1  }
0x2d5: {  	v3 =	vperm.xlane v3, v2;
	v4 =	vadd.s32 v1, v4;
	_ =	sdelay $0x1  }
0x2d6: {  	v3 =	vadd.s32 v1, v3;
	_ =	sdelay $0x1  }
0x2d7: {  	s8 =	simm.s32 $0xD800  }
0x2d8: {  	[tilespmem:s8], [sflag:$0x2] =	stream.indirect_vreg.gather [hbm4b:s2+s3], $0x80, v4, vm0, $0xb8;
	[tilespmem:$0x18800] =	vst v63  }
0x2d9: {  	s8 =	simm.s32 $0xE000  }
0x2da: {  	[tilespmem:s8], [sflag:$0x2] =	stream.indirect_vreg.gather [hbm4b:s2+s3], $0x80, v3, vm0, $0xb8;
	[tilespmem:$0x18800] =	vst v63  }
0x2db: {  	v3 =	vld [tilespmem:$0x3E0];
	_ =	sdelay $0x4  }
0x2dc: {  	v30 =	vshll.u32 v3, $0x1  }
0x2dd: {  	v3 =	vand.u32 $0x7, v3;
	v4 =	vand.u32 $0xFFFFFFF0, v30  }
0x2de: {  	v3 =	vor.u32 v3, v4  }
0x2df: {  	v4 =	vperm.xlane v3, v0;
	_ =	sdelay $0x1  }
0x2e0: {  	v3 =	vperm.xlane v3, v2;
	v4 =	vadd.s32 v1, v4;
	_ =	sdelay $0x1  }
0x2e1: {  	v3 =	vadd.s32 v1, v3;
	_ =	sdelay $0x1  }
0x2e2: {  	s8 =	simm.s32 $0xE800  }
0x2e3: {  	[tilespmem:s8], [sflag:$0x2] =	stream.indirect_vreg.gather [hbm4b:s2+s3], $0x80, v4, vm0, $0xb8;
	[tilespmem:$0x18800] =	vst v63  }
0x2e4: {  	s8 =	simm.s32 $0xF000  }
0x2e5: {  	[tilespmem:s8], [sflag:$0x2] =	stream.indirect_vreg.gather [hbm4b:s2+s3], $0x80, v3, vm0, $0xb8;
	[tilespmem:$0x18800] =	vst v63  }
0x2e6: {  	v3 =	vld [tilespmem:$0x3F0];
	_ =	sdelay $0x4  }
0x2e7: {  	v31 =	vshll.u32 v3, $0x1  }
0x2e8: {  	v3 =	vand.u32 $0x7, v3;
	v4 =	vand.u32 $0xFFFFFFF0, v31  }
0x2e9: {  	v3 =	vor.u32 v3, v4  }
0x2ea: {  	v4 =	vperm.xlane v3, v0;
	_ =	sdelay $0x1  }
0x2eb: {  	v3 =	vperm.xlane v3, v2;
	v4 =	vadd.s32 v1, v4;
	_ =	sdelay $0x1  }
0x2ec: {  	v3 =	vadd.s32 v1, v3;
	_ =	sdelay $0x1  }
0x2ed: {  	s8 =	simm.s32 $0xF800  }
0x2ee: {  	[tilespmem:s8], [sflag:$0x2] =	stream.indirect_vreg.gather [hbm4b:s2+s3], $0x80, v4, vm0, $0xb8;
	[tilespmem:$0x18800] =	vst v63  }
0x2ef: {  	s8 =	simm.s32 $0x10000  }
0x2f0: {  	[tilespmem:s8], [sflag:$0x2] =	stream.indirect_vreg.gather [hbm4b:s2+s3], $0x80, v3, vm0, $0xb8;
	[tilespmem:$0x18800] =	vst v63  }
0x2f1: {  	_ =	swait.ge [sflag:s12], $0x8000  }
0x2f2: {  	[sflag:s12] =	ssyncset.done $0x0  }
0x2f3: {  	s8 =	rddreg [dreg:$0x9];
	[sflag:s12] =	ssyncadd.s32 $0xFFFF8000  }
0x2f4: {  	[hbm4b:s8+s3] =	stream.linear.scatter [tilespmem:s9], [sflag:$0x4], $0x8000, $0x38;
	[tilespmem:$0x18800] =	vst v63  }
0x2f5: {  	_ =	swait.ge [sflag:s6], $0x8000  }
0x2f6: {  	[sflag:s6] =	ssyncset.done $0x0  }
0x2f7: {  	[sflag:s6] =	ssyncadd.s32 $0xFFFF8000  }
0x2f8: {  	v3 =	vld [tilespmem:$0x400];
	_ =	sdelay $0x4  }
0x2f9: {  	v32 =	vshll.u32 v3, $0x1  }
0x2fa: {  	v3 =	vand.u32 $0x7, v3;
	v4 =	vand.u32 $0xFFFFFFF0, v32  }
0x2fb: {  	v3 =	vor.u32 v3, v4  }
0x2fc: {  	v4 =	vperm.xlane v3, v0;
	_ =	sdelay $0x1  }
0x2fd: {  	v3 =	vperm.xlane v3, v2;
	v4 =	vadd.s32 v1, v4;
	_ =	sdelay $0x1  }
0x2fe: {  	v3 =	vadd.s32 v1, v3;
	_ =	sdelay $0x2  }
0x2ff: {  	[tilespmem:s13], [sflag:$0x3] =	stream.indirect_vreg.gather [hbm4b:s2+s3], $0x80, v4, vm0, $0xb8;
	[tilespmem:$0x18800] =	vst v63  }
0x300: {  	s30 =	simm.s32 $0x11000  }
0x301: {  	[tilespmem:s30], [sflag:$0x3] =	stream.indirect_vreg.gather [hbm4b:s2+s3], $0x80, v3, vm0, $0xb8;
	[tilespmem:$0x18800] =	vst v63  }
0x302: {  	v3 =	vld [tilespmem:$0x410];
	_ =	sdelay $0x4  }
0x303: {  	v33 =	vshll.u32 v3, $0x1  }
0x304: {  	v3 =	vand.u32 $0x7, v3;
	v4 =	vand.u32 $0xFFFFFFF0, v33  }
0x305: {  	v3 =	vor.u32 v3, v4  }
0x306: {  	v4 =	vperm.xlane v3, v0;
	_ =	sdelay $0x1  }
0x307: {  	v3 =	vperm.xlane v3, v2;
	v4 =	vadd.s32 v1, v4;
	_ =	sdelay $0x1  }
0x308: {  	v3 =	vadd.s32 v1, v3;
	_ =	sdelay $0x1  }
0x309: {  	s16 =	simm.s32 $0x11800  }
0x30a: {  	[tilespmem:s16], [sflag:$0x3] =	stream.indirect_vreg.gather [hbm4b:s2+s3], $0x80, v4, vm0, $0xb8;
	[tilespmem:$0x18800] =	vst v63  }
0x30b: {  	s8 =	simm.s32 $0x12000  }
0x30c: {  	[tilespmem:s8], [sflag:$0x3] =	stream.indirect_vreg.gather [hbm4b:s2+s3], $0x80, v3, vm0, $0xb8;
	[tilespmem:$0x18800] =	vst v63  }
0x30d: {  	v3 =	vld [tilespmem:$0x420];
	_ =	sdelay $0x4  }
0x30e: {  	v34 =	vshll.u32 v3, $0x1  }
0x30f: {  	v3 =	vand.u32 $0x7, v3;
	v4 =	vand.u32 $0xFFFFFFF0, v34  }
0x310: {  	v3 =	vor.u32 v3, v4  }
0x311: {  	v4 =	vperm.xlane v3, v0;
	_ =	sdelay $0x1  }
0x312: {  	v3 =	vperm.xlane v3, v2;
	v4 =	vadd.s32 v1, v4;
	_ =	sdelay $0x1  }
0x313: {  	v3 =	vadd.s32 v1, v3;
	_ =	sdelay $0x1  }
0x314: {  	s18 =	simm.s32 $0x12800  }
0x315: {  	[tilespmem:s18], [sflag:$0x3] =	stream.indirect_vreg.gather [hbm4b:s2+s3], $0x80, v4, vm0, $0xb8;
	[tilespmem:$0x18800] =	vst v63  }
0x316: {  	s8 =	simm.s32 $0x13000  }
0x317: {  	[tilespmem:s8], [sflag:$0x3] =	stream.indirect_vreg.gather [hbm4b:s2+s3], $0x80, v3, vm0, $0xb8;
	[tilespmem:$0x18800] =	vst v63  }
0x318: {  	v3 =	vld [tilespmem:$0x430];
	_ =	sdelay $0x4  }
0x319: {  	v35 =	vshll.u32 v3, $0x1  }
0x31a: {  	v3 =	vand.u32 $0x7, v3;
	v4 =	vand.u32 $0xFFFFFFF0, v35  }
0x31b: {  	v3 =	vor.u32 v3, v4  }
0x31c: {  	v4 =	vperm.xlane v3, v0;
	_ =	sdelay $0x1  }
0x31d: {  	v3 =	vperm.xlane v3, v2;
	v4 =	vadd.s32 v1, v4;
	_ =	sdelay $0x1  }
0x31e: {  	v3 =	vadd.s32 v1, v3;
	_ =	sdelay $0x1  }
0x31f: {  	s19 =	simm.s32 $0x13800  }
0x320: {  	[tilespmem:s19], [sflag:$0x3] =	stream.indirect_vreg.gather [hbm4b:s2+s3], $0x80, v4, vm0, $0xb8;
	[tilespmem:$0x18800] =	vst v63  }
0x321: {  	s8 =	simm.s32 $0x14000  }
0x322: {  	[tilespmem:s8], [sflag:$0x3] =	stream.indirect_vreg.gather [hbm4b:s2+s3], $0x80, v3, vm0, $0xb8;
	[tilespmem:$0x18800] =	vst v63  }
0x323: {  	v3 =	vld [tilespmem:$0x440];
	_ =	sdelay $0x4  }
0x324: {  	v36 =	vshll.u32 v3, $0x1  }
0x325: {  	v3 =	vand.u32 $0x7, v3;
	v4 =	vand.u32 $0xFFFFFFF0, v36  }
0x326: {  	v3 =	vor.u32 v3, v4  }
0x327: {  	v4 =	vperm.xlane v3, v0;
	_ =	sdelay $0x1  }
0x328: {  	v3 =	vperm.xlane v3, v2;
	v4 =	vadd.s32 v1, v4;
	_ =	sdelay $0x1  }
0x329: {  	v3 =	vadd.s32 v1, v3;
	_ =	sdelay $0x1  }
0x32a: {  	s20 =	simm.s32 $0x14800  }
0x32b: {  	[tilespmem:s20], [sflag:$0x3] =	stream.indirect_vreg.gather [hbm4b:s2+s3], $0x80, v4, vm0, $0xb8;
	[tilespmem:$0x18800] =	vst v63  }
0x32c: {  	s8 =	simm.s32 $0x15000  }
0x32d: {  	[tilespmem:s8], [sflag:$0x3] =	stream.indirect_vreg.gather [hbm4b:s2+s3], $0x80, v3, vm0, $0xb8;
	[tilespmem:$0x18800] =	vst v63  }
0x32e: {  	v3 =	vld [tilespmem:$0x450];
	_ =	sdelay $0x4  }
0x32f: {  	v37 =	vshll.u32 v3, $0x1  }
0x330: {  	v3 =	vand.u32 $0x7, v3;
	v4 =	vand.u32 $0xFFFFFFF0, v37  }
0x331: {  	v3 =	vor.u32 v3, v4  }
0x332: {  	v4 =	vperm.xlane v3, v0;
	_ =	sdelay $0x1  }
0x333: {  	v3 =	vperm.xlane v3, v2;
	v4 =	vadd.s32 v1, v4;
	_ =	sdelay $0x1  }
0x334: {  	v3 =	vadd.s32 v1, v3;
	_ =	sdelay $0x1  }
0x335: {  	s26 =	simm.s32 $0x15800  }
0x336: {  	[tilespmem:s26], [sflag:$0x3] =	stream.indirect_vreg.gather [hbm4b:s2+s3], $0x80, v4, vm0, $0xb8;
	[tilespmem:$0x18800] =	vst v63  }
0x337: {  	s8 =	simm.s32 $0x16000  }
0x338: {  	[tilespmem:s8], [sflag:$0x3] =	stream.indirect_vreg.gather [hbm4b:s2+s3], $0x80, v3, vm0, $0xb8;
	[tilespmem:$0x18800] =	vst v63  }
0x339: {  	v3 =	vld [tilespmem:$0x460];
	_ =	sdelay $0x4  }
0x33a: {  	v38 =	vshll.u32 v3, $0x1  }
0x33b: {  	v3 =	vand.u32 $0x7, v3;
	v4 =	vand.u32 $0xFFFFFFF0, v38  }
0x33c: {  	v3 =	vor.u32 v3, v4  }
0x33d: {  	v4 =	vperm.xlane v3, v0;
	_ =	sdelay $0x1  }
0x33e: {  	v3 =	vperm.xlane v3, v2;
	v4 =	vadd.s32 v1, v4;
	_ =	sdelay $0x1  }
0x33f: {  	v3 =	vadd.s32 v1, v3;
	_ =	sdelay $0x1  }
0x340: {  	s28 =	simm.s32 $0x16800  }
0x341: {  	[tilespmem:s28], [sflag:$0x3] =	stream.indirect_vreg.gather [hbm4b:s2+s3], $0x80, v4, vm0, $0xb8;
	[tilespmem:$0x18800] =	vst v63  }
0x342: {  	s8 =	simm.s32 $0x17000  }
0x343: {  	[tilespmem:s8], [sflag:$0x3] =	stream.indirect_vreg.gather [hbm4b:s2+s3], $0x80, v3, vm0, $0xb8;
	[tilespmem:$0x18800] =	vst v63  }
0x344: {  	v3 =	vld [tilespmem:$0x470];
	_ =	sdelay $0x4  }
0x345: {  	v39 =	vshll.u32 v3, $0x1  }
0x346: {  	v3 =	vand.u32 $0x7, v3;
	v4 =	vand.u32 $0xFFFFFFF0, v39  }
0x347: {  	v3 =	vor.u32 v3, v4  }
0x348: {  	v4 =	vperm.xlane v3, v0;
	_ =	sdelay $0x1  }
0x349: {  	v3 =	vperm.xlane v3, v2;
	v4 =	vadd.s32 v1, v4;
	_ =	sdelay $0x1  }
0x34a: {  	v3 =	vadd.s32 v1, v3;
	_ =	sdelay $0x1  }
0x34b: {  	s29 =	simm.s32 $0x17800  }
0x34c: {  	[tilespmem:s29], [sflag:$0x3] =	stream.indirect_vreg.gather [hbm4b:s2+s3], $0x80, v4, vm0, $0xb8;
	[tilespmem:$0x18800] =	vst v63  }
0x34d: {  	s8 =	simm.s32 $0x18000  }
0x34e: {  	[tilespmem:s8], [sflag:$0x3] =	stream.indirect_vreg.gather [hbm4b:s2+s3], $0x80, v3, vm0, $0xb8;
	[tilespmem:$0x18800] =	vst v63  }
0x34f: {  	_ =	swait.ge [sflag:s31], $0x8000  }
0x350: {  	[sflag:s31] =	ssyncset.done $0x0  }
0x351: {  	s8 =	rddreg [dreg:$0xa];
	[sflag:s31] =	ssyncadd.s32 $0xFFFF8000  }
0x352: {  	[hbm4b:s8+s3] =	stream.linear.scatter [tilespmem:s17], [sflag:$0x5], $0x8000, $0x38;
	[tilespmem:$0x18800] =	vst v63  }
0x353: {  	_ =	swait.ge [sflag:s1], $0x8000  }
0x354: {  	[sflag:s1] =	ssyncset.done $0x0  }
0x355: {  	[sflag:s1] =	ssyncadd.s32 $0xFFFF8000  }
0x356: {  	v3 =	vld [tilespmem:$0x480];
	_ =	sdelay $0x4  }
0x357: {  	v40 =	vshll.u32 v3, $0x1  }
0x358: {  	v3 =	vand.u32 $0x7, v3;
	v4 =	vand.u32 $0xFFFFFFF0, v40  }
0x359: {  	v3 =	vor.u32 v3, v4  }
0x35a: {  	v4 =	vperm.xlane v3, v0;
	_ =	sdelay $0x1  }
0x35b: {  	v3 =	vperm.xlane v3, v2;
	v4 =	vadd.s32 v1, v4;
	_ =	sdelay $0x1  }
0x35c: {  	v3 =	vadd.s32 v1, v3;
	_ =	sdelay $0x2  }
0x35d: {  	[tilespmem:s9], [sflag:$0x1] =	stream.indirect_vreg.gather [hbm4b:s2+s3], $0x80, v4, vm0, $0xb8;
	[tilespmem:$0x18800] =	vst v63  }
0x35e: {  	s8 =	simm.s32 $0x1000  }
0x35f: {  	[tilespmem:s8], [sflag:$0x1] =	stream.indirect_vreg.gather [hbm4b:s2+s3], $0x80, v3, vm0, $0xb8;
	[tilespmem:$0x18800] =	vst v63  }
0x360: {  	v3 =	vld [tilespmem:$0x490];
	_ =	sdelay $0x4  }
0x361: {  	v41 =	vshll.u32 v3, $0x1  }
0x362: {  	v3 =	vand.u32 $0x7, v3;
	v4 =	vand.u32 $0xFFFFFFF0, v41  }
0x363: {  	v3 =	vor.u32 v3, v4  }
0x364: {  	v4 =	vperm.xlane v3, v0;
	_ =	sdelay $0x1  }
0x365: {  	v3 =	vperm.xlane v3, v2;
	v4 =	vadd.s32 v1, v4;
	_ =	sdelay $0x1  }
0x366: {  	v3 =	vadd.s32 v1, v3;
	_ =	sdelay $0x1  }
0x367: {  	s21 =	simm.s32 $0x1800  }
0x368: {  	[tilespmem:s21], [sflag:$0x1] =	stream.indirect_vreg.gather [hbm4b:s2+s3], $0x80, v4, vm0, $0xb8;
	[tilespmem:$0x18800] =	vst v63  }
0x369: {  	s21 =	simm.s32 $0x2000  }
0x36a: {  	[tilespmem:s21], [sflag:$0x1] =	stream.indirect_vreg.gather [hbm4b:s2+s3], $0x80, v3, vm0, $0xb8;
	[tilespmem:$0x18800] =	vst v63  }
0x36b: {  	v3 =	vld [tilespmem:$0x4A0];
	_ =	sdelay $0x4  }
0x36c: {  	v42 =	vshll.u32 v3, $0x1  }
0x36d: {  	v3 =	vand.u32 $0x7, v3;
	v4 =	vand.u32 $0xFFFFFFF0, v42  }
0x36e: {  	v3 =	vor.u32 v3, v4  }
0x36f: {  	v4 =	vperm.xlane v3, v0;
	_ =	sdelay $0x1  }
0x370: {  	v3 =	vperm.xlane v3, v2;
	v4 =	vadd.s32 v1, v4;
	_ =	sdelay $0x1  }
0x371: {  	v3 =	vadd.s32 v1, v3;
	_ =	sdelay $0x1  }
0x372: {  	s22 =	simm.s32 $0x2800  }
0x373: {  	[tilespmem:s22], [sflag:$0x1] =	stream.indirect_vreg.gather [hbm4b:s2+s3], $0x80, v4, vm0, $0xb8;
	[tilespmem:$0x18800] =	vst v63  }
0x374: {  	s21 =	simm.s32 $0x3000  }
0x375: {  	[tilespmem:s21], [sflag:$0x1] =	stream.indirect_vreg.gather [hbm4b:s2+s3], $0x80, v3, vm0, $0xb8;
	[tilespmem:$0x18800] =	vst v63  }
0x376: {  	v3 =	vld [tilespmem:$0x4B0];
	_ =	sdelay $0x4  }
0x377: {  	v43 =	vshll.u32 v3, $0x1  }
0x378: {  	v3 =	vand.u32 $0x7, v3;
	v4 =	vand.u32 $0xFFFFFFF0, v43  }
0x379: {  	v3 =	vor.u32 v3, v4  }
0x37a: {  	v4 =	vperm.xlane v3, v0;
	_ =	sdelay $0x1  }
0x37b: {  	v3 =	vperm.xlane v3, v2;
	v4 =	vadd.s32 v1, v4;
	_ =	sdelay $0x1  }
0x37c: {  	v3 =	vadd.s32 v1, v3;
	_ =	sdelay $0x1  }
0x37d: {  	s24 =	simm.s32 $0x3800  }
0x37e: {  	[tilespmem:s24], [sflag:$0x1] =	stream.indirect_vreg.gather [hbm4b:s2+s3], $0x80, v4, vm0, $0xb8;
	[tilespmem:$0x18800] =	vst v63  }
0x37f: {  	s22 =	simm.s32 $0x4000  }
0x380: {  	[tilespmem:s22], [sflag:$0x1] =	stream.indirect_vreg.gather [hbm4b:s2+s3], $0x80, v3, vm0, $0xb8;
	[tilespmem:$0x18800] =	vst v63  }
0x381: {  	v3 =	vld [tilespmem:$0x4C0];
	_ =	sdelay $0x4  }
0x382: {  	v44 =	vshll.u32 v3, $0x1  }
0x383: {  	v3 =	vand.u32 $0x7, v3;
	v4 =	vand.u32 $0xFFFFFFF0, v44  }
0x384: {  	v3 =	vor.u32 v3, v4  }
0x385: {  	v4 =	vperm.xlane v3, v0;
	_ =	sdelay $0x1  }
0x386: {  	v3 =	vperm.xlane v3, v2;
	v4 =	vadd.s32 v1, v4;
	_ =	sdelay $0x1  }
0x387: {  	v3 =	vadd.s32 v1, v3;
	_ =	sdelay $0x1  }
0x388: {  	s25 =	simm.s32 $0x4800  }
0x389: {  	[tilespmem:s25], [sflag:$0x1] =	stream.indirect_vreg.gather [hbm4b:s2+s3], $0x80, v4, vm0, $0xb8;
	[tilespmem:$0x18800] =	vst v63  }
0x38a: {  	s11 =	simm.s32 $0x5000  }
0x38b: {  	[tilespmem:s11], [sflag:$0x1] =	stream.indirect_vreg.gather [hbm4b:s2+s3], $0x80, v3, vm0, $0xb8;
	[tilespmem:$0x18800] =	vst v63  }
0x38c: {  	v3 =	vld [tilespmem:$0x4D0];
	_ =	sdelay $0x4  }
0x38d: {  	v45 =	vshll.u32 v3, $0x1  }
0x38e: {  	v3 =	vand.u32 $0x7, v3;
	v4 =	vand.u32 $0xFFFFFFF0, v45  }
0x38f: {  	v3 =	vor.u32 v3, v4  }
0x390: {  	v4 =	vperm.xlane v3, v0;
	_ =	sdelay $0x1  }
0x391: {  	v3 =	vperm.xlane v3, v2;
	v4 =	vadd.s32 v1, v4;
	_ =	sdelay $0x1  }
0x392: {  	v3 =	vadd.s32 v1, v3;
	_ =	sdelay $0x1  }
0x393: {  	s7 =	simm.s32 $0x5800  }
0x394: {  	[tilespmem:s7], [sflag:$0x1] =	stream.indirect_vreg.gather [hbm4b:s2+s3], $0x80, v4, vm0, $0xb8;
	[tilespmem:$0x18800] =	vst v63  }
0x395: {  	s14 =	simm.s32 $0x6000  }
0x396: {  	[tilespmem:s14], [sflag:$0x1] =	stream.indirect_vreg.gather [hbm4b:s2+s3], $0x80, v3, vm0, $0xb8;
	[tilespmem:$0x18800] =	vst v63  }
0x397: {  	v3 =	vld [tilespmem:$0x4E0];
	_ =	sdelay $0x4  }
0x398: {  	v46 =	vshll.u32 v3, $0x1  }
0x399: {  	v3 =	vand.u32 $0x7, v3;
	v4 =	vand.u32 $0xFFFFFFF0, v46  }
0x39a: {  	v3 =	vor.u32 v3, v4  }
0x39b: {  	v4 =	vperm.xlane v3, v0;
	_ =	sdelay $0x1  }
0x39c: {  	v3 =	vperm.xlane v3, v2;
	v4 =	vadd.s32 v1, v4;
	_ =	sdelay $0x1  }
0x39d: {  	v3 =	vadd.s32 v1, v3;
	_ =	sdelay $0x1  }
0x39e: {  	s23 =	simm.s32 $0x6800  }
0x39f: {  	[tilespmem:s23], [sflag:$0x1] =	stream.indirect_vreg.gather [hbm4b:s2+s3], $0x80, v4, vm0, $0xb8;
	[tilespmem:$0x18800] =	vst v63  }
0x3a0: {  	s15 =	simm.s32 $0x7000  }
0x3a1: {  	[tilespmem:s15], [sflag:$0x1] =	stream.indirect_vreg.gather [hbm4b:s2+s3], $0x80, v3, vm0, $0xb8;
	[tilespmem:$0x18800] =	vst v63  }
0x3a2: {  	v3 =	vld [tilespmem:$0x4F0];
	_ =	sdelay $0x4  }
0x3a3: {  	v47 =	vshll.u32 v3, $0x1  }
0x3a4: {  	v3 =	vand.u32 $0x7, v3;
	v4 =	vand.u32 $0xFFFFFFF0, v47  }
0x3a5: {  	v3 =	vor.u32 v3, v4  }
0x3a6: {  	v4 =	vperm.xlane v3, v0;
	_ =	sdelay $0x1  }
0x3a7: {  	v3 =	vperm.xlane v3, v2;
	v4 =	vadd.s32 v1, v4;
	_ =	sdelay $0x1  }
0x3a8: {  	v3 =	vadd.s32 v1, v3;
	_ =	sdelay $0x1  }
0x3a9: {  	s10 =	simm.s32 $0x7800  }
0x3aa: {  	[tilespmem:s10], [sflag:$0x1] =	stream.indirect_vreg.gather [hbm4b:s2+s3], $0x80, v4, vm0, $0xb8;
	[tilespmem:$0x18800] =	vst v63  }
0x3ab: {  	s23 =	simm.s32 $0x8000  }
0x3ac: {  	[tilespmem:s23], [sflag:$0x1] =	stream.indirect_vreg.gather [hbm4b:s2+s3], $0x80, v3, vm0, $0xb8;
	[tilespmem:$0x18800] =	vst v63  }
0x3ad: {  	_ =	swait.ge [sflag:s0], $0x8000  }
0x3ae: {  	[sflag:s0] =	ssyncset.done $0x0  }
0x3af: {  	s24 =	rddreg [dreg:$0xb];
	[sflag:s0] =	ssyncadd.s32 $0xFFFF8000  }
0x3b0: {  	[hbm4b:s24+s3] =	stream.linear.scatter [tilespmem:s13], [sflag:$0x6], $0x8000, $0x38;
	[tilespmem:$0x18800] =	vst v63  }
0x3b1: {  	_ =	swait.ge [sflag:s4], $0x8000  }
0x3b2: {  	[sflag:s4] =	ssyncset.done $0x0  }
0x3b3: {  	[sflag:s4] =	ssyncadd.s32 $0xFFFF8000  }
0x3b4: {  	v3 =	vld [tilespmem:$0x500];
	_ =	sdelay $0x4  }
0x3b5: {  	v48 =	vshll.u32 v3, $0x1  }
0x3b6: {  	v3 =	vand.u32 $0x7, v3;
	v4 =	vand.u32 $0xFFFFFFF0, v48  }
0x3b7: {  	v3 =	vor.u32 v3, v4  }
0x3b8: {  	v4 =	vperm.xlane v3, v0;
	_ =	sdelay $0x1  }
0x3b9: {  	v3 =	vperm.xlane v3, v2;
	v4 =	vadd.s32 v1, v4;
	_ =	sdelay $0x1  }
0x3ba: {  	v3 =	vadd.s32 v1, v3;
	_ =	sdelay $0x2  }
0x3bb: {  	[tilespmem:s17], [sflag:$0x2] =	stream.indirect_vreg.gather [hbm4b:s2+s3], $0x80, v4, vm0, $0xb8;
	[tilespmem:$0x18800] =	vst v63  }
0x3bc: {  	s25 =	simm.s32 $0x9000  }
0x3bd: {  	[tilespmem:s25], [sflag:$0x2] =	stream.indirect_vreg.gather [hbm4b:s2+s3], $0x80, v3, vm0, $0xb8;
	[tilespmem:$0x18800] =	vst v63  }
0x3be: {  	v3 =	vld [tilespmem:$0x510];
	_ =	sdelay $0x4  }
0x3bf: {  	v49 =	vshll.u32 v3, $0x1  }
0x3c0: {  	v3 =	vand.u32 $0x7, v3;
	v4 =	vand.u32 $0xFFFFFFF0, v49  }
0x3c1: {  	v3 =	vor.u32 v3, v4  }
0x3c2: {  	v4 =	vperm.xlane v3, v0;
	_ =	sdelay $0x1  }
0x3c3: {  	v3 =	vperm.xlane v3, v2;
	v4 =	vadd.s32 v1, v4;
	_ =	sdelay $0x1  }
0x3c4: {  	v3 =	vadd.s32 v1, v3;
	_ =	sdelay $0x1  }
0x3c5: {  	s8 =	simm.s32 $0x9800  }
0x3c6: {  	[tilespmem:s8], [sflag:$0x2] =	stream.indirect_vreg.gather [hbm4b:s2+s3], $0x80, v4, vm0, $0xb8;
	[tilespmem:$0x18800] =	vst v63  }
0x3c7: {  	s10 =	simm.s32 $0xA000  }
0x3c8: {  	[tilespmem:s10], [sflag:$0x2] =	stream.indirect_vreg.gather [hbm4b:s2+s3], $0x80, v3, vm0, $0xb8;
	[tilespmem:$0x18800] =	vst v63  }
0x3c9: {  	v3 =	vld [tilespmem:$0x520];
	_ =	sdelay $0x4  }
0x3ca: {  	v50 =	vshll.u32 v3, $0x1  }
0x3cb: {  	v3 =	vand.u32 $0x7, v3;
	v4 =	vand.u32 $0xFFFFFFF0, v50  }
0x3cc: {  	v3 =	vor.u32 v3, v4  }
0x3cd: {  	v4 =	vperm.xlane v3, v0;
	_ =	sdelay $0x1  }
0x3ce: {  	v3 =	vperm.xlane v3, v2;
	v4 =	vadd.s32 v1, v4;
	_ =	sdelay $0x1  }
0x3cf: {  	v3 =	vadd.s32 v1, v3;
	_ =	sdelay $0x1  }
0x3d0: {  	s11 =	simm.s32 $0xA800  }
0x3d1: {  	[tilespmem:s11], [sflag:$0x2] =	stream.indirect_vreg.gather [hbm4b:s2+s3], $0x80, v4, vm0, $0xb8;
	[tilespmem:$0x18800] =	vst v63  }
0x3d2: {  	s14 =	simm.s32 $0xB000  }
0x3d3: {  	[tilespmem:s14], [sflag:$0x2] =	stream.indirect_vreg.gather [hbm4b:s2+s3], $0x80, v3, vm0, $0xb8;
	[tilespmem:$0x18800] =	vst v63  }
0x3d4: {  	v3 =	vld [tilespmem:$0x530];
	_ =	sdelay $0x4  }
0x3d5: {  	v51 =	vshll.u32 v3, $0x1  }
0x3d6: {  	v3 =	vand.u32 $0x7, v3;
	v4 =	vand.u32 $0xFFFFFFF0, v51  }
0x3d7: {  	v3 =	vor.u32 v3, v4  }
0x3d8: {  	v4 =	vperm.xlane v3, v0;
	_ =	sdelay $0x1  }
0x3d9: {  	v3 =	vperm.xlane v3, v2;
	v4 =	vadd.s32 v1, v4;
	_ =	sdelay $0x1  }
0x3da: {  	v3 =	vadd.s32 v1, v3;
	_ =	sdelay $0x1  }
0x3db: {  	s15 =	simm.s32 $0xB800  }
0x3dc: {  	[tilespmem:s15], [sflag:$0x2] =	stream.indirect_vreg.gather [hbm4b:s2+s3], $0x80, v4, vm0, $0xb8;
	[tilespmem:$0x18800] =	vst v63  }
0x3dd: {  	s21 =	simm.s32 $0xC000  }
0x3de: {  	[tilespmem:s21], [sflag:$0x2] =	stream.indirect_vreg.gather [hbm4b:s2+s3], $0x80, v3, vm0, $0xb8;
	[tilespmem:$0x18800] =	vst v63  }
0x3df: {  	v3 =	vld [tilespmem:$0x540];
	_ =	sdelay $0x4  }
0x3e0: {  	v52 =	vshll.u32 v3, $0x1  }
0x3e1: {  	v3 =	vand.u32 $0x7, v3;
	v4 =	vand.u32 $0xFFFFFFF0, v52  }
0x3e2: {  	v3 =	vor.u32 v3, v4  }
0x3e3: {  	v4 =	vperm.xlane v3, v0;
	_ =	sdelay $0x1  }
0x3e4: {  	v3 =	vperm.xlane v3, v2;
	v4 =	vadd.s32 v1, v4;
	_ =	sdelay $0x1  }
0x3e5: {  	v3 =	vadd.s32 v1, v3;
	_ =	sdelay $0x1  }
0x3e6: {  	s22 =	simm.s32 $0xC800  }
0x3e7: {  	[tilespmem:s22], [sflag:$0x2] =	stream.indirect_vreg.gather [hbm4b:s2+s3], $0x80, v4, vm0, $0xb8;
	[tilespmem:$0x18800] =	vst v63  }
0x3e8: {  	s23 =	simm.s32 $0xD000  }
0x3e9: {  	[tilespmem:s23], [sflag:$0x2] =	stream.indirect_vreg.gather [hbm4b:s2+s3], $0x80, v3, vm0, $0xb8;
	[tilespmem:$0x18800] =	vst v63  }
0x3ea: {  	v3 =	vld [tilespmem:$0x550];
	_ =	sdelay $0x4  }
0x3eb: {  	v53 =	vshll.u32 v3, $0x1  }
0x3ec: {  	v3 =	vand.u32 $0x7, v3;
	v4 =	vand.u32 $0xFFFFFFF0, v53  }
0x3ed: {  	v3 =	vor.u32 v3, v4  }
0x3ee: {  	v4 =	vperm.xlane v3, v0;
	_ =	sdelay $0x1  }
0x3ef: {  	v3 =	vperm.xlane v3, v2;
	v4 =	vadd.s32 v1, v4;
	_ =	sdelay $0x1  }
0x3f0: {  	v3 =	vadd.s32 v1, v3;
	_ =	sdelay $0x1  }
0x3f1: {  	s24 =	simm.s32 $0xD800  }
0x3f2: {  	[tilespmem:s24], [sflag:$0x2] =	stream.indirect_vreg.gather [hbm4b:s2+s3], $0x80, v4, vm0, $0xb8;
	[tilespmem:$0x18800] =	vst v63  }
0x3f3: {  	s25 =	simm.s32 $0xE000  }
0x3f4: {  	[tilespmem:s25], [sflag:$0x2] =	stream.indirect_vreg.gather [hbm4b:s2+s3], $0x80, v3, vm0, $0xb8;
	[tilespmem:$0x18800] =	vst v63  }
0x3f5: {  	v3 =	vld [tilespmem:$0x560];
	_ =	sdelay $0x4  }
0x3f6: {  	v54 =	vshll.u32 v3, $0x1  }
0x3f7: {  	v3 =	vand.u32 $0x7, v3;
	v4 =	vand.u32 $0xFFFFFFF0, v54  }
0x3f8: {  	v3 =	vor.u32 v3, v4  }
0x3f9: {  	v4 =	vperm.xlane v3, v0;
	_ =	sdelay $0x1  }
0x3fa: {  	v3 =	vperm.xlane v3, v2;
	v4 =	vadd.s32 v1, v4;
	_ =	sdelay $0x1  }
0x3fb: {  	v3 =	vadd.s32 v1, v3;
	_ =	sdelay $0x1  }
0x3fc: {  	s8 =	simm.s32 $0xE800  }
0x3fd: {  	[tilespmem:s8], [sflag:$0x2] =	stream.indirect_vreg.gather [hbm4b:s2+s3], $0x80, v4, vm0, $0xb8;
	[tilespmem:$0x18800] =	vst v63  }
0x3fe: {  	s10 =	simm.s32 $0xF000  }
0x3ff: {  	[tilespmem:s10], [sflag:$0x2] =	stream.indirect_vreg.gather [hbm4b:s2+s3], $0x80, v3, vm0, $0xb8;
	[tilespmem:$0x18800] =	vst v63  }
0x400: {  	v3 =	vld [tilespmem:$0x570];
	_ =	sdelay $0x4  }
0x401: {  	v55 =	vshll.u32 v3, $0x1  }
0x402: {  	v3 =	vand.u32 $0x7, v3;
	v4 =	vand.u32 $0xFFFFFFF0, v55  }
0x403: {  	v3 =	vor.u32 v3, v4  }
0x404: {  	v4 =	vperm.xlane v3, v0;
	_ =	sdelay $0x1  }
0x405: {  	v3 =	vperm.xlane v3, v2;
	v4 =	vadd.s32 v1, v4;
	_ =	sdelay $0x1  }
0x406: {  	v3 =	vadd.s32 v1, v3;
	_ =	sdelay $0x1  }
0x407: {  	s11 =	simm.s32 $0xF800  }
0x408: {  	[tilespmem:s11], [sflag:$0x2] =	stream.indirect_vreg.gather [hbm4b:s2+s3], $0x80, v4, vm0, $0xb8;
	[tilespmem:$0x18800] =	vst v63  }
0x409: {  	s14 =	simm.s32 $0x10000  }
0x40a: {  	[tilespmem:s14], [sflag:$0x2] =	stream.indirect_vreg.gather [hbm4b:s2+s3], $0x80, v3, vm0, $0xb8;
	[tilespmem:$0x18800] =	vst v63  }
0x40b: {  	_ =	swait.ge [sflag:s12], $0x8000  }
0x40c: {  	[sflag:s12] =	ssyncset.done $0x0  }
0x40d: {  	s15 =	rddreg [dreg:$0xc];
	[sflag:s12] =	ssyncadd.s32 $0xFFFF8000  }
0x40e: {  	[hbm4b:s15+s3] =	stream.linear.scatter [tilespmem:s9], [sflag:$0x4], $0x8000, $0x38;
	[tilespmem:$0x18800] =	vst v63  }
0x40f: {  	_ =	swait.ge [sflag:s6], $0x8000  }
0x410: {  	[sflag:s6] =	ssyncset.done $0x0  }
0x411: {  	[sflag:s6] =	ssyncadd.s32 $0xFFFF8000  }
0x412: {  	v3 =	vld [tilespmem:$0x580];
	_ =	sdelay $0x4  }
0x413: {  	v56 =	vshll.u32 v3, $0x1  }
0x414: {  	v3 =	vand.u32 $0x7, v3;
	v4 =	vand.u32 $0xFFFFFFF0, v56  }
0x415: {  	v3 =	vor.u32 v3, v4  }
0x416: {  	v4 =	vperm.xlane v3, v0;
	_ =	sdelay $0x1  }
0x417: {  	v3 =	vperm.xlane v3, v2;
	v4 =	vadd.s32 v1, v4;
	_ =	sdelay $0x1  }
0x418: {  	v3 =	vadd.s32 v1, v3;
	_ =	sdelay $0x2  }
0x419: {  	[tilespmem:s13], [sflag:$0x3] =	stream.indirect_vreg.gather [hbm4b:s2+s3], $0x80, v4, vm0, $0xb8;
	[tilespmem:$0x18800] =	vst v63  }
0x41a: {  	s30 =	simm.s32 $0x11000  }
0x41b: {  	[tilespmem:s30], [sflag:$0x3] =	stream.indirect_vreg.gather [hbm4b:s2+s3], $0x80, v3, vm0, $0xb8;
	[tilespmem:$0x18800] =	vst v63  }
0x41c: {  	v3 =	vld [tilespmem:$0x590];
	_ =	sdelay $0x4  }
0x41d: {  	v57 =	vshll.u32 v3, $0x1  }
0x41e: {  	v3 =	vand.u32 $0x7, v3;
	v4 =	vand.u32 $0xFFFFFFF0, v57  }
0x41f: {  	v3 =	vor.u32 v3, v4  }
0x420: {  	v4 =	vperm.xlane v3, v0;
	_ =	sdelay $0x1  }
0x421: {  	v3 =	vperm.xlane v3, v2;
	v4 =	vadd.s32 v1, v4;
	_ =	sdelay $0x1  }
0x422: {  	v3 =	vadd.s32 v1, v3;
	_ =	sdelay $0x1  }
0x423: {  	s16 =	simm.s32 $0x11800  }
0x424: {  	[tilespmem:s16], [sflag:$0x3] =	stream.indirect_vreg.gather [hbm4b:s2+s3], $0x80, v4, vm0, $0xb8;
	[tilespmem:$0x18800] =	vst v63  }
0x425: {  	s21 =	simm.s32 $0x12000  }
0x426: {  	[tilespmem:s21], [sflag:$0x3] =	stream.indirect_vreg.gather [hbm4b:s2+s3], $0x80, v3, vm0, $0xb8;
	[tilespmem:$0x18800] =	vst v63  }
0x427: {  	v3 =	vld [tilespmem:$0x5A0];
	_ =	sdelay $0x4  }
0x428: {  	v58 =	vshll.u32 v3, $0x1  }
0x429: {  	v3 =	vand.u32 $0x7, v3;
	v4 =	vand.u32 $0xFFFFFFF0, v58  }
0x42a: {  	v3 =	vor.u32 v3, v4  }
0x42b: {  	v4 =	vperm.xlane v3, v0;
	_ =	sdelay $0x1  }
0x42c: {  	v3 =	vperm.xlane v3, v2;
	v4 =	vadd.s32 v1, v4;
	_ =	sdelay $0x1  }
0x42d: {  	v3 =	vadd.s32 v1, v3;
	_ =	sdelay $0x1  }
0x42e: {  	s18 =	simm.s32 $0x12800  }
0x42f: {  	[tilespmem:s18], [sflag:$0x3] =	stream.indirect_vreg.gather [hbm4b:s2+s3], $0x80, v4, vm0, $0xb8;
	[tilespmem:$0x18800] =	vst v63  }
0x430: {  	s22 =	simm.s32 $0x13000  }
0x431: {  	[tilespmem:s22], [sflag:$0x3] =	stream.indirect_vreg.gather [hbm4b:s2+s3], $0x80, v3, vm0, $0xb8;
	[tilespmem:$0x18800] =	vst v63  }
0x432: {  	v3 =	vld [tilespmem:$0x5B0];
	_ =	sdelay $0x4  }
0x433: {  	v59 =	vshll.u32 v3, $0x1  }
0x434: {  	v3 =	vand.u32 $0x7, v3;
	v4 =	vand.u32 $0xFFFFFFF0, v59  }
0x435: {  	v3 =	vor.u32 v3, v4  }
0x436: {  	v4 =	vperm.xlane v3, v0;
	_ =	sdelay $0x1  }
0x437: {  	v3 =	vperm.xlane v3, v2;
	v4 =	vadd.s32 v1, v4;
	_ =	sdelay $0x1  }
0x438: {  	v3 =	vadd.s32 v1, v3;
	_ =	sdelay $0x1  }
0x439: {  	s19 =	simm.s32 $0x13800  }
0x43a: {  	[tilespmem:s19], [sflag:$0x3] =	stream.indirect_vreg.gather [hbm4b:s2+s3], $0x80, v4, vm0, $0xb8;
	[tilespmem:$0x18800] =	vst v63  }
0x43b: {  	s23 =	simm.s32 $0x14000  }
0x43c: {  	[tilespmem:s23], [sflag:$0x3] =	stream.indirect_vreg.gather [hbm4b:s2+s3], $0x80, v3, vm0, $0xb8;
	[tilespmem:$0x18800] =	vst v63  }
0x43d: {  	v3 =	vld [tilespmem:$0x5C0];
	_ =	sdelay $0x4  }
0x43e: {  	v60 =	vshll.u32 v3, $0x1  }
0x43f: {  	v3 =	vand.u32 $0x7, v3;
	v4 =	vand.u32 $0xFFFFFFF0, v60  }
0x440: {  	v3 =	vor.u32 v3, v4  }
0x441: {  	v4 =	vperm.xlane v3, v0;
	_ =	sdelay $0x1  }
0x442: {  	v3 =	vperm.xlane v3, v2;
	v4 =	vadd.s32 v1, v4;
	_ =	sdelay $0x1  }
0x443: {  	v3 =	vadd.s32 v1, v3;
	_ =	sdelay $0x1  }
0x444: {  	s20 =	simm.s32 $0x14800  }
0x445: {  	[tilespmem:s20], [sflag:$0x3] =	stream.indirect_vreg.gather [hbm4b:s2+s3], $0x80, v4, vm0, $0xb8;
	[tilespmem:$0x18800] =	vst v63  }
0x446: {  	s24 =	simm.s32 $0x15000  }
0x447: {  	[tilespmem:s24], [sflag:$0x3] =	stream.indirect_vreg.gather [hbm4b:s2+s3], $0x80, v3, vm0, $0xb8;
	[tilespmem:$0x18800] =	vst v63  }
0x448: {  	v3 =	vld [tilespmem:$0x5D0];
	_ =	sdelay $0x4  }
0x449: {  	v61 =	vshll.u32 v3, $0x1  }
0x44a: {  	v3 =	vand.u32 $0x7, v3;
	v4 =	vand.u32 $0xFFFFFFF0, v61  }
0x44b: {  	v3 =	vor.u32 v3, v4  }
0x44c: {  	v4 =	vperm.xlane v3, v0;
	_ =	sdelay $0x1  }
0x44d: {  	v3 =	vperm.xlane v3, v2;
	v4 =	vadd.s32 v1, v4;
	_ =	sdelay $0x1  }
0x44e: {  	v3 =	vadd.s32 v1, v3;
	_ =	sdelay $0x1  }
0x44f: {  	s26 =	simm.s32 $0x15800  }
0x450: {  	[tilespmem:s26], [sflag:$0x3] =	stream.indirect_vreg.gather [hbm4b:s2+s3], $0x80, v4, vm0, $0xb8;
	[tilespmem:$0x18800] =	vst v63  }
0x451: {  	s25 =	simm.s32 $0x16000  }
0x452: {  	[tilespmem:s25], [sflag:$0x3] =	stream.indirect_vreg.gather [hbm4b:s2+s3], $0x80, v3, vm0, $0xb8;
	[tilespmem:$0x18800] =	vst v63  }
0x453: {  	v3 =	vld [tilespmem:$0x5E0];
	_ =	sdelay $0x4  }
0x454: {  	v62 =	vshll.u32 v3, $0x1  }
0x455: {  	v3 =	vand.u32 $0x7, v3;
	v4 =	vand.u32 $0xFFFFFFF0, v62  }
0x456: {  	v3 =	vor.u32 v3, v4  }
0x457: {  	v4 =	vperm.xlane v3, v0;
	_ =	sdelay $0x1  }
0x458: {  	v3 =	vperm.xlane v3, v2;
	v4 =	vadd.s32 v1, v4;
	_ =	sdelay $0x1  }
0x459: {  	v3 =	vadd.s32 v1, v3;
	_ =	sdelay $0x1  }
0x45a: {  	s28 =	simm.s32 $0x16800  }
0x45b: {  	[tilespmem:s28], [sflag:$0x3] =	stream.indirect_vreg.gather [hbm4b:s2+s3], $0x80, v4, vm0, $0xb8;
	[tilespmem:$0x18800] =	vst v63  }
0x45c: {  	s26 =	simm.s32 $0x17000  }
0x45d: {  	[tilespmem:s26], [sflag:$0x3] =	stream.indirect_vreg.gather [hbm4b:s2+s3], $0x80, v3, vm0, $0xb8;
	[tilespmem:$0x18800] =	vst v63  }
0x45e: {  	v3 =	vld [tilespmem:$0x5F0];
	_ =	sdelay $0x4  }
0x45f: {  	v63 =	vshll.u32 v3, $0x1  }
0x460: {  	v3 =	vand.u32 $0x7, v3;
	v4 =	vand.u32 $0xFFFFFFF0, v63  }
0x461: {  	v3 =	vor.u32 v3, v4  }
0x462: {  	v4 =	vperm.xlane v3, v0;
	_ =	sdelay $0x1  }
0x463: {  	v3 =	vperm.xlane v3, v2;
	v4 =	vadd.s32 v1, v4;
	_ =	sdelay $0x1  }
0x464: {  	v3 =	vadd.s32 v1, v3;
	_ =	sdelay $0x1  }
0x465: {  	s29 =	simm.s32 $0x17800  }
0x466: {  	[tilespmem:s29], [sflag:$0x3] =	stream.indirect_vreg.gather [hbm4b:s2+s3], $0x80, v4, vm0, $0xb8;
	[tilespmem:$0x18800] =	vst v63  }
0x467: {  	s28 =	simm.s32 $0x18000  }
0x468: {  	[tilespmem:s28], [sflag:$0x3] =	stream.indirect_vreg.gather [hbm4b:s2+s3], $0x80, v3, vm0, $0xb8;
	[tilespmem:$0x18800] =	vst v63  }
0x469: {  	_ =	swait.ge [sflag:s31], $0x8000  }
0x46a: {  	[sflag:s31] =	ssyncset.done $0x0  }
0x46b: {  	s29 =	rddreg [dreg:$0xd];
	[sflag:s31] =	ssyncadd.s32 $0xFFFF8000  }
0x46c: {  	[hbm4b:s29+s3] =	stream.linear.scatter [tilespmem:s17], [sflag:$0x5], $0x8000, $0x38;
	[tilespmem:$0x18800] =	vst v63  }
0x46d: {  	_ =	swait.ge [sflag:s0], $0x8000  }
0x46e: {  	[sflag:s0] =	ssyncset.done $0x0  }
0x46f: {  	s30 =	rddreg [dreg:$0xe];
	[sflag:s0] =	ssyncadd.s32 $0xFFFF8000  }
0x470: {  	[hbm4b:s30+s3] =	stream.linear.scatter [tilespmem:s13], [sflag:$0x6], $0x8000, $0x38;
	[tilespmem:$0x18800] =	vst v63  }
0x471: {  	_ =	swait.ge [sflag:s1], $0x8000  }
0x472: {  	[sflag:s1] =	ssyncset.done $0x0  }
0x473: {  	[sflag:s1] =	ssyncadd.s32 $0xFFFF8000  }
0x474: {  	p0 =	sne.s32 s5, $0x1;
	_ =	swait.ge [sflag:s4], $0x8000  }
.Ltmp0:
0x475: {  	[sflag:s4] =	ssyncset.done $0x0;
	(pc) =	sbr.rel @p0 .LBB2_1-.Ltmp0, $4  }
0x476: {  	[sflag:s4] =	ssyncadd.s32 $0xFFFF8000  }
0x477: {  	_ =	swait.ge [sflag:s6], $0x8000  }
0x478: {  	[sflag:s6] =	ssyncset.done $0x0  }
0x479: {  	s5 =	sadd.s32 $0xFFFFFFFF, s5;
	[sflag:s6] =	ssyncadd.s32 $0xFFFF8000  }
0x47a: {  	_ =	sfence.sel $0x180000  }
0x47b: {  	[bflag:$0x0] =	sbarrier.arrive $0xFFFF  }
0x47c: {  	_ =	strace $0x9000004A  }
0x47d: {  	s0 =	stileid.u32;
	[bflag:$0x2] =	sbarrier.arrive $0xFFFF  }
0x47e: {  	p0 =	sne.s32 s0, $0x0;
	s0 =	rddreg [dreg:$0x2]  }
0x47f: {  	s0 =	sadd.s32 @!p0 $0x100000, s0  }
0x480: {  	[sflag:s0] =	ssyncadd.tile.s32 @!p0 $0x1;
	_ =	shalt  }
.Lfunc_end2:
_tile_overlayer_lowered:
.L_overlay_start_2:
0x481: {  	(tag) =	ssettag $0x2  }
0x482: {  	s0 =	rddreg [dreg:$0x0];
	s2 =	stileid.u32  }
0x483: {  	s1 =	rddreg [dreg:$0x1];
	p0 =	sne.s32 s2, $0x0  }
0x484: {  	s3 =	rddreg [dreg:$0x2];
	[bflag:$0x3] =	sbarrier.arrive $0xFFFF;
	s2 =	simm.s32 @!p0 $0x1C07  }
0x485: {  	[timem:s3], [sflag:s2] =	dma.local @!p0 [hbm:s0], s1  }
0x486: {  	s0 =	simm.s32 @!p0 $0x7  }
0x487: {  	_ =	swait.ge @!p0 [sflag:s0], s1  }
0x488: {  	s1 =	ssub.s32 @!p0 $0x0, s1;
	[sflag:s0] =	ssyncset.done @!p0 $0x0  }
0x489: {  	[sflag:s0] =	ssyncadd.s32 @!p0 s1  }
0x48a: {  	[bflag:$0x3] =	sbarrier.arrive $0xFFFF  }
0x48b: {  	_ =	shalt  }

</sc_bundles>
